<compile_context>
chip_gen: v7x
topology: tpu7x:2x2x1
jax: 0.10.2.dev20260603
libtpu: 0.0.44.dev20260713+nightly
codegen_flags: <defaults>
</compile_context>

<pallas_src>
import jax
import jax.numpy as jnp
from jax.experimental import pallas as pl
from jax.experimental.pallas import tpu as pltpu

N = 10000
E = 320000
F = 128
BF = 3
MAX_IT = 16
C = 16384
NCHUNK = -(-E // C)
EPAD = NCHUNK * C
TILE = 1000
NT = N // TILE


def _body(offs_ref, pe_ref, forest_ref, nord_ref,
          wf_t_ref, wf_b_ref, wiou_t_ref, wiou_b_ref,
          uiou_t_ref, uf_t_ref, wc_t_ref, wc_b_ref,
          h_out_ref,
          c_s, g_s, fp_s, fh_s, fc_s):
    f32 = jnp.float32
    t = pl.program_id(0)
    j = pl.program_id(1)

    def mm(a, b):
        return jnp.dot(a, b, preferred_element_type=f32)

    @pl.when((t == 0) & (j == 0))
    def _init():
        for r in range(NT):
            sl = pl.ds(r * TILE, TILE)
            fp_s[sl, :] = mm(forest_ref[sl, :], wf_t_ref[...]) + wf_b_ref[...]
            h_out_ref[sl, :] = jnp.zeros((TILE, F), f32)
            c_s[sl, :] = jnp.zeros((TILE, F), f32)

    @pl.when(j == 0)
    def _start_iteration():
        for r in range(NT):
            sl = pl.ds(r * TILE, TILE)
            for s in range(BF):
                fh_s[s, sl, :] = jnp.zeros((TILE, F), f32)
                fc_s[s, sl, :] = jnp.zeros((TILE, F), f32)
            g_s[sl, :] = mm(h_out_ref[sl, :], uf_t_ref[...])

    base = j * C
    lo = jnp.maximum(offs_ref[t], base)
    hi = jnp.minimum(offs_ref[t + 1], base + C)

    def edge_body(e, _):
        packed = pe_ref[e - base]
        child = packed & 0x3FFF
        slot = (packed >> 14) & 0x3
        parent = (packed >> 16) & 0x3FFF
        hrow = h_out_ref[pl.ds(child, 1), :]
        crow = c_s[pl.ds(child, 1), :]
        grow = g_s[pl.ds(child, 1), :]
        prow = fp_s[pl.ds(parent, 1), :]
        f = jax.nn.sigmoid(prow + grow)
        fcrow = f * crow
        cur_h = fh_s[pl.ds(slot, 1), pl.ds(parent, 1), :]
        fh_s[pl.ds(slot, 1), pl.ds(parent, 1), :] = cur_h + hrow.reshape(1, 1, F)
        cur_c = fc_s[pl.ds(slot, 1), pl.ds(parent, 1), :]
        fc_s[pl.ds(slot, 1), pl.ds(parent, 1), :] = cur_c + fcrow.reshape(1, 1, F)
        return 0

    jax.lax.fori_loop(lo, hi, edge_body, 0)

    @pl.when(j == NCHUNK - 1)
    def _finish_iteration():
        for r in range(NT):
            sl = pl.ds(r * TILE, TILE)
            fr = forest_ref[sl, :]
            fh0 = fh_s[0, sl, :]
            fh1 = fh_s[1, sl, :]
            fh2 = fh_s[2, sl, :]
            i = jax.nn.sigmoid(mm(fr, wiou_t_ref[0]) + wiou_b_ref[0] + mm(fh0, uiou_t_ref[0, 0]) + mm(fh1, uiou_t_ref[0, 1]) + mm(fh2, uiou_t_ref[0, 2]))
            o = jax.nn.sigmoid(mm(fr, wiou_t_ref[1]) + wiou_b_ref[1] + mm(fh0, uiou_t_ref[1, 0]) + mm(fh1, uiou_t_ref[1, 1]) + mm(fh2, uiou_t_ref[1, 2]))
            u = jnp.tanh(mm(fr, wiou_t_ref[2]) + wiou_b_ref[2] + mm(fh0, uiou_t_ref[2, 0]) + mm(fh1, uiou_t_ref[2, 1]) + mm(fh2, uiou_t_ref[2, 2]))
            c_red = wc_b_ref[...] + mm(fc_s[0, sl, :], wc_t_ref[0]) + mm(fc_s[1, sl, :], wc_t_ref[1]) + mm(fc_s[2, sl, :], wc_t_ref[2])
            new_c = i * u + c_red
            new_h = o * jnp.tanh(new_c)
            m = nord_ref[sl, :] == t
            c_s[sl, :] = jnp.where(m, new_c, c_s[sl, :])
            h_out_ref[sl, :] = jnp.where(m, new_h, h_out_ref[sl, :])


def kernel(forest, adjacency, node_order, edge_order, W_iou_w, W_iou_b, U_iou_w, W_c_w, W_c_b, W_f_w, W_f_b, U_f_w):
    f32 = jnp.float32
    forest = forest.reshape(-1, F).astype(f32)
    adj = adjacency[..., :3].reshape(-1, 3)
    parent = adj[:, 0].astype(jnp.int32)
    child = adj[:, 1].astype(jnp.int32)
    slot = jnp.clip(adj[:, 2].astype(jnp.int32) + 1, 0, BF - 1)
    eo = edge_order.reshape(-1).astype(jnp.int32)
    nord = node_order.reshape(-1, 1).astype(jnp.int32)

    valid = (parent >= 0) & (parent < N) & (child >= 0) & (child < N)
    parent = jnp.clip(parent, 0, N - 1)
    child = jnp.clip(child, 0, N - 1)
    key = jnp.where(valid & (eo >= 0) & (eo < MAX_IT), eo, MAX_IT)
    order = jnp.argsort(key)
    key_sorted = key[order]
    packed = ((parent << 16) | (slot << 14) | child)[order]
    packed = jnp.concatenate([packed, jnp.zeros((EPAD - E,), jnp.int32)])
    offs = jnp.searchsorted(key_sorted, jnp.arange(MAX_IT + 1, dtype=jnp.int32)).astype(jnp.int32)

    wf_t = W_f_w.astype(f32).T
    wf_b = W_f_b.astype(f32).reshape(1, F)
    wiou_t = jnp.stack([W_iou_w[j * F:(j + 1) * F, :].astype(f32).T for j in range(3)])
    wiou_b = W_iou_b.astype(f32).reshape(3, 1, F)
    uiou_t = jnp.stack([
        jnp.stack([U_iou_w[j * F:(j + 1) * F, s * F:(s + 1) * F].astype(f32).T for s in range(3)])
        for j in range(3)])
    uf_t = U_f_w.astype(f32).T
    wc_t = jnp.stack([W_c_w[:, s * F:(s + 1) * F].astype(f32).T for s in range(3)])
    wc_b = W_c_b.astype(f32).reshape(1, F)

    full_vmem = pl.BlockSpec(memory_space=pltpu.VMEM)

    return pl.pallas_call(
        _body,
        grid=(MAX_IT, NCHUNK),
        out_shape=jax.ShapeDtypeStruct((N, F), f32),
        in_specs=[
            pl.BlockSpec(memory_space=pltpu.SMEM),
            pl.BlockSpec((C,), lambda t, j: (j,), memory_space=pltpu.SMEM),
            full_vmem,
            full_vmem,
            full_vmem,
            full_vmem,
            full_vmem,
            full_vmem,
            full_vmem,
            full_vmem,
            full_vmem,
            full_vmem,
        ],
        out_specs=full_vmem,
        scratch_shapes=[
            pltpu.VMEM((N, F), f32),
            pltpu.VMEM((N, F), f32),
            pltpu.VMEM((N, F), f32),
            pltpu.VMEM((BF, N, F), f32),
            pltpu.VMEM((BF, N, F), f32),
        ],
        compiler_params=pltpu.CompilerParams(
            dimension_semantics=("arbitrary", "arbitrary"),
            vmem_limit_bytes=65536 * 1024,
        ),
    )(offs, packed, forest, nord, wf_t, wf_b, wiou_t, wiou_b, uiou_t, uf_t, wc_t, wc_b)

# --- scband reference (transcript-rebuilt; emitter-appended) ---
"""Pipeline reference for scband-tree-lstm-2233382994142 (READ-ONLY COPY).

The authoritative reference and input builder live on the scoring server;
editing this copy changes nothing except your own understanding.
"""

import jax, jax.numpy as jnp
import numpy as np

N = 10000
E = 320000
IN_F = 128
OUT_F = 128
BF = 3
MAX_IT = 16


def setup_inputs(seed: int = 0) -> dict:
    key = jax.random.key(seed)
    ks = jax.random.split(key, 14)
    forest = jax.random.normal(ks[0], (N, IN_F), dtype=jnp.float32)
    parent = jax.random.randint(ks[1], (E,), 0, N)
    child = jax.random.randint(ks[2], (E,), 0, N)
    slot = jax.random.randint(ks[3], (E,), -1, BF)
    adjacency = jnp.stack([parent, child, slot], axis=1)
    node_order = jax.random.randint(ks[4], (N,), 0, MAX_IT)
    edge_order = jax.random.randint(ks[5], (E,), 0, MAX_IT)
    W_iou_w = jax.random.normal(ks[6], (3 * OUT_F, IN_F), dtype=jnp.float32) / np.sqrt(IN_F)
    W_iou_b = jnp.zeros((3 * OUT_F,), dtype=jnp.float32)
    U_iou_w = jax.random.normal(ks[7], (3 * OUT_F, 3 * OUT_F), dtype=jnp.float32) / np.sqrt(3 * OUT_F)
    W_c_w = jax.random.normal(ks[8], (OUT_F, 3 * OUT_F), dtype=jnp.float32) / np.sqrt(3 * OUT_F)
    W_c_b = jnp.zeros((OUT_F,), dtype=jnp.float32)
    W_f_w = jax.random.normal(ks[9], (OUT_F, IN_F), dtype=jnp.float32) / np.sqrt(IN_F)
    W_f_b = jnp.zeros((OUT_F,), dtype=jnp.float32)
    U_f_w = jax.random.normal(ks[10], (OUT_F, OUT_F), dtype=jnp.float32) / np.sqrt(OUT_F)
    return {"forest": forest, "adjacency": adjacency, "node_order": node_order, "edge_order": edge_order,
            "W_iou_w": W_iou_w, "W_iou_b": W_iou_b, "U_iou_w": U_iou_w, "W_c_w": W_c_w, "W_c_b": W_c_b,
            "W_f_w": W_f_w, "W_f_b": W_f_b, "U_f_w": U_f_w}


def reference(forest, adjacency, node_order, edge_order, W_iou_w, W_iou_b, U_iou_w, W_c_w, W_c_b, W_f_w, W_f_b, U_f_w):
    forest_flat = forest.reshape(-1, IN_F)
    adjacency_flat = adjacency[..., :3].reshape(-1, 3)
    node_order_flat = node_order.reshape(-1)
    edge_order_flat = edge_order.reshape(-1)
    total_nodes = forest_flat.shape[0]
    h = jnp.zeros((total_nodes, OUT_F), dtype=forest_flat.dtype)
    c = jnp.zeros((total_nodes, OUT_F), dtype=forest_flat.dtype)
    parent_idx = adjacency_flat[:, 0].astype(jnp.int32)
    child_idx = adjacency_flat[:, 1].astype(jnp.int32)
    slot_idx = jnp.clip(adjacency_flat[:, 2].astype(jnp.int32) + 1, 0, BF - 1)
    valid_edge = (parent_idx >= 0) & (parent_idx < total_nodes) & (child_idx >= 0) & (child_idx < total_nodes)
    safe_parent = jnp.clip(parent_idx, 0, total_nodes - 1)
    safe_child = jnp.clip(child_idx, 0, total_nodes - 1)
    flat_index = safe_parent * BF + slot_idx
    node_mask = node_order_flat[:, None] == jnp.arange(MAX_IT)
    edge_mask = edge_order_flat[:, None] == jnp.arange(MAX_IT)
    forest_iou = forest_flat @ W_iou_w.T + W_iou_b
    parent_feat = forest_flat[safe_parent]
    parent_feat_proj = parent_feat @ W_f_w.T + W_f_b
    for iteration in range(MAX_IT):
        node_mask_t = node_mask[:, iteration][:, None]
        edge_mask_t = edge_mask[:, iteration]
        edge_weight = (valid_edge & edge_mask_t)[:, None].astype(forest_flat.dtype)
        child_h = h[safe_child] * edge_weight
        child_c = c[safe_child] * edge_weight
        flat_h = jnp.zeros((total_nodes * BF, OUT_F), dtype=forest_flat.dtype).at[flat_index].add(child_h)
        flat_c = jnp.zeros((total_nodes * BF, OUT_F), dtype=forest_flat.dtype).at[flat_index].add(child_c)
        child_h_merge = flat_h.reshape(total_nodes, BF * OUT_F)
        child_c_merge = flat_c.reshape(total_nodes, BF * OUT_F)  # computed but unused, as in original
        iou = forest_iou + child_h_merge @ U_iou_w.T
        i, o, u = jnp.split(iou, 3, axis=1)
        i = jax.nn.sigmoid(i)
        o = jax.nn.sigmoid(o)
        u = jnp.tanh(u)
        f = parent_feat_proj + child_h @ U_f_w.T
        f = jax.nn.sigmoid(f) * edge_weight
        fc = f * child_c
        flat_fc = jnp.zeros((total_nodes * BF, OUT_F), dtype=forest_flat.dtype).at[flat_index].add(fc)
        c_reduce = flat_fc.reshape(total_nodes, BF * OUT_F) @ W_c_w.T + W_c_b
        new_c = i * u + c_reduce
        new_h = o * jnp.tanh(new_c)
        c = jnp.where(node_mask_t, new_c, c)
        h = jnp.where(node_mask_t, new_h, h)
    return h

if __name__ == "__main__":
    import jax
    _d = setup_inputs()
    print(jax.jit(kernel)(*tuple(_d.values())))

</pallas_src>

<mosaic_0001>
module attributes {stable_mosaic.version = 14 : i64} {
  func.func @_body(%arg0: i32, %arg1: i32, %arg2: memref<17xi32, #tpu.memory_space<smem>>, %arg3: memref<16384xi32, #tpu.memory_space<smem>>, %arg4: memref<10000x128xf32, #tpu.memory_space<vmem>>, %arg5: memref<10000x1xi32, #tpu.memory_space<vmem>>, %arg6: memref<128x128xf32, #tpu.memory_space<vmem>>, %arg7: memref<1x128xf32, #tpu.memory_space<vmem>>, %arg8: memref<3x128x128xf32, #tpu.memory_space<vmem>>, %arg9: memref<3x1x128xf32, #tpu.memory_space<vmem>>, %arg10: memref<3x3x128x128xf32, #tpu.memory_space<vmem>>, %arg11: memref<128x128xf32, #tpu.memory_space<vmem>>, %arg12: memref<3x128x128xf32, #tpu.memory_space<vmem>>, %arg13: memref<1x128xf32, #tpu.memory_space<vmem>>, %arg14: memref<10000x128xf32, #tpu.memory_space<vmem>>, %arg15: memref<10000x128xf32, #tpu.memory_space<vmem>>, %arg16: memref<10000x128xf32, #tpu.memory_space<vmem>>, %arg17: memref<10000x128xf32, #tpu.memory_space<vmem>>, %arg18: memref<3x10000x128xf32, #tpu.memory_space<vmem>>, %arg19: memref<3x10000x128xf32, #tpu.memory_space<vmem>>) attributes {dimension_semantics = [#tpu.dimension_semantics<arbitrary>, #tpu.dimension_semantics<arbitrary>], iteration_bounds = array<i64: 16, 20>, scalar_prefetch = 0 : i64, scratch_operands = 5 : i64, tpu.core_type = #tpu.core_type<tc>, window_params = [{transform_indices = @transform_0, window_bounds = array<i64: 17>}, {transform_indices = @transform_1, window_bounds = array<i64: 16384>}, {pipeline_mode = #tpu.pipeline_mode<synchronous>, transform_indices = @transform_2, window_bounds = array<i64: 10000, 128>}, {pipeline_mode = #tpu.pipeline_mode<synchronous>, transform_indices = @transform_3, window_bounds = array<i64: 10000, 1>}, {pipeline_mode = #tpu.pipeline_mode<synchronous>, transform_indices = @transform_4, window_bounds = array<i64: 128, 128>}, {pipeline_mode = #tpu.pipeline_mode<synchronous>, transform_indices = @transform_5, window_bounds = array<i64: 1, 128>}, {pipeline_mode = #tpu.pipeline_mode<synchronous>, transform_indices = @transform_6, window_bounds = array<i64: 3, 128, 128>}, {pipeline_mode = #tpu.pipeline_mode<synchronous>, transform_indices = @transform_7, window_bounds = array<i64: 3, 1, 128>}, {pipeline_mode = #tpu.pipeline_mode<synchronous>, transform_indices = @transform_8, window_bounds = array<i64: 3, 3, 128, 128>}, {pipeline_mode = #tpu.pipeline_mode<synchronous>, transform_indices = @transform_9, window_bounds = array<i64: 128, 128>}, {pipeline_mode = #tpu.pipeline_mode<synchronous>, transform_indices = @transform_10, window_bounds = array<i64: 3, 128, 128>}, {pipeline_mode = #tpu.pipeline_mode<synchronous>, transform_indices = @transform_11, window_bounds = array<i64: 1, 128>}, {pipeline_mode = #tpu.pipeline_mode<synchronous>, transform_indices = @transform_12, window_bounds = array<i64: 10000, 128>}]} {
    %eq3A = arith.constant 0 : i32
    %eq3A_0 = arith.cmpi eq, %arg0, %eq3A : i32
    %eq3A_1 = arith.constant 0 : i32
    %eq3A_2 = arith.cmpi eq, %arg1, %eq3A_1 : i32
    %and3A = arith.andi %eq3A_0, %eq3A_2 : i1
    %convert_element_type3A = arith.extui %and3A : i1 to i32
    %cond3A = arith.constant 0 : i32
    %cond3A_3 = arith.cmpi ne, %convert_element_type3A, %cond3A : i32
    scf.if %cond3A_3 {
      %get3A_31 = arith.constant 0 : index
      %get3A_32 = arith.constant 0 : index
      %get3A_33 = vector.load %arg4[%get3A_31, %get3A_32] : memref<10000x128xf32, #tpu.memory_space<vmem>>, vector<1000x128xf32>
      %get3A_34 = arith.constant 0 : index
      %get3A_35 = arith.constant 0 : index
      %get3A_36 = vector.load %arg6[%get3A_34, %get3A_35] : memref<128x128xf32, #tpu.memory_space<vmem>>, vector<128x128xf32>
      %dot_general3A = arith.constant dense<0.000000e+00> : vector<1000x128xf32>
      %dot_general3A_37 = tpu.matmul %get3A_33, %get3A_36, %dot_general3A {dimension_numbers = #tpu.dot_dimension_numbers<[1], [0], [0], [1], [0, 0, 1, 1], [], []>, transpose_lhs_hint = false} : vector<1000x128xf32>, vector<128x128xf32>, vector<1000x128xf32> -> vector<1000x128xf32>
      %get3A_38 = arith.constant 0 : index
      %get3A_39 = arith.constant 0 : index
      %get3A_40 = vector.load %arg7[%get3A_38, %get3A_39] : memref<1x128xf32, #tpu.memory_space<vmem>>, vector<1x128xf32>
      %add3A_41 = vector.broadcast %get3A_40 : vector<1x128xf32> to vector<1000x128xf32>
      %add3A_42 = arith.addf %dot_general3A_37, %add3A_41 : vector<1000x128xf32>
      %swap3A = arith.constant 0 : index
      %swap3A_43 = arith.constant 0 : index
      %swap3A_44 = vector.load %arg17[%swap3A, %swap3A_43] : memref<10000x128xf32, #tpu.memory_space<vmem>>, vector<1000x128xf32>
      tpu.vector_store %arg17[%swap3A, %swap3A_43], %add3A_42 {strides = array<i32>} : memref<10000x128xf32, #tpu.memory_space<vmem>>, vector<1000x128xf32>,
      %broadcast_in_dim3A = arith.constant 0.000000e+00 : f32
      %broadcast_in_dim3A_45 = vector.broadcast %broadcast_in_dim3A : f32 to vector<1000x128xf32>
      %swap3A_46 = arith.constant 0 : index
      %swap3A_47 = arith.constant 0 : index
      %swap3A_48 = vector.load %arg14[%swap3A_46, %swap3A_47] : memref<10000x128xf32, #tpu.memory_space<vmem>>, vector<1000x128xf32>
      tpu.vector_store %arg14[%swap3A_46, %swap3A_47], %broadcast_in_dim3A_45 {strides = array<i32>} : memref<10000x128xf32, #tpu.memory_space<vmem>>, vector<1000x128xf32>,
      %broadcast_in_dim3A_49 = arith.constant 0.000000e+00 : f32
      %broadcast_in_dim3A_50 = vector.broadcast %broadcast_in_dim3A_49 : f32 to vector<1000x128xf32>
      %swap3A_51 = arith.constant 0 : index
      %swap3A_52 = arith.constant 0 : index
      %swap3A_53 = vector.load %arg15[%swap3A_51, %swap3A_52] : memref<10000x128xf32, #tpu.memory_space<vmem>>, vector<1000x128xf32>
      tpu.vector_store %arg15[%swap3A_51, %swap3A_52], %broadcast_in_dim3A_50 {strides = array<i32>} : memref<10000x128xf32, #tpu.memory_space<vmem>>, vector<1000x128xf32>,
      %get3A_54 = arith.constant 1000 : index
      %get3A_55 = arith.constant 0 : index
      %get3A_56 = vector.load %arg4[%get3A_54, %get3A_55] : memref<10000x128xf32, #tpu.memory_space<vmem>>, vector<1000x128xf32>
      %get3A_57 = arith.constant 0 : index
      %get3A_58 = arith.constant 0 : index
      %get3A_59 = vector.load %arg6[%get3A_57, %get3A_58] : memref<128x128xf32, #tpu.memory_space<vmem>>, vector<128x128xf32>
      %dot_general3A_60 = arith.constant dense<0.000000e+00> : vector<1000x128xf32>
      %dot_general3A_61 = tpu.matmul %get3A_56, %get3A_59, %dot_general3A_60 {dimension_numbers = #tpu.dot_dimension_numbers<[1], [0], [0], [1], [0, 0, 1, 1], [], []>, transpose_lhs_hint = false} : vector<1000x128xf32>, vector<128x128xf32>, vector<1000x128xf32> -> vector<1000x128xf32>
      %get3A_62 = arith.constant 0 : index
      %get3A_63 = arith.constant 0 : index
      %get3A_64 = vector.load %arg7[%get3A_62, %get3A_63] : memref<1x128xf32, #tpu.memory_space<vmem>>, vector<1x128xf32>
      %add3A_65 = vector.broadcast %get3A_64 : vector<1x128xf32> to vector<1000x128xf32>
      %add3A_66 = arith.addf %dot_general3A_61, %add3A_65 : vector<1000x128xf32>
      %swap3A_67 = arith.constant 1000 : index
      %swap3A_68 = arith.constant 0 : index
      %swap3A_69 = vector.load %arg17[%swap3A_67, %swap3A_68] : memref<10000x128xf32, #tpu.memory_space<vmem>>, vector<1000x128xf32>
      tpu.vector_store %arg17[%swap3A_67, %swap3A_68], %add3A_66 {strides = array<i32>} : memref<10000x128xf32, #tpu.memory_space<vmem>>, vector<1000x128xf32>,
      %broadcast_in_dim3A_70 = arith.constant 0.000000e+00 : f32
      %broadcast_in_dim3A_71 = vector.broadcast %broadcast_in_dim3A_70 : f32 to vector<1000x128xf32>
      %swap3A_72 = arith.constant 1000 : index
      %swap3A_73 = arith.constant 0 : index
      %swap3A_74 = vector.load %arg14[%swap3A_72, %swap3A_73] : memref<10000x128xf32, #tpu.memory_space<vmem>>, vector<1000x128xf32>
      tpu.vector_store %arg14[%swap3A_72, %swap3A_73], %broadcast_in_dim3A_71 {strides = array<i32>} : memref<10000x128xf32, #tpu.memory_space<vmem>>, vector<1000x128xf32>,
      %broadcast_in_dim3A_75 = arith.constant 0.000000e+00 : f32
      %broadcast_in_dim3A_76 = vector.broadcast %broadcast_in_dim3A_75 : f32 to vector<1000x128xf32>
      %swap3A_77 = arith.constant 1000 : index
      %swap3A_78 = arith.constant 0 : index
      %swap3A_79 = vector.load %arg15[%swap3A_77, %swap3A_78] : memref<10000x128xf32, #tpu.memory_space<vmem>>, vector<1000x128xf32>
      tpu.vector_store %arg15[%swap3A_77, %swap3A_78], %broadcast_in_dim3A_76 {strides = array<i32>} : memref<10000x128xf32, #tpu.memory_space<vmem>>, vector<1000x128xf32>,
      %get3A_80 = arith.constant 2000 : index
      %get3A_81 = arith.constant 0 : index
      %get3A_82 = vector.load %arg4[%get3A_80, %get3A_81] : memref<10000x128xf32, #tpu.memory_space<vmem>>, vector<1000x128xf32>
      %get3A_83 = arith.constant 0 : index
      %get3A_84 = arith.constant 0 : index
      %get3A_85 = vector.load %arg6[%get3A_83, %get3A_84] : memref<128x128xf32, #tpu.memory_space<vmem>>, vector<128x128xf32>
      %dot_general3A_86 = arith.constant dense<0.000000e+00> : vector<1000x128xf32>
      %dot_general3A_87 = tpu.matmul %get3A_82, %get3A_85, %dot_general3A_86 {dimension_numbers = #tpu.dot_dimension_numbers<[1], [0], [0], [1], [0, 0, 1, 1], [], []>, transpose_lhs_hint = false} : vector<1000x128xf32>, vector<128x128xf32>, vector<1000x128xf32> -> vector<1000x128xf32>
      %get3A_88 = arith.constant 0 : index
      %get3A_89 = arith.constant 0 : index
      %get3A_90 = vector.load %arg7[%get3A_88, %get3A_89] : memref<1x128xf32, #tpu.memory_space<vmem>>, vector<1x128xf32>
      %add3A_91 = vector.broadcast %get3A_90 : vector<1x128xf32> to vector<1000x128xf32>
      %add3A_92 = arith.addf %dot_general3A_87, %add3A_91 : vector<1000x128xf32>
      %swap3A_93 = arith.constant 2000 : index
      %swap3A_94 = arith.constant 0 : index
      %swap3A_95 = vector.load %arg17[%swap3A_93, %swap3A_94] : memref<10000x128xf32, #tpu.memory_space<vmem>>, vector<1000x128xf32>
      tpu.vector_store %arg17[%swap3A_93, %swap3A_94], %add3A_92 {strides = array<i32>} : memref<10000x128xf32, #tpu.memory_space<vmem>>, vector<1000x128xf32>,
      %broadcast_in_dim3A_96 = arith.constant 0.000000e+00 : f32
      %broadcast_in_dim3A_97 = vector.broadcast %broadcast_in_dim3A_96 : f32 to vector<1000x128xf32>
      %swap3A_98 = arith.constant 2000 : index
      %swap3A_99 = arith.constant 0 : index
      %swap3A_100 = vector.load %arg14[%swap3A_98, %swap3A_99] : memref<10000x128xf32, #tpu.memory_space<vmem>>, vector<1000x128xf32>
      tpu.vector_store %arg14[%swap3A_98, %swap3A_99], %broadcast_in_dim3A_97 {strides = array<i32>} : memref<10000x128xf32, #tpu.memory_space<vmem>>, vector<1000x128xf32>,
      %broadcast_in_dim3A_101 = arith.constant 0.000000e+00 : f32
      %broadcast_in_dim3A_102 = vector.broadcast %broadcast_in_dim3A_101 : f32 to vector<1000x128xf32>
      %swap3A_103 = arith.constant 2000 : index
      %swap3A_104 = arith.constant 0 : index
      %swap3A_105 = vector.load %arg15[%swap3A_103, %swap3A_104] : memref<10000x128xf32, #tpu.memory_space<vmem>>, vector<1000x128xf32>
      tpu.vector_store %arg15[%swap3A_103, %swap3A_104], %broadcast_in_dim3A_102 {strides = array<i32>} : memref<10000x128xf32, #tpu.memory_space<vmem>>, vector<1000x128xf32>,
      %get3A_106 = arith.constant 3000 : index
      %get3A_107 = arith.constant 0 : index
      %get3A_108 = vector.load %arg4[%get3A_106, %get3A_107] : memref<10000x128xf32, #tpu.memory_space<vmem>>, vector<1000x128xf32>
      %get3A_109 = arith.constant 0 : index
      %get3A_110 = arith.constant 0 : index
      %get3A_111 = vector.load %arg6[%get3A_109, %get3A_110] : memref<128x128xf32, #tpu.memory_space<vmem>>, vector<128x128xf32>
      %dot_general3A_112 = arith.constant dense<0.000000e+00> : vector<1000x128xf32>
      %dot_general3A_113 = tpu.matmul %get3A_108, %get3A_111, %dot_general3A_112 {dimension_numbers = #tpu.dot_dimension_numbers<[1], [0], [0], [1], [0, 0, 1, 1], [], []>, transpose_lhs_hint = false} : vector<1000x128xf32>, vector<128x128xf32>, vector<1000x128xf32> -> vector<1000x128xf32>
      %get3A_114 = arith.constant 0 : index
      %get3A_115 = arith.constant 0 : index
      %get3A_116 = vector.load %arg7[%get3A_114, %get3A_115] : memref<1x128xf32, #tpu.memory_space<vmem>>, vector<1x128xf32>
      %add3A_117 = vector.broadcast %get3A_116 : vector<1x128xf32> to vector<1000x128xf32>
      %add3A_118 = arith.addf %dot_general3A_113, %add3A_117 : vector<1000x128xf32>
      %swap3A_119 = arith.constant 3000 : index
      %swap3A_120 = arith.constant 0 : index
      %swap3A_121 = vector.load %arg17[%swap3A_119, %swap3A_120] : memref<10000x128xf32, #tpu.memory_space<vmem>>, vector<1000x128xf32>
      tpu.vector_store %arg17[%swap3A_119, %swap3A_120], %add3A_118 {strides = array<i32>} : memref<10000x128xf32, #tpu.memory_space<vmem>>, vector<1000x128xf32>,
      %broadcast_in_dim3A_122 = arith.constant 0.000000e+00 : f32
      %broadcast_in_dim3A_123 = vector.broadcast %broadcast_in_dim3A_122 : f32 to vector<1000x128xf32>
      %swap3A_124 = arith.constant 3000 : index
      %swap3A_125 = arith.constant 0 : index
      %swap3A_126 = vector.load %arg14[%swap3A_124, %swap3A_125] : memref<10000x128xf32, #tpu.memory_space<vmem>>, vector<1000x128xf32>
      tpu.vector_store %arg14[%swap3A_124, %swap3A_125], %broadcast_in_dim3A_123 {strides = array<i32>} : memref<10000x128xf32, #tpu.memory_space<vmem>>, vector<1000x128xf32>,
      %broadcast_in_dim3A_127 = arith.constant 0.000000e+00 : f32
      %broadcast_in_dim3A_128 = vector.broadcast %broadcast_in_dim3A_127 : f32 to vector<1000x128xf32>
      %swap3A_129 = arith.constant 3000 : index
      %swap3A_130 = arith.constant 0 : index
      %swap3A_131 = vector.load %arg15[%swap3A_129, %swap3A_130] : memref<10000x128xf32, #tpu.memory_space<vmem>>, vector<1000x128xf32>
      tpu.vector_store %arg15[%swap3A_129, %swap3A_130], %broadcast_in_dim3A_128 {strides = array<i32>} : memref<10000x128xf32, #tpu.memory_space<vmem>>, vector<1000x128xf32>,
      %get3A_132 = arith.constant 4000 : index
      %get3A_133 = arith.constant 0 : index
      %get3A_134 = vector.load %arg4[%get3A_132, %get3A_133] : memref<10000x128xf32, #tpu.memory_space<vmem>>, vector<1000x128xf32>
      %get3A_135 = arith.constant 0 : index
      %get3A_136 = arith.constant 0 : index
      %get3A_137 = vector.load %arg6[%get3A_135, %get3A_136] : memref<128x128xf32, #tpu.memory_space<vmem>>, vector<128x128xf32>
      %dot_general3A_138 = arith.constant dense<0.000000e+00> : vector<1000x128xf32>
      %dot_general3A_139 = tpu.matmul %get3A_134, %get3A_137, %dot_general3A_138 {dimension_numbers = #tpu.dot_dimension_numbers<[1], [0], [0], [1], [0, 0, 1, 1], [], []>, transpose_lhs_hint = false} : vector<1000x128xf32>, vector<128x128xf32>, vector<1000x128xf32> -> vector<1000x128xf32>
      %get3A_140 = arith.constant 0 : index
      %get3A_141 = arith.constant 0 : index
      %get3A_142 = vector.load %arg7[%get3A_140, %get3A_141] : memref<1x128xf32, #tpu.memory_space<vmem>>, vector<1x128xf32>
      %add3A_143 = vector.broadcast %get3A_142 : vector<1x128xf32> to vector<1000x128xf32>
      %add3A_144 = arith.addf %dot_general3A_139, %add3A_143 : vector<1000x128xf32>
      %swap3A_145 = arith.constant 4000 : index
      %swap3A_146 = arith.constant 0 : index
      %swap3A_147 = vector.load %arg17[%swap3A_145, %swap3A_146] : memref<10000x128xf32, #tpu.memory_space<vmem>>, vector<1000x128xf32>
      tpu.vector_store %arg17[%swap3A_145, %swap3A_146], %add3A_144 {strides = array<i32>} : memref<10000x128xf32, #tpu.memory_space<vmem>>, vector<1000x128xf32>,
      %broadcast_in_dim3A_148 = arith.constant 0.000000e+00 : f32
      %broadcast_in_dim3A_149 = vector.broadcast %broadcast_in_dim3A_148 : f32 to vector<1000x128xf32>
      %swap3A_150 = arith.constant 4000 : index
      %swap3A_151 = arith.constant 0 : index
      %swap3A_152 = vector.load %arg14[%swap3A_150, %swap3A_151] : memref<10000x128xf32, #tpu.memory_space<vmem>>, vector<1000x128xf32>
      tpu.vector_store %arg14[%swap3A_150, %swap3A_151], %broadcast_in_dim3A_149 {strides = array<i32>} : memref<10000x128xf32, #tpu.memory_space<vmem>>, vector<1000x128xf32>,
      %broadcast_in_dim3A_153 = arith.constant 0.000000e+00 : f32
      %broadcast_in_dim3A_154 = vector.broadcast %broadcast_in_dim3A_153 : f32 to vector<1000x128xf32>
      %swap3A_155 = arith.constant 4000 : index
      %swap3A_156 = arith.constant 0 : index
      %swap3A_157 = vector.load %arg15[%swap3A_155, %swap3A_156] : memref<10000x128xf32, #tpu.memory_space<vmem>>, vector<1000x128xf32>
      tpu.vector_store %arg15[%swap3A_155, %swap3A_156], %broadcast_in_dim3A_154 {strides = array<i32>} : memref<10000x128xf32, #tpu.memory_space<vmem>>, vector<1000x128xf32>,
      %get3A_158 = arith.constant 5000 : index
      %get3A_159 = arith.constant 0 : index
      %get3A_160 = vector.load %arg4[%get3A_158, %get3A_159] : memref<10000x128xf32, #tpu.memory_space<vmem>>, vector<1000x128xf32>
      %get3A_161 = arith.constant 0 : index
      %get3A_162 = arith.constant 0 : index
      %get3A_163 = vector.load %arg6[%get3A_161, %get3A_162] : memref<128x128xf32, #tpu.memory_space<vmem>>, vector<128x128xf32>
      %dot_general3A_164 = arith.constant dense<0.000000e+00> : vector<1000x128xf32>
      %dot_general3A_165 = tpu.matmul %get3A_160, %get3A_163, %dot_general3A_164 {dimension_numbers = #tpu.dot_dimension_numbers<[1], [0], [0], [1], [0, 0, 1, 1], [], []>, transpose_lhs_hint = false} : vector<1000x128xf32>, vector<128x128xf32>, vector<1000x128xf32> -> vector<1000x128xf32>
      %get3A_166 = arith.constant 0 : index
      %get3A_167 = arith.constant 0 : index
      %get3A_168 = vector.load %arg7[%get3A_166, %get3A_167] : memref<1x128xf32, #tpu.memory_space<vmem>>, vector<1x128xf32>
      %add3A_169 = vector.broadcast %get3A_168 : vector<1x128xf32> to vector<1000x128xf32>
      %add3A_170 = arith.addf %dot_general3A_165, %add3A_169 : vector<1000x128xf32>
      %swap3A_171 = arith.constant 5000 : index
      %swap3A_172 = arith.constant 0 : index
      %swap3A_173 = vector.load %arg17[%swap3A_171, %swap3A_172] : memref<10000x128xf32, #tpu.memory_space<vmem>>, vector<1000x128xf32>
      tpu.vector_store %arg17[%swap3A_171, %swap3A_172], %add3A_170 {strides = array<i32>} : memref<10000x128xf32, #tpu.memory_space<vmem>>, vector<1000x128xf32>,
      %broadcast_in_dim3A_174 = arith.constant 0.000000e+00 : f32
      %broadcast_in_dim3A_175 = vector.broadcast %broadcast_in_dim3A_174 : f32 to vector<1000x128xf32>
      %swap3A_176 = arith.constant 5000 : index
      %swap3A_177 = arith.constant 0 : index
      %swap3A_178 = vector.load %arg14[%swap3A_176, %swap3A_177] : memref<10000x128xf32, #tpu.memory_space<vmem>>, vector<1000x128xf32>
      tpu.vector_store %arg14[%swap3A_176, %swap3A_177], %broadcast_in_dim3A_175 {strides = array<i32>} : memref<10000x128xf32, #tpu.memory_space<vmem>>, vector<1000x128xf32>,
      %broadcast_in_dim3A_179 = arith.constant 0.000000e+00 : f32
      %broadcast_in_dim3A_180 = vector.broadcast %broadcast_in_dim3A_179 : f32 to vector<1000x128xf32>
      %swap3A_181 = arith.constant 5000 : index
      %swap3A_182 = arith.constant 0 : index
      %swap3A_183 = vector.load %arg15[%swap3A_181, %swap3A_182] : memref<10000x128xf32, #tpu.memory_space<vmem>>, vector<1000x128xf32>
      tpu.vector_store %arg15[%swap3A_181, %swap3A_182], %broadcast_in_dim3A_180 {strides = array<i32>} : memref<10000x128xf32, #tpu.memory_space<vmem>>, vector<1000x128xf32>,
      %get3A_184 = arith.constant 6000 : index
      %get3A_185 = arith.constant 0 : index
      %get3A_186 = vector.load %arg4[%get3A_184, %get3A_185] : memref<10000x128xf32, #tpu.memory_space<vmem>>, vector<1000x128xf32>
      %get3A_187 = arith.constant 0 : index
      %get3A_188 = arith.constant 0 : index
      %get3A_189 = vector.load %arg6[%get3A_187, %get3A_188] : memref<128x128xf32, #tpu.memory_space<vmem>>, vector<128x128xf32>
      %dot_general3A_190 = arith.constant dense<0.000000e+00> : vector<1000x128xf32>
      %dot_general3A_191 = tpu.matmul %get3A_186, %get3A_189, %dot_general3A_190 {dimension_numbers = #tpu.dot_dimension_numbers<[1], [0], [0], [1], [0, 0, 1, 1], [], []>, transpose_lhs_hint = false} : vector<1000x128xf32>, vector<128x128xf32>, vector<1000x128xf32> -> vector<1000x128xf32>
      %get3A_192 = arith.constant 0 : index
      %get3A_193 = arith.constant 0 : index
      %get3A_194 = vector.load %arg7[%get3A_192, %get3A_193] : memref<1x128xf32, #tpu.memory_space<vmem>>, vector<1x128xf32>
      %add3A_195 = vector.broadcast %get3A_194 : vector<1x128xf32> to vector<1000x128xf32>
      %add3A_196 = arith.addf %dot_general3A_191, %add3A_195 : vector<1000x128xf32>
      %swap3A_197 = arith.constant 6000 : index
      %swap3A_198 = arith.constant 0 : index
      %swap3A_199 = vector.load %arg17[%swap3A_197, %swap3A_198] : memref<10000x128xf32, #tpu.memory_space<vmem>>, vector<1000x128xf32>
      tpu.vector_store %arg17[%swap3A_197, %swap3A_198], %add3A_196 {strides = array<i32>} : memref<10000x128xf32, #tpu.memory_space<vmem>>, vector<1000x128xf32>,
      %broadcast_in_dim3A_200 = arith.constant 0.000000e+00 : f32
      %broadcast_in_dim3A_201 = vector.broadcast %broadcast_in_dim3A_200 : f32 to vector<1000x128xf32>
      %swap3A_202 = arith.constant 6000 : index
      %swap3A_203 = arith.constant 0 : index
      %swap3A_204 = vector.load %arg14[%swap3A_202, %swap3A_203] : memref<10000x128xf32, #tpu.memory_space<vmem>>, vector<1000x128xf32>
      tpu.vector_store %arg14[%swap3A_202, %swap3A_203], %broadcast_in_dim3A_201 {strides = array<i32>} : memref<10000x128xf32, #tpu.memory_space<vmem>>, vector<1000x128xf32>,
      %broadcast_in_dim3A_205 = arith.constant 0.000000e+00 : f32
      %broadcast_in_dim3A_206 = vector.broadcast %broadcast_in_dim3A_205 : f32 to vector<1000x128xf32>
      %swap3A_207 = arith.constant 6000 : index
      %swap3A_208 = arith.constant 0 : index
      %swap3A_209 = vector.load %arg15[%swap3A_207, %swap3A_208] : memref<10000x128xf32, #tpu.memory_space<vmem>>, vector<1000x128xf32>
      tpu.vector_store %arg15[%swap3A_207, %swap3A_208], %broadcast_in_dim3A_206 {strides = array<i32>} : memref<10000x128xf32, #tpu.memory_space<vmem>>, vector<1000x128xf32>,
      %get3A_210 = arith.constant 7000 : index
      %get3A_211 = arith.constant 0 : index
      %get3A_212 = vector.load %arg4[%get3A_210, %get3A_211] : memref<10000x128xf32, #tpu.memory_space<vmem>>, vector<1000x128xf32>
      %get3A_213 = arith.constant 0 : index
      %get3A_214 = arith.constant 0 : index
      %get3A_215 = vector.load %arg6[%get3A_213, %get3A_214] : memref<128x128xf32, #tpu.memory_space<vmem>>, vector<128x128xf32>
      %dot_general3A_216 = arith.constant dense<0.000000e+00> : vector<1000x128xf32>
      %dot_general3A_217 = tpu.matmul %get3A_212, %get3A_215, %dot_general3A_216 {dimension_numbers = #tpu.dot_dimension_numbers<[1], [0], [0], [1], [0, 0, 1, 1], [], []>, transpose_lhs_hint = false} : vector<1000x128xf32>, vector<128x128xf32>, vector<1000x128xf32> -> vector<1000x128xf32>
      %get3A_218 = arith.constant 0 : index
      %get3A_219 = arith.constant 0 : index
      %get3A_220 = vector.load %arg7[%get3A_218, %get3A_219] : memref<1x128xf32, #tpu.memory_space<vmem>>, vector<1x128xf32>
      %add3A_221 = vector.broadcast %get3A_220 : vector<1x128xf32> to vector<1000x128xf32>
      %add3A_222 = arith.addf %dot_general3A_217, %add3A_221 : vector<1000x128xf32>
      %swap3A_223 = arith.constant 7000 : index
      %swap3A_224 = arith.constant 0 : index
      %swap3A_225 = vector.load %arg17[%swap3A_223, %swap3A_224] : memref<10000x128xf32, #tpu.memory_space<vmem>>, vector<1000x128xf32>
      tpu.vector_store %arg17[%swap3A_223, %swap3A_224], %add3A_222 {strides = array<i32>} : memref<10000x128xf32, #tpu.memory_space<vmem>>, vector<1000x128xf32>,
      %broadcast_in_dim3A_226 = arith.constant 0.000000e+00 : f32
      %broadcast_in_dim3A_227 = vector.broadcast %broadcast_in_dim3A_226 : f32 to vector<1000x128xf32>
      %swap3A_228 = arith.constant 7000 : index
      %swap3A_229 = arith.constant 0 : index
      %swap3A_230 = vector.load %arg14[%swap3A_228, %swap3A_229] : memref<10000x128xf32, #tpu.memory_space<vmem>>, vector<1000x128xf32>
      tpu.vector_store %arg14[%swap3A_228, %swap3A_229], %broadcast_in_dim3A_227 {strides = array<i32>} : memref<10000x128xf32, #tpu.memory_space<vmem>>, vector<1000x128xf32>,
      %broadcast_in_dim3A_231 = arith.constant 0.000000e+00 : f32
      %broadcast_in_dim3A_232 = vector.broadcast %broadcast_in_dim3A_231 : f32 to vector<1000x128xf32>
      %swap3A_233 = arith.constant 7000 : index
      %swap3A_234 = arith.constant 0 : index
      %swap3A_235 = vector.load %arg15[%swap3A_233, %swap3A_234] : memref<10000x128xf32, #tpu.memory_space<vmem>>, vector<1000x128xf32>
      tpu.vector_store %arg15[%swap3A_233, %swap3A_234], %broadcast_in_dim3A_232 {strides = array<i32>} : memref<10000x128xf32, #tpu.memory_space<vmem>>, vector<1000x128xf32>,
      %get3A_236 = arith.constant 8000 : index
      %get3A_237 = arith.constant 0 : index
      %get3A_238 = vector.load %arg4[%get3A_236, %get3A_237] : memref<10000x128xf32, #tpu.memory_space<vmem>>, vector<1000x128xf32>
      %get3A_239 = arith.constant 0 : index
      %get3A_240 = arith.constant 0 : index
      %get3A_241 = vector.load %arg6[%get3A_239, %get3A_240] : memref<128x128xf32, #tpu.memory_space<vmem>>, vector<128x128xf32>
      %dot_general3A_242 = arith.constant dense<0.000000e+00> : vector<1000x128xf32>
      %dot_general3A_243 = tpu.matmul %get3A_238, %get3A_241, %dot_general3A_242 {dimension_numbers = #tpu.dot_dimension_numbers<[1], [0], [0], [1], [0, 0, 1, 1], [], []>, transpose_lhs_hint = false} : vector<1000x128xf32>, vector<128x128xf32>, vector<1000x128xf32> -> vector<1000x128xf32>
      %get3A_244 = arith.constant 0 : index
      %get3A_245 = arith.constant 0 : index
      %get3A_246 = vector.load %arg7[%get3A_244, %get3A_245] : memref<1x128xf32, #tpu.memory_space<vmem>>, vector<1x128xf32>
      %add3A_247 = vector.broadcast %get3A_246 : vector<1x128xf32> to vector<1000x128xf32>
      %add3A_248 = arith.addf %dot_general3A_243, %add3A_247 : vector<1000x128xf32>
      %swap3A_249 = arith.constant 8000 : index
      %swap3A_250 = arith.constant 0 : index
      %swap3A_251 = vector.load %arg17[%swap3A_249, %swap3A_250] : memref<10000x128xf32, #tpu.memory_space<vmem>>, vector<1000x128xf32>
      tpu.vector_store %arg17[%swap3A_249, %swap3A_250], %add3A_248 {strides = array<i32>} : memref<10000x128xf32, #tpu.memory_space<vmem>>, vector<1000x128xf32>,
      %broadcast_in_dim3A_252 = arith.constant 0.000000e+00 : f32
      %broadcast_in_dim3A_253 = vector.broadcast %broadcast_in_dim3A_252 : f32 to vector<1000x128xf32>
      %swap3A_254 = arith.constant 8000 : index
      %swap3A_255 = arith.constant 0 : index
      %swap3A_256 = vector.load %arg14[%swap3A_254, %swap3A_255] : memref<10000x128xf32, #tpu.memory_space<vmem>>, vector<1000x128xf32>
      tpu.vector_store %arg14[%swap3A_254, %swap3A_255], %broadcast_in_dim3A_253 {strides = array<i32>} : memref<10000x128xf32, #tpu.memory_space<vmem>>, vector<1000x128xf32>,
      %broadcast_in_dim3A_257 = arith.constant 0.000000e+00 : f32
      %broadcast_in_dim3A_258 = vector.broadcast %broadcast_in_dim3A_257 : f32 to vector<1000x128xf32>
      %swap3A_259 = arith.constant 8000 : index
      %swap3A_260 = arith.constant 0 : index
      %swap3A_261 = vector.load %arg15[%swap3A_259, %swap3A_260] : memref<10000x128xf32, #tpu.memory_space<vmem>>, vector<1000x128xf32>
      tpu.vector_store %arg15[%swap3A_259, %swap3A_260], %broadcast_in_dim3A_258 {strides = array<i32>} : memref<10000x128xf32, #tpu.memory_space<vmem>>, vector<1000x128xf32>,
      %get3A_262 = arith.constant 9000 : index
      %get3A_263 = arith.constant 0 : index
      %get3A_264 = vector.load %arg4[%get3A_262, %get3A_263] : memref<10000x128xf32, #tpu.memory_space<vmem>>, vector<1000x128xf32>
      %get3A_265 = arith.constant 0 : index
      %get3A_266 = arith.constant 0 : index
      %get3A_267 = vector.load %arg6[%get3A_265, %get3A_266] : memref<128x128xf32, #tpu.memory_space<vmem>>, vector<128x128xf32>
      %dot_general3A_268 = arith.constant dense<0.000000e+00> : vector<1000x128xf32>
      %dot_general3A_269 = tpu.matmul %get3A_264, %get3A_267, %dot_general3A_268 {dimension_numbers = #tpu.dot_dimension_numbers<[1], [0], [0], [1], [0, 0, 1, 1], [], []>, transpose_lhs_hint = false} : vector<1000x128xf32>, vector<128x128xf32>, vector<1000x128xf32> -> vector<1000x128xf32>
      %get3A_270 = arith.constant 0 : index
      %get3A_271 = arith.constant 0 : index
      %get3A_272 = vector.load %arg7[%get3A_270, %get3A_271] : memref<1x128xf32, #tpu.memory_space<vmem>>, vector<1x128xf32>
      %add3A_273 = vector.broadcast %get3A_272 : vector<1x128xf32> to vector<1000x128xf32>
      %add3A_274 = arith.addf %dot_general3A_269, %add3A_273 : vector<1000x128xf32>
      %swap3A_275 = arith.constant 9000 : index
      %swap3A_276 = arith.constant 0 : index
      %swap3A_277 = vector.load %arg17[%swap3A_275, %swap3A_276] : memref<10000x128xf32, #tpu.memory_space<vmem>>, vector<1000x128xf32>
      tpu.vector_store %arg17[%swap3A_275, %swap3A_276], %add3A_274 {strides = array<i32>} : memref<10000x128xf32, #tpu.memory_space<vmem>>, vector<1000x128xf32>,
      %broadcast_in_dim3A_278 = arith.constant 0.000000e+00 : f32
      %broadcast_in_dim3A_279 = vector.broadcast %broadcast_in_dim3A_278 : f32 to vector<1000x128xf32>
      %swap3A_280 = arith.constant 9000 : index
      %swap3A_281 = arith.constant 0 : index
      %swap3A_282 = vector.load %arg14[%swap3A_280, %swap3A_281] : memref<10000x128xf32, #tpu.memory_space<vmem>>, vector<1000x128xf32>
      tpu.vector_store %arg14[%swap3A_280, %swap3A_281], %broadcast_in_dim3A_279 {strides = array<i32>} : memref<10000x128xf32, #tpu.memory_space<vmem>>, vector<1000x128xf32>,
      %broadcast_in_dim3A_283 = arith.constant 0.000000e+00 : f32
      %broadcast_in_dim3A_284 = vector.broadcast %broadcast_in_dim3A_283 : f32 to vector<1000x128xf32>
      %swap3A_285 = arith.constant 9000 : index
      %swap3A_286 = arith.constant 0 : index
      %swap3A_287 = vector.load %arg15[%swap3A_285, %swap3A_286] : memref<10000x128xf32, #tpu.memory_space<vmem>>, vector<1000x128xf32>
      tpu.vector_store %arg15[%swap3A_285, %swap3A_286], %broadcast_in_dim3A_284 {strides = array<i32>} : memref<10000x128xf32, #tpu.memory_space<vmem>>, vector<1000x128xf32>,
    } else {
    }
    %eq3A_4 = arith.constant 0 : i32
    %eq3A_5 = arith.cmpi eq, %arg1, %eq3A_4 : i32
    %convert_element_type3A_6 = arith.extui %eq3A_5 : i1 to i32
    %cond3A_7 = arith.constant 0 : i32
    %cond3A_8 = arith.cmpi ne, %convert_element_type3A_6, %cond3A_7 : i32
    scf.if %cond3A_8 {
      %broadcast_in_dim3A = arith.constant 0.000000e+00 : f32
      %broadcast_in_dim3A_31 = vector.broadcast %broadcast_in_dim3A : f32 to vector<1000x128xf32>
      %swap3A = arith.constant 0 : index
      %swap3A_32 = arith.constant 0 : index
      %swap3A_33 = arith.constant 0 : index
      %swap3A_34 = vector.load %arg18[%swap3A, %swap3A_32, %swap3A_33] : memref<3x10000x128xf32, #tpu.memory_space<vmem>>, vector<1x1000x128xf32>
      %swap3A_35 = vector.shape_cast %swap3A_34 : vector<1x1000x128xf32> to vector<1000x128xf32>
      %swap3A_36 = vector.shape_cast %broadcast_in_dim3A_31 : vector<1000x128xf32> to vector<1x1000x128xf32>
      tpu.vector_store %arg18[%swap3A, %swap3A_32, %swap3A_33], %swap3A_36 {strides = array<i32>} : memref<3x10000x128xf32, #tpu.memory_space<vmem>>, vector<1x1000x128xf32>,
      %broadcast_in_dim3A_37 = arith.constant 0.000000e+00 : f32
      %broadcast_in_dim3A_38 = vector.broadcast %broadcast_in_dim3A_37 : f32 to vector<1000x128xf32>
      %swap3A_39 = arith.constant 0 : index
      %swap3A_40 = arith.constant 0 : index
      %swap3A_41 = arith.constant 0 : index
      %swap3A_42 = vector.load %arg19[%swap3A_39, %swap3A_40, %swap3A_41] : memref<3x10000x128xf32, #tpu.memory_space<vmem>>, vector<1x1000x128xf32>
      %swap3A_43 = vector.shape_cast %swap3A_42 : vector<1x1000x128xf32> to vector<1000x128xf32>
      %swap3A_44 = vector.shape_cast %broadcast_in_dim3A_38 : vector<1000x128xf32> to vector<1x1000x128xf32>
      tpu.vector_store %arg19[%swap3A_39, %swap3A_40, %swap3A_41], %swap3A_44 {strides = array<i32>} : memref<3x10000x128xf32, #tpu.memory_space<vmem>>, vector<1x1000x128xf32>,
      %broadcast_in_dim3A_45 = arith.constant 0.000000e+00 : f32
      %broadcast_in_dim3A_46 = vector.broadcast %broadcast_in_dim3A_45 : f32 to vector<1000x128xf32>
      %swap3A_47 = arith.constant 1 : index
      %swap3A_48 = arith.constant 0 : index
      %swap3A_49 = arith.constant 0 : index
      %swap3A_50 = vector.load %arg18[%swap3A_47, %swap3A_48, %swap3A_49] : memref<3x10000x128xf32, #tpu.memory_space<vmem>>, vector<1x1000x128xf32>
      %swap3A_51 = vector.shape_cast %swap3A_50 : vector<1x1000x128xf32> to vector<1000x128xf32>
      %swap3A_52 = vector.shape_cast %broadcast_in_dim3A_46 : vector<1000x128xf32> to vector<1x1000x128xf32>
      tpu.vector_store %arg18[%swap3A_47, %swap3A_48, %swap3A_49], %swap3A_52 {strides = array<i32>} : memref<3x10000x128xf32, #tpu.memory_space<vmem>>, vector<1x1000x128xf32>,
      %broadcast_in_dim3A_53 = arith.constant 0.000000e+00 : f32
      %broadcast_in_dim3A_54 = vector.broadcast %broadcast_in_dim3A_53 : f32 to vector<1000x128xf32>
      %swap3A_55 = arith.constant 1 : index
      %swap3A_56 = arith.constant 0 : index
      %swap3A_57 = arith.constant 0 : index
      %swap3A_58 = vector.load %arg19[%swap3A_55, %swap3A_56, %swap3A_57] : memref<3x10000x128xf32, #tpu.memory_space<vmem>>, vector<1x1000x128xf32>
      %swap3A_59 = vector.shape_cast %swap3A_58 : vector<1x1000x128xf32> to vector<1000x128xf32>
      %swap3A_60 = vector.shape_cast %broadcast_in_dim3A_54 : vector<1000x128xf32> to vector<1x1000x128xf32>
      tpu.vector_store %arg19[%swap3A_55, %swap3A_56, %swap3A_57], %swap3A_60 {strides = array<i32>} : memref<3x10000x128xf32, #tpu.memory_space<vmem>>, vector<1x1000x128xf32>,
      %broadcast_in_dim3A_61 = arith.constant 0.000000e+00 : f32
      %broadcast_in_dim3A_62 = vector.broadcast %broadcast_in_dim3A_61 : f32 to vector<1000x128xf32>
      %swap3A_63 = arith.constant 2 : index
      %swap3A_64 = arith.constant 0 : index
      %swap3A_65 = arith.constant 0 : index
      %swap3A_66 = vector.load %arg18[%swap3A_63, %swap3A_64, %swap3A_65] : memref<3x10000x128xf32, #tpu.memory_space<vmem>>, vector<1x1000x128xf32>
      %swap3A_67 = vector.shape_cast %swap3A_66 : vector<1x1000x128xf32> to vector<1000x128xf32>
      %swap3A_68 = vector.shape_cast %broadcast_in_dim3A_62 : vector<1000x128xf32> to vector<1x1000x128xf32>
      tpu.vector_store %arg18[%swap3A_63, %swap3A_64, %swap3A_65], %swap3A_68 {strides = array<i32>} : memref<3x10000x128xf32, #tpu.memory_space<vmem>>, vector<1x1000x128xf32>,
      %broadcast_in_dim3A_69 = arith.constant 0.000000e+00 : f32
      %broadcast_in_dim3A_70 = vector.broadcast %broadcast_in_dim3A_69 : f32 to vector<1000x128xf32>
      %swap3A_71 = arith.constant 2 : index
      %swap3A_72 = arith.constant 0 : index
      %swap3A_73 = arith.constant 0 : index
      %swap3A_74 = vector.load %arg19[%swap3A_71, %swap3A_72, %swap3A_73] : memref<3x10000x128xf32, #tpu.memory_space<vmem>>, vector<1x1000x128xf32>
      %swap3A_75 = vector.shape_cast %swap3A_74 : vector<1x1000x128xf32> to vector<1000x128xf32>
      %swap3A_76 = vector.shape_cast %broadcast_in_dim3A_70 : vector<1000x128xf32> to vector<1x1000x128xf32>
      tpu.vector_store %arg19[%swap3A_71, %swap3A_72, %swap3A_73], %swap3A_76 {strides = array<i32>} : memref<3x10000x128xf32, #tpu.memory_space<vmem>>, vector<1x1000x128xf32>,
      %get3A_77 = arith.constant 0 : index
      %get3A_78 = arith.constant 0 : index
      %get3A_79 = vector.load %arg14[%get3A_77, %get3A_78] : memref<10000x128xf32, #tpu.memory_space<vmem>>, vector<1000x128xf32>
      %get3A_80 = arith.constant 0 : index
      %get3A_81 = arith.constant 0 : index
      %get3A_82 = vector.load %arg11[%get3A_80, %get3A_81] : memref<128x128xf32, #tpu.memory_space<vmem>>, vector<128x128xf32>
      %dot_general3A = arith.constant dense<0.000000e+00> : vector<1000x128xf32>
      %dot_general3A_83 = tpu.matmul %get3A_79, %get3A_82, %dot_general3A {dimension_numbers = #tpu.dot_dimension_numbers<[1], [0], [0], [1], [0, 0, 1, 1], [], []>, transpose_lhs_hint = false} : vector<1000x128xf32>, vector<128x128xf32>, vector<1000x128xf32> -> vector<1000x128xf32>
      %swap3A_84 = arith.constant 0 : index
      %swap3A_85 = arith.constant 0 : index
      %swap3A_86 = vector.load %arg16[%swap3A_84, %swap3A_85] : memref<10000x128xf32, #tpu.memory_space<vmem>>, vector<1000x128xf32>
      tpu.vector_store %arg16[%swap3A_84, %swap3A_85], %dot_general3A_83 {strides = array<i32>} : memref<10000x128xf32, #tpu.memory_space<vmem>>, vector<1000x128xf32>,
      %broadcast_in_dim3A_87 = arith.constant 0.000000e+00 : f32
      %broadcast_in_dim3A_88 = vector.broadcast %broadcast_in_dim3A_87 : f32 to vector<1000x128xf32>
      %swap3A_89 = arith.constant 0 : index
      %swap3A_90 = arith.constant 1000 : index
      %swap3A_91 = arith.constant 0 : index
      %swap3A_92 = vector.load %arg18[%swap3A_89, %swap3A_90, %swap3A_91] : memref<3x10000x128xf32, #tpu.memory_space<vmem>>, vector<1x1000x128xf32>
      %swap3A_93 = vector.shape_cast %swap3A_92 : vector<1x1000x128xf32> to vector<1000x128xf32>
      %swap3A_94 = vector.shape_cast %broadcast_in_dim3A_88 : vector<1000x128xf32> to vector<1x1000x128xf32>
      tpu.vector_store %arg18[%swap3A_89, %swap3A_90, %swap3A_91], %swap3A_94 {strides = array<i32>} : memref<3x10000x128xf32, #tpu.memory_space<vmem>>, vector<1x1000x128xf32>,
      %broadcast_in_dim3A_95 = arith.constant 0.000000e+00 : f32
      %broadcast_in_dim3A_96 = vector.broadcast %broadcast_in_dim3A_95 : f32 to vector<1000x128xf32>
      %swap3A_97 = arith.constant 0 : index
      %swap3A_98 = arith.constant 1000 : index
      %swap3A_99 = arith.constant 0 : index
      %swap3A_100 = vector.load %arg19[%swap3A_97, %swap3A_98, %swap3A_99] : memref<3x10000x128xf32, #tpu.memory_space<vmem>>, vector<1x1000x128xf32>
      %swap3A_101 = vector.shape_cast %swap3A_100 : vector<1x1000x128xf32> to vector<1000x128xf32>
      %swap3A_102 = vector.shape_cast %broadcast_in_dim3A_96 : vector<1000x128xf32> to vector<1x1000x128xf32>
      tpu.vector_store %arg19[%swap3A_97, %swap3A_98, %swap3A_99], %swap3A_102 {strides = array<i32>} : memref<3x10000x128xf32, #tpu.memory_space<vmem>>, vector<1x1000x128xf32>,
      %broadcast_in_dim3A_103 = arith.constant 0.000000e+00 : f32
      %broadcast_in_dim3A_104 = vector.broadcast %broadcast_in_dim3A_103 : f32 to vector<1000x128xf32>
      %swap3A_105 = arith.constant 1 : index
      %swap3A_106 = arith.constant 1000 : index
      %swap3A_107 = arith.constant 0 : index
      %swap3A_108 = vector.load %arg18[%swap3A_105, %swap3A_106, %swap3A_107] : memref<3x10000x128xf32, #tpu.memory_space<vmem>>, vector<1x1000x128xf32>
      %swap3A_109 = vector.shape_cast %swap3A_108 : vector<1x1000x128xf32> to vector<1000x128xf32>
      %swap3A_110 = vector.shape_cast %broadcast_in_dim3A_104 : vector<1000x128xf32> to vector<1x1000x128xf32>
      tpu.vector_store %arg18[%swap3A_105, %swap3A_106, %swap3A_107], %swap3A_110 {strides = array<i32>} : memref<3x10000x128xf32, #tpu.memory_space<vmem>>, vector<1x1000x128xf32>,
      %broadcast_in_dim3A_111 = arith.constant 0.000000e+00 : f32
      %broadcast_in_dim3A_112 = vector.broadcast %broadcast_in_dim3A_111 : f32 to vector<1000x128xf32>
      %swap3A_113 = arith.constant 1 : index
      %swap3A_114 = arith.constant 1000 : index
      %swap3A_115 = arith.constant 0 : index
      %swap3A_116 = vector.load %arg19[%swap3A_113, %swap3A_114, %swap3A_115] : memref<3x10000x128xf32, #tpu.memory_space<vmem>>, vector<1x1000x128xf32>
      %swap3A_117 = vector.shape_cast %swap3A_116 : vector<1x1000x128xf32> to vector<1000x128xf32>
      %swap3A_118 = vector.shape_cast %broadcast_in_dim3A_112 : vector<1000x128xf32> to vector<1x1000x128xf32>
      tpu.vector_store %arg19[%swap3A_113, %swap3A_114, %swap3A_115], %swap3A_118 {strides = array<i32>} : memref<3x10000x128xf32, #tpu.memory_space<vmem>>, vector<1x1000x128xf32>,
      %broadcast_in_dim3A_119 = arith.constant 0.000000e+00 : f32
      %broadcast_in_dim3A_120 = vector.broadcast %broadcast_in_dim3A_119 : f32 to vector<1000x128xf32>
      %swap3A_121 = arith.constant 2 : index
      %swap3A_122 = arith.constant 1000 : index
      %swap3A_123 = arith.constant 0 : index
      %swap3A_124 = vector.load %arg18[%swap3A_121, %swap3A_122, %swap3A_123] : memref<3x10000x128xf32, #tpu.memory_space<vmem>>, vector<1x1000x128xf32>
      %swap3A_125 = vector.shape_cast %swap3A_124 : vector<1x1000x128xf32> to vector<1000x128xf32>
      %swap3A_126 = vector.shape_cast %broadcast_in_dim3A_120 : vector<1000x128xf32> to vector<1x1000x128xf32>
      tpu.vector_store %arg18[%swap3A_121, %swap3A_122, %swap3A_123], %swap3A_126 {strides = array<i32>} : memref<3x10000x128xf32, #tpu.memory_space<vmem>>, vector<1x1000x128xf32>,
      %broadcast_in_dim3A_127 = arith.constant 0.000000e+00 : f32
      %broadcast_in_dim3A_128 = vector.broadcast %broadcast_in_dim3A_127 : f32 to vector<1000x128xf32>
      %swap3A_129 = arith.constant 2 : index
      %swap3A_130 = arith.constant 1000 : index
      %swap3A_131 = arith.constant 0 : index
      %swap3A_132 = vector.load %arg19[%swap3A_129, %swap3A_130, %swap3A_131] : memref<3x10000x128xf32, #tpu.memory_space<vmem>>, vector<1x1000x128xf32>
      %swap3A_133 = vector.shape_cast %swap3A_132 : vector<1x1000x128xf32> to vector<1000x128xf32>
      %swap3A_134 = vector.shape_cast %broadcast_in_dim3A_128 : vector<1000x128xf32> to vector<1x1000x128xf32>
      tpu.vector_store %arg19[%swap3A_129, %swap3A_130, %swap3A_131], %swap3A_134 {strides = array<i32>} : memref<3x10000x128xf32, #tpu.memory_space<vmem>>, vector<1x1000x128xf32>,
      %get3A_135 = arith.constant 1000 : index
      %get3A_136 = arith.constant 0 : index
      %get3A_137 = vector.load %arg14[%get3A_135, %get3A_136] : memref<10000x128xf32, #tpu.memory_space<vmem>>, vector<1000x128xf32>
      %get3A_138 = arith.constant 0 : index
      %get3A_139 = arith.constant 0 : index
      %get3A_140 = vector.load %arg11[%get3A_138, %get3A_139] : memref<128x128xf32, #tpu.memory_space<vmem>>, vector<128x128xf32>
      %dot_general3A_141 = arith.constant dense<0.000000e+00> : vector<1000x128xf32>
      %dot_general3A_142 = tpu.matmul %get3A_137, %get3A_140, %dot_general3A_141 {dimension_numbers = #tpu.dot_dimension_numbers<[1], [0], [0], [1], [0, 0, 1, 1], [], []>, transpose_lhs_hint = false} : vector<1000x128xf32>, vector<128x128xf32>, vector<1000x128xf32> -> vector<1000x128xf32>
      %swap3A_143 = arith.constant 1000 : index
      %swap3A_144 = arith.constant 0 : index
      %swap3A_145 = vector.load %arg16[%swap3A_143, %swap3A_144] : memref<10000x128xf32, #tpu.memory_space<vmem>>, vector<1000x128xf32>
      tpu.vector_store %arg16[%swap3A_143, %swap3A_144], %dot_general3A_142 {strides = array<i32>} : memref<10000x128xf32, #tpu.memory_space<vmem>>, vector<1000x128xf32>,
      %broadcast_in_dim3A_146 = arith.constant 0.000000e+00 : f32
      %broadcast_in_dim3A_147 = vector.broadcast %broadcast_in_dim3A_146 : f32 to vector<1000x128xf32>
      %swap3A_148 = arith.constant 0 : index
      %swap3A_149 = arith.constant 2000 : index
      %swap3A_150 = arith.constant 0 : index
      %swap3A_151 = vector.load %arg18[%swap3A_148, %swap3A_149, %swap3A_150] : memref<3x10000x128xf32, #tpu.memory_space<vmem>>, vector<1x1000x128xf32>
      %swap3A_152 = vector.shape_cast %swap3A_151 : vector<1x1000x128xf32> to vector<1000x128xf32>
      %swap3A_153 = vector.shape_cast %broadcast_in_dim3A_147 : vector<1000x128xf32> to vector<1x1000x128xf32>
      tpu.vector_store %arg18[%swap3A_148, %swap3A_149, %swap3A_150], %swap3A_153 {strides = array<i32>} : memref<3x10000x128xf32, #tpu.memory_space<vmem>>, vector<1x1000x128xf32>,
      %broadcast_in_dim3A_154 = arith.constant 0.000000e+00 : f32
      %broadcast_in_dim3A_155 = vector.broadcast %broadcast_in_dim3A_154 : f32 to vector<1000x128xf32>
      %swap3A_156 = arith.constant 0 : index
      %swap3A_157 = arith.constant 2000 : index
      %swap3A_158 = arith.constant 0 : index
      %swap3A_159 = vector.load %arg19[%swap3A_156, %swap3A_157, %swap3A_158] : memref<3x10000x128xf32, #tpu.memory_space<vmem>>, vector<1x1000x128xf32>
      %swap3A_160 = vector.shape_cast %swap3A_159 : vector<1x1000x128xf32> to vector<1000x128xf32>
      %swap3A_161 = vector.shape_cast %broadcast_in_dim3A_155 : vector<1000x128xf32> to vector<1x1000x128xf32>
      tpu.vector_store %arg19[%swap3A_156, %swap3A_157, %swap3A_158], %swap3A_161 {strides = array<i32>} : memref<3x10000x128xf32, #tpu.memory_space<vmem>>, vector<1x1000x128xf32>,
      %broadcast_in_dim3A_162 = arith.constant 0.000000e+00 : f32
      %broadcast_in_dim3A_163 = vector.broadcast %broadcast_in_dim3A_162 : f32 to vector<1000x128xf32>
      %swap3A_164 = arith.constant 1 : index
      %swap3A_165 = arith.constant 2000 : index
      %swap3A_166 = arith.constant 0 : index
      %swap3A_167 = vector.load %arg18[%swap3A_164, %swap3A_165, %swap3A_166] : memref<3x10000x128xf32, #tpu.memory_space<vmem>>, vector<1x1000x128xf32>
      %swap3A_168 = vector.shape_cast %swap3A_167 : vector<1x1000x128xf32> to vector<1000x128xf32>
      %swap3A_169 = vector.shape_cast %broadcast_in_dim3A_163 : vector<1000x128xf32> to vector<1x1000x128xf32>
      tpu.vector_store %arg18[%swap3A_164, %swap3A_165, %swap3A_166], %swap3A_169 {strides = array<i32>} : memref<3x10000x128xf32, #tpu.memory_space<vmem>>, vector<1x1000x128xf32>,
      %broadcast_in_dim3A_170 = arith.constant 0.000000e+00 : f32
      %broadcast_in_dim3A_171 = vector.broadcast %broadcast_in_dim3A_170 : f32 to vector<1000x128xf32>
      %swap3A_172 = arith.constant 1 : index
      %swap3A_173 = arith.constant 2000 : index
      %swap3A_174 = arith.constant 0 : index
      %swap3A_175 = vector.load %arg19[%swap3A_172, %swap3A_173, %swap3A_174] : memref<3x10000x128xf32, #tpu.memory_space<vmem>>, vector<1x1000x128xf32>
      %swap3A_176 = vector.shape_cast %swap3A_175 : vector<1x1000x128xf32> to vector<1000x128xf32>
      %swap3A_177 = vector.shape_cast %broadcast_in_dim3A_171 : vector<1000x128xf32> to vector<1x1000x128xf32>
      tpu.vector_store %arg19[%swap3A_172, %swap3A_173, %swap3A_174], %swap3A_177 {strides = array<i32>} : memref<3x10000x128xf32, #tpu.memory_space<vmem>>, vector<1x1000x128xf32>,
      %broadcast_in_dim3A_178 = arith.constant 0.000000e+00 : f32
      %broadcast_in_dim3A_179 = vector.broadcast %broadcast_in_dim3A_178 : f32 to vector<1000x128xf32>
      %swap3A_180 = arith.constant 2 : index
      %swap3A_181 = arith.constant 2000 : index
      %swap3A_182 = arith.constant 0 : index
      %swap3A_183 = vector.load %arg18[%swap3A_180, %swap3A_181, %swap3A_182] : memref<3x10000x128xf32, #tpu.memory_space<vmem>>, vector<1x1000x128xf32>
      %swap3A_184 = vector.shape_cast %swap3A_183 : vector<1x1000x128xf32> to vector<1000x128xf32>
      %swap3A_185 = vector.shape_cast %broadcast_in_dim3A_179 : vector<1000x128xf32> to vector<1x1000x128xf32>
      tpu.vector_store %arg18[%swap3A_180, %swap3A_181, %swap3A_182], %swap3A_185 {strides = array<i32>} : memref<3x10000x128xf32, #tpu.memory_space<vmem>>, vector<1x1000x128xf32>,
      %broadcast_in_dim3A_186 = arith.constant 0.000000e+00 : f32
      %broadcast_in_dim3A_187 = vector.broadcast %broadcast_in_dim3A_186 : f32 to vector<1000x128xf32>
      %swap3A_188 = arith.constant 2 : index
      %swap3A_189 = arith.constant 2000 : index
      %swap3A_190 = arith.constant 0 : index
      %swap3A_191 = vector.load %arg19[%swap3A_188, %swap3A_189, %swap3A_190] : memref<3x10000x128xf32, #tpu.memory_space<vmem>>, vector<1x1000x128xf32>
      %swap3A_192 = vector.shape_cast %swap3A_191 : vector<1x1000x128xf32> to vector<1000x128xf32>
      %swap3A_193 = vector.shape_cast %broadcast_in_dim3A_187 : vector<1000x128xf32> to vector<1x1000x128xf32>
      tpu.vector_store %arg19[%swap3A_188, %swap3A_189, %swap3A_190], %swap3A_193 {strides = array<i32>} : memref<3x10000x128xf32, #tpu.memory_space<vmem>>, vector<1x1000x128xf32>,
      %get3A_194 = arith.constant 2000 : index
      %get3A_195 = arith.constant 0 : index
      %get3A_196 = vector.load %arg14[%get3A_194, %get3A_195] : memref<10000x128xf32, #tpu.memory_space<vmem>>, vector<1000x128xf32>
      %get3A_197 = arith.constant 0 : index
      %get3A_198 = arith.constant 0 : index
      %get3A_199 = vector.load %arg11[%get3A_197, %get3A_198] : memref<128x128xf32, #tpu.memory_space<vmem>>, vector<128x128xf32>
      %dot_general3A_200 = arith.constant dense<0.000000e+00> : vector<1000x128xf32>
      %dot_general3A_201 = tpu.matmul %get3A_196, %get3A_199, %dot_general3A_200 {dimension_numbers = #tpu.dot_dimension_numbers<[1], [0], [0], [1], [0, 0, 1, 1], [], []>, transpose_lhs_hint = false} : vector<1000x128xf32>, vector<128x128xf32>, vector<1000x128xf32> -> vector<1000x128xf32>
      %swap3A_202 = arith.constant 2000 : index
      %swap3A_203 = arith.constant 0 : index
      %swap3A_204 = vector.load %arg16[%swap3A_202, %swap3A_203] : memref<10000x128xf32, #tpu.memory_space<vmem>>, vector<1000x128xf32>
      tpu.vector_store %arg16[%swap3A_202, %swap3A_203], %dot_general3A_201 {strides = array<i32>} : memref<10000x128xf32, #tpu.memory_space<vmem>>, vector<1000x128xf32>,
      %broadcast_in_dim3A_205 = arith.constant 0.000000e+00 : f32
      %broadcast_in_dim3A_206 = vector.broadcast %broadcast_in_dim3A_205 : f32 to vector<1000x128xf32>
      %swap3A_207 = arith.constant 0 : index
      %swap3A_208 = arith.constant 3000 : index
      %swap3A_209 = arith.constant 0 : index
      %swap3A_210 = vector.load %arg18[%swap3A_207, %swap3A_208, %swap3A_209] : memref<3x10000x128xf32, #tpu.memory_space<vmem>>, vector<1x1000x128xf32>
      %swap3A_211 = vector.shape_cast %swap3A_210 : vector<1x1000x128xf32> to vector<1000x128xf32>
      %swap3A_212 = vector.shape_cast %broadcast_in_dim3A_206 : vector<1000x128xf32> to vector<1x1000x128xf32>
      tpu.vector_store %arg18[%swap3A_207, %swap3A_208, %swap3A_209], %swap3A_212 {strides = array<i32>} : memref<3x10000x128xf32, #tpu.memory_space<vmem>>, vector<1x1000x128xf32>,
      %broadcast_in_dim3A_213 = arith.constant 0.000000e+00 : f32
      %broadcast_in_dim3A_214 = vector.broadcast %broadcast_in_dim3A_213 : f32 to vector<1000x128xf32>
      %swap3A_215 = arith.constant 0 : index
      %swap3A_216 = arith.constant 3000 : index
      %swap3A_217 = arith.constant 0 : index
      %swap3A_218 = vector.load %arg19[%swap3A_215, %swap3A_216, %swap3A_217] : memref<3x10000x128xf32, #tpu.memory_space<vmem>>, vector<1x1000x128xf32>
      %swap3A_219 = vector.shape_cast %swap3A_218 : vector<1x1000x128xf32> to vector<1000x128xf32>
      %swap3A_220 = vector.shape_cast %broadcast_in_dim3A_214 : vector<1000x128xf32> to vector<1x1000x128xf32>
      tpu.vector_store %arg19[%swap3A_215, %swap3A_216, %swap3A_217], %swap3A_220 {strides = array<i32>} : memref<3x10000x128xf32, #tpu.memory_space<vmem>>, vector<1x1000x128xf32>,
      %broadcast_in_dim3A_221 = arith.constant 0.000000e+00 : f32
      %broadcast_in_dim3A_222 = vector.broadcast %broadcast_in_dim3A_221 : f32 to vector<1000x128xf32>
      %swap3A_223 = arith.constant 1 : index
      %swap3A_224 = arith.constant 3000 : index
      %swap3A_225 = arith.constant 0 : index
      %swap3A_226 = vector.load %arg18[%swap3A_223, %swap3A_224, %swap3A_225] : memref<3x10000x128xf32, #tpu.memory_space<vmem>>, vector<1x1000x128xf32>
      %swap3A_227 = vector.shape_cast %swap3A_226 : vector<1x1000x128xf32> to vector<1000x128xf32>
      %swap3A_228 = vector.shape_cast %broadcast_in_dim3A_222 : vector<1000x128xf32> to vector<1x1000x128xf32>
      tpu.vector_store %arg18[%swap3A_223, %swap3A_224, %swap3A_225], %swap3A_228 {strides = array<i32>} : memref<3x10000x128xf32, #tpu.memory_space<vmem>>, vector<1x1000x128xf32>,
      %broadcast_in_dim3A_229 = arith.constant 0.000000e+00 : f32
      %broadcast_in_dim3A_230 = vector.broadcast %broadcast_in_dim3A_229 : f32 to vector<1000x128xf32>
      %swap3A_231 = arith.constant 1 : index
      %swap3A_232 = arith.constant 3000 : index
      %swap3A_233 = arith.constant 0 : index
      %swap3A_234 = vector.load %arg19[%swap3A_231, %swap3A_232, %swap3A_233] : memref<3x10000x128xf32, #tpu.memory_space<vmem>>, vector<1x1000x128xf32>
      %swap3A_235 = vector.shape_cast %swap3A_234 : vector<1x1000x128xf32> to vector<1000x128xf32>
      %swap3A_236 = vector.shape_cast %broadcast_in_dim3A_230 : vector<1000x128xf32> to vector<1x1000x128xf32>
      tpu.vector_store %arg19[%swap3A_231, %swap3A_232, %swap3A_233], %swap3A_236 {strides = array<i32>} : memref<3x10000x128xf32, #tpu.memory_space<vmem>>, vector<1x1000x128xf32>,
      %broadcast_in_dim3A_237 = arith.constant 0.000000e+00 : f32
      %broadcast_in_dim3A_238 = vector.broadcast %broadcast_in_dim3A_237 : f32 to vector<1000x128xf32>
      %swap3A_239 = arith.constant 2 : index
      %swap3A_240 = arith.constant 3000 : index
      %swap3A_241 = arith.constant 0 : index
      %swap3A_242 = vector.load %arg18[%swap3A_239, %swap3A_240, %swap3A_241] : memref<3x10000x128xf32, #tpu.memory_space<vmem>>, vector<1x1000x128xf32>
      %swap3A_243 = vector.shape_cast %swap3A_242 : vector<1x1000x128xf32> to vector<1000x128xf32>
      %swap3A_244 = vector.shape_cast %broadcast_in_dim3A_238 : vector<1000x128xf32> to vector<1x1000x128xf32>
      tpu.vector_store %arg18[%swap3A_239, %swap3A_240, %swap3A_241], %swap3A_244 {strides = array<i32>} : memref<3x10000x128xf32, #tpu.memory_space<vmem>>, vector<1x1000x128xf32>,
      %broadcast_in_dim3A_245 = arith.constant 0.000000e+00 : f32
      %broadcast_in_dim3A_246 = vector.broadcast %broadcast_in_dim3A_245 : f32 to vector<1000x128xf32>
      %swap3A_247 = arith.constant 2 : index
      %swap3A_248 = arith.constant 3000 : index
      %swap3A_249 = arith.constant 0 : index
      %swap3A_250 = vector.load %arg19[%swap3A_247, %swap3A_248, %swap3A_249] : memref<3x10000x128xf32, #tpu.memory_space<vmem>>, vector<1x1000x128xf32>
      %swap3A_251 = vector.shape_cast %swap3A_250 : vector<1x1000x128xf32> to vector<1000x128xf32>
      %swap3A_252 = vector.shape_cast %broadcast_in_dim3A_246 : vector<1000x128xf32> to vector<1x1000x128xf32>
      tpu.vector_store %arg19[%swap3A_247, %swap3A_248, %swap3A_249], %swap3A_252 {strides = array<i32>} : memref<3x10000x128xf32, #tpu.memory_space<vmem>>, vector<1x1000x128xf32>,
      %get3A_253 = arith.constant 3000 : index
      %get3A_254 = arith.constant 0 : index
      %get3A_255 = vector.load %arg14[%get3A_253, %get3A_254] : memref<10000x128xf32, #tpu.memory_space<vmem>>, vector<1000x128xf32>
      %get3A_256 = arith.constant 0 : index
      %get3A_257 = arith.constant 0 : index
      %get3A_258 = vector.load %arg11[%get3A_256, %get3A_257] : memref<128x128xf32, #tpu.memory_space<vmem>>, vector<128x128xf32>
      %dot_general3A_259 = arith.constant dense<0.000000e+00> : vector<1000x128xf32>
      %dot_general3A_260 = tpu.matmul %get3A_255, %get3A_258, %dot_general3A_259 {dimension_numbers = #tpu.dot_dimension_numbers<[1], [0], [0], [1], [0, 0, 1, 1], [], []>, transpose_lhs_hint = false} : vector<1000x128xf32>, vector<128x128xf32>, vector<1000x128xf32> -> vector<1000x128xf32>
      %swap3A_261 = arith.constant 3000 : index
      %swap3A_262 = arith.constant 0 : index
      %swap3A_263 = vector.load %arg16[%swap3A_261, %swap3A_262] : memref<10000x128xf32, #tpu.memory_space<vmem>>, vector<1000x128xf32>
      tpu.vector_store %arg16[%swap3A_261, %swap3A_262], %dot_general3A_260 {strides = array<i32>} : memref<10000x128xf32, #tpu.memory_space<vmem>>, vector<1000x128xf32>,
      %broadcast_in_dim3A_264 = arith.constant 0.000000e+00 : f32
      %broadcast_in_dim3A_265 = vector.broadcast %broadcast_in_dim3A_264 : f32 to vector<1000x128xf32>
      %swap3A_266 = arith.constant 0 : index
      %swap3A_267 = arith.constant 4000 : index
      %swap3A_268 = arith.constant 0 : index
      %swap3A_269 = vector.load %arg18[%swap3A_266, %swap3A_267, %swap3A_268] : memref<3x10000x128xf32, #tpu.memory_space<vmem>>, vector<1x1000x128xf32>
      %swap3A_270 = vector.shape_cast %swap3A_269 : vector<1x1000x128xf32> to vector<1000x128xf32>
      %swap3A_271 = vector.shape_cast %broadcast_in_dim3A_265 : vector<1000x128xf32> to vector<1x1000x128xf32>
      tpu.vector_store %arg18[%swap3A_266, %swap3A_267, %swap3A_268], %swap3A_271 {strides = array<i32>} : memref<3x10000x128xf32, #tpu.memory_space<vmem>>, vector<1x1000x128xf32>,
      %broadcast_in_dim3A_272 = arith.constant 0.000000e+00 : f32
      %broadcast_in_dim3A_273 = vector.broadcast %broadcast_in_dim3A_272 : f32 to vector<1000x128xf32>
      %swap3A_274 = arith.constant 0 : index
      %swap3A_275 = arith.constant 4000 : index
      %swap3A_276 = arith.constant 0 : index
      %swap3A_277 = vector.load %arg19[%swap3A_274, %swap3A_275, %swap3A_276] : memref<3x10000x128xf32, #tpu.memory_space<vmem>>, vector<1x1000x128xf32>
      %swap3A_278 = vector.shape_cast %swap3A_277 : vector<1x1000x128xf32> to vector<1000x128xf32>
      %swap3A_279 = vector.shape_cast %broadcast_in_dim3A_273 : vector<1000x128xf32> to vector<1x1000x128xf32>
      tpu.vector_store %arg19[%swap3A_274, %swap3A_275, %swap3A_276], %swap3A_279 {strides = array<i32>} : memref<3x10000x128xf32, #tpu.memory_space<vmem>>, vector<1x1000x128xf32>,
      %broadcast_in_dim3A_280 = arith.constant 0.000000e+00 : f32
      %broadcast_in_dim3A_281 = vector.broadcast %broadcast_in_dim3A_280 : f32 to vector<1000x128xf32>
      %swap3A_282 = arith.constant 1 : index
      %swap3A_283 = arith.constant 4000 : index
      %swap3A_284 = arith.constant 0 : index
      %swap3A_285 = vector.load %arg18[%swap3A_282, %swap3A_283, %swap3A_284] : memref<3x10000x128xf32, #tpu.memory_space<vmem>>, vector<1x1000x128xf32>
      %swap3A_286 = vector.shape_cast %swap3A_285 : vector<1x1000x128xf32> to vector<1000x128xf32>
      %swap3A_287 = vector.shape_cast %broadcast_in_dim3A_281 : vector<1000x128xf32> to vector<1x1000x128xf32>
      tpu.vector_store %arg18[%swap3A_282, %swap3A_283, %swap3A_284], %swap3A_287 {strides = array<i32>} : memref<3x10000x128xf32, #tpu.memory_space<vmem>>, vector<1x1000x128xf32>,
      %broadcast_in_dim3A_288 = arith.constant 0.000000e+00 : f32
      %broadcast_in_dim3A_289 = vector.broadcast %broadcast_in_dim3A_288 : f32 to vector<1000x128xf32>
      %swap3A_290 = arith.constant 1 : index
      %swap3A_291 = arith.constant 4000 : index
      %swap3A_292 = arith.constant 0 : index
      %swap3A_293 = vector.load %arg19[%swap3A_290, %swap3A_291, %swap3A_292] : memref<3x10000x128xf32, #tpu.memory_space<vmem>>, vector<1x1000x128xf32>
      %swap3A_294 = vector.shape_cast %swap3A_293 : vector<1x1000x128xf32> to vector<1000x128xf32>
      %swap3A_295 = vector.shape_cast %broadcast_in_dim3A_289 : vector<1000x128xf32> to vector<1x1000x128xf32>
      tpu.vector_store %arg19[%swap3A_290, %swap3A_291, %swap3A_292], %swap3A_295 {strides = array<i32>} : memref<3x10000x128xf32, #tpu.memory_space<vmem>>, vector<1x1000x128xf32>,
      %broadcast_in_dim3A_296 = arith.constant 0.000000e+00 : f32
      %broadcast_in_dim3A_297 = vector.broadcast %broadcast_in_dim3A_296 : f32 to vector<1000x128xf32>
      %swap3A_298 = arith.constant 2 : index
      %swap3A_299 = arith.constant 4000 : index
      %swap3A_300 = arith.constant 0 : index
      %swap3A_301 = vector.load %arg18[%swap3A_298, %swap3A_299, %swap3A_300] : memref<3x10000x128xf32, #tpu.memory_space<vmem>>, vector<1x1000x128xf32>
      %swap3A_302 = vector.shape_cast %swap3A_301 : vector<1x1000x128xf32> to vector<1000x128xf32>
      %swap3A_303 = vector.shape_cast %broadcast_in_dim3A_297 : vector<1000x128xf32> to vector<1x1000x128xf32>
      tpu.vector_store %arg18[%swap3A_298, %swap3A_299, %swap3A_300], %swap3A_303 {strides = array<i32>} : memref<3x10000x128xf32, #tpu.memory_space<vmem>>, vector<1x1000x128xf32>,
      %broadcast_in_dim3A_304 = arith.constant 0.000000e+00 : f32
      %broadcast_in_dim3A_305 = vector.broadcast %broadcast_in_dim3A_304 : f32 to vector<1000x128xf32>
      %swap3A_306 = arith.constant 2 : index
      %swap3A_307 = arith.constant 4000 : index
      %swap3A_308 = arith.constant 0 : index
      %swap3A_309 = vector.load %arg19[%swap3A_306, %swap3A_307, %swap3A_308] : memref<3x10000x128xf32, #tpu.memory_space<vmem>>, vector<1x1000x128xf32>
      %swap3A_310 = vector.shape_cast %swap3A_309 : vector<1x1000x128xf32> to vector<1000x128xf32>
      %swap3A_311 = vector.shape_cast %broadcast_in_dim3A_305 : vector<1000x128xf32> to vector<1x1000x128xf32>
      tpu.vector_store %arg19[%swap3A_306, %swap3A_307, %swap3A_308], %swap3A_311 {strides = array<i32>} : memref<3x10000x128xf32, #tpu.memory_space<vmem>>, vector<1x1000x128xf32>,
      %get3A_312 = arith.constant 4000 : index
      %get3A_313 = arith.constant 0 : index
      %get3A_314 = vector.load %arg14[%get3A_312, %get3A_313] : memref<10000x128xf32, #tpu.memory_space<vmem>>, vector<1000x128xf32>
      %get3A_315 = arith.constant 0 : index
      %get3A_316 = arith.constant 0 : index
      %get3A_317 = vector.load %arg11[%get3A_315, %get3A_316] : memref<128x128xf32, #tpu.memory_space<vmem>>, vector<128x128xf32>
      %dot_general3A_318 = arith.constant dense<0.000000e+00> : vector<1000x128xf32>
      %dot_general3A_319 = tpu.matmul %get3A_314, %get3A_317, %dot_general3A_318 {dimension_numbers = #tpu.dot_dimension_numbers<[1], [0], [0], [1], [0, 0, 1, 1], [], []>, transpose_lhs_hint = false} : vector<1000x128xf32>, vector<128x128xf32>, vector<1000x128xf32> -> vector<1000x128xf32>
      %swap3A_320 = arith.constant 4000 : index
      %swap3A_321 = arith.constant 0 : index
      %swap3A_322 = vector.load %arg16[%swap3A_320, %swap3A_321] : memref<10000x128xf32, #tpu.memory_space<vmem>>, vector<1000x128xf32>
      tpu.vector_store %arg16[%swap3A_320, %swap3A_321], %dot_general3A_319 {strides = array<i32>} : memref<10000x128xf32, #tpu.memory_space<vmem>>, vector<1000x128xf32>,
      %broadcast_in_dim3A_323 = arith.constant 0.000000e+00 : f32
      %broadcast_in_dim3A_324 = vector.broadcast %broadcast_in_dim3A_323 : f32 to vector<1000x128xf32>
      %swap3A_325 = arith.constant 0 : index
      %swap3A_326 = arith.constant 5000 : index
      %swap3A_327 = arith.constant 0 : index
      %swap3A_328 = vector.load %arg18[%swap3A_325, %swap3A_326, %swap3A_327] : memref<3x10000x128xf32, #tpu.memory_space<vmem>>, vector<1x1000x128xf32>
      %swap3A_329 = vector.shape_cast %swap3A_328 : vector<1x1000x128xf32> to vector<1000x128xf32>
      %swap3A_330 = vector.shape_cast %broadcast_in_dim3A_324 : vector<1000x128xf32> to vector<1x1000x128xf32>
      tpu.vector_store %arg18[%swap3A_325, %swap3A_326, %swap3A_327], %swap3A_330 {strides = array<i32>} : memref<3x10000x128xf32, #tpu.memory_space<vmem>>, vector<1x1000x128xf32>,
      %broadcast_in_dim3A_331 = arith.constant 0.000000e+00 : f32
      %broadcast_in_dim3A_332 = vector.broadcast %broadcast_in_dim3A_331 : f32 to vector<1000x128xf32>
      %swap3A_333 = arith.constant 0 : index
      %swap3A_334 = arith.constant 5000 : index
      %swap3A_335 = arith.constant 0 : index
      %swap3A_336 = vector.load %arg19[%swap3A_333, %swap3A_334, %swap3A_335] : memref<3x10000x128xf32, #tpu.memory_space<vmem>>, vector<1x1000x128xf32>
      %swap3A_337 = vector.shape_cast %swap3A_336 : vector<1x1000x128xf32> to vector<1000x128xf32>
      %swap3A_338 = vector.shape_cast %broadcast_in_dim3A_332 : vector<1000x128xf32> to vector<1x1000x128xf32>
      tpu.vector_store %arg19[%swap3A_333, %swap3A_334, %swap3A_335], %swap3A_338 {strides = array<i32>} : memref<3x10000x128xf32, #tpu.memory_space<vmem>>, vector<1x1000x128xf32>,
      %broadcast_in_dim3A_339 = arith.constant 0.000000e+00 : f32
      %broadcast_in_dim3A_340 = vector.broadcast %broadcast_in_dim3A_339 : f32 to vector<1000x128xf32>
      %swap3A_341 = arith.constant 1 : index
      %swap3A_342 = arith.constant 5000 : index
      %swap3A_343 = arith.constant 0 : index
      %swap3A_344 = vector.load %arg18[%swap3A_341, %swap3A_342, %swap3A_343] : memref<3x10000x128xf32, #tpu.memory_space<vmem>>, vector<1x1000x128xf32>
      %swap3A_345 = vector.shape_cast %swap3A_344 : vector<1x1000x128xf32> to vector<1000x128xf32>
      %swap3A_346 = vector.shape_cast %broadcast_in_dim3A_340 : vector<1000x128xf32> to vector<1x1000x128xf32>
      tpu.vector_store %arg18[%swap3A_341, %swap3A_342, %swap3A_343], %swap3A_346 {strides = array<i32>} : memref<3x10000x128xf32, #tpu.memory_space<vmem>>, vector<1x1000x128xf32>,
      %broadcast_in_dim3A_347 = arith.constant 0.000000e+00 : f32
      %broadcast_in_dim3A_348 = vector.broadcast %broadcast_in_dim3A_347 : f32 to vector<1000x128xf32>
      %swap3A_349 = arith.constant 1 : index
      %swap3A_350 = arith.constant 5000 : index
      %swap3A_351 = arith.constant 0 : index
      %swap3A_352 = vector.load %arg19[%swap3A_349, %swap3A_350, %swap3A_351] : memref<3x10000x128xf32, #tpu.memory_space<vmem>>, vector<1x1000x128xf32>
      %swap3A_353 = vector.shape_cast %swap3A_352 : vector<1x1000x128xf32> to vector<1000x128xf32>
      %swap3A_354 = vector.shape_cast %broadcast_in_dim3A_348 : vector<1000x128xf32> to vector<1x1000x128xf32>
      tpu.vector_store %arg19[%swap3A_349, %swap3A_350, %swap3A_351], %swap3A_354 {strides = array<i32>} : memref<3x10000x128xf32, #tpu.memory_space<vmem>>, vector<1x1000x128xf32>,
      %broadcast_in_dim3A_355 = arith.constant 0.000000e+00 : f32
      %broadcast_in_dim3A_356 = vector.broadcast %broadcast_in_dim3A_355 : f32 to vector<1000x128xf32>
      %swap3A_357 = arith.constant 2 : index
      %swap3A_358 = arith.constant 5000 : index
      %swap3A_359 = arith.constant 0 : index
      %swap3A_360 = vector.load %arg18[%swap3A_357, %swap3A_358, %swap3A_359] : memref<3x10000x128xf32, #tpu.memory_space<vmem>>, vector<1x1000x128xf32>
      %swap3A_361 = vector.shape_cast %swap3A_360 : vector<1x1000x128xf32> to vector<1000x128xf32>
      %swap3A_362 = vector.shape_cast %broadcast_in_dim3A_356 : vector<1000x128xf32> to vector<1x1000x128xf32>
      tpu.vector_store %arg18[%swap3A_357, %swap3A_358, %swap3A_359], %swap3A_362 {strides = array<i32>} : memref<3x10000x128xf32, #tpu.memory_space<vmem>>, vector<1x1000x128xf32>,
      %broadcast_in_dim3A_363 = arith.constant 0.000000e+00 : f32
      %broadcast_in_dim3A_364 = vector.broadcast %broadcast_in_dim3A_363 : f32 to vector<1000x128xf32>
      %swap3A_365 = arith.constant 2 : index
      %swap3A_366 = arith.constant 5000 : index
      %swap3A_367 = arith.constant 0 : index
      %swap3A_368 = vector.load %arg19[%swap3A_365, %swap3A_366, %swap3A_367] : memref<3x10000x128xf32, #tpu.memory_space<vmem>>, vector<1x1000x128xf32>
      %swap3A_369 = vector.shape_cast %swap3A_368 : vector<1x1000x128xf32> to vector<1000x128xf32>
      %swap3A_370 = vector.shape_cast %broadcast_in_dim3A_364 : vector<1000x128xf32> to vector<1x1000x128xf32>
      tpu.vector_store %arg19[%swap3A_365, %swap3A_366, %swap3A_367], %swap3A_370 {strides = array<i32>} : memref<3x10000x128xf32, #tpu.memory_space<vmem>>, vector<1x1000x128xf32>,
      %get3A_371 = arith.constant 5000 : index
      %get3A_372 = arith.constant 0 : index
      %get3A_373 = vector.load %arg14[%get3A_371, %get3A_372] : memref<10000x128xf32, #tpu.memory_space<vmem>>, vector<1000x128xf32>
      %get3A_374 = arith.constant 0 : index
      %get3A_375 = arith.constant 0 : index
      %get3A_376 = vector.load %arg11[%get3A_374, %get3A_375] : memref<128x128xf32, #tpu.memory_space<vmem>>, vector<128x128xf32>
      %dot_general3A_377 = arith.constant dense<0.000000e+00> : vector<1000x128xf32>
      %dot_general3A_378 = tpu.matmul %get3A_373, %get3A_376, %dot_general3A_377 {dimension_numbers = #tpu.dot_dimension_numbers<[1], [0], [0], [1], [0, 0, 1, 1], [], []>, transpose_lhs_hint = false} : vector<1000x128xf32>, vector<128x128xf32>, vector<1000x128xf32> -> vector<1000x128xf32>
      %swap3A_379 = arith.constant 5000 : index
      %swap3A_380 = arith.constant 0 : index
      %swap3A_381 = vector.load %arg16[%swap3A_379, %swap3A_380] : memref<10000x128xf32, #tpu.memory_space<vmem>>, vector<1000x128xf32>
      tpu.vector_store %arg16[%swap3A_379, %swap3A_380], %dot_general3A_378 {strides = array<i32>} : memref<10000x128xf32, #tpu.memory_space<vmem>>, vector<1000x128xf32>,
      %broadcast_in_dim3A_382 = arith.constant 0.000000e+00 : f32
      %broadcast_in_dim3A_383 = vector.broadcast %broadcast_in_dim3A_382 : f32 to vector<1000x128xf32>
      %swap3A_384 = arith.constant 0 : index
      %swap3A_385 = arith.constant 6000 : index
      %swap3A_386 = arith.constant 0 : index
      %swap3A_387 = vector.load %arg18[%swap3A_384, %swap3A_385, %swap3A_386] : memref<3x10000x128xf32, #tpu.memory_space<vmem>>, vector<1x1000x128xf32>
      %swap3A_388 = vector.shape_cast %swap3A_387 : vector<1x1000x128xf32> to vector<1000x128xf32>
      %swap3A_389 = vector.shape_cast %broadcast_in_dim3A_383 : vector<1000x128xf32> to vector<1x1000x128xf32>
      tpu.vector_store %arg18[%swap3A_384, %swap3A_385, %swap3A_386], %swap3A_389 {strides = array<i32>} : memref<3x10000x128xf32, #tpu.memory_space<vmem>>, vector<1x1000x128xf32>,
      %broadcast_in_dim3A_390 = arith.constant 0.000000e+00 : f32
      %broadcast_in_dim3A_391 = vector.broadcast %broadcast_in_dim3A_390 : f32 to vector<1000x128xf32>
      %swap3A_392 = arith.constant 0 : index
      %swap3A_393 = arith.constant 6000 : index
      %swap3A_394 = arith.constant 0 : index
      %swap3A_395 = vector.load %arg19[%swap3A_392, %swap3A_393, %swap3A_394] : memref<3x10000x128xf32, #tpu.memory_space<vmem>>, vector<1x1000x128xf32>
      %swap3A_396 = vector.shape_cast %swap3A_395 : vector<1x1000x128xf32> to vector<1000x128xf32>
      %swap3A_397 = vector.shape_cast %broadcast_in_dim3A_391 : vector<1000x128xf32> to vector<1x1000x128xf32>
      tpu.vector_store %arg19[%swap3A_392, %swap3A_393, %swap3A_394], %swap3A_397 {strides = array<i32>} : memref<3x10000x128xf32, #tpu.memory_space<vmem>>, vector<1x1000x128xf32>,
      %broadcast_in_dim3A_398 = arith.constant 0.000000e+00 : f32
      %broadcast_in_dim3A_399 = vector.broadcast %broadcast_in_dim3A_398 : f32 to vector<1000x128xf32>
      %swap3A_400 = arith.constant 1 : index
      %swap3A_401 = arith.constant 6000 : index
      %swap3A_402 = arith.constant 0 : index
      %swap3A_403 = vector.load %arg18[%swap3A_400, %swap3A_401, %swap3A_402] : memref<3x10000x128xf32, #tpu.memory_space<vmem>>, vector<1x1000x128xf32>
      %swap3A_404 = vector.shape_cast %swap3A_403 : vector<1x1000x128xf32> to vector<1000x128xf32>
      %swap3A_405 = vector.shape_cast %broadcast_in_dim3A_399 : vector<1000x128xf32> to vector<1x1000x128xf32>
      tpu.vector_store %arg18[%swap3A_400, %swap3A_401, %swap3A_402], %swap3A_405 {strides = array<i32>} : memref<3x10000x128xf32, #tpu.memory_space<vmem>>, vector<1x1000x128xf32>,
      %broadcast_in_dim3A_406 = arith.constant 0.000000e+00 : f32
      %broadcast_in_dim3A_407 = vector.broadcast %broadcast_in_dim3A_406 : f32 to vector<1000x128xf32>
      %swap3A_408 = arith.constant 1 : index
      %swap3A_409 = arith.constant 6000 : index
      %swap3A_410 = arith.constant 0 : index
      %swap3A_411 = vector.load %arg19[%swap3A_408, %swap3A_409, %swap3A_410] : memref<3x10000x128xf32, #tpu.memory_space<vmem>>, vector<1x1000x128xf32>
      %swap3A_412 = vector.shape_cast %swap3A_411 : vector<1x1000x128xf32> to vector<1000x128xf32>
      %swap3A_413 = vector.shape_cast %broadcast_in_dim3A_407 : vector<1000x128xf32> to vector<1x1000x128xf32>
      tpu.vector_store %arg19[%swap3A_408, %swap3A_409, %swap3A_410], %swap3A_413 {strides = array<i32>} : memref<3x10000x128xf32, #tpu.memory_space<vmem>>, vector<1x1000x128xf32>,
      %broadcast_in_dim3A_414 = arith.constant 0.000000e+00 : f32
      %broadcast_in_dim3A_415 = vector.broadcast %broadcast_in_dim3A_414 : f32 to vector<1000x128xf32>
      %swap3A_416 = arith.constant 2 : index
      %swap3A_417 = arith.constant 6000 : index
      %swap3A_418 = arith.constant 0 : index
      %swap3A_419 = vector.load %arg18[%swap3A_416, %swap3A_417, %swap3A_418] : memref<3x10000x128xf32, #tpu.memory_space<vmem>>, vector<1x1000x128xf32>
      %swap3A_420 = vector.shape_cast %swap3A_419 : vector<1x1000x128xf32> to vector<1000x128xf32>
      %swap3A_421 = vector.shape_cast %broadcast_in_dim3A_415 : vector<1000x128xf32> to vector<1x1000x128xf32>
      tpu.vector_store %arg18[%swap3A_416, %swap3A_417, %swap3A_418], %swap3A_421 {strides = array<i32>} : memref<3x10000x128xf32, #tpu.memory_space<vmem>>, vector<1x1000x128xf32>,
      %broadcast_in_dim3A_422 = arith.constant 0.000000e+00 : f32
      %broadcast_in_dim3A_423 = vector.broadcast %broadcast_in_dim3A_422 : f32 to vector<1000x128xf32>
      %swap3A_424 = arith.constant 2 : index
      %swap3A_425 = arith.constant 6000 : index
      %swap3A_426 = arith.constant 0 : index
      %swap3A_427 = vector.load %arg19[%swap3A_424, %swap3A_425, %swap3A_426] : memref<3x10000x128xf32, #tpu.memory_space<vmem>>, vector<1x1000x128xf32>
      %swap3A_428 = vector.shape_cast %swap3A_427 : vector<1x1000x128xf32> to vector<1000x128xf32>
      %swap3A_429 = vector.shape_cast %broadcast_in_dim3A_423 : vector<1000x128xf32> to vector<1x1000x128xf32>
      tpu.vector_store %arg19[%swap3A_424, %swap3A_425, %swap3A_426], %swap3A_429 {strides = array<i32>} : memref<3x10000x128xf32, #tpu.memory_space<vmem>>, vector<1x1000x128xf32>,
      %get3A_430 = arith.constant 6000 : index
      %get3A_431 = arith.constant 0 : index
      %get3A_432 = vector.load %arg14[%get3A_430, %get3A_431] : memref<10000x128xf32, #tpu.memory_space<vmem>>, vector<1000x128xf32>
      %get3A_433 = arith.constant 0 : index
      %get3A_434 = arith.constant 0 : index
      %get3A_435 = vector.load %arg11[%get3A_433, %get3A_434] : memref<128x128xf32, #tpu.memory_space<vmem>>, vector<128x128xf32>
      %dot_general3A_436 = arith.constant dense<0.000000e+00> : vector<1000x128xf32>
      %dot_general3A_437 = tpu.matmul %get3A_432, %get3A_435, %dot_general3A_436 {dimension_numbers = #tpu.dot_dimension_numbers<[1], [0], [0], [1], [0, 0, 1, 1], [], []>, transpose_lhs_hint = false} : vector<1000x128xf32>, vector<128x128xf32>, vector<1000x128xf32> -> vector<1000x128xf32>
      %swap3A_438 = arith.constant 6000 : index
      %swap3A_439 = arith.constant 0 : index
      %swap3A_440 = vector.load %arg16[%swap3A_438, %swap3A_439] : memref<10000x128xf32, #tpu.memory_space<vmem>>, vector<1000x128xf32>
      tpu.vector_store %arg16[%swap3A_438, %swap3A_439], %dot_general3A_437 {strides = array<i32>} : memref<10000x128xf32, #tpu.memory_space<vmem>>, vector<1000x128xf32>,
      %broadcast_in_dim3A_441 = arith.constant 0.000000e+00 : f32
      %broadcast_in_dim3A_442 = vector.broadcast %broadcast_in_dim3A_441 : f32 to vector<1000x128xf32>
      %swap3A_443 = arith.constant 0 : index
      %swap3A_444 = arith.constant 7000 : index
      %swap3A_445 = arith.constant 0 : index
      %swap3A_446 = vector.load %arg18[%swap3A_443, %swap3A_444, %swap3A_445] : memref<3x10000x128xf32, #tpu.memory_space<vmem>>, vector<1x1000x128xf32>
      %swap3A_447 = vector.shape_cast %swap3A_446 : vector<1x1000x128xf32> to vector<1000x128xf32>
      %swap3A_448 = vector.shape_cast %broadcast_in_dim3A_442 : vector<1000x128xf32> to vector<1x1000x128xf32>
      tpu.vector_store %arg18[%swap3A_443, %swap3A_444, %swap3A_445], %swap3A_448 {strides = array<i32>} : memref<3x10000x128xf32, #tpu.memory_space<vmem>>, vector<1x1000x128xf32>,
      %broadcast_in_dim3A_449 = arith.constant 0.000000e+00 : f32
      %broadcast_in_dim3A_450 = vector.broadcast %broadcast_in_dim3A_449 : f32 to vector<1000x128xf32>
      %swap3A_451 = arith.constant 0 : index
      %swap3A_452 = arith.constant 7000 : index
      %swap3A_453 = arith.constant 0 : index
      %swap3A_454 = vector.load %arg19[%swap3A_451, %swap3A_452, %swap3A_453] : memref<3x10000x128xf32, #tpu.memory_space<vmem>>, vector<1x1000x128xf32>
      %swap3A_455 = vector.shape_cast %swap3A_454 : vector<1x1000x128xf32> to vector<1000x128xf32>
      %swap3A_456 = vector.shape_cast %broadcast_in_dim3A_450 : vector<1000x128xf32> to vector<1x1000x128xf32>
      tpu.vector_store %arg19[%swap3A_451, %swap3A_452, %swap3A_453], %swap3A_456 {strides = array<i32>} : memref<3x10000x128xf32, #tpu.memory_space<vmem>>, vector<1x1000x128xf32>,
      %broadcast_in_dim3A_457 = arith.constant 0.000000e+00 : f32
      %broadcast_in_dim3A_458 = vector.broadcast %broadcast_in_dim3A_457 : f32 to vector<1000x128xf32>
      %swap3A_459 = arith.constant 1 : index
      %swap3A_460 = arith.constant 7000 : index
      %swap3A_461 = arith.constant 0 : index
      %swap3A_462 = vector.load %arg18[%swap3A_459, %swap3A_460, %swap3A_461] : memref<3x10000x128xf32, #tpu.memory_space<vmem>>, vector<1x1000x128xf32>
      %swap3A_463 = vector.shape_cast %swap3A_462 : vector<1x1000x128xf32> to vector<1000x128xf32>
      %swap3A_464 = vector.shape_cast %broadcast_in_dim3A_458 : vector<1000x128xf32> to vector<1x1000x128xf32>
      tpu.vector_store %arg18[%swap3A_459, %swap3A_460, %swap3A_461], %swap3A_464 {strides = array<i32>} : memref<3x10000x128xf32, #tpu.memory_space<vmem>>, vector<1x1000x128xf32>,
      %broadcast_in_dim3A_465 = arith.constant 0.000000e+00 : f32
      %broadcast_in_dim3A_466 = vector.broadcast %broadcast_in_dim3A_465 : f32 to vector<1000x128xf32>
      %swap3A_467 = arith.constant 1 : index
      %swap3A_468 = arith.constant 7000 : index
      %swap3A_469 = arith.constant 0 : index
      %swap3A_470 = vector.load %arg19[%swap3A_467, %swap3A_468, %swap3A_469] : memref<3x10000x128xf32, #tpu.memory_space<vmem>>, vector<1x1000x128xf32>
      %swap3A_471 = vector.shape_cast %swap3A_470 : vector<1x1000x128xf32> to vector<1000x128xf32>
      %swap3A_472 = vector.shape_cast %broadcast_in_dim3A_466 : vector<1000x128xf32> to vector<1x1000x128xf32>
      tpu.vector_store %arg19[%swap3A_467, %swap3A_468, %swap3A_469], %swap3A_472 {strides = array<i32>} : memref<3x10000x128xf32, #tpu.memory_space<vmem>>, vector<1x1000x128xf32>,
      %broadcast_in_dim3A_473 = arith.constant 0.000000e+00 : f32
      %broadcast_in_dim3A_474 = vector.broadcast %broadcast_in_dim3A_473 : f32 to vector<1000x128xf32>
      %swap3A_475 = arith.constant 2 : index
      %swap3A_476 = arith.constant 7000 : index
      %swap3A_477 = arith.constant 0 : index
      %swap3A_478 = vector.load %arg18[%swap3A_475, %swap3A_476, %swap3A_477] : memref<3x10000x128xf32, #tpu.memory_space<vmem>>, vector<1x1000x128xf32>
      %swap3A_479 = vector.shape_cast %swap3A_478 : vector<1x1000x128xf32> to vector<1000x128xf32>
      %swap3A_480 = vector.shape_cast %broadcast_in_dim3A_474 : vector<1000x128xf32> to vector<1x1000x128xf32>
      tpu.vector_store %arg18[%swap3A_475, %swap3A_476, %swap3A_477], %swap3A_480 {strides = array<i32>} : memref<3x10000x128xf32, #tpu.memory_space<vmem>>, vector<1x1000x128xf32>,
      %broadcast_in_dim3A_481 = arith.constant 0.000000e+00 : f32
      %broadcast_in_dim3A_482 = vector.broadcast %broadcast_in_dim3A_481 : f32 to vector<1000x128xf32>
      %swap3A_483 = arith.constant 2 : index
      %swap3A_484 = arith.constant 7000 : index
      %swap3A_485 = arith.constant 0 : index
      %swap3A_486 = vector.load %arg19[%swap3A_483, %swap3A_484, %swap3A_485] : memref<3x10000x128xf32, #tpu.memory_space<vmem>>, vector<1x1000x128xf32>
      %swap3A_487 = vector.shape_cast %swap3A_486 : vector<1x1000x128xf32> to vector<1000x128xf32>
      %swap3A_488 = vector.shape_cast %broadcast_in_dim3A_482 : vector<1000x128xf32> to vector<1x1000x128xf32>
      tpu.vector_store %arg19[%swap3A_483, %swap3A_484, %swap3A_485], %swap3A_488 {strides = array<i32>} : memref<3x10000x128xf32, #tpu.memory_space<vmem>>, vector<1x1000x128xf32>,
      %get3A_489 = arith.constant 7000 : index
      %get3A_490 = arith.constant 0 : index
      %get3A_491 = vector.load %arg14[%get3A_489, %get3A_490] : memref<10000x128xf32, #tpu.memory_space<vmem>>, vector<1000x128xf32>
      %get3A_492 = arith.constant 0 : index
      %get3A_493 = arith.constant 0 : index
      %get3A_494 = vector.load %arg11[%get3A_492, %get3A_493] : memref<128x128xf32, #tpu.memory_space<vmem>>, vector<128x128xf32>
      %dot_general3A_495 = arith.constant dense<0.000000e+00> : vector<1000x128xf32>
      %dot_general3A_496 = tpu.matmul %get3A_491, %get3A_494, %dot_general3A_495 {dimension_numbers = #tpu.dot_dimension_numbers<[1], [0], [0], [1], [0, 0, 1, 1], [], []>, transpose_lhs_hint = false} : vector<1000x128xf32>, vector<128x128xf32>, vector<1000x128xf32> -> vector<1000x128xf32>
      %swap3A_497 = arith.constant 7000 : index
      %swap3A_498 = arith.constant 0 : index
      %swap3A_499 = vector.load %arg16[%swap3A_497, %swap3A_498] : memref<10000x128xf32, #tpu.memory_space<vmem>>, vector<1000x128xf32>
      tpu.vector_store %arg16[%swap3A_497, %swap3A_498], %dot_general3A_496 {strides = array<i32>} : memref<10000x128xf32, #tpu.memory_space<vmem>>, vector<1000x128xf32>,
      %broadcast_in_dim3A_500 = arith.constant 0.000000e+00 : f32
      %broadcast_in_dim3A_501 = vector.broadcast %broadcast_in_dim3A_500 : f32 to vector<1000x128xf32>
      %swap3A_502 = arith.constant 0 : index
      %swap3A_503 = arith.constant 8000 : index
      %swap3A_504 = arith.constant 0 : index
      %swap3A_505 = vector.load %arg18[%swap3A_502, %swap3A_503, %swap3A_504] : memref<3x10000x128xf32, #tpu.memory_space<vmem>>, vector<1x1000x128xf32>
      %swap3A_506 = vector.shape_cast %swap3A_505 : vector<1x1000x128xf32> to vector<1000x128xf32>
      %swap3A_507 = vector.shape_cast %broadcast_in_dim3A_501 : vector<1000x128xf32> to vector<1x1000x128xf32>
      tpu.vector_store %arg18[%swap3A_502, %swap3A_503, %swap3A_504], %swap3A_507 {strides = array<i32>} : memref<3x10000x128xf32, #tpu.memory_space<vmem>>, vector<1x1000x128xf32>,
      %broadcast_in_dim3A_508 = arith.constant 0.000000e+00 : f32
      %broadcast_in_dim3A_509 = vector.broadcast %broadcast_in_dim3A_508 : f32 to vector<1000x128xf32>
      %swap3A_510 = arith.constant 0 : index
      %swap3A_511 = arith.constant 8000 : index
      %swap3A_512 = arith.constant 0 : index
      %swap3A_513 = vector.load %arg19[%swap3A_510, %swap3A_511, %swap3A_512] : memref<3x10000x128xf32, #tpu.memory_space<vmem>>, vector<1x1000x128xf32>
      %swap3A_514 = vector.shape_cast %swap3A_513 : vector<1x1000x128xf32> to vector<1000x128xf32>
      %swap3A_515 = vector.shape_cast %broadcast_in_dim3A_509 : vector<1000x128xf32> to vector<1x1000x128xf32>
      tpu.vector_store %arg19[%swap3A_510, %swap3A_511, %swap3A_512], %swap3A_515 {strides = array<i32>} : memref<3x10000x128xf32, #tpu.memory_space<vmem>>, vector<1x1000x128xf32>,
      %broadcast_in_dim3A_516 = arith.constant 0.000000e+00 : f32
      %broadcast_in_dim3A_517 = vector.broadcast %broadcast_in_dim3A_516 : f32 to vector<1000x128xf32>
      %swap3A_518 = arith.constant 1 : index
      %swap3A_519 = arith.constant 8000 : index
      %swap3A_520 = arith.constant 0 : index
      %swap3A_521 = vector.load %arg18[%swap3A_518, %swap3A_519, %swap3A_520] : memref<3x10000x128xf32, #tpu.memory_space<vmem>>, vector<1x1000x128xf32>
      %swap3A_522 = vector.shape_cast %swap3A_521 : vector<1x1000x128xf32> to vector<1000x128xf32>
      %swap3A_523 = vector.shape_cast %broadcast_in_dim3A_517 : vector<1000x128xf32> to vector<1x1000x128xf32>
      tpu.vector_store %arg18[%swap3A_518, %swap3A_519, %swap3A_520], %swap3A_523 {strides = array<i32>} : memref<3x10000x128xf32, #tpu.memory_space<vmem>>, vector<1x1000x128xf32>,
      %broadcast_in_dim3A_524 = arith.constant 0.000000e+00 : f32
      %broadcast_in_dim3A_525 = vector.broadcast %broadcast_in_dim3A_524 : f32 to vector<1000x128xf32>
      %swap3A_526 = arith.constant 1 : index
      %swap3A_527 = arith.constant 8000 : index
      %swap3A_528 = arith.constant 0 : index
      %swap3A_529 = vector.load %arg19[%swap3A_526, %swap3A_527, %swap3A_528] : memref<3x10000x128xf32, #tpu.memory_space<vmem>>, vector<1x1000x128xf32>
      %swap3A_530 = vector.shape_cast %swap3A_529 : vector<1x1000x128xf32> to vector<1000x128xf32>
      %swap3A_531 = vector.shape_cast %broadcast_in_dim3A_525 : vector<1000x128xf32> to vector<1x1000x128xf32>
      tpu.vector_store %arg19[%swap3A_526, %swap3A_527, %swap3A_528], %swap3A_531 {strides = array<i32>} : memref<3x10000x128xf32, #tpu.memory_space<vmem>>, vector<1x1000x128xf32>,
      %broadcast_in_dim3A_532 = arith.constant 0.000000e+00 : f32
      %broadcast_in_dim3A_533 = vector.broadcast %broadcast_in_dim3A_532 : f32 to vector<1000x128xf32>
      %swap3A_534 = arith.constant 2 : index
      %swap3A_535 = arith.constant 8000 : index
      %swap3A_536 = arith.constant 0 : index
      %swap3A_537 = vector.load %arg18[%swap3A_534, %swap3A_535, %swap3A_536] : memref<3x10000x128xf32, #tpu.memory_space<vmem>>, vector<1x1000x128xf32>
      %swap3A_538 = vector.shape_cast %swap3A_537 : vector<1x1000x128xf32> to vector<1000x128xf32>
      %swap3A_539 = vector.shape_cast %broadcast_in_dim3A_533 : vector<1000x128xf32> to vector<1x1000x128xf32>
      tpu.vector_store %arg18[%swap3A_534, %swap3A_535, %swap3A_536], %swap3A_539 {strides = array<i32>} : memref<3x10000x128xf32, #tpu.memory_space<vmem>>, vector<1x1000x128xf32>,
      %broadcast_in_dim3A_540 = arith.constant 0.000000e+00 : f32
      %broadcast_in_dim3A_541 = vector.broadcast %broadcast_in_dim3A_540 : f32 to vector<1000x128xf32>
      %swap3A_542 = arith.constant 2 : index
      %swap3A_543 = arith.constant 8000 : index
      %swap3A_544 = arith.constant 0 : index
      %swap3A_545 = vector.load %arg19[%swap3A_542, %swap3A_543, %swap3A_544] : memref<3x10000x128xf32, #tpu.memory_space<vmem>>, vector<1x1000x128xf32>
      %swap3A_546 = vector.shape_cast %swap3A_545 : vector<1x1000x128xf32> to vector<1000x128xf32>
      %swap3A_547 = vector.shape_cast %broadcast_in_dim3A_541 : vector<1000x128xf32> to vector<1x1000x128xf32>
      tpu.vector_store %arg19[%swap3A_542, %swap3A_543, %swap3A_544], %swap3A_547 {strides = array<i32>} : memref<3x10000x128xf32, #tpu.memory_space<vmem>>, vector<1x1000x128xf32>,
      %get3A_548 = arith.constant 8000 : index
      %get3A_549 = arith.constant 0 : index
      %get3A_550 = vector.load %arg14[%get3A_548, %get3A_549] : memref<10000x128xf32, #tpu.memory_space<vmem>>, vector<1000x128xf32>
      %get3A_551 = arith.constant 0 : index
      %get3A_552 = arith.constant 0 : index
      %get3A_553 = vector.load %arg11[%get3A_551, %get3A_552] : memref<128x128xf32, #tpu.memory_space<vmem>>, vector<128x128xf32>
      %dot_general3A_554 = arith.constant dense<0.000000e+00> : vector<1000x128xf32>
      %dot_general3A_555 = tpu.matmul %get3A_550, %get3A_553, %dot_general3A_554 {dimension_numbers = #tpu.dot_dimension_numbers<[1], [0], [0], [1], [0, 0, 1, 1], [], []>, transpose_lhs_hint = false} : vector<1000x128xf32>, vector<128x128xf32>, vector<1000x128xf32> -> vector<1000x128xf32>
      %swap3A_556 = arith.constant 8000 : index
      %swap3A_557 = arith.constant 0 : index
      %swap3A_558 = vector.load %arg16[%swap3A_556, %swap3A_557] : memref<10000x128xf32, #tpu.memory_space<vmem>>, vector<1000x128xf32>
      tpu.vector_store %arg16[%swap3A_556, %swap3A_557], %dot_general3A_555 {strides = array<i32>} : memref<10000x128xf32, #tpu.memory_space<vmem>>, vector<1000x128xf32>,
      %broadcast_in_dim3A_559 = arith.constant 0.000000e+00 : f32
      %broadcast_in_dim3A_560 = vector.broadcast %broadcast_in_dim3A_559 : f32 to vector<1000x128xf32>
      %swap3A_561 = arith.constant 0 : index
      %swap3A_562 = arith.constant 9000 : index
      %swap3A_563 = arith.constant 0 : index
      %swap3A_564 = vector.load %arg18[%swap3A_561, %swap3A_562, %swap3A_563] : memref<3x10000x128xf32, #tpu.memory_space<vmem>>, vector<1x1000x128xf32>
      %swap3A_565 = vector.shape_cast %swap3A_564 : vector<1x1000x128xf32> to vector<1000x128xf32>
      %swap3A_566 = vector.shape_cast %broadcast_in_dim3A_560 : vector<1000x128xf32> to vector<1x1000x128xf32>
      tpu.vector_store %arg18[%swap3A_561, %swap3A_562, %swap3A_563], %swap3A_566 {strides = array<i32>} : memref<3x10000x128xf32, #tpu.memory_space<vmem>>, vector<1x1000x128xf32>,
      %broadcast_in_dim3A_567 = arith.constant 0.000000e+00 : f32
      %broadcast_in_dim3A_568 = vector.broadcast %broadcast_in_dim3A_567 : f32 to vector<1000x128xf32>
      %swap3A_569 = arith.constant 0 : index
      %swap3A_570 = arith.constant 9000 : index
      %swap3A_571 = arith.constant 0 : index
      %swap3A_572 = vector.load %arg19[%swap3A_569, %swap3A_570, %swap3A_571] : memref<3x10000x128xf32, #tpu.memory_space<vmem>>, vector<1x1000x128xf32>
      %swap3A_573 = vector.shape_cast %swap3A_572 : vector<1x1000x128xf32> to vector<1000x128xf32>
      %swap3A_574 = vector.shape_cast %broadcast_in_dim3A_568 : vector<1000x128xf32> to vector<1x1000x128xf32>
      tpu.vector_store %arg19[%swap3A_569, %swap3A_570, %swap3A_571], %swap3A_574 {strides = array<i32>} : memref<3x10000x128xf32, #tpu.memory_space<vmem>>, vector<1x1000x128xf32>,
      %broadcast_in_dim3A_575 = arith.constant 0.000000e+00 : f32
      %broadcast_in_dim3A_576 = vector.broadcast %broadcast_in_dim3A_575 : f32 to vector<1000x128xf32>
      %swap3A_577 = arith.constant 1 : index
      %swap3A_578 = arith.constant 9000 : index
      %swap3A_579 = arith.constant 0 : index
      %swap3A_580 = vector.load %arg18[%swap3A_577, %swap3A_578, %swap3A_579] : memref<3x10000x128xf32, #tpu.memory_space<vmem>>, vector<1x1000x128xf32>
      %swap3A_581 = vector.shape_cast %swap3A_580 : vector<1x1000x128xf32> to vector<1000x128xf32>
      %swap3A_582 = vector.shape_cast %broadcast_in_dim3A_576 : vector<1000x128xf32> to vector<1x1000x128xf32>
      tpu.vector_store %arg18[%swap3A_577, %swap3A_578, %swap3A_579], %swap3A_582 {strides = array<i32>} : memref<3x10000x128xf32, #tpu.memory_space<vmem>>, vector<1x1000x128xf32>,
      %broadcast_in_dim3A_583 = arith.constant 0.000000e+00 : f32
      %broadcast_in_dim3A_584 = vector.broadcast %broadcast_in_dim3A_583 : f32 to vector<1000x128xf32>
      %swap3A_585 = arith.constant 1 : index
      %swap3A_586 = arith.constant 9000 : index
      %swap3A_587 = arith.constant 0 : index
      %swap3A_588 = vector.load %arg19[%swap3A_585, %swap3A_586, %swap3A_587] : memref<3x10000x128xf32, #tpu.memory_space<vmem>>, vector<1x1000x128xf32>
      %swap3A_589 = vector.shape_cast %swap3A_588 : vector<1x1000x128xf32> to vector<1000x128xf32>
      %swap3A_590 = vector.shape_cast %broadcast_in_dim3A_584 : vector<1000x128xf32> to vector<1x1000x128xf32>
      tpu.vector_store %arg19[%swap3A_585, %swap3A_586, %swap3A_587], %swap3A_590 {strides = array<i32>} : memref<3x10000x128xf32, #tpu.memory_space<vmem>>, vector<1x1000x128xf32>,
      %broadcast_in_dim3A_591 = arith.constant 0.000000e+00 : f32
      %broadcast_in_dim3A_592 = vector.broadcast %broadcast_in_dim3A_591 : f32 to vector<1000x128xf32>
      %swap3A_593 = arith.constant 2 : index
      %swap3A_594 = arith.constant 9000 : index
      %swap3A_595 = arith.constant 0 : index
      %swap3A_596 = vector.load %arg18[%swap3A_593, %swap3A_594, %swap3A_595] : memref<3x10000x128xf32, #tpu.memory_space<vmem>>, vector<1x1000x128xf32>
      %swap3A_597 = vector.shape_cast %swap3A_596 : vector<1x1000x128xf32> to vector<1000x128xf32>
      %swap3A_598 = vector.shape_cast %broadcast_in_dim3A_592 : vector<1000x128xf32> to vector<1x1000x128xf32>
      tpu.vector_store %arg18[%swap3A_593, %swap3A_594, %swap3A_595], %swap3A_598 {strides = array<i32>} : memref<3x10000x128xf32, #tpu.memory_space<vmem>>, vector<1x1000x128xf32>,
      %broadcast_in_dim3A_599 = arith.constant 0.000000e+00 : f32
      %broadcast_in_dim3A_600 = vector.broadcast %broadcast_in_dim3A_599 : f32 to vector<1000x128xf32>
      %swap3A_601 = arith.constant 2 : index
      %swap3A_602 = arith.constant 9000 : index
      %swap3A_603 = arith.constant 0 : index
      %swap3A_604 = vector.load %arg19[%swap3A_601, %swap3A_602, %swap3A_603] : memref<3x10000x128xf32, #tpu.memory_space<vmem>>, vector<1x1000x128xf32>
      %swap3A_605 = vector.shape_cast %swap3A_604 : vector<1x1000x128xf32> to vector<1000x128xf32>
      %swap3A_606 = vector.shape_cast %broadcast_in_dim3A_600 : vector<1000x128xf32> to vector<1x1000x128xf32>
      tpu.vector_store %arg19[%swap3A_601, %swap3A_602, %swap3A_603], %swap3A_606 {strides = array<i32>} : memref<3x10000x128xf32, #tpu.memory_space<vmem>>, vector<1x1000x128xf32>,
      %get3A_607 = arith.constant 9000 : index
      %get3A_608 = arith.constant 0 : index
      %get3A_609 = vector.load %arg14[%get3A_607, %get3A_608] : memref<10000x128xf32, #tpu.memory_space<vmem>>, vector<1000x128xf32>
      %get3A_610 = arith.constant 0 : index
      %get3A_611 = arith.constant 0 : index
      %get3A_612 = vector.load %arg11[%get3A_610, %get3A_611] : memref<128x128xf32, #tpu.memory_space<vmem>>, vector<128x128xf32>
      %dot_general3A_613 = arith.constant dense<0.000000e+00> : vector<1000x128xf32>
      %dot_general3A_614 = tpu.matmul %get3A_609, %get3A_612, %dot_general3A_613 {dimension_numbers = #tpu.dot_dimension_numbers<[1], [0], [0], [1], [0, 0, 1, 1], [], []>, transpose_lhs_hint = false} : vector<1000x128xf32>, vector<128x128xf32>, vector<1000x128xf32> -> vector<1000x128xf32>
      %swap3A_615 = arith.constant 9000 : index
      %swap3A_616 = arith.constant 0 : index
      %swap3A_617 = vector.load %arg16[%swap3A_615, %swap3A_616] : memref<10000x128xf32, #tpu.memory_space<vmem>>, vector<1000x128xf32>
      tpu.vector_store %arg16[%swap3A_615, %swap3A_616], %dot_general3A_614 {strides = array<i32>} : memref<10000x128xf32, #tpu.memory_space<vmem>>, vector<1000x128xf32>,
    } else {
    }
    %mul3A = arith.constant 16384 : i32
    %mul3A_9 = arith.muli %arg1, %mul3A : i32
    %get3A = arith.index_cast %arg0 : i32 to index
    %get3A_10 = memref.load %arg2[%get3A] : memref<17xi32, #tpu.memory_space<smem>>
    %max3A = arith.maxsi %get3A_10, %mul3A_9 : i32
    %add3A = arith.constant 1 : i32
    %add3A_11 = arith.addi %arg0, %add3A : i32
    %get3A_12 = arith.index_cast %add3A_11 : i32 to index
    %get3A_13 = memref.load %arg2[%get3A_12] : memref<17xi32, #tpu.memory_space<smem>>
    %add3A_14 = arith.constant 16384 : i32
    %add3A_15 = arith.addi %mul3A_9, %add3A_14 : i32
    %min3A = arith.minsi %get3A_13, %add3A_15 : i32
    %while3A = arith.constant 0 : i32
    %while3A_16 = arith.subi %min3A, %max3A : i32
    %while3A_17 = arith.addi %max3A, %while3A_16 : i32
    %while3A_18 = arith.constant 1 : i32
    %while3A_19 = arith.divsi %while3A_16, %while3A_18 : i32
    %while3A_20 = arith.muli %while3A_19, %while3A_18 : i32
    %while3A_21 = arith.addi %max3A, %while3A_20 : i32
    %while3A_22 = arith.constant 1 : i32
    %while3A_23 = scf.for %while3A_31 = %max3A to %while3A_21 step %while3A_22 iter_args(%while3A_32 = %while3A) -> (i32)  : i32 {
      %sub3A = arith.subi %while3A_31, %mul3A_9 : i32
      %get3A_33 = arith.index_cast %sub3A : i32 to index
      %get3A_34 = memref.load %arg3[%get3A_33] : memref<16384xi32, #tpu.memory_space<smem>>
      %and3A_35 = arith.constant 16383 : i32
      %and3A_36 = arith.andi %get3A_34, %and3A_35 : i32
      %shift_right_arithmetic3A = arith.constant 14 : i32
      %shift_right_arithmetic3A_37 = arith.shrsi %get3A_34, %shift_right_arithmetic3A : i32
      %and3A_38 = arith.constant 3 : i32
      %and3A_39 = arith.andi %shift_right_arithmetic3A_37, %and3A_38 : i32
      %shift_right_arithmetic3A_40 = arith.constant 16 : i32
      %shift_right_arithmetic3A_41 = arith.shrsi %get3A_34, %shift_right_arithmetic3A_40 : i32
      %and3A_42 = arith.constant 16383 : i32
      %and3A_43 = arith.andi %shift_right_arithmetic3A_41, %and3A_42 : i32
      %get3A_44 = arith.index_cast %and3A_36 : i32 to index
      %get3A_45 = arith.constant 0 : index
      %get3A_46 = vector.load %arg14[%get3A_44, %get3A_45] : memref<10000x128xf32, #tpu.memory_space<vmem>>, vector<1x128xf32>
      %get3A_47 = arith.index_cast %and3A_36 : i32 to index
      %get3A_48 = arith.constant 0 : index
      %get3A_49 = vector.load %arg15[%get3A_47, %get3A_48] : memref<10000x128xf32, #tpu.memory_space<vmem>>, vector<1x128xf32>
      %get3A_50 = arith.index_cast %and3A_36 : i32 to index
      %get3A_51 = arith.constant 0 : index
      %get3A_52 = vector.load %arg16[%get3A_50, %get3A_51] : memref<10000x128xf32, #tpu.memory_space<vmem>>, vector<1x128xf32>
      %get3A_53 = arith.index_cast %and3A_43 : i32 to index
      %get3A_54 = arith.constant 0 : index
      %get3A_55 = vector.load %arg17[%get3A_53, %get3A_54] : memref<10000x128xf32, #tpu.memory_space<vmem>>, vector<1x128xf32>
      %add3A_56 = arith.addf %get3A_55, %get3A_52 : vector<1x128xf32>
      %logistic3A = arith.negf %add3A_56 : vector<1x128xf32>
      %logistic3A_57 = math.exp %logistic3A : vector<1x128xf32>
      %logistic3A_58 = arith.constant 1.000000e+00 : f32
      %logistic3A_59 = vector.broadcast %logistic3A_58 : f32 to vector<1x128xf32>
      %logistic3A_60 = arith.addf %logistic3A_59, %logistic3A_57 : vector<1x128xf32>
      %logistic3A_61 = arith.divf %logistic3A_59, %logistic3A_60 : vector<1x128xf32>
      %mul3A_62 = arith.mulf %logistic3A_61, %get3A_49 : vector<1x128xf32>
      %get3A_63 = arith.index_cast %and3A_39 : i32 to index
      %get3A_64 = arith.index_cast %and3A_43 : i32 to index
      %get3A_65 = arith.constant 0 : index
      %get3A_66 = vector.load %arg18[%get3A_63, %get3A_64, %get3A_65] : memref<3x10000x128xf32, #tpu.memory_space<vmem>>, vector<1x1x128xf32>
      %reshape3A = vector.shape_cast %get3A_46 : vector<1x128xf32> to vector<1x1x128xf32>
      %add3A_67 = arith.addf %get3A_66, %reshape3A : vector<1x1x128xf32>
      %swap3A = arith.index_cast %and3A_39 : i32 to index
      %swap3A_68 = arith.index_cast %and3A_43 : i32 to index
      %swap3A_69 = arith.constant 0 : index
      %swap3A_70 = vector.load %arg18[%swap3A, %swap3A_68, %swap3A_69] : memref<3x10000x128xf32, #tpu.memory_space<vmem>>, vector<1x1x128xf32>
      tpu.vector_store %arg18[%swap3A, %swap3A_68, %swap3A_69], %add3A_67 {strides = array<i32>} : memref<3x10000x128xf32, #tpu.memory_space<vmem>>, vector<1x1x128xf32>,
      %get3A_71 = arith.index_cast %and3A_39 : i32 to index
      %get3A_72 = arith.index_cast %and3A_43 : i32 to index
      %get3A_73 = arith.constant 0 : index
      %get3A_74 = vector.load %arg19[%get3A_71, %get3A_72, %get3A_73] : memref<3x10000x128xf32, #tpu.memory_space<vmem>>, vector<1x1x128xf32>
      %reshape3A_75 = vector.shape_cast %mul3A_62 : vector<1x128xf32> to vector<1x1x128xf32>
      %add3A_76 = arith.addf %get3A_74, %reshape3A_75 : vector<1x1x128xf32>
      %swap3A_77 = arith.index_cast %and3A_39 : i32 to index
      %swap3A_78 = arith.index_cast %and3A_43 : i32 to index
      %swap3A_79 = arith.constant 0 : index
      %swap3A_80 = vector.load %arg19[%swap3A_77, %swap3A_78, %swap3A_79] : memref<3x10000x128xf32, #tpu.memory_space<vmem>>, vector<1x1x128xf32>
      tpu.vector_store %arg19[%swap3A_77, %swap3A_78, %swap3A_79], %add3A_76 {strides = array<i32>} : memref<3x10000x128xf32, #tpu.memory_space<vmem>>, vector<1x1x128xf32>,
      %while3A_81 = arith.constant 0 : i32
      scf.yield %while3A_81 : i32
    }
    %while3A_24 = arith.constant 1 : i32
    %while3A_25 = scf.for %while3A_31 = %while3A_21 to %while3A_17 step %while3A_24 iter_args(%while3A_32 = %while3A_23) -> (i32)  : i32 {
      %sub3A = arith.subi %while3A_31, %mul3A_9 : i32
      %get3A_33 = arith.index_cast %sub3A : i32 to index
      %get3A_34 = memref.load %arg3[%get3A_33] : memref<16384xi32, #tpu.memory_space<smem>>
      %and3A_35 = arith.constant 16383 : i32
      %and3A_36 = arith.andi %get3A_34, %and3A_35 : i32
      %shift_right_arithmetic3A = arith.constant 14 : i32
      %shift_right_arithmetic3A_37 = arith.shrsi %get3A_34, %shift_right_arithmetic3A : i32
      %and3A_38 = arith.constant 3 : i32
      %and3A_39 = arith.andi %shift_right_arithmetic3A_37, %and3A_38 : i32
      %shift_right_arithmetic3A_40 = arith.constant 16 : i32
      %shift_right_arithmetic3A_41 = arith.shrsi %get3A_34, %shift_right_arithmetic3A_40 : i32
      %and3A_42 = arith.constant 16383 : i32
      %and3A_43 = arith.andi %shift_right_arithmetic3A_41, %and3A_42 : i32
      %get3A_44 = arith.index_cast %and3A_36 : i32 to index
      %get3A_45 = arith.constant 0 : index
      %get3A_46 = vector.load %arg14[%get3A_44, %get3A_45] : memref<10000x128xf32, #tpu.memory_space<vmem>>, vector<1x128xf32>
      %get3A_47 = arith.index_cast %and3A_36 : i32 to index
      %get3A_48 = arith.constant 0 : index
      %get3A_49 = vector.load %arg15[%get3A_47, %get3A_48] : memref<10000x128xf32, #tpu.memory_space<vmem>>, vector<1x128xf32>
      %get3A_50 = arith.index_cast %and3A_36 : i32 to index
      %get3A_51 = arith.constant 0 : index
      %get3A_52 = vector.load %arg16[%get3A_50, %get3A_51] : memref<10000x128xf32, #tpu.memory_space<vmem>>, vector<1x128xf32>
      %get3A_53 = arith.index_cast %and3A_43 : i32 to index
      %get3A_54 = arith.constant 0 : index
      %get3A_55 = vector.load %arg17[%get3A_53, %get3A_54] : memref<10000x128xf32, #tpu.memory_space<vmem>>, vector<1x128xf32>
      %add3A_56 = arith.addf %get3A_55, %get3A_52 : vector<1x128xf32>
      %logistic3A = arith.negf %add3A_56 : vector<1x128xf32>
      %logistic3A_57 = math.exp %logistic3A : vector<1x128xf32>
      %logistic3A_58 = arith.constant 1.000000e+00 : f32
      %logistic3A_59 = vector.broadcast %logistic3A_58 : f32 to vector<1x128xf32>
      %logistic3A_60 = arith.addf %logistic3A_59, %logistic3A_57 : vector<1x128xf32>
      %logistic3A_61 = arith.divf %logistic3A_59, %logistic3A_60 : vector<1x128xf32>
      %mul3A_62 = arith.mulf %logistic3A_61, %get3A_49 : vector<1x128xf32>
      %get3A_63 = arith.index_cast %and3A_39 : i32 to index
      %get3A_64 = arith.index_cast %and3A_43 : i32 to index
      %get3A_65 = arith.constant 0 : index
      %get3A_66 = vector.load %arg18[%get3A_63, %get3A_64, %get3A_65] : memref<3x10000x128xf32, #tpu.memory_space<vmem>>, vector<1x1x128xf32>
      %reshape3A = vector.shape_cast %get3A_46 : vector<1x128xf32> to vector<1x1x128xf32>
      %add3A_67 = arith.addf %get3A_66, %reshape3A : vector<1x1x128xf32>
      %swap3A = arith.index_cast %and3A_39 : i32 to index
      %swap3A_68 = arith.index_cast %and3A_43 : i32 to index
      %swap3A_69 = arith.constant 0 : index
      %swap3A_70 = vector.load %arg18[%swap3A, %swap3A_68, %swap3A_69] : memref<3x10000x128xf32, #tpu.memory_space<vmem>>, vector<1x1x128xf32>
      tpu.vector_store %arg18[%swap3A, %swap3A_68, %swap3A_69], %add3A_67 {strides = array<i32>} : memref<3x10000x128xf32, #tpu.memory_space<vmem>>, vector<1x1x128xf32>,
      %get3A_71 = arith.index_cast %and3A_39 : i32 to index
      %get3A_72 = arith.index_cast %and3A_43 : i32 to index
      %get3A_73 = arith.constant 0 : index
      %get3A_74 = vector.load %arg19[%get3A_71, %get3A_72, %get3A_73] : memref<3x10000x128xf32, #tpu.memory_space<vmem>>, vector<1x1x128xf32>
      %reshape3A_75 = vector.shape_cast %mul3A_62 : vector<1x128xf32> to vector<1x1x128xf32>
      %add3A_76 = arith.addf %get3A_74, %reshape3A_75 : vector<1x1x128xf32>
      %swap3A_77 = arith.index_cast %and3A_39 : i32 to index
      %swap3A_78 = arith.index_cast %and3A_43 : i32 to index
      %swap3A_79 = arith.constant 0 : index
      %swap3A_80 = vector.load %arg19[%swap3A_77, %swap3A_78, %swap3A_79] : memref<3x10000x128xf32, #tpu.memory_space<vmem>>, vector<1x1x128xf32>
      tpu.vector_store %arg19[%swap3A_77, %swap3A_78, %swap3A_79], %add3A_76 {strides = array<i32>} : memref<3x10000x128xf32, #tpu.memory_space<vmem>>, vector<1x1x128xf32>,
      %while3A_81 = arith.constant 0 : i32
      scf.yield %while3A_81 : i32
    }
    %eq3A_26 = arith.constant 19 : i32
    %eq3A_27 = arith.cmpi eq, %arg1, %eq3A_26 : i32
    %convert_element_type3A_28 = arith.extui %eq3A_27 : i1 to i32
    %cond3A_29 = arith.constant 0 : i32
    %cond3A_30 = arith.cmpi ne, %convert_element_type3A_28, %cond3A_29 : i32
    scf.if %cond3A_30 {
      %get3A_31 = arith.constant 0 : index
      %get3A_32 = arith.constant 0 : index
      %get3A_33 = vector.load %arg4[%get3A_31, %get3A_32] : memref<10000x128xf32, #tpu.memory_space<vmem>>, vector<1000x128xf32>
      %get3A_34 = arith.constant 0 : index
      %get3A_35 = arith.constant 0 : index
      %get3A_36 = arith.constant 0 : index
      %get3A_37 = vector.load %arg18[%get3A_34, %get3A_35, %get3A_36] : memref<3x10000x128xf32, #tpu.memory_space<vmem>>, vector<1x1000x128xf32>
      %get3A_38 = vector.shape_cast %get3A_37 : vector<1x1000x128xf32> to vector<1000x128xf32>
      %get3A_39 = arith.constant 1 : index
      %get3A_40 = arith.constant 0 : index
      %get3A_41 = arith.constant 0 : index
      %get3A_42 = vector.load %arg18[%get3A_39, %get3A_40, %get3A_41] : memref<3x10000x128xf32, #tpu.memory_space<vmem>>, vector<1x1000x128xf32>
      %get3A_43 = vector.shape_cast %get3A_42 : vector<1x1000x128xf32> to vector<1000x128xf32>
      %get3A_44 = arith.constant 2 : index
      %get3A_45 = arith.constant 0 : index
      %get3A_46 = arith.constant 0 : index
      %get3A_47 = vector.load %arg18[%get3A_44, %get3A_45, %get3A_46] : memref<3x10000x128xf32, #tpu.memory_space<vmem>>, vector<1x1000x128xf32>
      %get3A_48 = vector.shape_cast %get3A_47 : vector<1x1000x128xf32> to vector<1000x128xf32>
      %get3A_49 = arith.constant 0 : index
      %get3A_50 = arith.constant 0 : index
      %get3A_51 = arith.constant 0 : index
      %get3A_52 = vector.load %arg8[%get3A_49, %get3A_50, %get3A_51] : memref<3x128x128xf32, #tpu.memory_space<vmem>>, vector<1x128x128xf32>
      %get3A_53 = vector.shape_cast %get3A_52 : vector<1x128x128xf32> to vector<128x128xf32>
      %dot_general3A = arith.constant dense<0.000000e+00> : vector<1000x128xf32>
      %dot_general3A_54 = tpu.matmul %get3A_33, %get3A_53, %dot_general3A {dimension_numbers = #tpu.dot_dimension_numbers<[1], [0], [0], [1], [0, 0, 1, 1], [], []>, transpose_lhs_hint = false} : vector<1000x128xf32>, vector<128x128xf32>, vector<1000x128xf32> -> vector<1000x128xf32>
      %get3A_55 = arith.constant 0 : index
      %get3A_56 = arith.constant 0 : index
      %get3A_57 = arith.constant 0 : index
      %get3A_58 = vector.load %arg9[%get3A_55, %get3A_56, %get3A_57] : memref<3x1x128xf32, #tpu.memory_space<vmem>>, vector<1x1x128xf32>
      %get3A_59 = vector.shape_cast %get3A_58 : vector<1x1x128xf32> to vector<1x128xf32>
      %add3A_60 = vector.broadcast %get3A_59 : vector<1x128xf32> to vector<1000x128xf32>
      %add3A_61 = arith.addf %dot_general3A_54, %add3A_60 : vector<1000x128xf32>
      %get3A_62 = arith.constant 0 : index
      %get3A_63 = arith.constant 0 : index
      %get3A_64 = arith.constant 0 : index
      %get3A_65 = arith.constant 0 : index
      %get3A_66 = vector.load %arg10[%get3A_62, %get3A_63, %get3A_64, %get3A_65] : memref<3x3x128x128xf32, #tpu.memory_space<vmem>>, vector<1x1x128x128xf32>
      %get3A_67 = vector.shape_cast %get3A_66 : vector<1x1x128x128xf32> to vector<128x128xf32>
      %dot_general3A_68 = arith.constant dense<0.000000e+00> : vector<1000x128xf32>
      %dot_general3A_69 = tpu.matmul %get3A_38, %get3A_67, %dot_general3A_68 {dimension_numbers = #tpu.dot_dimension_numbers<[1], [0], [0], [1], [0, 0, 1, 1], [], []>, transpose_lhs_hint = false} : vector<1000x128xf32>, vector<128x128xf32>, vector<1000x128xf32> -> vector<1000x128xf32>
      %add3A_70 = arith.addf %add3A_61, %dot_general3A_69 : vector<1000x128xf32>
      %get3A_71 = arith.constant 0 : index
      %get3A_72 = arith.constant 1 : index
      %get3A_73 = arith.constant 0 : index
      %get3A_74 = arith.constant 0 : index
      %get3A_75 = vector.load %arg10[%get3A_71, %get3A_72, %get3A_73, %get3A_74] : memref<3x3x128x128xf32, #tpu.memory_space<vmem>>, vector<1x1x128x128xf32>
      %get3A_76 = vector.shape_cast %get3A_75 : vector<1x1x128x128xf32> to vector<128x128xf32>
      %dot_general3A_77 = arith.constant dense<0.000000e+00> : vector<1000x128xf32>
      %dot_general3A_78 = tpu.matmul %get3A_43, %get3A_76, %dot_general3A_77 {dimension_numbers = #tpu.dot_dimension_numbers<[1], [0], [0], [1], [0, 0, 1, 1], [], []>, transpose_lhs_hint = false} : vector<1000x128xf32>, vector<128x128xf32>, vector<1000x128xf32> -> vector<1000x128xf32>
      %add3A_79 = arith.addf %add3A_70, %dot_general3A_78 : vector<1000x128xf32>
      %get3A_80 = arith.constant 0 : index
      %get3A_81 = arith.constant 2 : index
      %get3A_82 = arith.constant 0 : index
      %get3A_83 = arith.constant 0 : index
      %get3A_84 = vector.load %arg10[%get3A_80, %get3A_81, %get3A_82, %get3A_83] : memref<3x3x128x128xf32, #tpu.memory_space<vmem>>, vector<1x1x128x128xf32>
      %get3A_85 = vector.shape_cast %get3A_84 : vector<1x1x128x128xf32> to vector<128x128xf32>
      %dot_general3A_86 = arith.constant dense<0.000000e+00> : vector<1000x128xf32>
      %dot_general3A_87 = tpu.matmul %get3A_48, %get3A_85, %dot_general3A_86 {dimension_numbers = #tpu.dot_dimension_numbers<[1], [0], [0], [1], [0, 0, 1, 1], [], []>, transpose_lhs_hint = false} : vector<1000x128xf32>, vector<128x128xf32>, vector<1000x128xf32> -> vector<1000x128xf32>
      %add3A_88 = arith.addf %add3A_79, %dot_general3A_87 : vector<1000x128xf32>
      %logistic3A = arith.negf %add3A_88 : vector<1000x128xf32>
      %logistic3A_89 = math.exp %logistic3A : vector<1000x128xf32>
      %logistic3A_90 = arith.constant 1.000000e+00 : f32
      %logistic3A_91 = vector.broadcast %logistic3A_90 : f32 to vector<1000x128xf32>
      %logistic3A_92 = arith.addf %logistic3A_91, %logistic3A_89 : vector<1000x128xf32>
      %logistic3A_93 = arith.divf %logistic3A_91, %logistic3A_92 : vector<1000x128xf32>
      %get3A_94 = arith.constant 1 : index
      %get3A_95 = arith.constant 0 : index
      %get3A_96 = arith.constant 0 : index
      %get3A_97 = vector.load %arg8[%get3A_94, %get3A_95, %get3A_96] : memref<3x128x128xf32, #tpu.memory_space<vmem>>, vector<1x128x128xf32>
      %get3A_98 = vector.shape_cast %get3A_97 : vector<1x128x128xf32> to vector<128x128xf32>
      %dot_general3A_99 = arith.constant dense<0.000000e+00> : vector<1000x128xf32>
      %dot_general3A_100 = tpu.matmul %get3A_33, %get3A_98, %dot_general3A_99 {dimension_numbers = #tpu.dot_dimension_numbers<[1], [0], [0], [1], [0, 0, 1, 1], [], []>, transpose_lhs_hint = false} : vector<1000x128xf32>, vector<128x128xf32>, vector<1000x128xf32> -> vector<1000x128xf32>
      %get3A_101 = arith.constant 1 : index
      %get3A_102 = arith.constant 0 : index
      %get3A_103 = arith.constant 0 : index
      %get3A_104 = vector.load %arg9[%get3A_101, %get3A_102, %get3A_103] : memref<3x1x128xf32, #tpu.memory_space<vmem>>, vector<1x1x128xf32>
      %get3A_105 = vector.shape_cast %get3A_104 : vector<1x1x128xf32> to vector<1x128xf32>
      %add3A_106 = vector.broadcast %get3A_105 : vector<1x128xf32> to vector<1000x128xf32>
      %add3A_107 = arith.addf %dot_general3A_100, %add3A_106 : vector<1000x128xf32>
      %get3A_108 = arith.constant 1 : index
      %get3A_109 = arith.constant 0 : index
      %get3A_110 = arith.constant 0 : index
      %get3A_111 = arith.constant 0 : index
      %get3A_112 = vector.load %arg10[%get3A_108, %get3A_109, %get3A_110, %get3A_111] : memref<3x3x128x128xf32, #tpu.memory_space<vmem>>, vector<1x1x128x128xf32>
      %get3A_113 = vector.shape_cast %get3A_112 : vector<1x1x128x128xf32> to vector<128x128xf32>
      %dot_general3A_114 = arith.constant dense<0.000000e+00> : vector<1000x128xf32>
      %dot_general3A_115 = tpu.matmul %get3A_38, %get3A_113, %dot_general3A_114 {dimension_numbers = #tpu.dot_dimension_numbers<[1], [0], [0], [1], [0, 0, 1, 1], [], []>, transpose_lhs_hint = false} : vector<1000x128xf32>, vector<128x128xf32>, vector<1000x128xf32> -> vector<1000x128xf32>
      %add3A_116 = arith.addf %add3A_107, %dot_general3A_115 : vector<1000x128xf32>
      %get3A_117 = arith.constant 1 : index
      %get3A_118 = arith.constant 1 : index
      %get3A_119 = arith.constant 0 : index
      %get3A_120 = arith.constant 0 : index
      %get3A_121 = vector.load %arg10[%get3A_117, %get3A_118, %get3A_119, %get3A_120] : memref<3x3x128x128xf32, #tpu.memory_space<vmem>>, vector<1x1x128x128xf32>
      %get3A_122 = vector.shape_cast %get3A_121 : vector<1x1x128x128xf32> to vector<128x128xf32>
      %dot_general3A_123 = arith.constant dense<0.000000e+00> : vector<1000x128xf32>
      %dot_general3A_124 = tpu.matmul %get3A_43, %get3A_122, %dot_general3A_123 {dimension_numbers = #tpu.dot_dimension_numbers<[1], [0], [0], [1], [0, 0, 1, 1], [], []>, transpose_lhs_hint = false} : vector<1000x128xf32>, vector<128x128xf32>, vector<1000x128xf32> -> vector<1000x128xf32>
      %add3A_125 = arith.addf %add3A_116, %dot_general3A_124 : vector<1000x128xf32>
      %get3A_126 = arith.constant 1 : index
      %get3A_127 = arith.constant 2 : index
      %get3A_128 = arith.constant 0 : index
      %get3A_129 = arith.constant 0 : index
      %get3A_130 = vector.load %arg10[%get3A_126, %get3A_127, %get3A_128, %get3A_129] : memref<3x3x128x128xf32, #tpu.memory_space<vmem>>, vector<1x1x128x128xf32>
      %get3A_131 = vector.shape_cast %get3A_130 : vector<1x1x128x128xf32> to vector<128x128xf32>
      %dot_general3A_132 = arith.constant dense<0.000000e+00> : vector<1000x128xf32>
      %dot_general3A_133 = tpu.matmul %get3A_48, %get3A_131, %dot_general3A_132 {dimension_numbers = #tpu.dot_dimension_numbers<[1], [0], [0], [1], [0, 0, 1, 1], [], []>, transpose_lhs_hint = false} : vector<1000x128xf32>, vector<128x128xf32>, vector<1000x128xf32> -> vector<1000x128xf32>
      %add3A_134 = arith.addf %add3A_125, %dot_general3A_133 : vector<1000x128xf32>
      %logistic3A_135 = arith.negf %add3A_134 : vector<1000x128xf32>
      %logistic3A_136 = math.exp %logistic3A_135 : vector<1000x128xf32>
      %logistic3A_137 = arith.constant 1.000000e+00 : f32
      %logistic3A_138 = vector.broadcast %logistic3A_137 : f32 to vector<1000x128xf32>
      %logistic3A_139 = arith.addf %logistic3A_138, %logistic3A_136 : vector<1000x128xf32>
      %logistic3A_140 = arith.divf %logistic3A_138, %logistic3A_139 : vector<1000x128xf32>
      %get3A_141 = arith.constant 2 : index
      %get3A_142 = arith.constant 0 : index
      %get3A_143 = arith.constant 0 : index
      %get3A_144 = vector.load %arg8[%get3A_141, %get3A_142, %get3A_143] : memref<3x128x128xf32, #tpu.memory_space<vmem>>, vector<1x128x128xf32>
      %get3A_145 = vector.shape_cast %get3A_144 : vector<1x128x128xf32> to vector<128x128xf32>
      %dot_general3A_146 = arith.constant dense<0.000000e+00> : vector<1000x128xf32>
      %dot_general3A_147 = tpu.matmul %get3A_33, %get3A_145, %dot_general3A_146 {dimension_numbers = #tpu.dot_dimension_numbers<[1], [0], [0], [1], [0, 0, 1, 1], [], []>, transpose_lhs_hint = false} : vector<1000x128xf32>, vector<128x128xf32>, vector<1000x128xf32> -> vector<1000x128xf32>
      %get3A_148 = arith.constant 2 : index
      %get3A_149 = arith.constant 0 : index
      %get3A_150 = arith.constant 0 : index
      %get3A_151 = vector.load %arg9[%get3A_148, %get3A_149, %get3A_150] : memref<3x1x128xf32, #tpu.memory_space<vmem>>, vector<1x1x128xf32>
      %get3A_152 = vector.shape_cast %get3A_151 : vector<1x1x128xf32> to vector<1x128xf32>
      %add3A_153 = vector.broadcast %get3A_152 : vector<1x128xf32> to vector<1000x128xf32>
      %add3A_154 = arith.addf %dot_general3A_147, %add3A_153 : vector<1000x128xf32>
      %get3A_155 = arith.constant 2 : index
      %get3A_156 = arith.constant 0 : index
      %get3A_157 = arith.constant 0 : index
      %get3A_158 = arith.constant 0 : index
      %get3A_159 = vector.load %arg10[%get3A_155, %get3A_156, %get3A_157, %get3A_158] : memref<3x3x128x128xf32, #tpu.memory_space<vmem>>, vector<1x1x128x128xf32>
      %get3A_160 = vector.shape_cast %get3A_159 : vector<1x1x128x128xf32> to vector<128x128xf32>
      %dot_general3A_161 = arith.constant dense<0.000000e+00> : vector<1000x128xf32>
      %dot_general3A_162 = tpu.matmul %get3A_38, %get3A_160, %dot_general3A_161 {dimension_numbers = #tpu.dot_dimension_numbers<[1], [0], [0], [1], [0, 0, 1, 1], [], []>, transpose_lhs_hint = false} : vector<1000x128xf32>, vector<128x128xf32>, vector<1000x128xf32> -> vector<1000x128xf32>
      %add3A_163 = arith.addf %add3A_154, %dot_general3A_162 : vector<1000x128xf32>
      %get3A_164 = arith.constant 2 : index
      %get3A_165 = arith.constant 1 : index
      %get3A_166 = arith.constant 0 : index
      %get3A_167 = arith.constant 0 : index
      %get3A_168 = vector.load %arg10[%get3A_164, %get3A_165, %get3A_166, %get3A_167] : memref<3x3x128x128xf32, #tpu.memory_space<vmem>>, vector<1x1x128x128xf32>
      %get3A_169 = vector.shape_cast %get3A_168 : vector<1x1x128x128xf32> to vector<128x128xf32>
      %dot_general3A_170 = arith.constant dense<0.000000e+00> : vector<1000x128xf32>
      %dot_general3A_171 = tpu.matmul %get3A_43, %get3A_169, %dot_general3A_170 {dimension_numbers = #tpu.dot_dimension_numbers<[1], [0], [0], [1], [0, 0, 1, 1], [], []>, transpose_lhs_hint = false} : vector<1000x128xf32>, vector<128x128xf32>, vector<1000x128xf32> -> vector<1000x128xf32>
      %add3A_172 = arith.addf %add3A_163, %dot_general3A_171 : vector<1000x128xf32>
      %get3A_173 = arith.constant 2 : index
      %get3A_174 = arith.constant 2 : index
      %get3A_175 = arith.constant 0 : index
      %get3A_176 = arith.constant 0 : index
      %get3A_177 = vector.load %arg10[%get3A_173, %get3A_174, %get3A_175, %get3A_176] : memref<3x3x128x128xf32, #tpu.memory_space<vmem>>, vector<1x1x128x128xf32>
      %get3A_178 = vector.shape_cast %get3A_177 : vector<1x1x128x128xf32> to vector<128x128xf32>
      %dot_general3A_179 = arith.constant dense<0.000000e+00> : vector<1000x128xf32>
      %dot_general3A_180 = tpu.matmul %get3A_48, %get3A_178, %dot_general3A_179 {dimension_numbers = #tpu.dot_dimension_numbers<[1], [0], [0], [1], [0, 0, 1, 1], [], []>, transpose_lhs_hint = false} : vector<1000x128xf32>, vector<128x128xf32>, vector<1000x128xf32> -> vector<1000x128xf32>
      %add3A_181 = arith.addf %add3A_172, %dot_general3A_180 : vector<1000x128xf32>
      %tanh3A = math.tanh %add3A_181 : vector<1000x128xf32>
      %get3A_182 = arith.constant 0 : index
      %get3A_183 = arith.constant 0 : index
      %get3A_184 = vector.load %arg13[%get3A_182, %get3A_183] : memref<1x128xf32, #tpu.memory_space<vmem>>, vector<1x128xf32>
      %get3A_185 = arith.constant 0 : index
      %get3A_186 = arith.constant 0 : index
      %get3A_187 = arith.constant 0 : index
      %get3A_188 = vector.load %arg19[%get3A_185, %get3A_186, %get3A_187] : memref<3x10000x128xf32, #tpu.memory_space<vmem>>, vector<1x1000x128xf32>
      %get3A_189 = vector.shape_cast %get3A_188 : vector<1x1000x128xf32> to vector<1000x128xf32>
      %get3A_190 = arith.constant 0 : index
      %get3A_191 = arith.constant 0 : index
      %get3A_192 = arith.constant 0 : index
      %get3A_193 = vector.load %arg12[%get3A_190, %get3A_191, %get3A_192] : memref<3x128x128xf32, #tpu.memory_space<vmem>>, vector<1x128x128xf32>
      %get3A_194 = vector.shape_cast %get3A_193 : vector<1x128x128xf32> to vector<128x128xf32>
      %dot_general3A_195 = arith.constant dense<0.000000e+00> : vector<1000x128xf32>
      %dot_general3A_196 = tpu.matmul %get3A_189, %get3A_194, %dot_general3A_195 {dimension_numbers = #tpu.dot_dimension_numbers<[1], [0], [0], [1], [0, 0, 1, 1], [], []>, transpose_lhs_hint = false} : vector<1000x128xf32>, vector<128x128xf32>, vector<1000x128xf32> -> vector<1000x128xf32>
      %add3A_197 = vector.broadcast %get3A_184 : vector<1x128xf32> to vector<1000x128xf32>
      %add3A_198 = arith.addf %add3A_197, %dot_general3A_196 : vector<1000x128xf32>
      %get3A_199 = arith.constant 1 : index
      %get3A_200 = arith.constant 0 : index
      %get3A_201 = arith.constant 0 : index
      %get3A_202 = vector.load %arg19[%get3A_199, %get3A_200, %get3A_201] : memref<3x10000x128xf32, #tpu.memory_space<vmem>>, vector<1x1000x128xf32>
      %get3A_203 = vector.shape_cast %get3A_202 : vector<1x1000x128xf32> to vector<1000x128xf32>
      %get3A_204 = arith.constant 1 : index
      %get3A_205 = arith.constant 0 : index
      %get3A_206 = arith.constant 0 : index
      %get3A_207 = vector.load %arg12[%get3A_204, %get3A_205, %get3A_206] : memref<3x128x128xf32, #tpu.memory_space<vmem>>, vector<1x128x128xf32>
      %get3A_208 = vector.shape_cast %get3A_207 : vector<1x128x128xf32> to vector<128x128xf32>
      %dot_general3A_209 = arith.constant dense<0.000000e+00> : vector<1000x128xf32>
      %dot_general3A_210 = tpu.matmul %get3A_203, %get3A_208, %dot_general3A_209 {dimension_numbers = #tpu.dot_dimension_numbers<[1], [0], [0], [1], [0, 0, 1, 1], [], []>, transpose_lhs_hint = false} : vector<1000x128xf32>, vector<128x128xf32>, vector<1000x128xf32> -> vector<1000x128xf32>
      %add3A_211 = arith.addf %add3A_198, %dot_general3A_210 : vector<1000x128xf32>
      %get3A_212 = arith.constant 2 : index
      %get3A_213 = arith.constant 0 : index
      %get3A_214 = arith.constant 0 : index
      %get3A_215 = vector.load %arg19[%get3A_212, %get3A_213, %get3A_214] : memref<3x10000x128xf32, #tpu.memory_space<vmem>>, vector<1x1000x128xf32>
      %get3A_216 = vector.shape_cast %get3A_215 : vector<1x1000x128xf32> to vector<1000x128xf32>
      %get3A_217 = arith.constant 2 : index
      %get3A_218 = arith.constant 0 : index
      %get3A_219 = arith.constant 0 : index
      %get3A_220 = vector.load %arg12[%get3A_217, %get3A_218, %get3A_219] : memref<3x128x128xf32, #tpu.memory_space<vmem>>, vector<1x128x128xf32>
      %get3A_221 = vector.shape_cast %get3A_220 : vector<1x128x128xf32> to vector<128x128xf32>
      %dot_general3A_222 = arith.constant dense<0.000000e+00> : vector<1000x128xf32>
      %dot_general3A_223 = tpu.matmul %get3A_216, %get3A_221, %dot_general3A_222 {dimension_numbers = #tpu.dot_dimension_numbers<[1], [0], [0], [1], [0, 0, 1, 1], [], []>, transpose_lhs_hint = false} : vector<1000x128xf32>, vector<128x128xf32>, vector<1000x128xf32> -> vector<1000x128xf32>
      %add3A_224 = arith.addf %add3A_211, %dot_general3A_223 : vector<1000x128xf32>
      %mul3A_225 = arith.mulf %logistic3A_93, %tanh3A : vector<1000x128xf32>
      %add3A_226 = arith.addf %mul3A_225, %add3A_224 : vector<1000x128xf32>
      %tanh3A_227 = math.tanh %add3A_226 : vector<1000x128xf32>
      %mul3A_228 = arith.mulf %logistic3A_140, %tanh3A_227 : vector<1000x128xf32>
      %get3A_229 = arith.constant 0 : index
      %get3A_230 = arith.constant 0 : index
      %get3A_231 = vector.load %arg5[%get3A_229, %get3A_230] : memref<10000x1xi32, #tpu.memory_space<vmem>>, vector<1000x1xi32>
      %eq3A_232 = vector.broadcast %arg0 : i32 to vector<1000x1xi32>
      %eq3A_233 = arith.cmpi eq, %get3A_231, %eq3A_232 : vector<1000x1xi32>
      %get3A_234 = arith.constant 0 : index
      %get3A_235 = arith.constant 0 : index
      %get3A_236 = vector.load %arg15[%get3A_234, %get3A_235] : memref<10000x128xf32, #tpu.memory_space<vmem>>, vector<1000x128xf32>
      %broadcast_in_dim3A = vector.shape_cast %eq3A_233 : vector<1000x1xi1> to vector<1000x1xi1>
      %broadcast_in_dim3A_237 = vector.broadcast %broadcast_in_dim3A : vector<1000x1xi1> to vector<1000x128xi1>
      %select_n3A = arith.select %broadcast_in_dim3A_237, %add3A_226, %get3A_236 : vector<1000x128xi1>, vector<1000x128xf32>
      %swap3A = arith.constant 0 : index
      %swap3A_238 = arith.constant 0 : index
      %swap3A_239 = vector.load %arg15[%swap3A, %swap3A_238] : memref<10000x128xf32, #tpu.memory_space<vmem>>, vector<1000x128xf32>
      tpu.vector_store %arg15[%swap3A, %swap3A_238], %select_n3A {strides = array<i32>} : memref<10000x128xf32, #tpu.memory_space<vmem>>, vector<1000x128xf32>,
      %get3A_240 = arith.constant 0 : index
      %get3A_241 = arith.constant 0 : index
      %get3A_242 = vector.load %arg14[%get3A_240, %get3A_241] : memref<10000x128xf32, #tpu.memory_space<vmem>>, vector<1000x128xf32>
      %broadcast_in_dim3A_243 = vector.shape_cast %eq3A_233 : vector<1000x1xi1> to vector<1000x1xi1>
      %broadcast_in_dim3A_244 = vector.broadcast %broadcast_in_dim3A_243 : vector<1000x1xi1> to vector<1000x128xi1>
      %select_n3A_245 = arith.select %broadcast_in_dim3A_244, %mul3A_228, %get3A_242 : vector<1000x128xi1>, vector<1000x128xf32>
      %swap3A_246 = arith.constant 0 : index
      %swap3A_247 = arith.constant 0 : index
      %swap3A_248 = vector.load %arg14[%swap3A_246, %swap3A_247] : memref<10000x128xf32, #tpu.memory_space<vmem>>, vector<1000x128xf32>
      tpu.vector_store %arg14[%swap3A_246, %swap3A_247], %select_n3A_245 {strides = array<i32>} : memref<10000x128xf32, #tpu.memory_space<vmem>>, vector<1000x128xf32>,
      %get3A_249 = arith.constant 1000 : index
      %get3A_250 = arith.constant 0 : index
      %get3A_251 = vector.load %arg4[%get3A_249, %get3A_250] : memref<10000x128xf32, #tpu.memory_space<vmem>>, vector<1000x128xf32>
      %get3A_252 = arith.constant 0 : index
      %get3A_253 = arith.constant 1000 : index
      %get3A_254 = arith.constant 0 : index
      %get3A_255 = vector.load %arg18[%get3A_252, %get3A_253, %get3A_254] : memref<3x10000x128xf32, #tpu.memory_space<vmem>>, vector<1x1000x128xf32>
      %get3A_256 = vector.shape_cast %get3A_255 : vector<1x1000x128xf32> to vector<1000x128xf32>
      %get3A_257 = arith.constant 1 : index
      %get3A_258 = arith.constant 1000 : index
      %get3A_259 = arith.constant 0 : index
      %get3A_260 = vector.load %arg18[%get3A_257, %get3A_258, %get3A_259] : memref<3x10000x128xf32, #tpu.memory_space<vmem>>, vector<1x1000x128xf32>
      %get3A_261 = vector.shape_cast %get3A_260 : vector<1x1000x128xf32> to vector<1000x128xf32>
      %get3A_262 = arith.constant 2 : index
      %get3A_263 = arith.constant 1000 : index
      %get3A_264 = arith.constant 0 : index
      %get3A_265 = vector.load %arg18[%get3A_262, %get3A_263, %get3A_264] : memref<3x10000x128xf32, #tpu.memory_space<vmem>>, vector<1x1000x128xf32>
      %get3A_266 = vector.shape_cast %get3A_265 : vector<1x1000x128xf32> to vector<1000x128xf32>
      %get3A_267 = arith.constant 0 : index
      %get3A_268 = arith.constant 0 : index
      %get3A_269 = arith.constant 0 : index
      %get3A_270 = vector.load %arg8[%get3A_267, %get3A_268, %get3A_269] : memref<3x128x128xf32, #tpu.memory_space<vmem>>, vector<1x128x128xf32>
      %get3A_271 = vector.shape_cast %get3A_270 : vector<1x128x128xf32> to vector<128x128xf32>
      %dot_general3A_272 = arith.constant dense<0.000000e+00> : vector<1000x128xf32>
      %dot_general3A_273 = tpu.matmul %get3A_251, %get3A_271, %dot_general3A_272 {dimension_numbers = #tpu.dot_dimension_numbers<[1], [0], [0], [1], [0, 0, 1, 1], [], []>, transpose_lhs_hint = false} : vector<1000x128xf32>, vector<128x128xf32>, vector<1000x128xf32> -> vector<1000x128xf32>
      %get3A_274 = arith.constant 0 : index
      %get3A_275 = arith.constant 0 : index
      %get3A_276 = arith.constant 0 : index
      %get3A_277 = vector.load %arg9[%get3A_274, %get3A_275, %get3A_276] : memref<3x1x128xf32, #tpu.memory_space<vmem>>, vector<1x1x128xf32>
      %get3A_278 = vector.shape_cast %get3A_277 : vector<1x1x128xf32> to vector<1x128xf32>
      %add3A_279 = vector.broadcast %get3A_278 : vector<1x128xf32> to vector<1000x128xf32>
      %add3A_280 = arith.addf %dot_general3A_273, %add3A_279 : vector<1000x128xf32>
      %get3A_281 = arith.constant 0 : index
      %get3A_282 = arith.constant 0 : index
      %get3A_283 = arith.constant 0 : index
      %get3A_284 = arith.constant 0 : index
      %get3A_285 = vector.load %arg10[%get3A_281, %get3A_282, %get3A_283, %get3A_284] : memref<3x3x128x128xf32, #tpu.memory_space<vmem>>, vector<1x1x128x128xf32>
      %get3A_286 = vector.shape_cast %get3A_285 : vector<1x1x128x128xf32> to vector<128x128xf32>
      %dot_general3A_287 = arith.constant dense<0.000000e+00> : vector<1000x128xf32>
      %dot_general3A_288 = tpu.matmul %get3A_256, %get3A_286, %dot_general3A_287 {dimension_numbers = #tpu.dot_dimension_numbers<[1], [0], [0], [1], [0, 0, 1, 1], [], []>, transpose_lhs_hint = false} : vector<1000x128xf32>, vector<128x128xf32>, vector<1000x128xf32> -> vector<1000x128xf32>
      %add3A_289 = arith.addf %add3A_280, %dot_general3A_288 : vector<1000x128xf32>
      %get3A_290 = arith.constant 0 : index
      %get3A_291 = arith.constant 1 : index
      %get3A_292 = arith.constant 0 : index
      %get3A_293 = arith.constant 0 : index
      %get3A_294 = vector.load %arg10[%get3A_290, %get3A_291, %get3A_292, %get3A_293] : memref<3x3x128x128xf32, #tpu.memory_space<vmem>>, vector<1x1x128x128xf32>
      %get3A_295 = vector.shape_cast %get3A_294 : vector<1x1x128x128xf32> to vector<128x128xf32>
      %dot_general3A_296 = arith.constant dense<0.000000e+00> : vector<1000x128xf32>
      %dot_general3A_297 = tpu.matmul %get3A_261, %get3A_295, %dot_general3A_296 {dimension_numbers = #tpu.dot_dimension_numbers<[1], [0], [0], [1], [0, 0, 1, 1], [], []>, transpose_lhs_hint = false} : vector<1000x128xf32>, vector<128x128xf32>, vector<1000x128xf32> -> vector<1000x128xf32>
      %add3A_298 = arith.addf %add3A_289, %dot_general3A_297 : vector<1000x128xf32>
      %get3A_299 = arith.constant 0 : index
      %get3A_300 = arith.constant 2 : index
      %get3A_301 = arith.constant 0 : index
      %get3A_302 = arith.constant 0 : index
      %get3A_303 = vector.load %arg10[%get3A_299, %get3A_300, %get3A_301, %get3A_302] : memref<3x3x128x128xf32, #tpu.memory_space<vmem>>, vector<1x1x128x128xf32>
      %get3A_304 = vector.shape_cast %get3A_303 : vector<1x1x128x128xf32> to vector<128x128xf32>
      %dot_general3A_305 = arith.constant dense<0.000000e+00> : vector<1000x128xf32>
      %dot_general3A_306 = tpu.matmul %get3A_266, %get3A_304, %dot_general3A_305 {dimension_numbers = #tpu.dot_dimension_numbers<[1], [0], [0], [1], [0, 0, 1, 1], [], []>, transpose_lhs_hint = false} : vector<1000x128xf32>, vector<128x128xf32>, vector<1000x128xf32> -> vector<1000x128xf32>
      %add3A_307 = arith.addf %add3A_298, %dot_general3A_306 : vector<1000x128xf32>
      %logistic3A_308 = arith.negf %add3A_307 : vector<1000x128xf32>
      %logistic3A_309 = math.exp %logistic3A_308 : vector<1000x128xf32>
      %logistic3A_310 = arith.constant 1.000000e+00 : f32
      %logistic3A_311 = vector.broadcast %logistic3A_310 : f32 to vector<1000x128xf32>
      %logistic3A_312 = arith.addf %logistic3A_311, %logistic3A_309 : vector<1000x128xf32>
      %logistic3A_313 = arith.divf %logistic3A_311, %logistic3A_312 : vector<1000x128xf32>
      %get3A_314 = arith.constant 1 : index
      %get3A_315 = arith.constant 0 : index
      %get3A_316 = arith.constant 0 : index
      %get3A_317 = vector.load %arg8[%get3A_314, %get3A_315, %get3A_316] : memref<3x128x128xf32, #tpu.memory_space<vmem>>, vector<1x128x128xf32>
      %get3A_318 = vector.shape_cast %get3A_317 : vector<1x128x128xf32> to vector<128x128xf32>
      %dot_general3A_319 = arith.constant dense<0.000000e+00> : vector<1000x128xf32>
      %dot_general3A_320 = tpu.matmul %get3A_251, %get3A_318, %dot_general3A_319 {dimension_numbers = #tpu.dot_dimension_numbers<[1], [0], [0], [1], [0, 0, 1, 1], [], []>, transpose_lhs_hint = false} : vector<1000x128xf32>, vector<128x128xf32>, vector<1000x128xf32> -> vector<1000x128xf32>
      %get3A_321 = arith.constant 1 : index
      %get3A_322 = arith.constant 0 : index
      %get3A_323 = arith.constant 0 : index
      %get3A_324 = vector.load %arg9[%get3A_321, %get3A_322, %get3A_323] : memref<3x1x128xf32, #tpu.memory_space<vmem>>, vector<1x1x128xf32>
      %get3A_325 = vector.shape_cast %get3A_324 : vector<1x1x128xf32> to vector<1x128xf32>
      %add3A_326 = vector.broadcast %get3A_325 : vector<1x128xf32> to vector<1000x128xf32>
      %add3A_327 = arith.addf %dot_general3A_320, %add3A_326 : vector<1000x128xf32>
      %get3A_328 = arith.constant 1 : index
      %get3A_329 = arith.constant 0 : index
      %get3A_330 = arith.constant 0 : index
      %get3A_331 = arith.constant 0 : index
      %get3A_332 = vector.load %arg10[%get3A_328, %get3A_329, %get3A_330, %get3A_331] : memref<3x3x128x128xf32, #tpu.memory_space<vmem>>, vector<1x1x128x128xf32>
      %get3A_333 = vector.shape_cast %get3A_332 : vector<1x1x128x128xf32> to vector<128x128xf32>
      %dot_general3A_334 = arith.constant dense<0.000000e+00> : vector<1000x128xf32>
      %dot_general3A_335 = tpu.matmul %get3A_256, %get3A_333, %dot_general3A_334 {dimension_numbers = #tpu.dot_dimension_numbers<[1], [0], [0], [1], [0, 0, 1, 1], [], []>, transpose_lhs_hint = false} : vector<1000x128xf32>, vector<128x128xf32>, vector<1000x128xf32> -> vector<1000x128xf32>
      %add3A_336 = arith.addf %add3A_327, %dot_general3A_335 : vector<1000x128xf32>
      %get3A_337 = arith.constant 1 : index
      %get3A_338 = arith.constant 1 : index
      %get3A_339 = arith.constant 0 : index
      %get3A_340 = arith.constant 0 : index
      %get3A_341 = vector.load %arg10[%get3A_337, %get3A_338, %get3A_339, %get3A_340] : memref<3x3x128x128xf32, #tpu.memory_space<vmem>>, vector<1x1x128x128xf32>
      %get3A_342 = vector.shape_cast %get3A_341 : vector<1x1x128x128xf32> to vector<128x128xf32>
      %dot_general3A_343 = arith.constant dense<0.000000e+00> : vector<1000x128xf32>
      %dot_general3A_344 = tpu.matmul %get3A_261, %get3A_342, %dot_general3A_343 {dimension_numbers = #tpu.dot_dimension_numbers<[1], [0], [0], [1], [0, 0, 1, 1], [], []>, transpose_lhs_hint = false} : vector<1000x128xf32>, vector<128x128xf32>, vector<1000x128xf32> -> vector<1000x128xf32>
      %add3A_345 = arith.addf %add3A_336, %dot_general3A_344 : vector<1000x128xf32>
      %get3A_346 = arith.constant 1 : index
      %get3A_347 = arith.constant 2 : index
      %get3A_348 = arith.constant 0 : index
      %get3A_349 = arith.constant 0 : index
      %get3A_350 = vector.load %arg10[%get3A_346, %get3A_347, %get3A_348, %get3A_349] : memref<3x3x128x128xf32, #tpu.memory_space<vmem>>, vector<1x1x128x128xf32>
      %get3A_351 = vector.shape_cast %get3A_350 : vector<1x1x128x128xf32> to vector<128x128xf32>
      %dot_general3A_352 = arith.constant dense<0.000000e+00> : vector<1000x128xf32>
      %dot_general3A_353 = tpu.matmul %get3A_266, %get3A_351, %dot_general3A_352 {dimension_numbers = #tpu.dot_dimension_numbers<[1], [0], [0], [1], [0, 0, 1, 1], [], []>, transpose_lhs_hint = false} : vector<1000x128xf32>, vector<128x128xf32>, vector<1000x128xf32> -> vector<1000x128xf32>
      %add3A_354 = arith.addf %add3A_345, %dot_general3A_353 : vector<1000x128xf32>
      %logistic3A_355 = arith.negf %add3A_354 : vector<1000x128xf32>
      %logistic3A_356 = math.exp %logistic3A_355 : vector<1000x128xf32>
      %logistic3A_357 = arith.constant 1.000000e+00 : f32
      %logistic3A_358 = vector.broadcast %logistic3A_357 : f32 to vector<1000x128xf32>
      %logistic3A_359 = arith.addf %logistic3A_358, %logistic3A_356 : vector<1000x128xf32>
      %logistic3A_360 = arith.divf %logistic3A_358, %logistic3A_359 : vector<1000x128xf32>
      %get3A_361 = arith.constant 2 : index
      %get3A_362 = arith.constant 0 : index
      %get3A_363 = arith.constant 0 : index
      %get3A_364 = vector.load %arg8[%get3A_361, %get3A_362, %get3A_363] : memref<3x128x128xf32, #tpu.memory_space<vmem>>, vector<1x128x128xf32>
      %get3A_365 = vector.shape_cast %get3A_364 : vector<1x128x128xf32> to vector<128x128xf32>
      %dot_general3A_366 = arith.constant dense<0.000000e+00> : vector<1000x128xf32>
      %dot_general3A_367 = tpu.matmul %get3A_251, %get3A_365, %dot_general3A_366 {dimension_numbers = #tpu.dot_dimension_numbers<[1], [0], [0], [1], [0, 0, 1, 1], [], []>, transpose_lhs_hint = false} : vector<1000x128xf32>, vector<128x128xf32>, vector<1000x128xf32> -> vector<1000x128xf32>
      %get3A_368 = arith.constant 2 : index
      %get3A_369 = arith.constant 0 : index
      %get3A_370 = arith.constant 0 : index
      %get3A_371 = vector.load %arg9[%get3A_368, %get3A_369, %get3A_370] : memref<3x1x128xf32, #tpu.memory_space<vmem>>, vector<1x1x128xf32>
      %get3A_372 = vector.shape_cast %get3A_371 : vector<1x1x128xf32> to vector<1x128xf32>
      %add3A_373 = vector.broadcast %get3A_372 : vector<1x128xf32> to vector<1000x128xf32>
      %add3A_374 = arith.addf %dot_general3A_367, %add3A_373 : vector<1000x128xf32>
      %get3A_375 = arith.constant 2 : index
      %get3A_376 = arith.constant 0 : index
      %get3A_377 = arith.constant 0 : index
      %get3A_378 = arith.constant 0 : index
      %get3A_379 = vector.load %arg10[%get3A_375, %get3A_376, %get3A_377, %get3A_378] : memref<3x3x128x128xf32, #tpu.memory_space<vmem>>, vector<1x1x128x128xf32>
      %get3A_380 = vector.shape_cast %get3A_379 : vector<1x1x128x128xf32> to vector<128x128xf32>
      %dot_general3A_381 = arith.constant dense<0.000000e+00> : vector<1000x128xf32>
      %dot_general3A_382 = tpu.matmul %get3A_256, %get3A_380, %dot_general3A_381 {dimension_numbers = #tpu.dot_dimension_numbers<[1], [0], [0], [1], [0, 0, 1, 1], [], []>, transpose_lhs_hint = false} : vector<1000x128xf32>, vector<128x128xf32>, vector<1000x128xf32> -> vector<1000x128xf32>
      %add3A_383 = arith.addf %add3A_374, %dot_general3A_382 : vector<1000x128xf32>
      %get3A_384 = arith.constant 2 : index
      %get3A_385 = arith.constant 1 : index
      %get3A_386 = arith.constant 0 : index
      %get3A_387 = arith.constant 0 : index
      %get3A_388 = vector.load %arg10[%get3A_384, %get3A_385, %get3A_386, %get3A_387] : memref<3x3x128x128xf32, #tpu.memory_space<vmem>>, vector<1x1x128x128xf32>
      %get3A_389 = vector.shape_cast %get3A_388 : vector<1x1x128x128xf32> to vector<128x128xf32>
      %dot_general3A_390 = arith.constant dense<0.000000e+00> : vector<1000x128xf32>
      %dot_general3A_391 = tpu.matmul %get3A_261, %get3A_389, %dot_general3A_390 {dimension_numbers = #tpu.dot_dimension_numbers<[1], [0], [0], [1], [0, 0, 1, 1], [], []>, transpose_lhs_hint = false} : vector<1000x128xf32>, vector<128x128xf32>, vector<1000x128xf32> -> vector<1000x128xf32>
      %add3A_392 = arith.addf %add3A_383, %dot_general3A_391 : vector<1000x128xf32>
      %get3A_393 = arith.constant 2 : index
      %get3A_394 = arith.constant 2 : index
      %get3A_395 = arith.constant 0 : index
      %get3A_396 = arith.constant 0 : index
      %get3A_397 = vector.load %arg10[%get3A_393, %get3A_394, %get3A_395, %get3A_396] : memref<3x3x128x128xf32, #tpu.memory_space<vmem>>, vector<1x1x128x128xf32>
      %get3A_398 = vector.shape_cast %get3A_397 : vector<1x1x128x128xf32> to vector<128x128xf32>
      %dot_general3A_399 = arith.constant dense<0.000000e+00> : vector<1000x128xf32>
      %dot_general3A_400 = tpu.matmul %get3A_266, %get3A_398, %dot_general3A_399 {dimension_numbers = #tpu.dot_dimension_numbers<[1], [0], [0], [1], [0, 0, 1, 1], [], []>, transpose_lhs_hint = false} : vector<1000x128xf32>, vector<128x128xf32>, vector<1000x128xf32> -> vector<1000x128xf32>
      %add3A_401 = arith.addf %add3A_392, %dot_general3A_400 : vector<1000x128xf32>
      %tanh3A_402 = math.tanh %add3A_401 : vector<1000x128xf32>
      %get3A_403 = arith.constant 0 : index
      %get3A_404 = arith.constant 0 : index
      %get3A_405 = vector.load %arg13[%get3A_403, %get3A_404] : memref<1x128xf32, #tpu.memory_space<vmem>>, vector<1x128xf32>
      %get3A_406 = arith.constant 0 : index
      %get3A_407 = arith.constant 1000 : index
      %get3A_408 = arith.constant 0 : index
      %get3A_409 = vector.load %arg19[%get3A_406, %get3A_407, %get3A_408] : memref<3x10000x128xf32, #tpu.memory_space<vmem>>, vector<1x1000x128xf32>
      %get3A_410 = vector.shape_cast %get3A_409 : vector<1x1000x128xf32> to vector<1000x128xf32>
      %get3A_411 = arith.constant 0 : index
      %get3A_412 = arith.constant 0 : index
      %get3A_413 = arith.constant 0 : index
      %get3A_414 = vector.load %arg12[%get3A_411, %get3A_412, %get3A_413] : memref<3x128x128xf32, #tpu.memory_space<vmem>>, vector<1x128x128xf32>
      %get3A_415 = vector.shape_cast %get3A_414 : vector<1x128x128xf32> to vector<128x128xf32>
      %dot_general3A_416 = arith.constant dense<0.000000e+00> : vector<1000x128xf32>
      %dot_general3A_417 = tpu.matmul %get3A_410, %get3A_415, %dot_general3A_416 {dimension_numbers = #tpu.dot_dimension_numbers<[1], [0], [0], [1], [0, 0, 1, 1], [], []>, transpose_lhs_hint = false} : vector<1000x128xf32>, vector<128x128xf32>, vector<1000x128xf32> -> vector<1000x128xf32>
      %add3A_418 = vector.broadcast %get3A_405 : vector<1x128xf32> to vector<1000x128xf32>
      %add3A_419 = arith.addf %add3A_418, %dot_general3A_417 : vector<1000x128xf32>
      %get3A_420 = arith.constant 1 : index
      %get3A_421 = arith.constant 1000 : index
      %get3A_422 = arith.constant 0 : index
      %get3A_423 = vector.load %arg19[%get3A_420, %get3A_421, %get3A_422] : memref<3x10000x128xf32, #tpu.memory_space<vmem>>, vector<1x1000x128xf32>
      %get3A_424 = vector.shape_cast %get3A_423 : vector<1x1000x128xf32> to vector<1000x128xf32>
      %get3A_425 = arith.constant 1 : index
      %get3A_426 = arith.constant 0 : index
      %get3A_427 = arith.constant 0 : index
      %get3A_428 = vector.load %arg12[%get3A_425, %get3A_426, %get3A_427] : memref<3x128x128xf32, #tpu.memory_space<vmem>>, vector<1x128x128xf32>
      %get3A_429 = vector.shape_cast %get3A_428 : vector<1x128x128xf32> to vector<128x128xf32>
      %dot_general3A_430 = arith.constant dense<0.000000e+00> : vector<1000x128xf32>
      %dot_general3A_431 = tpu.matmul %get3A_424, %get3A_429, %dot_general3A_430 {dimension_numbers = #tpu.dot_dimension_numbers<[1], [0], [0], [1], [0, 0, 1, 1], [], []>, transpose_lhs_hint = false} : vector<1000x128xf32>, vector<128x128xf32>, vector<1000x128xf32> -> vector<1000x128xf32>
      %add3A_432 = arith.addf %add3A_419, %dot_general3A_431 : vector<1000x128xf32>
      %get3A_433 = arith.constant 2 : index
      %get3A_434 = arith.constant 1000 : index
      %get3A_435 = arith.constant 0 : index
      %get3A_436 = vector.load %arg19[%get3A_433, %get3A_434, %get3A_435] : memref<3x10000x128xf32, #tpu.memory_space<vmem>>, vector<1x1000x128xf32>
      %get3A_437 = vector.shape_cast %get3A_436 : vector<1x1000x128xf32> to vector<1000x128xf32>
      %get3A_438 = arith.constant 2 : index
      %get3A_439 = arith.constant 0 : index
      %get3A_440 = arith.constant 0 : index
      %get3A_441 = vector.load %arg12[%get3A_438, %get3A_439, %get3A_440] : memref<3x128x128xf32, #tpu.memory_space<vmem>>, vector<1x128x128xf32>
      %get3A_442 = vector.shape_cast %get3A_441 : vector<1x128x128xf32> to vector<128x128xf32>
      %dot_general3A_443 = arith.constant dense<0.000000e+00> : vector<1000x128xf32>
      %dot_general3A_444 = tpu.matmul %get3A_437, %get3A_442, %dot_general3A_443 {dimension_numbers = #tpu.dot_dimension_numbers<[1], [0], [0], [1], [0, 0, 1, 1], [], []>, transpose_lhs_hint = false} : vector<1000x128xf32>, vector<128x128xf32>, vector<1000x128xf32> -> vector<1000x128xf32>
      %add3A_445 = arith.addf %add3A_432, %dot_general3A_444 : vector<1000x128xf32>
      %mul3A_446 = arith.mulf %logistic3A_313, %tanh3A_402 : vector<1000x128xf32>
      %add3A_447 = arith.addf %mul3A_446, %add3A_445 : vector<1000x128xf32>
      %tanh3A_448 = math.tanh %add3A_447 : vector<1000x128xf32>
      %mul3A_449 = arith.mulf %logistic3A_360, %tanh3A_448 : vector<1000x128xf32>
      %get3A_450 = arith.constant 1000 : index
      %get3A_451 = arith.constant 0 : index
      %get3A_452 = vector.load %arg5[%get3A_450, %get3A_451] : memref<10000x1xi32, #tpu.memory_space<vmem>>, vector<1000x1xi32>
      %eq3A_453 = vector.broadcast %arg0 : i32 to vector<1000x1xi32>
      %eq3A_454 = arith.cmpi eq, %get3A_452, %eq3A_453 : vector<1000x1xi32>
      %get3A_455 = arith.constant 1000 : index
      %get3A_456 = arith.constant 0 : index
      %get3A_457 = vector.load %arg15[%get3A_455, %get3A_456] : memref<10000x128xf32, #tpu.memory_space<vmem>>, vector<1000x128xf32>
      %broadcast_in_dim3A_458 = vector.shape_cast %eq3A_454 : vector<1000x1xi1> to vector<1000x1xi1>
      %broadcast_in_dim3A_459 = vector.broadcast %broadcast_in_dim3A_458 : vector<1000x1xi1> to vector<1000x128xi1>
      %select_n3A_460 = arith.select %broadcast_in_dim3A_459, %add3A_447, %get3A_457 : vector<1000x128xi1>, vector<1000x128xf32>
      %swap3A_461 = arith.constant 1000 : index
      %swap3A_462 = arith.constant 0 : index
      %swap3A_463 = vector.load %arg15[%swap3A_461, %swap3A_462] : memref<10000x128xf32, #tpu.memory_space<vmem>>, vector<1000x128xf32>
      tpu.vector_store %arg15[%swap3A_461, %swap3A_462], %select_n3A_460 {strides = array<i32>} : memref<10000x128xf32, #tpu.memory_space<vmem>>, vector<1000x128xf32>,
      %get3A_464 = arith.constant 1000 : index
      %get3A_465 = arith.constant 0 : index
      %get3A_466 = vector.load %arg14[%get3A_464, %get3A_465] : memref<10000x128xf32, #tpu.memory_space<vmem>>, vector<1000x128xf32>
      %broadcast_in_dim3A_467 = vector.shape_cast %eq3A_454 : vector<1000x1xi1> to vector<1000x1xi1>
      %broadcast_in_dim3A_468 = vector.broadcast %broadcast_in_dim3A_467 : vector<1000x1xi1> to vector<1000x128xi1>
      %select_n3A_469 = arith.select %broadcast_in_dim3A_468, %mul3A_449, %get3A_466 : vector<1000x128xi1>, vector<1000x128xf32>
      %swap3A_470 = arith.constant 1000 : index
      %swap3A_471 = arith.constant 0 : index
      %swap3A_472 = vector.load %arg14[%swap3A_470, %swap3A_471] : memref<10000x128xf32, #tpu.memory_space<vmem>>, vector<1000x128xf32>
      tpu.vector_store %arg14[%swap3A_470, %swap3A_471], %select_n3A_469 {strides = array<i32>} : memref<10000x128xf32, #tpu.memory_space<vmem>>, vector<1000x128xf32>,
      %get3A_473 = arith.constant 2000 : index
      %get3A_474 = arith.constant 0 : index
      %get3A_475 = vector.load %arg4[%get3A_473, %get3A_474] : memref<10000x128xf32, #tpu.memory_space<vmem>>, vector<1000x128xf32>
      %get3A_476 = arith.constant 0 : index
      %get3A_477 = arith.constant 2000 : index
      %get3A_478 = arith.constant 0 : index
      %get3A_479 = vector.load %arg18[%get3A_476, %get3A_477, %get3A_478] : memref<3x10000x128xf32, #tpu.memory_space<vmem>>, vector<1x1000x128xf32>
      %get3A_480 = vector.shape_cast %get3A_479 : vector<1x1000x128xf32> to vector<1000x128xf32>
      %get3A_481 = arith.constant 1 : index
      %get3A_482 = arith.constant 2000 : index
      %get3A_483 = arith.constant 0 : index
      %get3A_484 = vector.load %arg18[%get3A_481, %get3A_482, %get3A_483] : memref<3x10000x128xf32, #tpu.memory_space<vmem>>, vector<1x1000x128xf32>
      %get3A_485 = vector.shape_cast %get3A_484 : vector<1x1000x128xf32> to vector<1000x128xf32>
      %get3A_486 = arith.constant 2 : index
      %get3A_487 = arith.constant 2000 : index
      %get3A_488 = arith.constant 0 : index
      %get3A_489 = vector.load %arg18[%get3A_486, %get3A_487, %get3A_488] : memref<3x10000x128xf32, #tpu.memory_space<vmem>>, vector<1x1000x128xf32>
      %get3A_490 = vector.shape_cast %get3A_489 : vector<1x1000x128xf32> to vector<1000x128xf32>
      %get3A_491 = arith.constant 0 : index
      %get3A_492 = arith.constant 0 : index
      %get3A_493 = arith.constant 0 : index
      %get3A_494 = vector.load %arg8[%get3A_491, %get3A_492, %get3A_493] : memref<3x128x128xf32, #tpu.memory_space<vmem>>, vector<1x128x128xf32>
      %get3A_495 = vector.shape_cast %get3A_494 : vector<1x128x128xf32> to vector<128x128xf32>
      %dot_general3A_496 = arith.constant dense<0.000000e+00> : vector<1000x128xf32>
      %dot_general3A_497 = tpu.matmul %get3A_475, %get3A_495, %dot_general3A_496 {dimension_numbers = #tpu.dot_dimension_numbers<[1], [0], [0], [1], [0, 0, 1, 1], [], []>, transpose_lhs_hint = false} : vector<1000x128xf32>, vector<128x128xf32>, vector<1000x128xf32> -> vector<1000x128xf32>
      %get3A_498 = arith.constant 0 : index
      %get3A_499 = arith.constant 0 : index
      %get3A_500 = arith.constant 0 : index
      %get3A_501 = vector.load %arg9[%get3A_498, %get3A_499, %get3A_500] : memref<3x1x128xf32, #tpu.memory_space<vmem>>, vector<1x1x128xf32>
      %get3A_502 = vector.shape_cast %get3A_501 : vector<1x1x128xf32> to vector<1x128xf32>
      %add3A_503 = vector.broadcast %get3A_502 : vector<1x128xf32> to vector<1000x128xf32>
      %add3A_504 = arith.addf %dot_general3A_497, %add3A_503 : vector<1000x128xf32>
      %get3A_505 = arith.constant 0 : index
      %get3A_506 = arith.constant 0 : index
      %get3A_507 = arith.constant 0 : index
      %get3A_508 = arith.constant 0 : index
      %get3A_509 = vector.load %arg10[%get3A_505, %get3A_506, %get3A_507, %get3A_508] : memref<3x3x128x128xf32, #tpu.memory_space<vmem>>, vector<1x1x128x128xf32>
      %get3A_510 = vector.shape_cast %get3A_509 : vector<1x1x128x128xf32> to vector<128x128xf32>
      %dot_general3A_511 = arith.constant dense<0.000000e+00> : vector<1000x128xf32>
      %dot_general3A_512 = tpu.matmul %get3A_480, %get3A_510, %dot_general3A_511 {dimension_numbers = #tpu.dot_dimension_numbers<[1], [0], [0], [1], [0, 0, 1, 1], [], []>, transpose_lhs_hint = false} : vector<1000x128xf32>, vector<128x128xf32>, vector<1000x128xf32> -> vector<1000x128xf32>
      %add3A_513 = arith.addf %add3A_504, %dot_general3A_512 : vector<1000x128xf32>
      %get3A_514 = arith.constant 0 : index
      %get3A_515 = arith.constant 1 : index
      %get3A_516 = arith.constant 0 : index
      %get3A_517 = arith.constant 0 : index
      %get3A_518 = vector.load %arg10[%get3A_514, %get3A_515, %get3A_516, %get3A_517] : memref<3x3x128x128xf32, #tpu.memory_space<vmem>>, vector<1x1x128x128xf32>
      %get3A_519 = vector.shape_cast %get3A_518 : vector<1x1x128x128xf32> to vector<128x128xf32>
      %dot_general3A_520 = arith.constant dense<0.000000e+00> : vector<1000x128xf32>
      %dot_general3A_521 = tpu.matmul %get3A_485, %get3A_519, %dot_general3A_520 {dimension_numbers = #tpu.dot_dimension_numbers<[1], [0], [0], [1], [0, 0, 1, 1], [], []>, transpose_lhs_hint = false} : vector<1000x128xf32>, vector<128x128xf32>, vector<1000x128xf32> -> vector<1000x128xf32>
      %add3A_522 = arith.addf %add3A_513, %dot_general3A_521 : vector<1000x128xf32>
      %get3A_523 = arith.constant 0 : index
      %get3A_524 = arith.constant 2 : index
      %get3A_525 = arith.constant 0 : index
      %get3A_526 = arith.constant 0 : index
      %get3A_527 = vector.load %arg10[%get3A_523, %get3A_524, %get3A_525, %get3A_526] : memref<3x3x128x128xf32, #tpu.memory_space<vmem>>, vector<1x1x128x128xf32>
      %get3A_528 = vector.shape_cast %get3A_527 : vector<1x1x128x128xf32> to vector<128x128xf32>
      %dot_general3A_529 = arith.constant dense<0.000000e+00> : vector<1000x128xf32>
      %dot_general3A_530 = tpu.matmul %get3A_490, %get3A_528, %dot_general3A_529 {dimension_numbers = #tpu.dot_dimension_numbers<[1], [0], [0], [1], [0, 0, 1, 1], [], []>, transpose_lhs_hint = false} : vector<1000x128xf32>, vector<128x128xf32>, vector<1000x128xf32> -> vector<1000x128xf32>
      %add3A_531 = arith.addf %add3A_522, %dot_general3A_530 : vector<1000x128xf32>
      %logistic3A_532 = arith.negf %add3A_531 : vector<1000x128xf32>
      %logistic3A_533 = math.exp %logistic3A_532 : vector<1000x128xf32>
      %logistic3A_534 = arith.constant 1.000000e+00 : f32
      %logistic3A_535 = vector.broadcast %logistic3A_534 : f32 to vector<1000x128xf32>
      %logistic3A_536 = arith.addf %logistic3A_535, %logistic3A_533 : vector<1000x128xf32>
      %logistic3A_537 = arith.divf %logistic3A_535, %logistic3A_536 : vector<1000x128xf32>
      %get3A_538 = arith.constant 1 : index
      %get3A_539 = arith.constant 0 : index
      %get3A_540 = arith.constant 0 : index
      %get3A_541 = vector.load %arg8[%get3A_538, %get3A_539, %get3A_540] : memref<3x128x128xf32, #tpu.memory_space<vmem>>, vector<1x128x128xf32>
      %get3A_542 = vector.shape_cast %get3A_541 : vector<1x128x128xf32> to vector<128x128xf32>
      %dot_general3A_543 = arith.constant dense<0.000000e+00> : vector<1000x128xf32>
      %dot_general3A_544 = tpu.matmul %get3A_475, %get3A_542, %dot_general3A_543 {dimension_numbers = #tpu.dot_dimension_numbers<[1], [0], [0], [1], [0, 0, 1, 1], [], []>, transpose_lhs_hint = false} : vector<1000x128xf32>, vector<128x128xf32>, vector<1000x128xf32> -> vector<1000x128xf32>
      %get3A_545 = arith.constant 1 : index
      %get3A_546 = arith.constant 0 : index
      %get3A_547 = arith.constant 0 : index
      %get3A_548 = vector.load %arg9[%get3A_545, %get3A_546, %get3A_547] : memref<3x1x128xf32, #tpu.memory_space<vmem>>, vector<1x1x128xf32>
      %get3A_549 = vector.shape_cast %get3A_548 : vector<1x1x128xf32> to vector<1x128xf32>
      %add3A_550 = vector.broadcast %get3A_549 : vector<1x128xf32> to vector<1000x128xf32>
      %add3A_551 = arith.addf %dot_general3A_544, %add3A_550 : vector<1000x128xf32>
      %get3A_552 = arith.constant 1 : index
      %get3A_553 = arith.constant 0 : index
      %get3A_554 = arith.constant 0 : index
      %get3A_555 = arith.constant 0 : index
      %get3A_556 = vector.load %arg10[%get3A_552, %get3A_553, %get3A_554, %get3A_555] : memref<3x3x128x128xf32, #tpu.memory_space<vmem>>, vector<1x1x128x128xf32>
      %get3A_557 = vector.shape_cast %get3A_556 : vector<1x1x128x128xf32> to vector<128x128xf32>
      %dot_general3A_558 = arith.constant dense<0.000000e+00> : vector<1000x128xf32>
      %dot_general3A_559 = tpu.matmul %get3A_480, %get3A_557, %dot_general3A_558 {dimension_numbers = #tpu.dot_dimension_numbers<[1], [0], [0], [1], [0, 0, 1, 1], [], []>, transpose_lhs_hint = false} : vector<1000x128xf32>, vector<128x128xf32>, vector<1000x128xf32> -> vector<1000x128xf32>
      %add3A_560 = arith.addf %add3A_551, %dot_general3A_559 : vector<1000x128xf32>
      %get3A_561 = arith.constant 1 : index
      %get3A_562 = arith.constant 1 : index
      %get3A_563 = arith.constant 0 : index
      %get3A_564 = arith.constant 0 : index
      %get3A_565 = vector.load %arg10[%get3A_561, %get3A_562, %get3A_563, %get3A_564] : memref<3x3x128x128xf32, #tpu.memory_space<vmem>>, vector<1x1x128x128xf32>
      %get3A_566 = vector.shape_cast %get3A_565 : vector<1x1x128x128xf32> to vector<128x128xf32>
      %dot_general3A_567 = arith.constant dense<0.000000e+00> : vector<1000x128xf32>
      %dot_general3A_568 = tpu.matmul %get3A_485, %get3A_566, %dot_general3A_567 {dimension_numbers = #tpu.dot_dimension_numbers<[1], [0], [0], [1], [0, 0, 1, 1], [], []>, transpose_lhs_hint = false} : vector<1000x128xf32>, vector<128x128xf32>, vector<1000x128xf32> -> vector<1000x128xf32>
      %add3A_569 = arith.addf %add3A_560, %dot_general3A_568 : vector<1000x128xf32>
      %get3A_570 = arith.constant 1 : index
      %get3A_571 = arith.constant 2 : index
      %get3A_572 = arith.constant 0 : index
      %get3A_573 = arith.constant 0 : index
      %get3A_574 = vector.load %arg10[%get3A_570, %get3A_571, %get3A_572, %get3A_573] : memref<3x3x128x128xf32, #tpu.memory_space<vmem>>, vector<1x1x128x128xf32>
      %get3A_575 = vector.shape_cast %get3A_574 : vector<1x1x128x128xf32> to vector<128x128xf32>
      %dot_general3A_576 = arith.constant dense<0.000000e+00> : vector<1000x128xf32>
      %dot_general3A_577 = tpu.matmul %get3A_490, %get3A_575, %dot_general3A_576 {dimension_numbers = #tpu.dot_dimension_numbers<[1], [0], [0], [1], [0, 0, 1, 1], [], []>, transpose_lhs_hint = false} : vector<1000x128xf32>, vector<128x128xf32>, vector<1000x128xf32> -> vector<1000x128xf32>
      %add3A_578 = arith.addf %add3A_569, %dot_general3A_577 : vector<1000x128xf32>
      %logistic3A_579 = arith.negf %add3A_578 : vector<1000x128xf32>
      %logistic3A_580 = math.exp %logistic3A_579 : vector<1000x128xf32>
      %logistic3A_581 = arith.constant 1.000000e+00 : f32
      %logistic3A_582 = vector.broadcast %logistic3A_581 : f32 to vector<1000x128xf32>
      %logistic3A_583 = arith.addf %logistic3A_582, %logistic3A_580 : vector<1000x128xf32>
      %logistic3A_584 = arith.divf %logistic3A_582, %logistic3A_583 : vector<1000x128xf32>
      %get3A_585 = arith.constant 2 : index
      %get3A_586 = arith.constant 0 : index
      %get3A_587 = arith.constant 0 : index
      %get3A_588 = vector.load %arg8[%get3A_585, %get3A_586, %get3A_587] : memref<3x128x128xf32, #tpu.memory_space<vmem>>, vector<1x128x128xf32>
      %get3A_589 = vector.shape_cast %get3A_588 : vector<1x128x128xf32> to vector<128x128xf32>
      %dot_general3A_590 = arith.constant dense<0.000000e+00> : vector<1000x128xf32>
      %dot_general3A_591 = tpu.matmul %get3A_475, %get3A_589, %dot_general3A_590 {dimension_numbers = #tpu.dot_dimension_numbers<[1], [0], [0], [1], [0, 0, 1, 1], [], []>, transpose_lhs_hint = false} : vector<1000x128xf32>, vector<128x128xf32>, vector<1000x128xf32> -> vector<1000x128xf32>
      %get3A_592 = arith.constant 2 : index
      %get3A_593 = arith.constant 0 : index
      %get3A_594 = arith.constant 0 : index
      %get3A_595 = vector.load %arg9[%get3A_592, %get3A_593, %get3A_594] : memref<3x1x128xf32, #tpu.memory_space<vmem>>, vector<1x1x128xf32>
      %get3A_596 = vector.shape_cast %get3A_595 : vector<1x1x128xf32> to vector<1x128xf32>
      %add3A_597 = vector.broadcast %get3A_596 : vector<1x128xf32> to vector<1000x128xf32>
      %add3A_598 = arith.addf %dot_general3A_591, %add3A_597 : vector<1000x128xf32>
      %get3A_599 = arith.constant 2 : index
      %get3A_600 = arith.constant 0 : index
      %get3A_601 = arith.constant 0 : index
      %get3A_602 = arith.constant 0 : index
      %get3A_603 = vector.load %arg10[%get3A_599, %get3A_600, %get3A_601, %get3A_602] : memref<3x3x128x128xf32, #tpu.memory_space<vmem>>, vector<1x1x128x128xf32>
      %get3A_604 = vector.shape_cast %get3A_603 : vector<1x1x128x128xf32> to vector<128x128xf32>
      %dot_general3A_605 = arith.constant dense<0.000000e+00> : vector<1000x128xf32>
      %dot_general3A_606 = tpu.matmul %get3A_480, %get3A_604, %dot_general3A_605 {dimension_numbers = #tpu.dot_dimension_numbers<[1], [0], [0], [1], [0, 0, 1, 1], [], []>, transpose_lhs_hint = false} : vector<1000x128xf32>, vector<128x128xf32>, vector<1000x128xf32> -> vector<1000x128xf32>
      %add3A_607 = arith.addf %add3A_598, %dot_general3A_606 : vector<1000x128xf32>
      %get3A_608 = arith.constant 2 : index
      %get3A_609 = arith.constant 1 : index
      %get3A_610 = arith.constant 0 : index
      %get3A_611 = arith.constant 0 : index
      %get3A_612 = vector.load %arg10[%get3A_608, %get3A_609, %get3A_610, %get3A_611] : memref<3x3x128x128xf32, #tpu.memory_space<vmem>>, vector<1x1x128x128xf32>
      %get3A_613 = vector.shape_cast %get3A_612 : vector<1x1x128x128xf32> to vector<128x128xf32>
      %dot_general3A_614 = arith.constant dense<0.000000e+00> : vector<1000x128xf32>
      %dot_general3A_615 = tpu.matmul %get3A_485, %get3A_613, %dot_general3A_614 {dimension_numbers = #tpu.dot_dimension_numbers<[1], [0], [0], [1], [0, 0, 1, 1], [], []>, transpose_lhs_hint = false} : vector<1000x128xf32>, vector<128x128xf32>, vector<1000x128xf32> -> vector<1000x128xf32>
      %add3A_616 = arith.addf %add3A_607, %dot_general3A_615 : vector<1000x128xf32>
      %get3A_617 = arith.constant 2 : index
      %get3A_618 = arith.constant 2 : index
      %get3A_619 = arith.constant 0 : index
      %get3A_620 = arith.constant 0 : index
      %get3A_621 = vector.load %arg10[%get3A_617, %get3A_618, %get3A_619, %get3A_620] : memref<3x3x128x128xf32, #tpu.memory_space<vmem>>, vector<1x1x128x128xf32>
      %get3A_622 = vector.shape_cast %get3A_621 : vector<1x1x128x128xf32> to vector<128x128xf32>
      %dot_general3A_623 = arith.constant dense<0.000000e+00> : vector<1000x128xf32>
      %dot_general3A_624 = tpu.matmul %get3A_490, %get3A_622, %dot_general3A_623 {dimension_numbers = #tpu.dot_dimension_numbers<[1], [0], [0], [1], [0, 0, 1, 1], [], []>, transpose_lhs_hint = false} : vector<1000x128xf32>, vector<128x128xf32>, vector<1000x128xf32> -> vector<1000x128xf32>
      %add3A_625 = arith.addf %add3A_616, %dot_general3A_624 : vector<1000x128xf32>
      %tanh3A_626 = math.tanh %add3A_625 : vector<1000x128xf32>
      %get3A_627 = arith.constant 0 : index
      %get3A_628 = arith.constant 0 : index
      %get3A_629 = vector.load %arg13[%get3A_627, %get3A_628] : memref<1x128xf32, #tpu.memory_space<vmem>>, vector<1x128xf32>
      %get3A_630 = arith.constant 0 : index
      %get3A_631 = arith.constant 2000 : index
      %get3A_632 = arith.constant 0 : index
      %get3A_633 = vector.load %arg19[%get3A_630, %get3A_631, %get3A_632] : memref<3x10000x128xf32, #tpu.memory_space<vmem>>, vector<1x1000x128xf32>
      %get3A_634 = vector.shape_cast %get3A_633 : vector<1x1000x128xf32> to vector<1000x128xf32>
      %get3A_635 = arith.constant 0 : index
      %get3A_636 = arith.constant 0 : index
      %get3A_637 = arith.constant 0 : index
      %get3A_638 = vector.load %arg12[%get3A_635, %get3A_636, %get3A_637] : memref<3x128x128xf32, #tpu.memory_space<vmem>>, vector<1x128x128xf32>
      %get3A_639 = vector.shape_cast %get3A_638 : vector<1x128x128xf32> to vector<128x128xf32>
      %dot_general3A_640 = arith.constant dense<0.000000e+00> : vector<1000x128xf32>
      %dot_general3A_641 = tpu.matmul %get3A_634, %get3A_639, %dot_general3A_640 {dimension_numbers = #tpu.dot_dimension_numbers<[1], [0], [0], [1], [0, 0, 1, 1], [], []>, transpose_lhs_hint = false} : vector<1000x128xf32>, vector<128x128xf32>, vector<1000x128xf32> -> vector<1000x128xf32>
      %add3A_642 = vector.broadcast %get3A_629 : vector<1x128xf32> to vector<1000x128xf32>
      %add3A_643 = arith.addf %add3A_642, %dot_general3A_641 : vector<1000x128xf32>
      %get3A_644 = arith.constant 1 : index
      %get3A_645 = arith.constant 2000 : index
      %get3A_646 = arith.constant 0 : index
      %get3A_647 = vector.load %arg19[%get3A_644, %get3A_645, %get3A_646] : memref<3x10000x128xf32, #tpu.memory_space<vmem>>, vector<1x1000x128xf32>
      %get3A_648 = vector.shape_cast %get3A_647 : vector<1x1000x128xf32> to vector<1000x128xf32>
      %get3A_649 = arith.constant 1 : index
      %get3A_650 = arith.constant 0 : index
      %get3A_651 = arith.constant 0 : index
      %get3A_652 = vector.load %arg12[%get3A_649, %get3A_650, %get3A_651] : memref<3x128x128xf32, #tpu.memory_space<vmem>>, vector<1x128x128xf32>
      %get3A_653 = vector.shape_cast %get3A_652 : vector<1x128x128xf32> to vector<128x128xf32>
      %dot_general3A_654 = arith.constant dense<0.000000e+00> : vector<1000x128xf32>
      %dot_general3A_655 = tpu.matmul %get3A_648, %get3A_653, %dot_general3A_654 {dimension_numbers = #tpu.dot_dimension_numbers<[1], [0], [0], [1], [0, 0, 1, 1], [], []>, transpose_lhs_hint = false} : vector<1000x128xf32>, vector<128x128xf32>, vector<1000x128xf32> -> vector<1000x128xf32>
      %add3A_656 = arith.addf %add3A_643, %dot_general3A_655 : vector<1000x128xf32>
      %get3A_657 = arith.constant 2 : index
      %get3A_658 = arith.constant 2000 : index
      %get3A_659 = arith.constant 0 : index
      %get3A_660 = vector.load %arg19[%get3A_657, %get3A_658, %get3A_659] : memref<3x10000x128xf32, #tpu.memory_space<vmem>>, vector<1x1000x128xf32>
      %get3A_661 = vector.shape_cast %get3A_660 : vector<1x1000x128xf32> to vector<1000x128xf32>
      %get3A_662 = arith.constant 2 : index
      %get3A_663 = arith.constant 0 : index
      %get3A_664 = arith.constant 0 : index
      %get3A_665 = vector.load %arg12[%get3A_662, %get3A_663, %get3A_664] : memref<3x128x128xf32, #tpu.memory_space<vmem>>, vector<1x128x128xf32>
      %get3A_666 = vector.shape_cast %get3A_665 : vector<1x128x128xf32> to vector<128x128xf32>
      %dot_general3A_667 = arith.constant dense<0.000000e+00> : vector<1000x128xf32>
      %dot_general3A_668 = tpu.matmul %get3A_661, %get3A_666, %dot_general3A_667 {dimension_numbers = #tpu.dot_dimension_numbers<[1], [0], [0], [1], [0, 0, 1, 1], [], []>, transpose_lhs_hint = false} : vector<1000x128xf32>, vector<128x128xf32>, vector<1000x128xf32> -> vector<1000x128xf32>
      %add3A_669 = arith.addf %add3A_656, %dot_general3A_668 : vector<1000x128xf32>
      %mul3A_670 = arith.mulf %logistic3A_537, %tanh3A_626 : vector<1000x128xf32>
      %add3A_671 = arith.addf %mul3A_670, %add3A_669 : vector<1000x128xf32>
      %tanh3A_672 = math.tanh %add3A_671 : vector<1000x128xf32>
      %mul3A_673 = arith.mulf %logistic3A_584, %tanh3A_672 : vector<1000x128xf32>
      %get3A_674 = arith.constant 2000 : index
      %get3A_675 = arith.constant 0 : index
      %get3A_676 = vector.load %arg5[%get3A_674, %get3A_675] : memref<10000x1xi32, #tpu.memory_space<vmem>>, vector<1000x1xi32>
      %eq3A_677 = vector.broadcast %arg0 : i32 to vector<1000x1xi32>
      %eq3A_678 = arith.cmpi eq, %get3A_676, %eq3A_677 : vector<1000x1xi32>
      %get3A_679 = arith.constant 2000 : index
      %get3A_680 = arith.constant 0 : index
      %get3A_681 = vector.load %arg15[%get3A_679, %get3A_680] : memref<10000x128xf32, #tpu.memory_space<vmem>>, vector<1000x128xf32>
      %broadcast_in_dim3A_682 = vector.shape_cast %eq3A_678 : vector<1000x1xi1> to vector<1000x1xi1>
      %broadcast_in_dim3A_683 = vector.broadcast %broadcast_in_dim3A_682 : vector<1000x1xi1> to vector<1000x128xi1>
      %select_n3A_684 = arith.select %broadcast_in_dim3A_683, %add3A_671, %get3A_681 : vector<1000x128xi1>, vector<1000x128xf32>
      %swap3A_685 = arith.constant 2000 : index
      %swap3A_686 = arith.constant 0 : index
      %swap3A_687 = vector.load %arg15[%swap3A_685, %swap3A_686] : memref<10000x128xf32, #tpu.memory_space<vmem>>, vector<1000x128xf32>
      tpu.vector_store %arg15[%swap3A_685, %swap3A_686], %select_n3A_684 {strides = array<i32>} : memref<10000x128xf32, #tpu.memory_space<vmem>>, vector<1000x128xf32>,
      %get3A_688 = arith.constant 2000 : index
      %get3A_689 = arith.constant 0 : index
      %get3A_690 = vector.load %arg14[%get3A_688, %get3A_689] : memref<10000x128xf32, #tpu.memory_space<vmem>>, vector<1000x128xf32>
      %broadcast_in_dim3A_691 = vector.shape_cast %eq3A_678 : vector<1000x1xi1> to vector<1000x1xi1>
      %broadcast_in_dim3A_692 = vector.broadcast %broadcast_in_dim3A_691 : vector<1000x1xi1> to vector<1000x128xi1>
      %select_n3A_693 = arith.select %broadcast_in_dim3A_692, %mul3A_673, %get3A_690 : vector<1000x128xi1>, vector<1000x128xf32>
      %swap3A_694 = arith.constant 2000 : index
      %swap3A_695 = arith.constant 0 : index
      %swap3A_696 = vector.load %arg14[%swap3A_694, %swap3A_695] : memref<10000x128xf32, #tpu.memory_space<vmem>>, vector<1000x128xf32>
      tpu.vector_store %arg14[%swap3A_694, %swap3A_695], %select_n3A_693 {strides = array<i32>} : memref<10000x128xf32, #tpu.memory_space<vmem>>, vector<1000x128xf32>,
      %get3A_697 = arith.constant 3000 : index
      %get3A_698 = arith.constant 0 : index
      %get3A_699 = vector.load %arg4[%get3A_697, %get3A_698] : memref<10000x128xf32, #tpu.memory_space<vmem>>, vector<1000x128xf32>
      %get3A_700 = arith.constant 0 : index
      %get3A_701 = arith.constant 3000 : index
      %get3A_702 = arith.constant 0 : index
      %get3A_703 = vector.load %arg18[%get3A_700, %get3A_701, %get3A_702] : memref<3x10000x128xf32, #tpu.memory_space<vmem>>, vector<1x1000x128xf32>
      %get3A_704 = vector.shape_cast %get3A_703 : vector<1x1000x128xf32> to vector<1000x128xf32>
      %get3A_705 = arith.constant 1 : index
      %get3A_706 = arith.constant 3000 : index
      %get3A_707 = arith.constant 0 : index
      %get3A_708 = vector.load %arg18[%get3A_705, %get3A_706, %get3A_707] : memref<3x10000x128xf32, #tpu.memory_space<vmem>>, vector<1x1000x128xf32>
      %get3A_709 = vector.shape_cast %get3A_708 : vector<1x1000x128xf32> to vector<1000x128xf32>
      %get3A_710 = arith.constant 2 : index
      %get3A_711 = arith.constant 3000 : index
      %get3A_712 = arith.constant 0 : index
      %get3A_713 = vector.load %arg18[%get3A_710, %get3A_711, %get3A_712] : memref<3x10000x128xf32, #tpu.memory_space<vmem>>, vector<1x1000x128xf32>
      %get3A_714 = vector.shape_cast %get3A_713 : vector<1x1000x128xf32> to vector<1000x128xf32>
      %get3A_715 = arith.constant 0 : index
      %get3A_716 = arith.constant 0 : index
      %get3A_717 = arith.constant 0 : index
      %get3A_718 = vector.load %arg8[%get3A_715, %get3A_716, %get3A_717] : memref<3x128x128xf32, #tpu.memory_space<vmem>>, vector<1x128x128xf32>
      %get3A_719 = vector.shape_cast %get3A_718 : vector<1x128x128xf32> to vector<128x128xf32>
      %dot_general3A_720 = arith.constant dense<0.000000e+00> : vector<1000x128xf32>
      %dot_general3A_721 = tpu.matmul %get3A_699, %get3A_719, %dot_general3A_720 {dimension_numbers = #tpu.dot_dimension_numbers<[1], [0], [0], [1], [0, 0, 1, 1], [], []>, transpose_lhs_hint = false} : vector<1000x128xf32>, vector<128x128xf32>, vector<1000x128xf32> -> vector<1000x128xf32>
      %get3A_722 = arith.constant 0 : index
      %get3A_723 = arith.constant 0 : index
      %get3A_724 = arith.constant 0 : index
      %get3A_725 = vector.load %arg9[%get3A_722, %get3A_723, %get3A_724] : memref<3x1x128xf32, #tpu.memory_space<vmem>>, vector<1x1x128xf32>
      %get3A_726 = vector.shape_cast %get3A_725 : vector<1x1x128xf32> to vector<1x128xf32>
      %add3A_727 = vector.broadcast %get3A_726 : vector<1x128xf32> to vector<1000x128xf32>
      %add3A_728 = arith.addf %dot_general3A_721, %add3A_727 : vector<1000x128xf32>
      %get3A_729 = arith.constant 0 : index
      %get3A_730 = arith.constant 0 : index
      %get3A_731 = arith.constant 0 : index
      %get3A_732 = arith.constant 0 : index
      %get3A_733 = vector.load %arg10[%get3A_729, %get3A_730, %get3A_731, %get3A_732] : memref<3x3x128x128xf32, #tpu.memory_space<vmem>>, vector<1x1x128x128xf32>
      %get3A_734 = vector.shape_cast %get3A_733 : vector<1x1x128x128xf32> to vector<128x128xf32>
      %dot_general3A_735 = arith.constant dense<0.000000e+00> : vector<1000x128xf32>
      %dot_general3A_736 = tpu.matmul %get3A_704, %get3A_734, %dot_general3A_735 {dimension_numbers = #tpu.dot_dimension_numbers<[1], [0], [0], [1], [0, 0, 1, 1], [], []>, transpose_lhs_hint = false} : vector<1000x128xf32>, vector<128x128xf32>, vector<1000x128xf32> -> vector<1000x128xf32>
      %add3A_737 = arith.addf %add3A_728, %dot_general3A_736 : vector<1000x128xf32>
      %get3A_738 = arith.constant 0 : index
      %get3A_739 = arith.constant 1 : index
      %get3A_740 = arith.constant 0 : index
      %get3A_741 = arith.constant 0 : index
      %get3A_742 = vector.load %arg10[%get3A_738, %get3A_739, %get3A_740, %get3A_741] : memref<3x3x128x128xf32, #tpu.memory_space<vmem>>, vector<1x1x128x128xf32>
      %get3A_743 = vector.shape_cast %get3A_742 : vector<1x1x128x128xf32> to vector<128x128xf32>
      %dot_general3A_744 = arith.constant dense<0.000000e+00> : vector<1000x128xf32>
      %dot_general3A_745 = tpu.matmul %get3A_709, %get3A_743, %dot_general3A_744 {dimension_numbers = #tpu.dot_dimension_numbers<[1], [0], [0], [1], [0, 0, 1, 1], [], []>, transpose_lhs_hint = false} : vector<1000x128xf32>, vector<128x128xf32>, vector<1000x128xf32> -> vector<1000x128xf32>
      %add3A_746 = arith.addf %add3A_737, %dot_general3A_745 : vector<1000x128xf32>
      %get3A_747 = arith.constant 0 : index
      %get3A_748 = arith.constant 2 : index
      %get3A_749 = arith.constant 0 : index
      %get3A_750 = arith.constant 0 : index
      %get3A_751 = vector.load %arg10[%get3A_747, %get3A_748, %get3A_749, %get3A_750] : memref<3x3x128x128xf32, #tpu.memory_space<vmem>>, vector<1x1x128x128xf32>
      %get3A_752 = vector.shape_cast %get3A_751 : vector<1x1x128x128xf32> to vector<128x128xf32>
      %dot_general3A_753 = arith.constant dense<0.000000e+00> : vector<1000x128xf32>
      %dot_general3A_754 = tpu.matmul %get3A_714, %get3A_752, %dot_general3A_753 {dimension_numbers = #tpu.dot_dimension_numbers<[1], [0], [0], [1], [0, 0, 1, 1], [], []>, transpose_lhs_hint = false} : vector<1000x128xf32>, vector<128x128xf32>, vector<1000x128xf32> -> vector<1000x128xf32>
      %add3A_755 = arith.addf %add3A_746, %dot_general3A_754 : vector<1000x128xf32>
      %logistic3A_756 = arith.negf %add3A_755 : vector<1000x128xf32>
      %logistic3A_757 = math.exp %logistic3A_756 : vector<1000x128xf32>
      %logistic3A_758 = arith.constant 1.000000e+00 : f32
      %logistic3A_759 = vector.broadcast %logistic3A_758 : f32 to vector<1000x128xf32>
      %logistic3A_760 = arith.addf %logistic3A_759, %logistic3A_757 : vector<1000x128xf32>
      %logistic3A_761 = arith.divf %logistic3A_759, %logistic3A_760 : vector<1000x128xf32>
      %get3A_762 = arith.constant 1 : index
      %get3A_763 = arith.constant 0 : index
      %get3A_764 = arith.constant 0 : index
      %get3A_765 = vector.load %arg8[%get3A_762, %get3A_763, %get3A_764] : memref<3x128x128xf32, #tpu.memory_space<vmem>>, vector<1x128x128xf32>
      %get3A_766 = vector.shape_cast %get3A_765 : vector<1x128x128xf32> to vector<128x128xf32>
      %dot_general3A_767 = arith.constant dense<0.000000e+00> : vector<1000x128xf32>
      %dot_general3A_768 = tpu.matmul %get3A_699, %get3A_766, %dot_general3A_767 {dimension_numbers = #tpu.dot_dimension_numbers<[1], [0], [0], [1], [0, 0, 1, 1], [], []>, transpose_lhs_hint = false} : vector<1000x128xf32>, vector<128x128xf32>, vector<1000x128xf32> -> vector<1000x128xf32>
      %get3A_769 = arith.constant 1 : index
      %get3A_770 = arith.constant 0 : index
      %get3A_771 = arith.constant 0 : index
      %get3A_772 = vector.load %arg9[%get3A_769, %get3A_770, %get3A_771] : memref<3x1x128xf32, #tpu.memory_space<vmem>>, vector<1x1x128xf32>
      %get3A_773 = vector.shape_cast %get3A_772 : vector<1x1x128xf32> to vector<1x128xf32>
      %add3A_774 = vector.broadcast %get3A_773 : vector<1x128xf32> to vector<1000x128xf32>
      %add3A_775 = arith.addf %dot_general3A_768, %add3A_774 : vector<1000x128xf32>
      %get3A_776 = arith.constant 1 : index
      %get3A_777 = arith.constant 0 : index
      %get3A_778 = arith.constant 0 : index
      %get3A_779 = arith.constant 0 : index
      %get3A_780 = vector.load %arg10[%get3A_776, %get3A_777, %get3A_778, %get3A_779] : memref<3x3x128x128xf32, #tpu.memory_space<vmem>>, vector<1x1x128x128xf32>
      %get3A_781 = vector.shape_cast %get3A_780 : vector<1x1x128x128xf32> to vector<128x128xf32>
      %dot_general3A_782 = arith.constant dense<0.000000e+00> : vector<1000x128xf32>
      %dot_general3A_783 = tpu.matmul %get3A_704, %get3A_781, %dot_general3A_782 {dimension_numbers = #tpu.dot_dimension_numbers<[1], [0], [0], [1], [0, 0, 1, 1], [], []>, transpose_lhs_hint = false} : vector<1000x128xf32>, vector<128x128xf32>, vector<1000x128xf32> -> vector<1000x128xf32>
      %add3A_784 = arith.addf %add3A_775, %dot_general3A_783 : vector<1000x128xf32>
      %get3A_785 = arith.constant 1 : index
      %get3A_786 = arith.constant 1 : index
      %get3A_787 = arith.constant 0 : index
      %get3A_788 = arith.constant 0 : index
      %get3A_789 = vector.load %arg10[%get3A_785, %get3A_786, %get3A_787, %get3A_788] : memref<3x3x128x128xf32, #tpu.memory_space<vmem>>, vector<1x1x128x128xf32>
      %get3A_790 = vector.shape_cast %get3A_789 : vector<1x1x128x128xf32> to vector<128x128xf32>
      %dot_general3A_791 = arith.constant dense<0.000000e+00> : vector<1000x128xf32>
      %dot_general3A_792 = tpu.matmul %get3A_709, %get3A_790, %dot_general3A_791 {dimension_numbers = #tpu.dot_dimension_numbers<[1], [0], [0], [1], [0, 0, 1, 1], [], []>, transpose_lhs_hint = false} : vector<1000x128xf32>, vector<128x128xf32>, vector<1000x128xf32> -> vector<1000x128xf32>
      %add3A_793 = arith.addf %add3A_784, %dot_general3A_792 : vector<1000x128xf32>
      %get3A_794 = arith.constant 1 : index
      %get3A_795 = arith.constant 2 : index
      %get3A_796 = arith.constant 0 : index
      %get3A_797 = arith.constant 0 : index
      %get3A_798 = vector.load %arg10[%get3A_794, %get3A_795, %get3A_796, %get3A_797] : memref<3x3x128x128xf32, #tpu.memory_space<vmem>>, vector<1x1x128x128xf32>
      %get3A_799 = vector.shape_cast %get3A_798 : vector<1x1x128x128xf32> to vector<128x128xf32>
      %dot_general3A_800 = arith.constant dense<0.000000e+00> : vector<1000x128xf32>
      %dot_general3A_801 = tpu.matmul %get3A_714, %get3A_799, %dot_general3A_800 {dimension_numbers = #tpu.dot_dimension_numbers<[1], [0], [0], [1], [0, 0, 1, 1], [], []>, transpose_lhs_hint = false} : vector<1000x128xf32>, vector<128x128xf32>, vector<1000x128xf32> -> vector<1000x128xf32>
      %add3A_802 = arith.addf %add3A_793, %dot_general3A_801 : vector<1000x128xf32>
      %logistic3A_803 = arith.negf %add3A_802 : vector<1000x128xf32>
      %logistic3A_804 = math.exp %logistic3A_803 : vector<1000x128xf32>
      %logistic3A_805 = arith.constant 1.000000e+00 : f32
      %logistic3A_806 = vector.broadcast %logistic3A_805 : f32 to vector<1000x128xf32>
      %logistic3A_807 = arith.addf %logistic3A_806, %logistic3A_804 : vector<1000x128xf32>
      %logistic3A_808 = arith.divf %logistic3A_806, %logistic3A_807 : vector<1000x128xf32>
      %get3A_809 = arith.constant 2 : index
      %get3A_810 = arith.constant 0 : index
      %get3A_811 = arith.constant 0 : index
      %get3A_812 = vector.load %arg8[%get3A_809, %get3A_810, %get3A_811] : memref<3x128x128xf32, #tpu.memory_space<vmem>>, vector<1x128x128xf32>
      %get3A_813 = vector.shape_cast %get3A_812 : vector<1x128x128xf32> to vector<128x128xf32>
      %dot_general3A_814 = arith.constant dense<0.000000e+00> : vector<1000x128xf32>
      %dot_general3A_815 = tpu.matmul %get3A_699, %get3A_813, %dot_general3A_814 {dimension_numbers = #tpu.dot_dimension_numbers<[1], [0], [0], [1], [0, 0, 1, 1], [], []>, transpose_lhs_hint = false} : vector<1000x128xf32>, vector<128x128xf32>, vector<1000x128xf32> -> vector<1000x128xf32>
      %get3A_816 = arith.constant 2 : index
      %get3A_817 = arith.constant 0 : index
      %get3A_818 = arith.constant 0 : index
      %get3A_819 = vector.load %arg9[%get3A_816, %get3A_817, %get3A_818] : memref<3x1x128xf32, #tpu.memory_space<vmem>>, vector<1x1x128xf32>
      %get3A_820 = vector.shape_cast %get3A_819 : vector<1x1x128xf32> to vector<1x128xf32>
      %add3A_821 = vector.broadcast %get3A_820 : vector<1x128xf32> to vector<1000x128xf32>
      %add3A_822 = arith.addf %dot_general3A_815, %add3A_821 : vector<1000x128xf32>
      %get3A_823 = arith.constant 2 : index
      %get3A_824 = arith.constant 0 : index
      %get3A_825 = arith.constant 0 : index
      %get3A_826 = arith.constant 0 : index
      %get3A_827 = vector.load %arg10[%get3A_823, %get3A_824, %get3A_825, %get3A_826] : memref<3x3x128x128xf32, #tpu.memory_space<vmem>>, vector<1x1x128x128xf32>
      %get3A_828 = vector.shape_cast %get3A_827 : vector<1x1x128x128xf32> to vector<128x128xf32>
      %dot_general3A_829 = arith.constant dense<0.000000e+00> : vector<1000x128xf32>
      %dot_general3A_830 = tpu.matmul %get3A_704, %get3A_828, %dot_general3A_829 {dimension_numbers = #tpu.dot_dimension_numbers<[1], [0], [0], [1], [0, 0, 1, 1], [], []>, transpose_lhs_hint = false} : vector<1000x128xf32>, vector<128x128xf32>, vector<1000x128xf32> -> vector<1000x128xf32>
      %add3A_831 = arith.addf %add3A_822, %dot_general3A_830 : vector<1000x128xf32>
      %get3A_832 = arith.constant 2 : index
      %get3A_833 = arith.constant 1 : index
      %get3A_834 = arith.constant 0 : index
      %get3A_835 = arith.constant 0 : index
      %get3A_836 = vector.load %arg10[%get3A_832, %get3A_833, %get3A_834, %get3A_835] : memref<3x3x128x128xf32, #tpu.memory_space<vmem>>, vector<1x1x128x128xf32>
      %get3A_837 = vector.shape_cast %get3A_836 : vector<1x1x128x128xf32> to vector<128x128xf32>
      %dot_general3A_838 = arith.constant dense<0.000000e+00> : vector<1000x128xf32>
      %dot_general3A_839 = tpu.matmul %get3A_709, %get3A_837, %dot_general3A_838 {dimension_numbers = #tpu.dot_dimension_numbers<[1], [0], [0], [1], [0, 0, 1, 1], [], []>, transpose_lhs_hint = false} : vector<1000x128xf32>, vector<128x128xf32>, vector<1000x128xf32> -> vector<1000x128xf32>
      %add3A_840 = arith.addf %add3A_831, %dot_general3A_839 : vector<1000x128xf32>
      %get3A_841 = arith.constant 2 : index
      %get3A_842 = arith.constant 2 : index
      %get3A_843 = arith.constant 0 : index
      %get3A_844 = arith.constant 0 : index
      %get3A_845 = vector.load %arg10[%get3A_841, %get3A_842, %get3A_843, %get3A_844] : memref<3x3x128x128xf32, #tpu.memory_space<vmem>>, vector<1x1x128x128xf32>
      %get3A_846 = vector.shape_cast %get3A_845 : vector<1x1x128x128xf32> to vector<128x128xf32>
      %dot_general3A_847 = arith.constant dense<0.000000e+00> : vector<1000x128xf32>
      %dot_general3A_848 = tpu.matmul %get3A_714, %get3A_846, %dot_general3A_847 {dimension_numbers = #tpu.dot_dimension_numbers<[1], [0], [0], [1], [0, 0, 1, 1], [], []>, transpose_lhs_hint = false} : vector<1000x128xf32>, vector<128x128xf32>, vector<1000x128xf32> -> vector<1000x128xf32>
      %add3A_849 = arith.addf %add3A_840, %dot_general3A_848 : vector<1000x128xf32>
      %tanh3A_850 = math.tanh %add3A_849 : vector<1000x128xf32>
      %get3A_851 = arith.constant 0 : index
      %get3A_852 = arith.constant 0 : index
      %get3A_853 = vector.load %arg13[%get3A_851, %get3A_852] : memref<1x128xf32, #tpu.memory_space<vmem>>, vector<1x128xf32>
      %get3A_854 = arith.constant 0 : index
      %get3A_855 = arith.constant 3000 : index
      %get3A_856 = arith.constant 0 : index
      %get3A_857 = vector.load %arg19[%get3A_854, %get3A_855, %get3A_856] : memref<3x10000x128xf32, #tpu.memory_space<vmem>>, vector<1x1000x128xf32>
      %get3A_858 = vector.shape_cast %get3A_857 : vector<1x1000x128xf32> to vector<1000x128xf32>
      %get3A_859 = arith.constant 0 : index
      %get3A_860 = arith.constant 0 : index
      %get3A_861 = arith.constant 0 : index
      %get3A_862 = vector.load %arg12[%get3A_859, %get3A_860, %get3A_861] : memref<3x128x128xf32, #tpu.memory_space<vmem>>, vector<1x128x128xf32>
      %get3A_863 = vector.shape_cast %get3A_862 : vector<1x128x128xf32> to vector<128x128xf32>
      %dot_general3A_864 = arith.constant dense<0.000000e+00> : vector<1000x128xf32>
      %dot_general3A_865 = tpu.matmul %get3A_858, %get3A_863, %dot_general3A_864 {dimension_numbers = #tpu.dot_dimension_numbers<[1], [0], [0], [1], [0, 0, 1, 1], [], []>, transpose_lhs_hint = false} : vector<1000x128xf32>, vector<128x128xf32>, vector<1000x128xf32> -> vector<1000x128xf32>
      %add3A_866 = vector.broadcast %get3A_853 : vector<1x128xf32> to vector<1000x128xf32>
      %add3A_867 = arith.addf %add3A_866, %dot_general3A_865 : vector<1000x128xf32>
      %get3A_868 = arith.constant 1 : index
      %get3A_869 = arith.constant 3000 : index
      %get3A_870 = arith.constant 0 : index
      %get3A_871 = vector.load %arg19[%get3A_868, %get3A_869, %get3A_870] : memref<3x10000x128xf32, #tpu.memory_space<vmem>>, vector<1x1000x128xf32>
      %get3A_872 = vector.shape_cast %get3A_871 : vector<1x1000x128xf32> to vector<1000x128xf32>
      %get3A_873 = arith.constant 1 : index
      %get3A_874 = arith.constant 0 : index
      %get3A_875 = arith.constant 0 : index
      %get3A_876 = vector.load %arg12[%get3A_873, %get3A_874, %get3A_875] : memref<3x128x128xf32, #tpu.memory_space<vmem>>, vector<1x128x128xf32>
      %get3A_877 = vector.shape_cast %get3A_876 : vector<1x128x128xf32> to vector<128x128xf32>
      %dot_general3A_878 = arith.constant dense<0.000000e+00> : vector<1000x128xf32>
      %dot_general3A_879 = tpu.matmul %get3A_872, %get3A_877, %dot_general3A_878 {dimension_numbers = #tpu.dot_dimension_numbers<[1], [0], [0], [1], [0, 0, 1, 1], [], []>, transpose_lhs_hint = false} : vector<1000x128xf32>, vector<128x128xf32>, vector<1000x128xf32> -> vector<1000x128xf32>
      %add3A_880 = arith.addf %add3A_867, %dot_general3A_879 : vector<1000x128xf32>
      %get3A_881 = arith.constant 2 : index
      %get3A_882 = arith.constant 3000 : index
      %get3A_883 = arith.constant 0 : index
      %get3A_884 = vector.load %arg19[%get3A_881, %get3A_882, %get3A_883] : memref<3x10000x128xf32, #tpu.memory_space<vmem>>, vector<1x1000x128xf32>
      %get3A_885 = vector.shape_cast %get3A_884 : vector<1x1000x128xf32> to vector<1000x128xf32>
      %get3A_886 = arith.constant 2 : index
      %get3A_887 = arith.constant 0 : index
      %get3A_888 = arith.constant 0 : index
      %get3A_889 = vector.load %arg12[%get3A_886, %get3A_887, %get3A_888] : memref<3x128x128xf32, #tpu.memory_space<vmem>>, vector<1x128x128xf32>
      %get3A_890 = vector.shape_cast %get3A_889 : vector<1x128x128xf32> to vector<128x128xf32>
      %dot_general3A_891 = arith.constant dense<0.000000e+00> : vector<1000x128xf32>
      %dot_general3A_892 = tpu.matmul %get3A_885, %get3A_890, %dot_general3A_891 {dimension_numbers = #tpu.dot_dimension_numbers<[1], [0], [0], [1], [0, 0, 1, 1], [], []>, transpose_lhs_hint = false} : vector<1000x128xf32>, vector<128x128xf32>, vector<1000x128xf32> -> vector<1000x128xf32>
      %add3A_893 = arith.addf %add3A_880, %dot_general3A_892 : vector<1000x128xf32>
      %mul3A_894 = arith.mulf %logistic3A_761, %tanh3A_850 : vector<1000x128xf32>
      %add3A_895 = arith.addf %mul3A_894, %add3A_893 : vector<1000x128xf32>
      %tanh3A_896 = math.tanh %add3A_895 : vector<1000x128xf32>
      %mul3A_897 = arith.mulf %logistic3A_808, %tanh3A_896 : vector<1000x128xf32>
      %get3A_898 = arith.constant 3000 : index
      %get3A_899 = arith.constant 0 : index
      %get3A_900 = vector.load %arg5[%get3A_898, %get3A_899] : memref<10000x1xi32, #tpu.memory_space<vmem>>, vector<1000x1xi32>
      %eq3A_901 = vector.broadcast %arg0 : i32 to vector<1000x1xi32>
      %eq3A_902 = arith.cmpi eq, %get3A_900, %eq3A_901 : vector<1000x1xi32>
      %get3A_903 = arith.constant 3000 : index
      %get3A_904 = arith.constant 0 : index
      %get3A_905 = vector.load %arg15[%get3A_903, %get3A_904] : memref<10000x128xf32, #tpu.memory_space<vmem>>, vector<1000x128xf32>
      %broadcast_in_dim3A_906 = vector.shape_cast %eq3A_902 : vector<1000x1xi1> to vector<1000x1xi1>
      %broadcast_in_dim3A_907 = vector.broadcast %broadcast_in_dim3A_906 : vector<1000x1xi1> to vector<1000x128xi1>
      %select_n3A_908 = arith.select %broadcast_in_dim3A_907, %add3A_895, %get3A_905 : vector<1000x128xi1>, vector<1000x128xf32>
      %swap3A_909 = arith.constant 3000 : index
      %swap3A_910 = arith.constant 0 : index
      %swap3A_911 = vector.load %arg15[%swap3A_909, %swap3A_910] : memref<10000x128xf32, #tpu.memory_space<vmem>>, vector<1000x128xf32>
      tpu.vector_store %arg15[%swap3A_909, %swap3A_910], %select_n3A_908 {strides = array<i32>} : memref<10000x128xf32, #tpu.memory_space<vmem>>, vector<1000x128xf32>,
      %get3A_912 = arith.constant 3000 : index
      %get3A_913 = arith.constant 0 : index
      %get3A_914 = vector.load %arg14[%get3A_912, %get3A_913] : memref<10000x128xf32, #tpu.memory_space<vmem>>, vector<1000x128xf32>
      %broadcast_in_dim3A_915 = vector.shape_cast %eq3A_902 : vector<1000x1xi1> to vector<1000x1xi1>
      %broadcast_in_dim3A_916 = vector.broadcast %broadcast_in_dim3A_915 : vector<1000x1xi1> to vector<1000x128xi1>
      %select_n3A_917 = arith.select %broadcast_in_dim3A_916, %mul3A_897, %get3A_914 : vector<1000x128xi1>, vector<1000x128xf32>
      %swap3A_918 = arith.constant 3000 : index
      %swap3A_919 = arith.constant 0 : index
      %swap3A_920 = vector.load %arg14[%swap3A_918, %swap3A_919] : memref<10000x128xf32, #tpu.memory_space<vmem>>, vector<1000x128xf32>
      tpu.vector_store %arg14[%swap3A_918, %swap3A_919], %select_n3A_917 {strides = array<i32>} : memref<10000x128xf32, #tpu.memory_space<vmem>>, vector<1000x128xf32>,
      %get3A_921 = arith.constant 4000 : index
      %get3A_922 = arith.constant 0 : index
      %get3A_923 = vector.load %arg4[%get3A_921, %get3A_922] : memref<10000x128xf32, #tpu.memory_space<vmem>>, vector<1000x128xf32>
      %get3A_924 = arith.constant 0 : index
      %get3A_925 = arith.constant 4000 : index
      %get3A_926 = arith.constant 0 : index
      %get3A_927 = vector.load %arg18[%get3A_924, %get3A_925, %get3A_926] : memref<3x10000x128xf32, #tpu.memory_space<vmem>>, vector<1x1000x128xf32>
      %get3A_928 = vector.shape_cast %get3A_927 : vector<1x1000x128xf32> to vector<1000x128xf32>
      %get3A_929 = arith.constant 1 : index
      %get3A_930 = arith.constant 4000 : index
      %get3A_931 = arith.constant 0 : index
      %get3A_932 = vector.load %arg18[%get3A_929, %get3A_930, %get3A_931] : memref<3x10000x128xf32, #tpu.memory_space<vmem>>, vector<1x1000x128xf32>
      %get3A_933 = vector.shape_cast %get3A_932 : vector<1x1000x128xf32> to vector<1000x128xf32>
      %get3A_934 = arith.constant 2 : index
      %get3A_935 = arith.constant 4000 : index
      %get3A_936 = arith.constant 0 : index
      %get3A_937 = vector.load %arg18[%get3A_934, %get3A_935, %get3A_936] : memref<3x10000x128xf32, #tpu.memory_space<vmem>>, vector<1x1000x128xf32>
      %get3A_938 = vector.shape_cast %get3A_937 : vector<1x1000x128xf32> to vector<1000x128xf32>
      %get3A_939 = arith.constant 0 : index
      %get3A_940 = arith.constant 0 : index
      %get3A_941 = arith.constant 0 : index
      %get3A_942 = vector.load %arg8[%get3A_939, %get3A_940, %get3A_941] : memref<3x128x128xf32, #tpu.memory_space<vmem>>, vector<1x128x128xf32>
      %get3A_943 = vector.shape_cast %get3A_942 : vector<1x128x128xf32> to vector<128x128xf32>
      %dot_general3A_944 = arith.constant dense<0.000000e+00> : vector<1000x128xf32>
      %dot_general3A_945 = tpu.matmul %get3A_923, %get3A_943, %dot_general3A_944 {dimension_numbers = #tpu.dot_dimension_numbers<[1], [0], [0], [1], [0, 0, 1, 1], [], []>, transpose_lhs_hint = false} : vector<1000x128xf32>, vector<128x128xf32>, vector<1000x128xf32> -> vector<1000x128xf32>
      %get3A_946 = arith.constant 0 : index
      %get3A_947 = arith.constant 0 : index
      %get3A_948 = arith.constant 0 : index
      %get3A_949 = vector.load %arg9[%get3A_946, %get3A_947, %get3A_948] : memref<3x1x128xf32, #tpu.memory_space<vmem>>, vector<1x1x128xf32>
      %get3A_950 = vector.shape_cast %get3A_949 : vector<1x1x128xf32> to vector<1x128xf32>
      %add3A_951 = vector.broadcast %get3A_950 : vector<1x128xf32> to vector<1000x128xf32>
      %add3A_952 = arith.addf %dot_general3A_945, %add3A_951 : vector<1000x128xf32>
      %get3A_953 = arith.constant 0 : index
      %get3A_954 = arith.constant 0 : index
      %get3A_955 = arith.constant 0 : index
      %get3A_956 = arith.constant 0 : index
      %get3A_957 = vector.load %arg10[%get3A_953, %get3A_954, %get3A_955, %get3A_956] : memref<3x3x128x128xf32, #tpu.memory_space<vmem>>, vector<1x1x128x128xf32>
      %get3A_958 = vector.shape_cast %get3A_957 : vector<1x1x128x128xf32> to vector<128x128xf32>
      %dot_general3A_959 = arith.constant dense<0.000000e+00> : vector<1000x128xf32>
      %dot_general3A_960 = tpu.matmul %get3A_928, %get3A_958, %dot_general3A_959 {dimension_numbers = #tpu.dot_dimension_numbers<[1], [0], [0], [1], [0, 0, 1, 1], [], []>, transpose_lhs_hint = false} : vector<1000x128xf32>, vector<128x128xf32>, vector<1000x128xf32> -> vector<1000x128xf32>
      %add3A_961 = arith.addf %add3A_952, %dot_general3A_960 : vector<1000x128xf32>
      %get3A_962 = arith.constant 0 : index
      %get3A_963 = arith.constant 1 : index
      %get3A_964 = arith.constant 0 : index
      %get3A_965 = arith.constant 0 : index
      %get3A_966 = vector.load %arg10[%get3A_962, %get3A_963, %get3A_964, %get3A_965] : memref<3x3x128x128xf32, #tpu.memory_space<vmem>>, vector<1x1x128x128xf32>
      %get3A_967 = vector.shape_cast %get3A_966 : vector<1x1x128x128xf32> to vector<128x128xf32>
      %dot_general3A_968 = arith.constant dense<0.000000e+00> : vector<1000x128xf32>
      %dot_general3A_969 = tpu.matmul %get3A_933, %get3A_967, %dot_general3A_968 {dimension_numbers = #tpu.dot_dimension_numbers<[1], [0], [0], [1], [0, 0, 1, 1], [], []>, transpose_lhs_hint = false} : vector<1000x128xf32>, vector<128x128xf32>, vector<1000x128xf32> -> vector<1000x128xf32>
      %add3A_970 = arith.addf %add3A_961, %dot_general3A_969 : vector<1000x128xf32>
      %get3A_971 = arith.constant 0 : index
      %get3A_972 = arith.constant 2 : index
      %get3A_973 = arith.constant 0 : index
      %get3A_974 = arith.constant 0 : index
      %get3A_975 = vector.load %arg10[%get3A_971, %get3A_972, %get3A_973, %get3A_974] : memref<3x3x128x128xf32, #tpu.memory_space<vmem>>, vector<1x1x128x128xf32>
      %get3A_976 = vector.shape_cast %get3A_975 : vector<1x1x128x128xf32> to vector<128x128xf32>
      %dot_general3A_977 = arith.constant dense<0.000000e+00> : vector<1000x128xf32>
      %dot_general3A_978 = tpu.matmul %get3A_938, %get3A_976, %dot_general3A_977 {dimension_numbers = #tpu.dot_dimension_numbers<[1], [0], [0], [1], [0, 0, 1, 1], [], []>, transpose_lhs_hint = false} : vector<1000x128xf32>, vector<128x128xf32>, vector<1000x128xf32> -> vector<1000x128xf32>
      %add3A_979 = arith.addf %add3A_970, %dot_general3A_978 : vector<1000x128xf32>
      %logistic3A_980 = arith.negf %add3A_979 : vector<1000x128xf32>
      %logistic3A_981 = math.exp %logistic3A_980 : vector<1000x128xf32>
      %logistic3A_982 = arith.constant 1.000000e+00 : f32
      %logistic3A_983 = vector.broadcast %logistic3A_982 : f32 to vector<1000x128xf32>
      %logistic3A_984 = arith.addf %logistic3A_983, %logistic3A_981 : vector<1000x128xf32>
      %logistic3A_985 = arith.divf %logistic3A_983, %logistic3A_984 : vector<1000x128xf32>
      %get3A_986 = arith.constant 1 : index
      %get3A_987 = arith.constant 0 : index
      %get3A_988 = arith.constant 0 : index
      %get3A_989 = vector.load %arg8[%get3A_986, %get3A_987, %get3A_988] : memref<3x128x128xf32, #tpu.memory_space<vmem>>, vector<1x128x128xf32>
      %get3A_990 = vector.shape_cast %get3A_989 : vector<1x128x128xf32> to vector<128x128xf32>
      %dot_general3A_991 = arith.constant dense<0.000000e+00> : vector<1000x128xf32>
      %dot_general3A_992 = tpu.matmul %get3A_923, %get3A_990, %dot_general3A_991 {dimension_numbers = #tpu.dot_dimension_numbers<[1], [0], [0], [1], [0, 0, 1, 1], [], []>, transpose_lhs_hint = false} : vector<1000x128xf32>, vector<128x128xf32>, vector<1000x128xf32> -> vector<1000x128xf32>
      %get3A_993 = arith.constant 1 : index
      %get3A_994 = arith.constant 0 : index
      %get3A_995 = arith.constant 0 : index
      %get3A_996 = vector.load %arg9[%get3A_993, %get3A_994, %get3A_995] : memref<3x1x128xf32, #tpu.memory_space<vmem>>, vector<1x1x128xf32>
      %get3A_997 = vector.shape_cast %get3A_996 : vector<1x1x128xf32> to vector<1x128xf32>
      %add3A_998 = vector.broadcast %get3A_997 : vector<1x128xf32> to vector<1000x128xf32>
      %add3A_999 = arith.addf %dot_general3A_992, %add3A_998 : vector<1000x128xf32>
      %get3A_1000 = arith.constant 1 : index
      %get3A_1001 = arith.constant 0 : index
      %get3A_1002 = arith.constant 0 : index
      %get3A_1003 = arith.constant 0 : index
      %get3A_1004 = vector.load %arg10[%get3A_1000, %get3A_1001, %get3A_1002, %get3A_1003] : memref<3x3x128x128xf32, #tpu.memory_space<vmem>>, vector<1x1x128x128xf32>
      %get3A_1005 = vector.shape_cast %get3A_1004 : vector<1x1x128x128xf32> to vector<128x128xf32>
      %dot_general3A_1006 = arith.constant dense<0.000000e+00> : vector<1000x128xf32>
      %dot_general3A_1007 = tpu.matmul %get3A_928, %get3A_1005, %dot_general3A_1006 {dimension_numbers = #tpu.dot_dimension_numbers<[1], [0], [0], [1], [0, 0, 1, 1], [], []>, transpose_lhs_hint = false} : vector<1000x128xf32>, vector<128x128xf32>, vector<1000x128xf32> -> vector<1000x128xf32>
      %add3A_1008 = arith.addf %add3A_999, %dot_general3A_1007 : vector<1000x128xf32>
      %get3A_1009 = arith.constant 1 : index
      %get3A_1010 = arith.constant 1 : index
      %get3A_1011 = arith.constant 0 : index
      %get3A_1012 = arith.constant 0 : index
      %get3A_1013 = vector.load %arg10[%get3A_1009, %get3A_1010, %get3A_1011, %get3A_1012] : memref<3x3x128x128xf32, #tpu.memory_space<vmem>>, vector<1x1x128x128xf32>
      %get3A_1014 = vector.shape_cast %get3A_1013 : vector<1x1x128x128xf32> to vector<128x128xf32>
      %dot_general3A_1015 = arith.constant dense<0.000000e+00> : vector<1000x128xf32>
      %dot_general3A_1016 = tpu.matmul %get3A_933, %get3A_1014, %dot_general3A_1015 {dimension_numbers = #tpu.dot_dimension_numbers<[1], [0], [0], [1], [0, 0, 1, 1], [], []>, transpose_lhs_hint = false} : vector<1000x128xf32>, vector<128x128xf32>, vector<1000x128xf32> -> vector<1000x128xf32>
      %add3A_1017 = arith.addf %add3A_1008, %dot_general3A_1016 : vector<1000x128xf32>
      %get3A_1018 = arith.constant 1 : index
      %get3A_1019 = arith.constant 2 : index
      %get3A_1020 = arith.constant 0 : index
      %get3A_1021 = arith.constant 0 : index
      %get3A_1022 = vector.load %arg10[%get3A_1018, %get3A_1019, %get3A_1020, %get3A_1021] : memref<3x3x128x128xf32, #tpu.memory_space<vmem>>, vector<1x1x128x128xf32>
      %get3A_1023 = vector.shape_cast %get3A_1022 : vector<1x1x128x128xf32> to vector<128x128xf32>
      %dot_general3A_1024 = arith.constant dense<0.000000e+00> : vector<1000x128xf32>
      %dot_general3A_1025 = tpu.matmul %get3A_938, %get3A_1023, %dot_general3A_1024 {dimension_numbers = #tpu.dot_dimension_numbers<[1], [0], [0], [1], [0, 0, 1, 1], [], []>, transpose_lhs_hint = false} : vector<1000x128xf32>, vector<128x128xf32>, vector<1000x128xf32> -> vector<1000x128xf32>
      %add3A_1026 = arith.addf %add3A_1017, %dot_general3A_1025 : vector<1000x128xf32>
      %logistic3A_1027 = arith.negf %add3A_1026 : vector<1000x128xf32>
      %logistic3A_1028 = math.exp %logistic3A_1027 : vector<1000x128xf32>
      %logistic3A_1029 = arith.constant 1.000000e+00 : f32
      %logistic3A_1030 = vector.broadcast %logistic3A_1029 : f32 to vector<1000x128xf32>
      %logistic3A_1031 = arith.addf %logistic3A_1030, %logistic3A_1028 : vector<1000x128xf32>
      %logistic3A_1032 = arith.divf %logistic3A_1030, %logistic3A_1031 : vector<1000x128xf32>
      %get3A_1033 = arith.constant 2 : index
      %get3A_1034 = arith.constant 0 : index
      %get3A_1035 = arith.constant 0 : index
      %get3A_1036 = vector.load %arg8[%get3A_1033, %get3A_1034, %get3A_1035] : memref<3x128x128xf32, #tpu.memory_space<vmem>>, vector<1x128x128xf32>
      %get3A_1037 = vector.shape_cast %get3A_1036 : vector<1x128x128xf32> to vector<128x128xf32>
      %dot_general3A_1038 = arith.constant dense<0.000000e+00> : vector<1000x128xf32>
      %dot_general3A_1039 = tpu.matmul %get3A_923, %get3A_1037, %dot_general3A_1038 {dimension_numbers = #tpu.dot_dimension_numbers<[1], [0], [0], [1], [0, 0, 1, 1], [], []>, transpose_lhs_hint = false} : vector<1000x128xf32>, vector<128x128xf32>, vector<1000x128xf32> -> vector<1000x128xf32>
      %get3A_1040 = arith.constant 2 : index
      %get3A_1041 = arith.constant 0 : index
      %get3A_1042 = arith.constant 0 : index
      %get3A_1043 = vector.load %arg9[%get3A_1040, %get3A_1041, %get3A_1042] : memref<3x1x128xf32, #tpu.memory_space<vmem>>, vector<1x1x128xf32>
      %get3A_1044 = vector.shape_cast %get3A_1043 : vector<1x1x128xf32> to vector<1x128xf32>
      %add3A_1045 = vector.broadcast %get3A_1044 : vector<1x128xf32> to vector<1000x128xf32>
      %add3A_1046 = arith.addf %dot_general3A_1039, %add3A_1045 : vector<1000x128xf32>
      %get3A_1047 = arith.constant 2 : index
      %get3A_1048 = arith.constant 0 : index
      %get3A_1049 = arith.constant 0 : index
      %get3A_1050 = arith.constant 0 : index
      %get3A_1051 = vector.load %arg10[%get3A_1047, %get3A_1048, %get3A_1049, %get3A_1050] : memref<3x3x128x128xf32, #tpu.memory_space<vmem>>, vector<1x1x128x128xf32>
      %get3A_1052 = vector.shape_cast %get3A_1051 : vector<1x1x128x128xf32> to vector<128x128xf32>
      %dot_general3A_1053 = arith.constant dense<0.000000e+00> : vector<1000x128xf32>
      %dot_general3A_1054 = tpu.matmul %get3A_928, %get3A_1052, %dot_general3A_1053 {dimension_numbers = #tpu.dot_dimension_numbers<[1], [0], [0], [1], [0, 0, 1, 1], [], []>, transpose_lhs_hint = false} : vector<1000x128xf32>, vector<128x128xf32>, vector<1000x128xf32> -> vector<1000x128xf32>
      %add3A_1055 = arith.addf %add3A_1046, %dot_general3A_1054 : vector<1000x128xf32>
      %get3A_1056 = arith.constant 2 : index
      %get3A_1057 = arith.constant 1 : index
      %get3A_1058 = arith.constant 0 : index
      %get3A_1059 = arith.constant 0 : index
      %get3A_1060 = vector.load %arg10[%get3A_1056, %get3A_1057, %get3A_1058, %get3A_1059] : memref<3x3x128x128xf32, #tpu.memory_space<vmem>>, vector<1x1x128x128xf32>
      %get3A_1061 = vector.shape_cast %get3A_1060 : vector<1x1x128x128xf32> to vector<128x128xf32>
      %dot_general3A_1062 = arith.constant dense<0.000000e+00> : vector<1000x128xf32>
      %dot_general3A_1063 = tpu.matmul %get3A_933, %get3A_1061, %dot_general3A_1062 {dimension_numbers = #tpu.dot_dimension_numbers<[1], [0], [0], [1], [0, 0, 1, 1], [], []>, transpose_lhs_hint = false} : vector<1000x128xf32>, vector<128x128xf32>, vector<1000x128xf32> -> vector<1000x128xf32>
      %add3A_1064 = arith.addf %add3A_1055, %dot_general3A_1063 : vector<1000x128xf32>
      %get3A_1065 = arith.constant 2 : index
      %get3A_1066 = arith.constant 2 : index
      %get3A_1067 = arith.constant 0 : index
      %get3A_1068 = arith.constant 0 : index
      %get3A_1069 = vector.load %arg10[%get3A_1065, %get3A_1066, %get3A_1067, %get3A_1068] : memref<3x3x128x128xf32, #tpu.memory_space<vmem>>, vector<1x1x128x128xf32>
      %get3A_1070 = vector.shape_cast %get3A_1069 : vector<1x1x128x128xf32> to vector<128x128xf32>
      %dot_general3A_1071 = arith.constant dense<0.000000e+00> : vector<1000x128xf32>
      %dot_general3A_1072 = tpu.matmul %get3A_938, %get3A_1070, %dot_general3A_1071 {dimension_numbers = #tpu.dot_dimension_numbers<[1], [0], [0], [1], [0, 0, 1, 1], [], []>, transpose_lhs_hint = false} : vector<1000x128xf32>, vector<128x128xf32>, vector<1000x128xf32> -> vector<1000x128xf32>
      %add3A_1073 = arith.addf %add3A_1064, %dot_general3A_1072 : vector<1000x128xf32>
      %tanh3A_1074 = math.tanh %add3A_1073 : vector<1000x128xf32>
      %get3A_1075 = arith.constant 0 : index
      %get3A_1076 = arith.constant 0 : index
      %get3A_1077 = vector.load %arg13[%get3A_1075, %get3A_1076] : memref<1x128xf32, #tpu.memory_space<vmem>>, vector<1x128xf32>
      %get3A_1078 = arith.constant 0 : index
      %get3A_1079 = arith.constant 4000 : index
      %get3A_1080 = arith.constant 0 : index
      %get3A_1081 = vector.load %arg19[%get3A_1078, %get3A_1079, %get3A_1080] : memref<3x10000x128xf32, #tpu.memory_space<vmem>>, vector<1x1000x128xf32>
      %get3A_1082 = vector.shape_cast %get3A_1081 : vector<1x1000x128xf32> to vector<1000x128xf32>
      %get3A_1083 = arith.constant 0 : index
      %get3A_1084 = arith.constant 0 : index
      %get3A_1085 = arith.constant 0 : index
      %get3A_1086 = vector.load %arg12[%get3A_1083, %get3A_1084, %get3A_1085] : memref<3x128x128xf32, #tpu.memory_space<vmem>>, vector<1x128x128xf32>
      %get3A_1087 = vector.shape_cast %get3A_1086 : vector<1x128x128xf32> to vector<128x128xf32>
      %dot_general3A_1088 = arith.constant dense<0.000000e+00> : vector<1000x128xf32>
      %dot_general3A_1089 = tpu.matmul %get3A_1082, %get3A_1087, %dot_general3A_1088 {dimension_numbers = #tpu.dot_dimension_numbers<[1], [0], [0], [1], [0, 0, 1, 1], [], []>, transpose_lhs_hint = false} : vector<1000x128xf32>, vector<128x128xf32>, vector<1000x128xf32> -> vector<1000x128xf32>
      %add3A_1090 = vector.broadcast %get3A_1077 : vector<1x128xf32> to vector<1000x128xf32>
      %add3A_1091 = arith.addf %add3A_1090, %dot_general3A_1089 : vector<1000x128xf32>
      %get3A_1092 = arith.constant 1 : index
      %get3A_1093 = arith.constant 4000 : index
      %get3A_1094 = arith.constant 0 : index
      %get3A_1095 = vector.load %arg19[%get3A_1092, %get3A_1093, %get3A_1094] : memref<3x10000x128xf32, #tpu.memory_space<vmem>>, vector<1x1000x128xf32>
      %get3A_1096 = vector.shape_cast %get3A_1095 : vector<1x1000x128xf32> to vector<1000x128xf32>
      %get3A_1097 = arith.constant 1 : index
      %get3A_1098 = arith.constant 0 : index
      %get3A_1099 = arith.constant 0 : index
      %get3A_1100 = vector.load %arg12[%get3A_1097, %get3A_1098, %get3A_1099] : memref<3x128x128xf32, #tpu.memory_space<vmem>>, vector<1x128x128xf32>
      %get3A_1101 = vector.shape_cast %get3A_1100 : vector<1x128x128xf32> to vector<128x128xf32>
      %dot_general3A_1102 = arith.constant dense<0.000000e+00> : vector<1000x128xf32>
      %dot_general3A_1103 = tpu.matmul %get3A_1096, %get3A_1101, %dot_general3A_1102 {dimension_numbers = #tpu.dot_dimension_numbers<[1], [0], [0], [1], [0, 0, 1, 1], [], []>, transpose_lhs_hint = false} : vector<1000x128xf32>, vector<128x128xf32>, vector<1000x128xf32> -> vector<1000x128xf32>
      %add3A_1104 = arith.addf %add3A_1091, %dot_general3A_1103 : vector<1000x128xf32>
      %get3A_1105 = arith.constant 2 : index
      %get3A_1106 = arith.constant 4000 : index
      %get3A_1107 = arith.constant 0 : index
      %get3A_1108 = vector.load %arg19[%get3A_1105, %get3A_1106, %get3A_1107] : memref<3x10000x128xf32, #tpu.memory_space<vmem>>, vector<1x1000x128xf32>
      %get3A_1109 = vector.shape_cast %get3A_1108 : vector<1x1000x128xf32> to vector<1000x128xf32>
      %get3A_1110 = arith.constant 2 : index
      %get3A_1111 = arith.constant 0 : index
      %get3A_1112 = arith.constant 0 : index
      %get3A_1113 = vector.load %arg12[%get3A_1110, %get3A_1111, %get3A_1112] : memref<3x128x128xf32, #tpu.memory_space<vmem>>, vector<1x128x128xf32>
      %get3A_1114 = vector.shape_cast %get3A_1113 : vector<1x128x128xf32> to vector<128x128xf32>
      %dot_general3A_1115 = arith.constant dense<0.000000e+00> : vector<1000x128xf32>
      %dot_general3A_1116 = tpu.matmul %get3A_1109, %get3A_1114, %dot_general3A_1115 {dimension_numbers = #tpu.dot_dimension_numbers<[1], [0], [0], [1], [0, 0, 1, 1], [], []>, transpose_lhs_hint = false} : vector<1000x128xf32>, vector<128x128xf32>, vector<1000x128xf32> -> vector<1000x128xf32>
      %add3A_1117 = arith.addf %add3A_1104, %dot_general3A_1116 : vector<1000x128xf32>
      %mul3A_1118 = arith.mulf %logistic3A_985, %tanh3A_1074 : vector<1000x128xf32>
      %add3A_1119 = arith.addf %mul3A_1118, %add3A_1117 : vector<1000x128xf32>
      %tanh3A_1120 = math.tanh %add3A_1119 : vector<1000x128xf32>
      %mul3A_1121 = arith.mulf %logistic3A_1032, %tanh3A_1120 : vector<1000x128xf32>
      %get3A_1122 = arith.constant 4000 : index
      %get3A_1123 = arith.constant 0 : index
      %get3A_1124 = vector.load %arg5[%get3A_1122, %get3A_1123] : memref<10000x1xi32, #tpu.memory_space<vmem>>, vector<1000x1xi32>
      %eq3A_1125 = vector.broadcast %arg0 : i32 to vector<1000x1xi32>
      %eq3A_1126 = arith.cmpi eq, %get3A_1124, %eq3A_1125 : vector<1000x1xi32>
      %get3A_1127 = arith.constant 4000 : index
      %get3A_1128 = arith.constant 0 : index
      %get3A_1129 = vector.load %arg15[%get3A_1127, %get3A_1128] : memref<10000x128xf32, #tpu.memory_space<vmem>>, vector<1000x128xf32>
      %broadcast_in_dim3A_1130 = vector.shape_cast %eq3A_1126 : vector<1000x1xi1> to vector<1000x1xi1>
      %broadcast_in_dim3A_1131 = vector.broadcast %broadcast_in_dim3A_1130 : vector<1000x1xi1> to vector<1000x128xi1>
      %select_n3A_1132 = arith.select %broadcast_in_dim3A_1131, %add3A_1119, %get3A_1129 : vector<1000x128xi1>, vector<1000x128xf32>
      %swap3A_1133 = arith.constant 4000 : index
      %swap3A_1134 = arith.constant 0 : index
      %swap3A_1135 = vector.load %arg15[%swap3A_1133, %swap3A_1134] : memref<10000x128xf32, #tpu.memory_space<vmem>>, vector<1000x128xf32>
      tpu.vector_store %arg15[%swap3A_1133, %swap3A_1134], %select_n3A_1132 {strides = array<i32>} : memref<10000x128xf32, #tpu.memory_space<vmem>>, vector<1000x128xf32>,
      %get3A_1136 = arith.constant 4000 : index
      %get3A_1137 = arith.constant 0 : index
      %get3A_1138 = vector.load %arg14[%get3A_1136, %get3A_1137] : memref<10000x128xf32, #tpu.memory_space<vmem>>, vector<1000x128xf32>
      %broadcast_in_dim3A_1139 = vector.shape_cast %eq3A_1126 : vector<1000x1xi1> to vector<1000x1xi1>
      %broadcast_in_dim3A_1140 = vector.broadcast %broadcast_in_dim3A_1139 : vector<1000x1xi1> to vector<1000x128xi1>
      %select_n3A_1141 = arith.select %broadcast_in_dim3A_1140, %mul3A_1121, %get3A_1138 : vector<1000x128xi1>, vector<1000x128xf32>
      %swap3A_1142 = arith.constant 4000 : index
      %swap3A_1143 = arith.constant 0 : index
      %swap3A_1144 = vector.load %arg14[%swap3A_1142, %swap3A_1143] : memref<10000x128xf32, #tpu.memory_space<vmem>>, vector<1000x128xf32>
      tpu.vector_store %arg14[%swap3A_1142, %swap3A_1143], %select_n3A_1141 {strides = array<i32>} : memref<10000x128xf32, #tpu.memory_space<vmem>>, vector<1000x128xf32>,
      %get3A_1145 = arith.constant 5000 : index
      %get3A_1146 = arith.constant 0 : index
      %get3A_1147 = vector.load %arg4[%get3A_1145, %get3A_1146] : memref<10000x128xf32, #tpu.memory_space<vmem>>, vector<1000x128xf32>
      %get3A_1148 = arith.constant 0 : index
      %get3A_1149 = arith.constant 5000 : index
      %get3A_1150 = arith.constant 0 : index
      %get3A_1151 = vector.load %arg18[%get3A_1148, %get3A_1149, %get3A_1150] : memref<3x10000x128xf32, #tpu.memory_space<vmem>>, vector<1x1000x128xf32>
      %get3A_1152 = vector.shape_cast %get3A_1151 : vector<1x1000x128xf32> to vector<1000x128xf32>
      %get3A_1153 = arith.constant 1 : index
      %get3A_1154 = arith.constant 5000 : index
      %get3A_1155 = arith.constant 0 : index
      %get3A_1156 = vector.load %arg18[%get3A_1153, %get3A_1154, %get3A_1155] : memref<3x10000x128xf32, #tpu.memory_space<vmem>>, vector<1x1000x128xf32>
      %get3A_1157 = vector.shape_cast %get3A_1156 : vector<1x1000x128xf32> to vector<1000x128xf32>
      %get3A_1158 = arith.constant 2 : index
      %get3A_1159 = arith.constant 5000 : index
      %get3A_1160 = arith.constant 0 : index
      %get3A_1161 = vector.load %arg18[%get3A_1158, %get3A_1159, %get3A_1160] : memref<3x10000x128xf32, #tpu.memory_space<vmem>>, vector<1x1000x128xf32>
      %get3A_1162 = vector.shape_cast %get3A_1161 : vector<1x1000x128xf32> to vector<1000x128xf32>
      %get3A_1163 = arith.constant 0 : index
      %get3A_1164 = arith.constant 0 : index
      %get3A_1165 = arith.constant 0 : index
      %get3A_1166 = vector.load %arg8[%get3A_1163, %get3A_1164, %get3A_1165] : memref<3x128x128xf32, #tpu.memory_space<vmem>>, vector<1x128x128xf32>
      %get3A_1167 = vector.shape_cast %get3A_1166 : vector<1x128x128xf32> to vector<128x128xf32>
      %dot_general3A_1168 = arith.constant dense<0.000000e+00> : vector<1000x128xf32>
      %dot_general3A_1169 = tpu.matmul %get3A_1147, %get3A_1167, %dot_general3A_1168 {dimension_numbers = #tpu.dot_dimension_numbers<[1], [0], [0], [1], [0, 0, 1, 1], [], []>, transpose_lhs_hint = false} : vector<1000x128xf32>, vector<128x128xf32>, vector<1000x128xf32> -> vector<1000x128xf32>
      %get3A_1170 = arith.constant 0 : index
      %get3A_1171 = arith.constant 0 : index
      %get3A_1172 = arith.constant 0 : index
      %get3A_1173 = vector.load %arg9[%get3A_1170, %get3A_1171, %get3A_1172] : memref<3x1x128xf32, #tpu.memory_space<vmem>>, vector<1x1x128xf32>
      %get3A_1174 = vector.shape_cast %get3A_1173 : vector<1x1x128xf32> to vector<1x128xf32>
      %add3A_1175 = vector.broadcast %get3A_1174 : vector<1x128xf32> to vector<1000x128xf32>
      %add3A_1176 = arith.addf %dot_general3A_1169, %add3A_1175 : vector<1000x128xf32>
      %get3A_1177 = arith.constant 0 : index
      %get3A_1178 = arith.constant 0 : index
      %get3A_1179 = arith.constant 0 : index
      %get3A_1180 = arith.constant 0 : index
      %get3A_1181 = vector.load %arg10[%get3A_1177, %get3A_1178, %get3A_1179, %get3A_1180] : memref<3x3x128x128xf32, #tpu.memory_space<vmem>>, vector<1x1x128x128xf32>
      %get3A_1182 = vector.shape_cast %get3A_1181 : vector<1x1x128x128xf32> to vector<128x128xf32>
      %dot_general3A_1183 = arith.constant dense<0.000000e+00> : vector<1000x128xf32>
      %dot_general3A_1184 = tpu.matmul %get3A_1152, %get3A_1182, %dot_general3A_1183 {dimension_numbers = #tpu.dot_dimension_numbers<[1], [0], [0], [1], [0, 0, 1, 1], [], []>, transpose_lhs_hint = false} : vector<1000x128xf32>, vector<128x128xf32>, vector<1000x128xf32> -> vector<1000x128xf32>
      %add3A_1185 = arith.addf %add3A_1176, %dot_general3A_1184 : vector<1000x128xf32>
      %get3A_1186 = arith.constant 0 : index
      %get3A_1187 = arith.constant 1 : index
      %get3A_1188 = arith.constant 0 : index
      %get3A_1189 = arith.constant 0 : index
      %get3A_1190 = vector.load %arg10[%get3A_1186, %get3A_1187, %get3A_1188, %get3A_1189] : memref<3x3x128x128xf32, #tpu.memory_space<vmem>>, vector<1x1x128x128xf32>
      %get3A_1191 = vector.shape_cast %get3A_1190 : vector<1x1x128x128xf32> to vector<128x128xf32>
      %dot_general3A_1192 = arith.constant dense<0.000000e+00> : vector<1000x128xf32>
      %dot_general3A_1193 = tpu.matmul %get3A_1157, %get3A_1191, %dot_general3A_1192 {dimension_numbers = #tpu.dot_dimension_numbers<[1], [0], [0], [1], [0, 0, 1, 1], [], []>, transpose_lhs_hint = false} : vector<1000x128xf32>, vector<128x128xf32>, vector<1000x128xf32> -> vector<1000x128xf32>
      %add3A_1194 = arith.addf %add3A_1185, %dot_general3A_1193 : vector<1000x128xf32>
      %get3A_1195 = arith.constant 0 : index
      %get3A_1196 = arith.constant 2 : index
      %get3A_1197 = arith.constant 0 : index
      %get3A_1198 = arith.constant 0 : index
      %get3A_1199 = vector.load %arg10[%get3A_1195, %get3A_1196, %get3A_1197, %get3A_1198] : memref<3x3x128x128xf32, #tpu.memory_space<vmem>>, vector<1x1x128x128xf32>
      %get3A_1200 = vector.shape_cast %get3A_1199 : vector<1x1x128x128xf32> to vector<128x128xf32>
      %dot_general3A_1201 = arith.constant dense<0.000000e+00> : vector<1000x128xf32>
      %dot_general3A_1202 = tpu.matmul %get3A_1162, %get3A_1200, %dot_general3A_1201 {dimension_numbers = #tpu.dot_dimension_numbers<[1], [0], [0], [1], [0, 0, 1, 1], [], []>, transpose_lhs_hint = false} : vector<1000x128xf32>, vector<128x128xf32>, vector<1000x128xf32> -> vector<1000x128xf32>
      %add3A_1203 = arith.addf %add3A_1194, %dot_general3A_1202 : vector<1000x128xf32>
      %logistic3A_1204 = arith.negf %add3A_1203 : vector<1000x128xf32>
      %logistic3A_1205 = math.exp %logistic3A_1204 : vector<1000x128xf32>
      %logistic3A_1206 = arith.constant 1.000000e+00 : f32
      %logistic3A_1207 = vector.broadcast %logistic3A_1206 : f32 to vector<1000x128xf32>
      %logistic3A_1208 = arith.addf %logistic3A_1207, %logistic3A_1205 : vector<1000x128xf32>
      %logistic3A_1209 = arith.divf %logistic3A_1207, %logistic3A_1208 : vector<1000x128xf32>
      %get3A_1210 = arith.constant 1 : index
      %get3A_1211 = arith.constant 0 : index
      %get3A_1212 = arith.constant 0 : index
      %get3A_1213 = vector.load %arg8[%get3A_1210, %get3A_1211, %get3A_1212] : memref<3x128x128xf32, #tpu.memory_space<vmem>>, vector<1x128x128xf32>
      %get3A_1214 = vector.shape_cast %get3A_1213 : vector<1x128x128xf32> to vector<128x128xf32>
      %dot_general3A_1215 = arith.constant dense<0.000000e+00> : vector<1000x128xf32>
      %dot_general3A_1216 = tpu.matmul %get3A_1147, %get3A_1214, %dot_general3A_1215 {dimension_numbers = #tpu.dot_dimension_numbers<[1], [0], [0], [1], [0, 0, 1, 1], [], []>, transpose_lhs_hint = false} : vector<1000x128xf32>, vector<128x128xf32>, vector<1000x128xf32> -> vector<1000x128xf32>
      %get3A_1217 = arith.constant 1 : index
      %get3A_1218 = arith.constant 0 : index
      %get3A_1219 = arith.constant 0 : index
      %get3A_1220 = vector.load %arg9[%get3A_1217, %get3A_1218, %get3A_1219] : memref<3x1x128xf32, #tpu.memory_space<vmem>>, vector<1x1x128xf32>
      %get3A_1221 = vector.shape_cast %get3A_1220 : vector<1x1x128xf32> to vector<1x128xf32>
      %add3A_1222 = vector.broadcast %get3A_1221 : vector<1x128xf32> to vector<1000x128xf32>
      %add3A_1223 = arith.addf %dot_general3A_1216, %add3A_1222 : vector<1000x128xf32>
      %get3A_1224 = arith.constant 1 : index
      %get3A_1225 = arith.constant 0 : index
      %get3A_1226 = arith.constant 0 : index
      %get3A_1227 = arith.constant 0 : index
      %get3A_1228 = vector.load %arg10[%get3A_1224, %get3A_1225, %get3A_1226, %get3A_1227] : memref<3x3x128x128xf32, #tpu.memory_space<vmem>>, vector<1x1x128x128xf32>
      %get3A_1229 = vector.shape_cast %get3A_1228 : vector<1x1x128x128xf32> to vector<128x128xf32>
      %dot_general3A_1230 = arith.constant dense<0.000000e+00> : vector<1000x128xf32>
      %dot_general3A_1231 = tpu.matmul %get3A_1152, %get3A_1229, %dot_general3A_1230 {dimension_numbers = #tpu.dot_dimension_numbers<[1], [0], [0], [1], [0, 0, 1, 1], [], []>, transpose_lhs_hint = false} : vector<1000x128xf32>, vector<128x128xf32>, vector<1000x128xf32> -> vector<1000x128xf32>
      %add3A_1232 = arith.addf %add3A_1223, %dot_general3A_1231 : vector<1000x128xf32>
      %get3A_1233 = arith.constant 1 : index
      %get3A_1234 = arith.constant 1 : index
      %get3A_1235 = arith.constant 0 : index
      %get3A_1236 = arith.constant 0 : index
      %get3A_1237 = vector.load %arg10[%get3A_1233, %get3A_1234, %get3A_1235, %get3A_1236] : memref<3x3x128x128xf32, #tpu.memory_space<vmem>>, vector<1x1x128x128xf32>
      %get3A_1238 = vector.shape_cast %get3A_1237 : vector<1x1x128x128xf32> to vector<128x128xf32>
      %dot_general3A_1239 = arith.constant dense<0.000000e+00> : vector<1000x128xf32>
      %dot_general3A_1240 = tpu.matmul %get3A_1157, %get3A_1238, %dot_general3A_1239 {dimension_numbers = #tpu.dot_dimension_numbers<[1], [0], [0], [1], [0, 0, 1, 1], [], []>, transpose_lhs_hint = false} : vector<1000x128xf32>, vector<128x128xf32>, vector<1000x128xf32> -> vector<1000x128xf32>
      %add3A_1241 = arith.addf %add3A_1232, %dot_general3A_1240 : vector<1000x128xf32>
      %get3A_1242 = arith.constant 1 : index
      %get3A_1243 = arith.constant 2 : index
      %get3A_1244 = arith.constant 0 : index
      %get3A_1245 = arith.constant 0 : index
      %get3A_1246 = vector.load %arg10[%get3A_1242, %get3A_1243, %get3A_1244, %get3A_1245] : memref<3x3x128x128xf32, #tpu.memory_space<vmem>>, vector<1x1x128x128xf32>
      %get3A_1247 = vector.shape_cast %get3A_1246 : vector<1x1x128x128xf32> to vector<128x128xf32>
      %dot_general3A_1248 = arith.constant dense<0.000000e+00> : vector<1000x128xf32>
      %dot_general3A_1249 = tpu.matmul %get3A_1162, %get3A_1247, %dot_general3A_1248 {dimension_numbers = #tpu.dot_dimension_numbers<[1], [0], [0], [1], [0, 0, 1, 1], [], []>, transpose_lhs_hint = false} : vector<1000x128xf32>, vector<128x128xf32>, vector<1000x128xf32> -> vector<1000x128xf32>
      %add3A_1250 = arith.addf %add3A_1241, %dot_general3A_1249 : vector<1000x128xf32>
      %logistic3A_1251 = arith.negf %add3A_1250 : vector<1000x128xf32>
      %logistic3A_1252 = math.exp %logistic3A_1251 : vector<1000x128xf32>
      %logistic3A_1253 = arith.constant 1.000000e+00 : f32
      %logistic3A_1254 = vector.broadcast %logistic3A_1253 : f32 to vector<1000x128xf32>
      %logistic3A_1255 = arith.addf %logistic3A_1254, %logistic3A_1252 : vector<1000x128xf32>
      %logistic3A_1256 = arith.divf %logistic3A_1254, %logistic3A_1255 : vector<1000x128xf32>
      %get3A_1257 = arith.constant 2 : index
      %get3A_1258 = arith.constant 0 : index
      %get3A_1259 = arith.constant 0 : index
      %get3A_1260 = vector.load %arg8[%get3A_1257, %get3A_1258, %get3A_1259] : memref<3x128x128xf32, #tpu.memory_space<vmem>>, vector<1x128x128xf32>
      %get3A_1261 = vector.shape_cast %get3A_1260 : vector<1x128x128xf32> to vector<128x128xf32>
      %dot_general3A_1262 = arith.constant dense<0.000000e+00> : vector<1000x128xf32>
      %dot_general3A_1263 = tpu.matmul %get3A_1147, %get3A_1261, %dot_general3A_1262 {dimension_numbers = #tpu.dot_dimension_numbers<[1], [0], [0], [1], [0, 0, 1, 1], [], []>, transpose_lhs_hint = false} : vector<1000x128xf32>, vector<128x128xf32>, vector<1000x128xf32> -> vector<1000x128xf32>
      %get3A_1264 = arith.constant 2 : index
      %get3A_1265 = arith.constant 0 : index
      %get3A_1266 = arith.constant 0 : index
      %get3A_1267 = vector.load %arg9[%get3A_1264, %get3A_1265, %get3A_1266] : memref<3x1x128xf32, #tpu.memory_space<vmem>>, vector<1x1x128xf32>
      %get3A_1268 = vector.shape_cast %get3A_1267 : vector<1x1x128xf32> to vector<1x128xf32>
      %add3A_1269 = vector.broadcast %get3A_1268 : vector<1x128xf32> to vector<1000x128xf32>
      %add3A_1270 = arith.addf %dot_general3A_1263, %add3A_1269 : vector<1000x128xf32>
      %get3A_1271 = arith.constant 2 : index
      %get3A_1272 = arith.constant 0 : index
      %get3A_1273 = arith.constant 0 : index
      %get3A_1274 = arith.constant 0 : index
      %get3A_1275 = vector.load %arg10[%get3A_1271, %get3A_1272, %get3A_1273, %get3A_1274] : memref<3x3x128x128xf32, #tpu.memory_space<vmem>>, vector<1x1x128x128xf32>
      %get3A_1276 = vector.shape_cast %get3A_1275 : vector<1x1x128x128xf32> to vector<128x128xf32>
      %dot_general3A_1277 = arith.constant dense<0.000000e+00> : vector<1000x128xf32>
      %dot_general3A_1278 = tpu.matmul %get3A_1152, %get3A_1276, %dot_general3A_1277 {dimension_numbers = #tpu.dot_dimension_numbers<[1], [0], [0], [1], [0, 0, 1, 1], [], []>, transpose_lhs_hint = false} : vector<1000x128xf32>, vector<128x128xf32>, vector<1000x128xf32> -> vector<1000x128xf32>
      %add3A_1279 = arith.addf %add3A_1270, %dot_general3A_1278 : vector<1000x128xf32>
      %get3A_1280 = arith.constant 2 : index
      %get3A_1281 = arith.constant 1 : index
      %get3A_1282 = arith.constant 0 : index
      %get3A_1283 = arith.constant 0 : index
      %get3A_1284 = vector.load %arg10[%get3A_1280, %get3A_1281, %get3A_1282, %get3A_1283] : memref<3x3x128x128xf32, #tpu.memory_space<vmem>>, vector<1x1x128x128xf32>
      %get3A_1285 = vector.shape_cast %get3A_1284 : vector<1x1x128x128xf32> to vector<128x128xf32>
      %dot_general3A_1286 = arith.constant dense<0.000000e+00> : vector<1000x128xf32>
      %dot_general3A_1287 = tpu.matmul %get3A_1157, %get3A_1285, %dot_general3A_1286 {dimension_numbers = #tpu.dot_dimension_numbers<[1], [0], [0], [1], [0, 0, 1, 1], [], []>, transpose_lhs_hint = false} : vector<1000x128xf32>, vector<128x128xf32>, vector<1000x128xf32> -> vector<1000x128xf32>
      %add3A_1288 = arith.addf %add3A_1279, %dot_general3A_1287 : vector<1000x128xf32>
      %get3A_1289 = arith.constant 2 : index
      %get3A_1290 = arith.constant 2 : index
      %get3A_1291 = arith.constant 0 : index
      %get3A_1292 = arith.constant 0 : index
      %get3A_1293 = vector.load %arg10[%get3A_1289, %get3A_1290, %get3A_1291, %get3A_1292] : memref<3x3x128x128xf32, #tpu.memory_space<vmem>>, vector<1x1x128x128xf32>
      %get3A_1294 = vector.shape_cast %get3A_1293 : vector<1x1x128x128xf32> to vector<128x128xf32>
      %dot_general3A_1295 = arith.constant dense<0.000000e+00> : vector<1000x128xf32>
      %dot_general3A_1296 = tpu.matmul %get3A_1162, %get3A_1294, %dot_general3A_1295 {dimension_numbers = #tpu.dot_dimension_numbers<[1], [0], [0], [1], [0, 0, 1, 1], [], []>, transpose_lhs_hint = false} : vector<1000x128xf32>, vector<128x128xf32>, vector<1000x128xf32> -> vector<1000x128xf32>
      %add3A_1297 = arith.addf %add3A_1288, %dot_general3A_1296 : vector<1000x128xf32>
      %tanh3A_1298 = math.tanh %add3A_1297 : vector<1000x128xf32>
      %get3A_1299 = arith.constant 0 : index
      %get3A_1300 = arith.constant 0 : index
      %get3A_1301 = vector.load %arg13[%get3A_1299, %get3A_1300] : memref<1x128xf32, #tpu.memory_space<vmem>>, vector<1x128xf32>
      %get3A_1302 = arith.constant 0 : index
      %get3A_1303 = arith.constant 5000 : index
      %get3A_1304 = arith.constant 0 : index
      %get3A_1305 = vector.load %arg19[%get3A_1302, %get3A_1303, %get3A_1304] : memref<3x10000x128xf32, #tpu.memory_space<vmem>>, vector<1x1000x128xf32>
      %get3A_1306 = vector.shape_cast %get3A_1305 : vector<1x1000x128xf32> to vector<1000x128xf32>
      %get3A_1307 = arith.constant 0 : index
      %get3A_1308 = arith.constant 0 : index
      %get3A_1309 = arith.constant 0 : index
      %get3A_1310 = vector.load %arg12[%get3A_1307, %get3A_1308, %get3A_1309] : memref<3x128x128xf32, #tpu.memory_space<vmem>>, vector<1x128x128xf32>
      %get3A_1311 = vector.shape_cast %get3A_1310 : vector<1x128x128xf32> to vector<128x128xf32>
      %dot_general3A_1312 = arith.constant dense<0.000000e+00> : vector<1000x128xf32>
      %dot_general3A_1313 = tpu.matmul %get3A_1306, %get3A_1311, %dot_general3A_1312 {dimension_numbers = #tpu.dot_dimension_numbers<[1], [0], [0], [1], [0, 0, 1, 1], [], []>, transpose_lhs_hint = false} : vector<1000x128xf32>, vector<128x128xf32>, vector<1000x128xf32> -> vector<1000x128xf32>
      %add3A_1314 = vector.broadcast %get3A_1301 : vector<1x128xf32> to vector<1000x128xf32>
      %add3A_1315 = arith.addf %add3A_1314, %dot_general3A_1313 : vector<1000x128xf32>
      %get3A_1316 = arith.constant 1 : index
      %get3A_1317 = arith.constant 5000 : index
      %get3A_1318 = arith.constant 0 : index
      %get3A_1319 = vector.load %arg19[%get3A_1316, %get3A_1317, %get3A_1318] : memref<3x10000x128xf32, #tpu.memory_space<vmem>>, vector<1x1000x128xf32>
      %get3A_1320 = vector.shape_cast %get3A_1319 : vector<1x1000x128xf32> to vector<1000x128xf32>
      %get3A_1321 = arith.constant 1 : index
      %get3A_1322 = arith.constant 0 : index
      %get3A_1323 = arith.constant 0 : index
      %get3A_1324 = vector.load %arg12[%get3A_1321, %get3A_1322, %get3A_1323] : memref<3x128x128xf32, #tpu.memory_space<vmem>>, vector<1x128x128xf32>
      %get3A_1325 = vector.shape_cast %get3A_1324 : vector<1x128x128xf32> to vector<128x128xf32>
      %dot_general3A_1326 = arith.constant dense<0.000000e+00> : vector<1000x128xf32>
      %dot_general3A_1327 = tpu.matmul %get3A_1320, %get3A_1325, %dot_general3A_1326 {dimension_numbers = #tpu.dot_dimension_numbers<[1], [0], [0], [1], [0, 0, 1, 1], [], []>, transpose_lhs_hint = false} : vector<1000x128xf32>, vector<128x128xf32>, vector<1000x128xf32> -> vector<1000x128xf32>
      %add3A_1328 = arith.addf %add3A_1315, %dot_general3A_1327 : vector<1000x128xf32>
      %get3A_1329 = arith.constant 2 : index
      %get3A_1330 = arith.constant 5000 : index
      %get3A_1331 = arith.constant 0 : index
      %get3A_1332 = vector.load %arg19[%get3A_1329, %get3A_1330, %get3A_1331] : memref<3x10000x128xf32, #tpu.memory_space<vmem>>, vector<1x1000x128xf32>
      %get3A_1333 = vector.shape_cast %get3A_1332 : vector<1x1000x128xf32> to vector<1000x128xf32>
      %get3A_1334 = arith.constant 2 : index
      %get3A_1335 = arith.constant 0 : index
      %get3A_1336 = arith.constant 0 : index
      %get3A_1337 = vector.load %arg12[%get3A_1334, %get3A_1335, %get3A_1336] : memref<3x128x128xf32, #tpu.memory_space<vmem>>, vector<1x128x128xf32>
      %get3A_1338 = vector.shape_cast %get3A_1337 : vector<1x128x128xf32> to vector<128x128xf32>
      %dot_general3A_1339 = arith.constant dense<0.000000e+00> : vector<1000x128xf32>
      %dot_general3A_1340 = tpu.matmul %get3A_1333, %get3A_1338, %dot_general3A_1339 {dimension_numbers = #tpu.dot_dimension_numbers<[1], [0], [0], [1], [0, 0, 1, 1], [], []>, transpose_lhs_hint = false} : vector<1000x128xf32>, vector<128x128xf32>, vector<1000x128xf32> -> vector<1000x128xf32>
      %add3A_1341 = arith.addf %add3A_1328, %dot_general3A_1340 : vector<1000x128xf32>
      %mul3A_1342 = arith.mulf %logistic3A_1209, %tanh3A_1298 : vector<1000x128xf32>
      %add3A_1343 = arith.addf %mul3A_1342, %add3A_1341 : vector<1000x128xf32>
      %tanh3A_1344 = math.tanh %add3A_1343 : vector<1000x128xf32>
      %mul3A_1345 = arith.mulf %logistic3A_1256, %tanh3A_1344 : vector<1000x128xf32>
      %get3A_1346 = arith.constant 5000 : index
      %get3A_1347 = arith.constant 0 : index
      %get3A_1348 = vector.load %arg5[%get3A_1346, %get3A_1347] : memref<10000x1xi32, #tpu.memory_space<vmem>>, vector<1000x1xi32>
      %eq3A_1349 = vector.broadcast %arg0 : i32 to vector<1000x1xi32>
      %eq3A_1350 = arith.cmpi eq, %get3A_1348, %eq3A_1349 : vector<1000x1xi32>
      %get3A_1351 = arith.constant 5000 : index
      %get3A_1352 = arith.constant 0 : index
      %get3A_1353 = vector.load %arg15[%get3A_1351, %get3A_1352] : memref<10000x128xf32, #tpu.memory_space<vmem>>, vector<1000x128xf32>
      %broadcast_in_dim3A_1354 = vector.shape_cast %eq3A_1350 : vector<1000x1xi1> to vector<1000x1xi1>
      %broadcast_in_dim3A_1355 = vector.broadcast %broadcast_in_dim3A_1354 : vector<1000x1xi1> to vector<1000x128xi1>
      %select_n3A_1356 = arith.select %broadcast_in_dim3A_1355, %add3A_1343, %get3A_1353 : vector<1000x128xi1>, vector<1000x128xf32>
      %swap3A_1357 = arith.constant 5000 : index
      %swap3A_1358 = arith.constant 0 : index
      %swap3A_1359 = vector.load %arg15[%swap3A_1357, %swap3A_1358] : memref<10000x128xf32, #tpu.memory_space<vmem>>, vector<1000x128xf32>
      tpu.vector_store %arg15[%swap3A_1357, %swap3A_1358], %select_n3A_1356 {strides = array<i32>} : memref<10000x128xf32, #tpu.memory_space<vmem>>, vector<1000x128xf32>,
      %get3A_1360 = arith.constant 5000 : index
      %get3A_1361 = arith.constant 0 : index
      %get3A_1362 = vector.load %arg14[%get3A_1360, %get3A_1361] : memref<10000x128xf32, #tpu.memory_space<vmem>>, vector<1000x128xf32>
      %broadcast_in_dim3A_1363 = vector.shape_cast %eq3A_1350 : vector<1000x1xi1> to vector<1000x1xi1>
      %broadcast_in_dim3A_1364 = vector.broadcast %broadcast_in_dim3A_1363 : vector<1000x1xi1> to vector<1000x128xi1>
      %select_n3A_1365 = arith.select %broadcast_in_dim3A_1364, %mul3A_1345, %get3A_1362 : vector<1000x128xi1>, vector<1000x128xf32>
      %swap3A_1366 = arith.constant 5000 : index
      %swap3A_1367 = arith.constant 0 : index
      %swap3A_1368 = vector.load %arg14[%swap3A_1366, %swap3A_1367] : memref<10000x128xf32, #tpu.memory_space<vmem>>, vector<1000x128xf32>
      tpu.vector_store %arg14[%swap3A_1366, %swap3A_1367], %select_n3A_1365 {strides = array<i32>} : memref<10000x128xf32, #tpu.memory_space<vmem>>, vector<1000x128xf32>,
      %get3A_1369 = arith.constant 6000 : index
      %get3A_1370 = arith.constant 0 : index
      %get3A_1371 = vector.load %arg4[%get3A_1369, %get3A_1370] : memref<10000x128xf32, #tpu.memory_space<vmem>>, vector<1000x128xf32>
      %get3A_1372 = arith.constant 0 : index
      %get3A_1373 = arith.constant 6000 : index
      %get3A_1374 = arith.constant 0 : index
      %get3A_1375 = vector.load %arg18[%get3A_1372, %get3A_1373, %get3A_1374] : memref<3x10000x128xf32, #tpu.memory_space<vmem>>, vector<1x1000x128xf32>
      %get3A_1376 = vector.shape_cast %get3A_1375 : vector<1x1000x128xf32> to vector<1000x128xf32>
      %get3A_1377 = arith.constant 1 : index
      %get3A_1378 = arith.constant 6000 : index
      %get3A_1379 = arith.constant 0 : index
      %get3A_1380 = vector.load %arg18[%get3A_1377, %get3A_1378, %get3A_1379] : memref<3x10000x128xf32, #tpu.memory_space<vmem>>, vector<1x1000x128xf32>
      %get3A_1381 = vector.shape_cast %get3A_1380 : vector<1x1000x128xf32> to vector<1000x128xf32>
      %get3A_1382 = arith.constant 2 : index
      %get3A_1383 = arith.constant 6000 : index
      %get3A_1384 = arith.constant 0 : index
      %get3A_1385 = vector.load %arg18[%get3A_1382, %get3A_1383, %get3A_1384] : memref<3x10000x128xf32, #tpu.memory_space<vmem>>, vector<1x1000x128xf32>
      %get3A_1386 = vector.shape_cast %get3A_1385 : vector<1x1000x128xf32> to vector<1000x128xf32>
      %get3A_1387 = arith.constant 0 : index
      %get3A_1388 = arith.constant 0 : index
      %get3A_1389 = arith.constant 0 : index
      %get3A_1390 = vector.load %arg8[%get3A_1387, %get3A_1388, %get3A_1389] : memref<3x128x128xf32, #tpu.memory_space<vmem>>, vector<1x128x128xf32>
      %get3A_1391 = vector.shape_cast %get3A_1390 : vector<1x128x128xf32> to vector<128x128xf32>
      %dot_general3A_1392 = arith.constant dense<0.000000e+00> : vector<1000x128xf32>
      %dot_general3A_1393 = tpu.matmul %get3A_1371, %get3A_1391, %dot_general3A_1392 {dimension_numbers = #tpu.dot_dimension_numbers<[1], [0], [0], [1], [0, 0, 1, 1], [], []>, transpose_lhs_hint = false} : vector<1000x128xf32>, vector<128x128xf32>, vector<1000x128xf32> -> vector<1000x128xf32>
      %get3A_1394 = arith.constant 0 : index
      %get3A_1395 = arith.constant 0 : index
      %get3A_1396 = arith.constant 0 : index
      %get3A_1397 = vector.load %arg9[%get3A_1394, %get3A_1395, %get3A_1396] : memref<3x1x128xf32, #tpu.memory_space<vmem>>, vector<1x1x128xf32>
      %get3A_1398 = vector.shape_cast %get3A_1397 : vector<1x1x128xf32> to vector<1x128xf32>
      %add3A_1399 = vector.broadcast %get3A_1398 : vector<1x128xf32> to vector<1000x128xf32>
      %add3A_1400 = arith.addf %dot_general3A_1393, %add3A_1399 : vector<1000x128xf32>
      %get3A_1401 = arith.constant 0 : index
      %get3A_1402 = arith.constant 0 : index
      %get3A_1403 = arith.constant 0 : index
      %get3A_1404 = arith.constant 0 : index
      %get3A_1405 = vector.load %arg10[%get3A_1401, %get3A_1402, %get3A_1403, %get3A_1404] : memref<3x3x128x128xf32, #tpu.memory_space<vmem>>, vector<1x1x128x128xf32>
      %get3A_1406 = vector.shape_cast %get3A_1405 : vector<1x1x128x128xf32> to vector<128x128xf32>
      %dot_general3A_1407 = arith.constant dense<0.000000e+00> : vector<1000x128xf32>
      %dot_general3A_1408 = tpu.matmul %get3A_1376, %get3A_1406, %dot_general3A_1407 {dimension_numbers = #tpu.dot_dimension_numbers<[1], [0], [0], [1], [0, 0, 1, 1], [], []>, transpose_lhs_hint = false} : vector<1000x128xf32>, vector<128x128xf32>, vector<1000x128xf32> -> vector<1000x128xf32>
      %add3A_1409 = arith.addf %add3A_1400, %dot_general3A_1408 : vector<1000x128xf32>
      %get3A_1410 = arith.constant 0 : index
      %get3A_1411 = arith.constant 1 : index
      %get3A_1412 = arith.constant 0 : index
      %get3A_1413 = arith.constant 0 : index
      %get3A_1414 = vector.load %arg10[%get3A_1410, %get3A_1411, %get3A_1412, %get3A_1413] : memref<3x3x128x128xf32, #tpu.memory_space<vmem>>, vector<1x1x128x128xf32>
      %get3A_1415 = vector.shape_cast %get3A_1414 : vector<1x1x128x128xf32> to vector<128x128xf32>
      %dot_general3A_1416 = arith.constant dense<0.000000e+00> : vector<1000x128xf32>
      %dot_general3A_1417 = tpu.matmul %get3A_1381, %get3A_1415, %dot_general3A_1416 {dimension_numbers = #tpu.dot_dimension_numbers<[1], [0], [0], [1], [0, 0, 1, 1], [], []>, transpose_lhs_hint = false} : vector<1000x128xf32>, vector<128x128xf32>, vector<1000x128xf32> -> vector<1000x128xf32>
      %add3A_1418 = arith.addf %add3A_1409, %dot_general3A_1417 : vector<1000x128xf32>
      %get3A_1419 = arith.constant 0 : index
      %get3A_1420 = arith.constant 2 : index
      %get3A_1421 = arith.constant 0 : index
      %get3A_1422 = arith.constant 0 : index
      %get3A_1423 = vector.load %arg10[%get3A_1419, %get3A_1420, %get3A_1421, %get3A_1422] : memref<3x3x128x128xf32, #tpu.memory_space<vmem>>, vector<1x1x128x128xf32>
      %get3A_1424 = vector.shape_cast %get3A_1423 : vector<1x1x128x128xf32> to vector<128x128xf32>
      %dot_general3A_1425 = arith.constant dense<0.000000e+00> : vector<1000x128xf32>
      %dot_general3A_1426 = tpu.matmul %get3A_1386, %get3A_1424, %dot_general3A_1425 {dimension_numbers = #tpu.dot_dimension_numbers<[1], [0], [0], [1], [0, 0, 1, 1], [], []>, transpose_lhs_hint = false} : vector<1000x128xf32>, vector<128x128xf32>, vector<1000x128xf32> -> vector<1000x128xf32>
      %add3A_1427 = arith.addf %add3A_1418, %dot_general3A_1426 : vector<1000x128xf32>
      %logistic3A_1428 = arith.negf %add3A_1427 : vector<1000x128xf32>
      %logistic3A_1429 = math.exp %logistic3A_1428 : vector<1000x128xf32>
      %logistic3A_1430 = arith.constant 1.000000e+00 : f32
      %logistic3A_1431 = vector.broadcast %logistic3A_1430 : f32 to vector<1000x128xf32>
      %logistic3A_1432 = arith.addf %logistic3A_1431, %logistic3A_1429 : vector<1000x128xf32>
      %logistic3A_1433 = arith.divf %logistic3A_1431, %logistic3A_1432 : vector<1000x128xf32>
      %get3A_1434 = arith.constant 1 : index
      %get3A_1435 = arith.constant 0 : index
      %get3A_1436 = arith.constant 0 : index
      %get3A_1437 = vector.load %arg8[%get3A_1434, %get3A_1435, %get3A_1436] : memref<3x128x128xf32, #tpu.memory_space<vmem>>, vector<1x128x128xf32>
      %get3A_1438 = vector.shape_cast %get3A_1437 : vector<1x128x128xf32> to vector<128x128xf32>
      %dot_general3A_1439 = arith.constant dense<0.000000e+00> : vector<1000x128xf32>
      %dot_general3A_1440 = tpu.matmul %get3A_1371, %get3A_1438, %dot_general3A_1439 {dimension_numbers = #tpu.dot_dimension_numbers<[1], [0], [0], [1], [0, 0, 1, 1], [], []>, transpose_lhs_hint = false} : vector<1000x128xf32>, vector<128x128xf32>, vector<1000x128xf32> -> vector<1000x128xf32>
      %get3A_1441 = arith.constant 1 : index
      %get3A_1442 = arith.constant 0 : index
      %get3A_1443 = arith.constant 0 : index
      %get3A_1444 = vector.load %arg9[%get3A_1441, %get3A_1442, %get3A_1443] : memref<3x1x128xf32, #tpu.memory_space<vmem>>, vector<1x1x128xf32>
      %get3A_1445 = vector.shape_cast %get3A_1444 : vector<1x1x128xf32> to vector<1x128xf32>
      %add3A_1446 = vector.broadcast %get3A_1445 : vector<1x128xf32> to vector<1000x128xf32>
      %add3A_1447 = arith.addf %dot_general3A_1440, %add3A_1446 : vector<1000x128xf32>
      %get3A_1448 = arith.constant 1 : index
      %get3A_1449 = arith.constant 0 : index
      %get3A_1450 = arith.constant 0 : index
      %get3A_1451 = arith.constant 0 : index
      %get3A_1452 = vector.load %arg10[%get3A_1448, %get3A_1449, %get3A_1450, %get3A_1451] : memref<3x3x128x128xf32, #tpu.memory_space<vmem>>, vector<1x1x128x128xf32>
      %get3A_1453 = vector.shape_cast %get3A_1452 : vector<1x1x128x128xf32> to vector<128x128xf32>
      %dot_general3A_1454 = arith.constant dense<0.000000e+00> : vector<1000x128xf32>
      %dot_general3A_1455 = tpu.matmul %get3A_1376, %get3A_1453, %dot_general3A_1454 {dimension_numbers = #tpu.dot_dimension_numbers<[1], [0], [0], [1], [0, 0, 1, 1], [], []>, transpose_lhs_hint = false} : vector<1000x128xf32>, vector<128x128xf32>, vector<1000x128xf32> -> vector<1000x128xf32>
      %add3A_1456 = arith.addf %add3A_1447, %dot_general3A_1455 : vector<1000x128xf32>
      %get3A_1457 = arith.constant 1 : index
      %get3A_1458 = arith.constant 1 : index
      %get3A_1459 = arith.constant 0 : index
      %get3A_1460 = arith.constant 0 : index
      %get3A_1461 = vector.load %arg10[%get3A_1457, %get3A_1458, %get3A_1459, %get3A_1460] : memref<3x3x128x128xf32, #tpu.memory_space<vmem>>, vector<1x1x128x128xf32>
      %get3A_1462 = vector.shape_cast %get3A_1461 : vector<1x1x128x128xf32> to vector<128x128xf32>
      %dot_general3A_1463 = arith.constant dense<0.000000e+00> : vector<1000x128xf32>
      %dot_general3A_1464 = tpu.matmul %get3A_1381, %get3A_1462, %dot_general3A_1463 {dimension_numbers = #tpu.dot_dimension_numbers<[1], [0], [0], [1], [0, 0, 1, 1], [], []>, transpose_lhs_hint = false} : vector<1000x128xf32>, vector<128x128xf32>, vector<1000x128xf32> -> vector<1000x128xf32>
      %add3A_1465 = arith.addf %add3A_1456, %dot_general3A_1464 : vector<1000x128xf32>
      %get3A_1466 = arith.constant 1 : index
      %get3A_1467 = arith.constant 2 : index
      %get3A_1468 = arith.constant 0 : index
      %get3A_1469 = arith.constant 0 : index
      %get3A_1470 = vector.load %arg10[%get3A_1466, %get3A_1467, %get3A_1468, %get3A_1469] : memref<3x3x128x128xf32, #tpu.memory_space<vmem>>, vector<1x1x128x128xf32>
      %get3A_1471 = vector.shape_cast %get3A_1470 : vector<1x1x128x128xf32> to vector<128x128xf32>
      %dot_general3A_1472 = arith.constant dense<0.000000e+00> : vector<1000x128xf32>
      %dot_general3A_1473 = tpu.matmul %get3A_1386, %get3A_1471, %dot_general3A_1472 {dimension_numbers = #tpu.dot_dimension_numbers<[1], [0], [0], [1], [0, 0, 1, 1], [], []>, transpose_lhs_hint = false} : vector<1000x128xf32>, vector<128x128xf32>, vector<1000x128xf32> -> vector<1000x128xf32>
      %add3A_1474 = arith.addf %add3A_1465, %dot_general3A_1473 : vector<1000x128xf32>
      %logistic3A_1475 = arith.negf %add3A_1474 : vector<1000x128xf32>
      %logistic3A_1476 = math.exp %logistic3A_1475 : vector<1000x128xf32>
      %logistic3A_1477 = arith.constant 1.000000e+00 : f32
      %logistic3A_1478 = vector.broadcast %logistic3A_1477 : f32 to vector<1000x128xf32>
      %logistic3A_1479 = arith.addf %logistic3A_1478, %logistic3A_1476 : vector<1000x128xf32>
      %logistic3A_1480 = arith.divf %logistic3A_1478, %logistic3A_1479 : vector<1000x128xf32>
      %get3A_1481 = arith.constant 2 : index
      %get3A_1482 = arith.constant 0 : index
      %get3A_1483 = arith.constant 0 : index
      %get3A_1484 = vector.load %arg8[%get3A_1481, %get3A_1482, %get3A_1483] : memref<3x128x128xf32, #tpu.memory_space<vmem>>, vector<1x128x128xf32>
      %get3A_1485 = vector.shape_cast %get3A_1484 : vector<1x128x128xf32> to vector<128x128xf32>
      %dot_general3A_1486 = arith.constant dense<0.000000e+00> : vector<1000x128xf32>
      %dot_general3A_1487 = tpu.matmul %get3A_1371, %get3A_1485, %dot_general3A_1486 {dimension_numbers = #tpu.dot_dimension_numbers<[1], [0], [0], [1], [0, 0, 1, 1], [], []>, transpose_lhs_hint = false} : vector<1000x128xf32>, vector<128x128xf32>, vector<1000x128xf32> -> vector<1000x128xf32>
      %get3A_1488 = arith.constant 2 : index
      %get3A_1489 = arith.constant 0 : index
      %get3A_1490 = arith.constant 0 : index
      %get3A_1491 = vector.load %arg9[%get3A_1488, %get3A_1489, %get3A_1490] : memref<3x1x128xf32, #tpu.memory_space<vmem>>, vector<1x1x128xf32>
      %get3A_1492 = vector.shape_cast %get3A_1491 : vector<1x1x128xf32> to vector<1x128xf32>
      %add3A_1493 = vector.broadcast %get3A_1492 : vector<1x128xf32> to vector<1000x128xf32>
      %add3A_1494 = arith.addf %dot_general3A_1487, %add3A_1493 : vector<1000x128xf32>
      %get3A_1495 = arith.constant 2 : index
      %get3A_1496 = arith.constant 0 : index
      %get3A_1497 = arith.constant 0 : index
      %get3A_1498 = arith.constant 0 : index
      %get3A_1499 = vector.load %arg10[%get3A_1495, %get3A_1496, %get3A_1497, %get3A_1498] : memref<3x3x128x128xf32, #tpu.memory_space<vmem>>, vector<1x1x128x128xf32>
      %get3A_1500 = vector.shape_cast %get3A_1499 : vector<1x1x128x128xf32> to vector<128x128xf32>
      %dot_general3A_1501 = arith.constant dense<0.000000e+00> : vector<1000x128xf32>
      %dot_general3A_1502 = tpu.matmul %get3A_1376, %get3A_1500, %dot_general3A_1501 {dimension_numbers = #tpu.dot_dimension_numbers<[1], [0], [0], [1], [0, 0, 1, 1], [], []>, transpose_lhs_hint = false} : vector<1000x128xf32>, vector<128x128xf32>, vector<1000x128xf32> -> vector<1000x128xf32>
      %add3A_1503 = arith.addf %add3A_1494, %dot_general3A_1502 : vector<1000x128xf32>
      %get3A_1504 = arith.constant 2 : index
      %get3A_1505 = arith.constant 1 : index
      %get3A_1506 = arith.constant 0 : index
      %get3A_1507 = arith.constant 0 : index
      %get3A_1508 = vector.load %arg10[%get3A_1504, %get3A_1505, %get3A_1506, %get3A_1507] : memref<3x3x128x128xf32, #tpu.memory_space<vmem>>, vector<1x1x128x128xf32>
      %get3A_1509 = vector.shape_cast %get3A_1508 : vector<1x1x128x128xf32> to vector<128x128xf32>
      %dot_general3A_1510 = arith.constant dense<0.000000e+00> : vector<1000x128xf32>
      %dot_general3A_1511 = tpu.matmul %get3A_1381, %get3A_1509, %dot_general3A_1510 {dimension_numbers = #tpu.dot_dimension_numbers<[1], [0], [0], [1], [0, 0, 1, 1], [], []>, transpose_lhs_hint = false} : vector<1000x128xf32>, vector<128x128xf32>, vector<1000x128xf32> -> vector<1000x128xf32>
      %add3A_1512 = arith.addf %add3A_1503, %dot_general3A_1511 : vector<1000x128xf32>
      %get3A_1513 = arith.constant 2 : index
      %get3A_1514 = arith.constant 2 : index
      %get3A_1515 = arith.constant 0 : index
      %get3A_1516 = arith.constant 0 : index
      %get3A_1517 = vector.load %arg10[%get3A_1513, %get3A_1514, %get3A_1515, %get3A_1516] : memref<3x3x128x128xf32, #tpu.memory_space<vmem>>, vector<1x1x128x128xf32>
      %get3A_1518 = vector.shape_cast %get3A_1517 : vector<1x1x128x128xf32> to vector<128x128xf32>
      %dot_general3A_1519 = arith.constant dense<0.000000e+00> : vector<1000x128xf32>
      %dot_general3A_1520 = tpu.matmul %get3A_1386, %get3A_1518, %dot_general3A_1519 {dimension_numbers = #tpu.dot_dimension_numbers<[1], [0], [0], [1], [0, 0, 1, 1], [], []>, transpose_lhs_hint = false} : vector<1000x128xf32>, vector<128x128xf32>, vector<1000x128xf32> -> vector<1000x128xf32>
      %add3A_1521 = arith.addf %add3A_1512, %dot_general3A_1520 : vector<1000x128xf32>
      %tanh3A_1522 = math.tanh %add3A_1521 : vector<1000x128xf32>
      %get3A_1523 = arith.constant 0 : index
      %get3A_1524 = arith.constant 0 : index
      %get3A_1525 = vector.load %arg13[%get3A_1523, %get3A_1524] : memref<1x128xf32, #tpu.memory_space<vmem>>, vector<1x128xf32>
      %get3A_1526 = arith.constant 0 : index
      %get3A_1527 = arith.constant 6000 : index
      %get3A_1528 = arith.constant 0 : index
      %get3A_1529 = vector.load %arg19[%get3A_1526, %get3A_1527, %get3A_1528] : memref<3x10000x128xf32, #tpu.memory_space<vmem>>, vector<1x1000x128xf32>
      %get3A_1530 = vector.shape_cast %get3A_1529 : vector<1x1000x128xf32> to vector<1000x128xf32>
      %get3A_1531 = arith.constant 0 : index
      %get3A_1532 = arith.constant 0 : index
      %get3A_1533 = arith.constant 0 : index
      %get3A_1534 = vector.load %arg12[%get3A_1531, %get3A_1532, %get3A_1533] : memref<3x128x128xf32, #tpu.memory_space<vmem>>, vector<1x128x128xf32>
      %get3A_1535 = vector.shape_cast %get3A_1534 : vector<1x128x128xf32> to vector<128x128xf32>
      %dot_general3A_1536 = arith.constant dense<0.000000e+00> : vector<1000x128xf32>
      %dot_general3A_1537 = tpu.matmul %get3A_1530, %get3A_1535, %dot_general3A_1536 {dimension_numbers = #tpu.dot_dimension_numbers<[1], [0], [0], [1], [0, 0, 1, 1], [], []>, transpose_lhs_hint = false} : vector<1000x128xf32>, vector<128x128xf32>, vector<1000x128xf32> -> vector<1000x128xf32>
      %add3A_1538 = vector.broadcast %get3A_1525 : vector<1x128xf32> to vector<1000x128xf32>
      %add3A_1539 = arith.addf %add3A_1538, %dot_general3A_1537 : vector<1000x128xf32>
      %get3A_1540 = arith.constant 1 : index
      %get3A_1541 = arith.constant 6000 : index
      %get3A_1542 = arith.constant 0 : index
      %get3A_1543 = vector.load %arg19[%get3A_1540, %get3A_1541, %get3A_1542] : memref<3x10000x128xf32, #tpu.memory_space<vmem>>, vector<1x1000x128xf32>
      %get3A_1544 = vector.shape_cast %get3A_1543 : vector<1x1000x128xf32> to vector<1000x128xf32>
      %get3A_1545 = arith.constant 1 : index
      %get3A_1546 = arith.constant 0 : index
      %get3A_1547 = arith.constant 0 : index
      %get3A_1548 = vector.load %arg12[%get3A_1545, %get3A_1546, %get3A_1547] : memref<3x128x128xf32, #tpu.memory_space<vmem>>, vector<1x128x128xf32>
      %get3A_1549 = vector.shape_cast %get3A_1548 : vector<1x128x128xf32> to vector<128x128xf32>
      %dot_general3A_1550 = arith.constant dense<0.000000e+00> : vector<1000x128xf32>
      %dot_general3A_1551 = tpu.matmul %get3A_1544, %get3A_1549, %dot_general3A_1550 {dimension_numbers = #tpu.dot_dimension_numbers<[1], [0], [0], [1], [0, 0, 1, 1], [], []>, transpose_lhs_hint = false} : vector<1000x128xf32>, vector<128x128xf32>, vector<1000x128xf32> -> vector<1000x128xf32>
      %add3A_1552 = arith.addf %add3A_1539, %dot_general3A_1551 : vector<1000x128xf32>
      %get3A_1553 = arith.constant 2 : index
      %get3A_1554 = arith.constant 6000 : index
      %get3A_1555 = arith.constant 0 : index
      %get3A_1556 = vector.load %arg19[%get3A_1553, %get3A_1554, %get3A_1555] : memref<3x10000x128xf32, #tpu.memory_space<vmem>>, vector<1x1000x128xf32>
      %get3A_1557 = vector.shape_cast %get3A_1556 : vector<1x1000x128xf32> to vector<1000x128xf32>
      %get3A_1558 = arith.constant 2 : index
      %get3A_1559 = arith.constant 0 : index
      %get3A_1560 = arith.constant 0 : index
      %get3A_1561 = vector.load %arg12[%get3A_1558, %get3A_1559, %get3A_1560] : memref<3x128x128xf32, #tpu.memory_space<vmem>>, vector<1x128x128xf32>
      %get3A_1562 = vector.shape_cast %get3A_1561 : vector<1x128x128xf32> to vector<128x128xf32>
      %dot_general3A_1563 = arith.constant dense<0.000000e+00> : vector<1000x128xf32>
      %dot_general3A_1564 = tpu.matmul %get3A_1557, %get3A_1562, %dot_general3A_1563 {dimension_numbers = #tpu.dot_dimension_numbers<[1], [0], [0], [1], [0, 0, 1, 1], [], []>, transpose_lhs_hint = false} : vector<1000x128xf32>, vector<128x128xf32>, vector<1000x128xf32> -> vector<1000x128xf32>
      %add3A_1565 = arith.addf %add3A_1552, %dot_general3A_1564 : vector<1000x128xf32>
      %mul3A_1566 = arith.mulf %logistic3A_1433, %tanh3A_1522 : vector<1000x128xf32>
      %add3A_1567 = arith.addf %mul3A_1566, %add3A_1565 : vector<1000x128xf32>
      %tanh3A_1568 = math.tanh %add3A_1567 : vector<1000x128xf32>
      %mul3A_1569 = arith.mulf %logistic3A_1480, %tanh3A_1568 : vector<1000x128xf32>
      %get3A_1570 = arith.constant 6000 : index
      %get3A_1571 = arith.constant 0 : index
      %get3A_1572 = vector.load %arg5[%get3A_1570, %get3A_1571] : memref<10000x1xi32, #tpu.memory_space<vmem>>, vector<1000x1xi32>
      %eq3A_1573 = vector.broadcast %arg0 : i32 to vector<1000x1xi32>
      %eq3A_1574 = arith.cmpi eq, %get3A_1572, %eq3A_1573 : vector<1000x1xi32>
      %get3A_1575 = arith.constant 6000 : index
      %get3A_1576 = arith.constant 0 : index
      %get3A_1577 = vector.load %arg15[%get3A_1575, %get3A_1576] : memref<10000x128xf32, #tpu.memory_space<vmem>>, vector<1000x128xf32>
      %broadcast_in_dim3A_1578 = vector.shape_cast %eq3A_1574 : vector<1000x1xi1> to vector<1000x1xi1>
      %broadcast_in_dim3A_1579 = vector.broadcast %broadcast_in_dim3A_1578 : vector<1000x1xi1> to vector<1000x128xi1>
      %select_n3A_1580 = arith.select %broadcast_in_dim3A_1579, %add3A_1567, %get3A_1577 : vector<1000x128xi1>, vector<1000x128xf32>
      %swap3A_1581 = arith.constant 6000 : index
      %swap3A_1582 = arith.constant 0 : index
      %swap3A_1583 = vector.load %arg15[%swap3A_1581, %swap3A_1582] : memref<10000x128xf32, #tpu.memory_space<vmem>>, vector<1000x128xf32>
      tpu.vector_store %arg15[%swap3A_1581, %swap3A_1582], %select_n3A_1580 {strides = array<i32>} : memref<10000x128xf32, #tpu.memory_space<vmem>>, vector<1000x128xf32>,
      %get3A_1584 = arith.constant 6000 : index
      %get3A_1585 = arith.constant 0 : index
      %get3A_1586 = vector.load %arg14[%get3A_1584, %get3A_1585] : memref<10000x128xf32, #tpu.memory_space<vmem>>, vector<1000x128xf32>
      %broadcast_in_dim3A_1587 = vector.shape_cast %eq3A_1574 : vector<1000x1xi1> to vector<1000x1xi1>
      %broadcast_in_dim3A_1588 = vector.broadcast %broadcast_in_dim3A_1587 : vector<1000x1xi1> to vector<1000x128xi1>
      %select_n3A_1589 = arith.select %broadcast_in_dim3A_1588, %mul3A_1569, %get3A_1586 : vector<1000x128xi1>, vector<1000x128xf32>
      %swap3A_1590 = arith.constant 6000 : index
      %swap3A_1591 = arith.constant 0 : index
      %swap3A_1592 = vector.load %arg14[%swap3A_1590, %swap3A_1591] : memref<10000x128xf32, #tpu.memory_space<vmem>>, vector<1000x128xf32>
      tpu.vector_store %arg14[%swap3A_1590, %swap3A_1591], %select_n3A_1589 {strides = array<i32>} : memref<10000x128xf32, #tpu.memory_space<vmem>>, vector<1000x128xf32>,
      %get3A_1593 = arith.constant 7000 : index
      %get3A_1594 = arith.constant 0 : index
      %get3A_1595 = vector.load %arg4[%get3A_1593, %get3A_1594] : memref<10000x128xf32, #tpu.memory_space<vmem>>, vector<1000x128xf32>
      %get3A_1596 = arith.constant 0 : index
      %get3A_1597 = arith.constant 7000 : index
      %get3A_1598 = arith.constant 0 : index
      %get3A_1599 = vector.load %arg18[%get3A_1596, %get3A_1597, %get3A_1598] : memref<3x10000x128xf32, #tpu.memory_space<vmem>>, vector<1x1000x128xf32>
      %get3A_1600 = vector.shape_cast %get3A_1599 : vector<1x1000x128xf32> to vector<1000x128xf32>
      %get3A_1601 = arith.constant 1 : index
      %get3A_1602 = arith.constant 7000 : index
      %get3A_1603 = arith.constant 0 : index
      %get3A_1604 = vector.load %arg18[%get3A_1601, %get3A_1602, %get3A_1603] : memref<3x10000x128xf32, #tpu.memory_space<vmem>>, vector<1x1000x128xf32>
      %get3A_1605 = vector.shape_cast %get3A_1604 : vector<1x1000x128xf32> to vector<1000x128xf32>
      %get3A_1606 = arith.constant 2 : index
      %get3A_1607 = arith.constant 7000 : index
      %get3A_1608 = arith.constant 0 : index
      %get3A_1609 = vector.load %arg18[%get3A_1606, %get3A_1607, %get3A_1608] : memref<3x10000x128xf32, #tpu.memory_space<vmem>>, vector<1x1000x128xf32>
      %get3A_1610 = vector.shape_cast %get3A_1609 : vector<1x1000x128xf32> to vector<1000x128xf32>
      %get3A_1611 = arith.constant 0 : index
      %get3A_1612 = arith.constant 0 : index
      %get3A_1613 = arith.constant 0 : index
      %get3A_1614 = vector.load %arg8[%get3A_1611, %get3A_1612, %get3A_1613] : memref<3x128x128xf32, #tpu.memory_space<vmem>>, vector<1x128x128xf32>
      %get3A_1615 = vector.shape_cast %get3A_1614 : vector<1x128x128xf32> to vector<128x128xf32>
      %dot_general3A_1616 = arith.constant dense<0.000000e+00> : vector<1000x128xf32>
      %dot_general3A_1617 = tpu.matmul %get3A_1595, %get3A_1615, %dot_general3A_1616 {dimension_numbers = #tpu.dot_dimension_numbers<[1], [0], [0], [1], [0, 0, 1, 1], [], []>, transpose_lhs_hint = false} : vector<1000x128xf32>, vector<128x128xf32>, vector<1000x128xf32> -> vector<1000x128xf32>
      %get3A_1618 = arith.constant 0 : index
      %get3A_1619 = arith.constant 0 : index
      %get3A_1620 = arith.constant 0 : index
      %get3A_1621 = vector.load %arg9[%get3A_1618, %get3A_1619, %get3A_1620] : memref<3x1x128xf32, #tpu.memory_space<vmem>>, vector<1x1x128xf32>
      %get3A_1622 = vector.shape_cast %get3A_1621 : vector<1x1x128xf32> to vector<1x128xf32>
      %add3A_1623 = vector.broadcast %get3A_1622 : vector<1x128xf32> to vector<1000x128xf32>
      %add3A_1624 = arith.addf %dot_general3A_1617, %add3A_1623 : vector<1000x128xf32>
      %get3A_1625 = arith.constant 0 : index
      %get3A_1626 = arith.constant 0 : index
      %get3A_1627 = arith.constant 0 : index
      %get3A_1628 = arith.constant 0 : index
      %get3A_1629 = vector.load %arg10[%get3A_1625, %get3A_1626, %get3A_1627, %get3A_1628] : memref<3x3x128x128xf32, #tpu.memory_space<vmem>>, vector<1x1x128x128xf32>
      %get3A_1630 = vector.shape_cast %get3A_1629 : vector<1x1x128x128xf32> to vector<128x128xf32>
      %dot_general3A_1631 = arith.constant dense<0.000000e+00> : vector<1000x128xf32>
      %dot_general3A_1632 = tpu.matmul %get3A_1600, %get3A_1630, %dot_general3A_1631 {dimension_numbers = #tpu.dot_dimension_numbers<[1], [0], [0], [1], [0, 0, 1, 1], [], []>, transpose_lhs_hint = false} : vector<1000x128xf32>, vector<128x128xf32>, vector<1000x128xf32> -> vector<1000x128xf32>
      %add3A_1633 = arith.addf %add3A_1624, %dot_general3A_1632 : vector<1000x128xf32>
      %get3A_1634 = arith.constant 0 : index
      %get3A_1635 = arith.constant 1 : index
      %get3A_1636 = arith.constant 0 : index
      %get3A_1637 = arith.constant 0 : index
      %get3A_1638 = vector.load %arg10[%get3A_1634, %get3A_1635, %get3A_1636, %get3A_1637] : memref<3x3x128x128xf32, #tpu.memory_space<vmem>>, vector<1x1x128x128xf32>
      %get3A_1639 = vector.shape_cast %get3A_1638 : vector<1x1x128x128xf32> to vector<128x128xf32>
      %dot_general3A_1640 = arith.constant dense<0.000000e+00> : vector<1000x128xf32>
      %dot_general3A_1641 = tpu.matmul %get3A_1605, %get3A_1639, %dot_general3A_1640 {dimension_numbers = #tpu.dot_dimension_numbers<[1], [0], [0], [1], [0, 0, 1, 1], [], []>, transpose_lhs_hint = false} : vector<1000x128xf32>, vector<128x128xf32>, vector<1000x128xf32> -> vector<1000x128xf32>
      %add3A_1642 = arith.addf %add3A_1633, %dot_general3A_1641 : vector<1000x128xf32>
      %get3A_1643 = arith.constant 0 : index
      %get3A_1644 = arith.constant 2 : index
      %get3A_1645 = arith.constant 0 : index
      %get3A_1646 = arith.constant 0 : index
      %get3A_1647 = vector.load %arg10[%get3A_1643, %get3A_1644, %get3A_1645, %get3A_1646] : memref<3x3x128x128xf32, #tpu.memory_space<vmem>>, vector<1x1x128x128xf32>
      %get3A_1648 = vector.shape_cast %get3A_1647 : vector<1x1x128x128xf32> to vector<128x128xf32>
      %dot_general3A_1649 = arith.constant dense<0.000000e+00> : vector<1000x128xf32>
      %dot_general3A_1650 = tpu.matmul %get3A_1610, %get3A_1648, %dot_general3A_1649 {dimension_numbers = #tpu.dot_dimension_numbers<[1], [0], [0], [1], [0, 0, 1, 1], [], []>, transpose_lhs_hint = false} : vector<1000x128xf32>, vector<128x128xf32>, vector<1000x128xf32> -> vector<1000x128xf32>
      %add3A_1651 = arith.addf %add3A_1642, %dot_general3A_1650 : vector<1000x128xf32>
      %logistic3A_1652 = arith.negf %add3A_1651 : vector<1000x128xf32>
      %logistic3A_1653 = math.exp %logistic3A_1652 : vector<1000x128xf32>
      %logistic3A_1654 = arith.constant 1.000000e+00 : f32
      %logistic3A_1655 = vector.broadcast %logistic3A_1654 : f32 to vector<1000x128xf32>
      %logistic3A_1656 = arith.addf %logistic3A_1655, %logistic3A_1653 : vector<1000x128xf32>
      %logistic3A_1657 = arith.divf %logistic3A_1655, %logistic3A_1656 : vector<1000x128xf32>
      %get3A_1658 = arith.constant 1 : index
      %get3A_1659 = arith.constant 0 : index
      %get3A_1660 = arith.constant 0 : index
      %get3A_1661 = vector.load %arg8[%get3A_1658, %get3A_1659, %get3A_1660] : memref<3x128x128xf32, #tpu.memory_space<vmem>>, vector<1x128x128xf32>
      %get3A_1662 = vector.shape_cast %get3A_1661 : vector<1x128x128xf32> to vector<128x128xf32>
      %dot_general3A_1663 = arith.constant dense<0.000000e+00> : vector<1000x128xf32>
      %dot_general3A_1664 = tpu.matmul %get3A_1595, %get3A_1662, %dot_general3A_1663 {dimension_numbers = #tpu.dot_dimension_numbers<[1], [0], [0], [1], [0, 0, 1, 1], [], []>, transpose_lhs_hint = false} : vector<1000x128xf32>, vector<128x128xf32>, vector<1000x128xf32> -> vector<1000x128xf32>
      %get3A_1665 = arith.constant 1 : index
      %get3A_1666 = arith.constant 0 : index
      %get3A_1667 = arith.constant 0 : index
      %get3A_1668 = vector.load %arg9[%get3A_1665, %get3A_1666, %get3A_1667] : memref<3x1x128xf32, #tpu.memory_space<vmem>>, vector<1x1x128xf32>
      %get3A_1669 = vector.shape_cast %get3A_1668 : vector<1x1x128xf32> to vector<1x128xf32>
      %add3A_1670 = vector.broadcast %get3A_1669 : vector<1x128xf32> to vector<1000x128xf32>
      %add3A_1671 = arith.addf %dot_general3A_1664, %add3A_1670 : vector<1000x128xf32>
      %get3A_1672 = arith.constant 1 : index
      %get3A_1673 = arith.constant 0 : index
      %get3A_1674 = arith.constant 0 : index
      %get3A_1675 = arith.constant 0 : index
      %get3A_1676 = vector.load %arg10[%get3A_1672, %get3A_1673, %get3A_1674, %get3A_1675] : memref<3x3x128x128xf32, #tpu.memory_space<vmem>>, vector<1x1x128x128xf32>
      %get3A_1677 = vector.shape_cast %get3A_1676 : vector<1x1x128x128xf32> to vector<128x128xf32>
      %dot_general3A_1678 = arith.constant dense<0.000000e+00> : vector<1000x128xf32>
      %dot_general3A_1679 = tpu.matmul %get3A_1600, %get3A_1677, %dot_general3A_1678 {dimension_numbers = #tpu.dot_dimension_numbers<[1], [0], [0], [1], [0, 0, 1, 1], [], []>, transpose_lhs_hint = false} : vector<1000x128xf32>, vector<128x128xf32>, vector<1000x128xf32> -> vector<1000x128xf32>
      %add3A_1680 = arith.addf %add3A_1671, %dot_general3A_1679 : vector<1000x128xf32>
      %get3A_1681 = arith.constant 1 : index
      %get3A_1682 = arith.constant 1 : index
      %get3A_1683 = arith.constant 0 : index
      %get3A_1684 = arith.constant 0 : index
      %get3A_1685 = vector.load %arg10[%get3A_1681, %get3A_1682, %get3A_1683, %get3A_1684] : memref<3x3x128x128xf32, #tpu.memory_space<vmem>>, vector<1x1x128x128xf32>
      %get3A_1686 = vector.shape_cast %get3A_1685 : vector<1x1x128x128xf32> to vector<128x128xf32>
      %dot_general3A_1687 = arith.constant dense<0.000000e+00> : vector<1000x128xf32>
      %dot_general3A_1688 = tpu.matmul %get3A_1605, %get3A_1686, %dot_general3A_1687 {dimension_numbers = #tpu.dot_dimension_numbers<[1], [0], [0], [1], [0, 0, 1, 1], [], []>, transpose_lhs_hint = false} : vector<1000x128xf32>, vector<128x128xf32>, vector<1000x128xf32> -> vector<1000x128xf32>
      %add3A_1689 = arith.addf %add3A_1680, %dot_general3A_1688 : vector<1000x128xf32>
      %get3A_1690 = arith.constant 1 : index
      %get3A_1691 = arith.constant 2 : index
      %get3A_1692 = arith.constant 0 : index
      %get3A_1693 = arith.constant 0 : index
      %get3A_1694 = vector.load %arg10[%get3A_1690, %get3A_1691, %get3A_1692, %get3A_1693] : memref<3x3x128x128xf32, #tpu.memory_space<vmem>>, vector<1x1x128x128xf32>
      %get3A_1695 = vector.shape_cast %get3A_1694 : vector<1x1x128x128xf32> to vector<128x128xf32>
      %dot_general3A_1696 = arith.constant dense<0.000000e+00> : vector<1000x128xf32>
      %dot_general3A_1697 = tpu.matmul %get3A_1610, %get3A_1695, %dot_general3A_1696 {dimension_numbers = #tpu.dot_dimension_numbers<[1], [0], [0], [1], [0, 0, 1, 1], [], []>, transpose_lhs_hint = false} : vector<1000x128xf32>, vector<128x128xf32>, vector<1000x128xf32> -> vector<1000x128xf32>
      %add3A_1698 = arith.addf %add3A_1689, %dot_general3A_1697 : vector<1000x128xf32>
      %logistic3A_1699 = arith.negf %add3A_1698 : vector<1000x128xf32>
      %logistic3A_1700 = math.exp %logistic3A_1699 : vector<1000x128xf32>
      %logistic3A_1701 = arith.constant 1.000000e+00 : f32
      %logistic3A_1702 = vector.broadcast %logistic3A_1701 : f32 to vector<1000x128xf32>
      %logistic3A_1703 = arith.addf %logistic3A_1702, %logistic3A_1700 : vector<1000x128xf32>
      %logistic3A_1704 = arith.divf %logistic3A_1702, %logistic3A_1703 : vector<1000x128xf32>
      %get3A_1705 = arith.constant 2 : index
      %get3A_1706 = arith.constant 0 : index
      %get3A_1707 = arith.constant 0 : index
      %get3A_1708 = vector.load %arg8[%get3A_1705, %get3A_1706, %get3A_1707] : memref<3x128x128xf32, #tpu.memory_space<vmem>>, vector<1x128x128xf32>
      %get3A_1709 = vector.shape_cast %get3A_1708 : vector<1x128x128xf32> to vector<128x128xf32>
      %dot_general3A_1710 = arith.constant dense<0.000000e+00> : vector<1000x128xf32>
      %dot_general3A_1711 = tpu.matmul %get3A_1595, %get3A_1709, %dot_general3A_1710 {dimension_numbers = #tpu.dot_dimension_numbers<[1], [0], [0], [1], [0, 0, 1, 1], [], []>, transpose_lhs_hint = false} : vector<1000x128xf32>, vector<128x128xf32>, vector<1000x128xf32> -> vector<1000x128xf32>
      %get3A_1712 = arith.constant 2 : index
      %get3A_1713 = arith.constant 0 : index
      %get3A_1714 = arith.constant 0 : index
      %get3A_1715 = vector.load %arg9[%get3A_1712, %get3A_1713, %get3A_1714] : memref<3x1x128xf32, #tpu.memory_space<vmem>>, vector<1x1x128xf32>
      %get3A_1716 = vector.shape_cast %get3A_1715 : vector<1x1x128xf32> to vector<1x128xf32>
      %add3A_1717 = vector.broadcast %get3A_1716 : vector<1x128xf32> to vector<1000x128xf32>
      %add3A_1718 = arith.addf %dot_general3A_1711, %add3A_1717 : vector<1000x128xf32>
      %get3A_1719 = arith.constant 2 : index
      %get3A_1720 = arith.constant 0 : index
      %get3A_1721 = arith.constant 0 : index
      %get3A_1722 = arith.constant 0 : index
      %get3A_1723 = vector.load %arg10[%get3A_1719, %get3A_1720, %get3A_1721, %get3A_1722] : memref<3x3x128x128xf32, #tpu.memory_space<vmem>>, vector<1x1x128x128xf32>
      %get3A_1724 = vector.shape_cast %get3A_1723 : vector<1x1x128x128xf32> to vector<128x128xf32>
      %dot_general3A_1725 = arith.constant dense<0.000000e+00> : vector<1000x128xf32>
      %dot_general3A_1726 = tpu.matmul %get3A_1600, %get3A_1724, %dot_general3A_1725 {dimension_numbers = #tpu.dot_dimension_numbers<[1], [0], [0], [1], [0, 0, 1, 1], [], []>, transpose_lhs_hint = false} : vector<1000x128xf32>, vector<128x128xf32>, vector<1000x128xf32> -> vector<1000x128xf32>
      %add3A_1727 = arith.addf %add3A_1718, %dot_general3A_1726 : vector<1000x128xf32>
      %get3A_1728 = arith.constant 2 : index
      %get3A_1729 = arith.constant 1 : index
      %get3A_1730 = arith.constant 0 : index
      %get3A_1731 = arith.constant 0 : index
      %get3A_1732 = vector.load %arg10[%get3A_1728, %get3A_1729, %get3A_1730, %get3A_1731] : memref<3x3x128x128xf32, #tpu.memory_space<vmem>>, vector<1x1x128x128xf32>
      %get3A_1733 = vector.shape_cast %get3A_1732 : vector<1x1x128x128xf32> to vector<128x128xf32>
      %dot_general3A_1734 = arith.constant dense<0.000000e+00> : vector<1000x128xf32>
      %dot_general3A_1735 = tpu.matmul %get3A_1605, %get3A_1733, %dot_general3A_1734 {dimension_numbers = #tpu.dot_dimension_numbers<[1], [0], [0], [1], [0, 0, 1, 1], [], []>, transpose_lhs_hint = false} : vector<1000x128xf32>, vector<128x128xf32>, vector<1000x128xf32> -> vector<1000x128xf32>
      %add3A_1736 = arith.addf %add3A_1727, %dot_general3A_1735 : vector<1000x128xf32>
      %get3A_1737 = arith.constant 2 : index
      %get3A_1738 = arith.constant 2 : index
      %get3A_1739 = arith.constant 0 : index
      %get3A_1740 = arith.constant 0 : index
      %get3A_1741 = vector.load %arg10[%get3A_1737, %get3A_1738, %get3A_1739, %get3A_1740] : memref<3x3x128x128xf32, #tpu.memory_space<vmem>>, vector<1x1x128x128xf32>
      %get3A_1742 = vector.shape_cast %get3A_1741 : vector<1x1x128x128xf32> to vector<128x128xf32>
      %dot_general3A_1743 = arith.constant dense<0.000000e+00> : vector<1000x128xf32>
      %dot_general3A_1744 = tpu.matmul %get3A_1610, %get3A_1742, %dot_general3A_1743 {dimension_numbers = #tpu.dot_dimension_numbers<[1], [0], [0], [1], [0, 0, 1, 1], [], []>, transpose_lhs_hint = false} : vector<1000x128xf32>, vector<128x128xf32>, vector<1000x128xf32> -> vector<1000x128xf32>
      %add3A_1745 = arith.addf %add3A_1736, %dot_general3A_1744 : vector<1000x128xf32>
      %tanh3A_1746 = math.tanh %add3A_1745 : vector<1000x128xf32>
      %get3A_1747 = arith.constant 0 : index
      %get3A_1748 = arith.constant 0 : index
      %get3A_1749 = vector.load %arg13[%get3A_1747, %get3A_1748] : memref<1x128xf32, #tpu.memory_space<vmem>>, vector<1x128xf32>
      %get3A_1750 = arith.constant 0 : index
      %get3A_1751 = arith.constant 7000 : index
      %get3A_1752 = arith.constant 0 : index
      %get3A_1753 = vector.load %arg19[%get3A_1750, %get3A_1751, %get3A_1752] : memref<3x10000x128xf32, #tpu.memory_space<vmem>>, vector<1x1000x128xf32>
      %get3A_1754 = vector.shape_cast %get3A_1753 : vector<1x1000x128xf32> to vector<1000x128xf32>
      %get3A_1755 = arith.constant 0 : index
      %get3A_1756 = arith.constant 0 : index
      %get3A_1757 = arith.constant 0 : index
      %get3A_1758 = vector.load %arg12[%get3A_1755, %get3A_1756, %get3A_1757] : memref<3x128x128xf32, #tpu.memory_space<vmem>>, vector<1x128x128xf32>
      %get3A_1759 = vector.shape_cast %get3A_1758 : vector<1x128x128xf32> to vector<128x128xf32>
      %dot_general3A_1760 = arith.constant dense<0.000000e+00> : vector<1000x128xf32>
      %dot_general3A_1761 = tpu.matmul %get3A_1754, %get3A_1759, %dot_general3A_1760 {dimension_numbers = #tpu.dot_dimension_numbers<[1], [0], [0], [1], [0, 0, 1, 1], [], []>, transpose_lhs_hint = false} : vector<1000x128xf32>, vector<128x128xf32>, vector<1000x128xf32> -> vector<1000x128xf32>
      %add3A_1762 = vector.broadcast %get3A_1749 : vector<1x128xf32> to vector<1000x128xf32>
      %add3A_1763 = arith.addf %add3A_1762, %dot_general3A_1761 : vector<1000x128xf32>
      %get3A_1764 = arith.constant 1 : index
      %get3A_1765 = arith.constant 7000 : index
      %get3A_1766 = arith.constant 0 : index
      %get3A_1767 = vector.load %arg19[%get3A_1764, %get3A_1765, %get3A_1766] : memref<3x10000x128xf32, #tpu.memory_space<vmem>>, vector<1x1000x128xf32>
      %get3A_1768 = vector.shape_cast %get3A_1767 : vector<1x1000x128xf32> to vector<1000x128xf32>
      %get3A_1769 = arith.constant 1 : index
      %get3A_1770 = arith.constant 0 : index
      %get3A_1771 = arith.constant 0 : index
      %get3A_1772 = vector.load %arg12[%get3A_1769, %get3A_1770, %get3A_1771] : memref<3x128x128xf32, #tpu.memory_space<vmem>>, vector<1x128x128xf32>
      %get3A_1773 = vector.shape_cast %get3A_1772 : vector<1x128x128xf32> to vector<128x128xf32>
      %dot_general3A_1774 = arith.constant dense<0.000000e+00> : vector<1000x128xf32>
      %dot_general3A_1775 = tpu.matmul %get3A_1768, %get3A_1773, %dot_general3A_1774 {dimension_numbers = #tpu.dot_dimension_numbers<[1], [0], [0], [1], [0, 0, 1, 1], [], []>, transpose_lhs_hint = false} : vector<1000x128xf32>, vector<128x128xf32>, vector<1000x128xf32> -> vector<1000x128xf32>
      %add3A_1776 = arith.addf %add3A_1763, %dot_general3A_1775 : vector<1000x128xf32>
      %get3A_1777 = arith.constant 2 : index
      %get3A_1778 = arith.constant 7000 : index
      %get3A_1779 = arith.constant 0 : index
      %get3A_1780 = vector.load %arg19[%get3A_1777, %get3A_1778, %get3A_1779] : memref<3x10000x128xf32, #tpu.memory_space<vmem>>, vector<1x1000x128xf32>
      %get3A_1781 = vector.shape_cast %get3A_1780 : vector<1x1000x128xf32> to vector<1000x128xf32>
      %get3A_1782 = arith.constant 2 : index
      %get3A_1783 = arith.constant 0 : index
      %get3A_1784 = arith.constant 0 : index
      %get3A_1785 = vector.load %arg12[%get3A_1782, %get3A_1783, %get3A_1784] : memref<3x128x128xf32, #tpu.memory_space<vmem>>, vector<1x128x128xf32>
      %get3A_1786 = vector.shape_cast %get3A_1785 : vector<1x128x128xf32> to vector<128x128xf32>
      %dot_general3A_1787 = arith.constant dense<0.000000e+00> : vector<1000x128xf32>
      %dot_general3A_1788 = tpu.matmul %get3A_1781, %get3A_1786, %dot_general3A_1787 {dimension_numbers = #tpu.dot_dimension_numbers<[1], [0], [0], [1], [0, 0, 1, 1], [], []>, transpose_lhs_hint = false} : vector<1000x128xf32>, vector<128x128xf32>, vector<1000x128xf32> -> vector<1000x128xf32>
      %add3A_1789 = arith.addf %add3A_1776, %dot_general3A_1788 : vector<1000x128xf32>
      %mul3A_1790 = arith.mulf %logistic3A_1657, %tanh3A_1746 : vector<1000x128xf32>
      %add3A_1791 = arith.addf %mul3A_1790, %add3A_1789 : vector<1000x128xf32>
      %tanh3A_1792 = math.tanh %add3A_1791 : vector<1000x128xf32>
      %mul3A_1793 = arith.mulf %logistic3A_1704, %tanh3A_1792 : vector<1000x128xf32>
      %get3A_1794 = arith.constant 7000 : index
      %get3A_1795 = arith.constant 0 : index
      %get3A_1796 = vector.load %arg5[%get3A_1794, %get3A_1795] : memref<10000x1xi32, #tpu.memory_space<vmem>>, vector<1000x1xi32>
      %eq3A_1797 = vector.broadcast %arg0 : i32 to vector<1000x1xi32>
      %eq3A_1798 = arith.cmpi eq, %get3A_1796, %eq3A_1797 : vector<1000x1xi32>
      %get3A_1799 = arith.constant 7000 : index
      %get3A_1800 = arith.constant 0 : index
      %get3A_1801 = vector.load %arg15[%get3A_1799, %get3A_1800] : memref<10000x128xf32, #tpu.memory_space<vmem>>, vector<1000x128xf32>
      %broadcast_in_dim3A_1802 = vector.shape_cast %eq3A_1798 : vector<1000x1xi1> to vector<1000x1xi1>
      %broadcast_in_dim3A_1803 = vector.broadcast %broadcast_in_dim3A_1802 : vector<1000x1xi1> to vector<1000x128xi1>
      %select_n3A_1804 = arith.select %broadcast_in_dim3A_1803, %add3A_1791, %get3A_1801 : vector<1000x128xi1>, vector<1000x128xf32>
      %swap3A_1805 = arith.constant 7000 : index
      %swap3A_1806 = arith.constant 0 : index
      %swap3A_1807 = vector.load %arg15[%swap3A_1805, %swap3A_1806] : memref<10000x128xf32, #tpu.memory_space<vmem>>, vector<1000x128xf32>
      tpu.vector_store %arg15[%swap3A_1805, %swap3A_1806], %select_n3A_1804 {strides = array<i32>} : memref<10000x128xf32, #tpu.memory_space<vmem>>, vector<1000x128xf32>,
      %get3A_1808 = arith.constant 7000 : index
      %get3A_1809 = arith.constant 0 : index
      %get3A_1810 = vector.load %arg14[%get3A_1808, %get3A_1809] : memref<10000x128xf32, #tpu.memory_space<vmem>>, vector<1000x128xf32>
      %broadcast_in_dim3A_1811 = vector.shape_cast %eq3A_1798 : vector<1000x1xi1> to vector<1000x1xi1>
      %broadcast_in_dim3A_1812 = vector.broadcast %broadcast_in_dim3A_1811 : vector<1000x1xi1> to vector<1000x128xi1>
      %select_n3A_1813 = arith.select %broadcast_in_dim3A_1812, %mul3A_1793, %get3A_1810 : vector<1000x128xi1>, vector<1000x128xf32>
      %swap3A_1814 = arith.constant 7000 : index
      %swap3A_1815 = arith.constant 0 : index
      %swap3A_1816 = vector.load %arg14[%swap3A_1814, %swap3A_1815] : memref<10000x128xf32, #tpu.memory_space<vmem>>, vector<1000x128xf32>
      tpu.vector_store %arg14[%swap3A_1814, %swap3A_1815], %select_n3A_1813 {strides = array<i32>} : memref<10000x128xf32, #tpu.memory_space<vmem>>, vector<1000x128xf32>,
      %get3A_1817 = arith.constant 8000 : index
      %get3A_1818 = arith.constant 0 : index
      %get3A_1819 = vector.load %arg4[%get3A_1817, %get3A_1818] : memref<10000x128xf32, #tpu.memory_space<vmem>>, vector<1000x128xf32>
      %get3A_1820 = arith.constant 0 : index
      %get3A_1821 = arith.constant 8000 : index
      %get3A_1822 = arith.constant 0 : index
      %get3A_1823 = vector.load %arg18[%get3A_1820, %get3A_1821, %get3A_1822] : memref<3x10000x128xf32, #tpu.memory_space<vmem>>, vector<1x1000x128xf32>
      %get3A_1824 = vector.shape_cast %get3A_1823 : vector<1x1000x128xf32> to vector<1000x128xf32>
      %get3A_1825 = arith.constant 1 : index
      %get3A_1826 = arith.constant 8000 : index
      %get3A_1827 = arith.constant 0 : index
      %get3A_1828 = vector.load %arg18[%get3A_1825, %get3A_1826, %get3A_1827] : memref<3x10000x128xf32, #tpu.memory_space<vmem>>, vector<1x1000x128xf32>
      %get3A_1829 = vector.shape_cast %get3A_1828 : vector<1x1000x128xf32> to vector<1000x128xf32>
      %get3A_1830 = arith.constant 2 : index
      %get3A_1831 = arith.constant 8000 : index
      %get3A_1832 = arith.constant 0 : index
      %get3A_1833 = vector.load %arg18[%get3A_1830, %get3A_1831, %get3A_1832] : memref<3x10000x128xf32, #tpu.memory_space<vmem>>, vector<1x1000x128xf32>
      %get3A_1834 = vector.shape_cast %get3A_1833 : vector<1x1000x128xf32> to vector<1000x128xf32>
      %get3A_1835 = arith.constant 0 : index
      %get3A_1836 = arith.constant 0 : index
      %get3A_1837 = arith.constant 0 : index
      %get3A_1838 = vector.load %arg8[%get3A_1835, %get3A_1836, %get3A_1837] : memref<3x128x128xf32, #tpu.memory_space<vmem>>, vector<1x128x128xf32>
      %get3A_1839 = vector.shape_cast %get3A_1838 : vector<1x128x128xf32> to vector<128x128xf32>
      %dot_general3A_1840 = arith.constant dense<0.000000e+00> : vector<1000x128xf32>
      %dot_general3A_1841 = tpu.matmul %get3A_1819, %get3A_1839, %dot_general3A_1840 {dimension_numbers = #tpu.dot_dimension_numbers<[1], [0], [0], [1], [0, 0, 1, 1], [], []>, transpose_lhs_hint = false} : vector<1000x128xf32>, vector<128x128xf32>, vector<1000x128xf32> -> vector<1000x128xf32>
      %get3A_1842 = arith.constant 0 : index
      %get3A_1843 = arith.constant 0 : index
      %get3A_1844 = arith.constant 0 : index
      %get3A_1845 = vector.load %arg9[%get3A_1842, %get3A_1843, %get3A_1844] : memref<3x1x128xf32, #tpu.memory_space<vmem>>, vector<1x1x128xf32>
      %get3A_1846 = vector.shape_cast %get3A_1845 : vector<1x1x128xf32> to vector<1x128xf32>
      %add3A_1847 = vector.broadcast %get3A_1846 : vector<1x128xf32> to vector<1000x128xf32>
      %add3A_1848 = arith.addf %dot_general3A_1841, %add3A_1847 : vector<1000x128xf32>
      %get3A_1849 = arith.constant 0 : index
      %get3A_1850 = arith.constant 0 : index
      %get3A_1851 = arith.constant 0 : index
      %get3A_1852 = arith.constant 0 : index
      %get3A_1853 = vector.load %arg10[%get3A_1849, %get3A_1850, %get3A_1851, %get3A_1852] : memref<3x3x128x128xf32, #tpu.memory_space<vmem>>, vector<1x1x128x128xf32>
      %get3A_1854 = vector.shape_cast %get3A_1853 : vector<1x1x128x128xf32> to vector<128x128xf32>
      %dot_general3A_1855 = arith.constant dense<0.000000e+00> : vector<1000x128xf32>
      %dot_general3A_1856 = tpu.matmul %get3A_1824, %get3A_1854, %dot_general3A_1855 {dimension_numbers = #tpu.dot_dimension_numbers<[1], [0], [0], [1], [0, 0, 1, 1], [], []>, transpose_lhs_hint = false} : vector<1000x128xf32>, vector<128x128xf32>, vector<1000x128xf32> -> vector<1000x128xf32>
      %add3A_1857 = arith.addf %add3A_1848, %dot_general3A_1856 : vector<1000x128xf32>
      %get3A_1858 = arith.constant 0 : index
      %get3A_1859 = arith.constant 1 : index
      %get3A_1860 = arith.constant 0 : index
      %get3A_1861 = arith.constant 0 : index
      %get3A_1862 = vector.load %arg10[%get3A_1858, %get3A_1859, %get3A_1860, %get3A_1861] : memref<3x3x128x128xf32, #tpu.memory_space<vmem>>, vector<1x1x128x128xf32>
      %get3A_1863 = vector.shape_cast %get3A_1862 : vector<1x1x128x128xf32> to vector<128x128xf32>
      %dot_general3A_1864 = arith.constant dense<0.000000e+00> : vector<1000x128xf32>
      %dot_general3A_1865 = tpu.matmul %get3A_1829, %get3A_1863, %dot_general3A_1864 {dimension_numbers = #tpu.dot_dimension_numbers<[1], [0], [0], [1], [0, 0, 1, 1], [], []>, transpose_lhs_hint = false} : vector<1000x128xf32>, vector<128x128xf32>, vector<1000x128xf32> -> vector<1000x128xf32>
      %add3A_1866 = arith.addf %add3A_1857, %dot_general3A_1865 : vector<1000x128xf32>
      %get3A_1867 = arith.constant 0 : index
      %get3A_1868 = arith.constant 2 : index
      %get3A_1869 = arith.constant 0 : index
      %get3A_1870 = arith.constant 0 : index
      %get3A_1871 = vector.load %arg10[%get3A_1867, %get3A_1868, %get3A_1869, %get3A_1870] : memref<3x3x128x128xf32, #tpu.memory_space<vmem>>, vector<1x1x128x128xf32>
      %get3A_1872 = vector.shape_cast %get3A_1871 : vector<1x1x128x128xf32> to vector<128x128xf32>
      %dot_general3A_1873 = arith.constant dense<0.000000e+00> : vector<1000x128xf32>
      %dot_general3A_1874 = tpu.matmul %get3A_1834, %get3A_1872, %dot_general3A_1873 {dimension_numbers = #tpu.dot_dimension_numbers<[1], [0], [0], [1], [0, 0, 1, 1], [], []>, transpose_lhs_hint = false} : vector<1000x128xf32>, vector<128x128xf32>, vector<1000x128xf32> -> vector<1000x128xf32>
      %add3A_1875 = arith.addf %add3A_1866, %dot_general3A_1874 : vector<1000x128xf32>
      %logistic3A_1876 = arith.negf %add3A_1875 : vector<1000x128xf32>
      %logistic3A_1877 = math.exp %logistic3A_1876 : vector<1000x128xf32>
      %logistic3A_1878 = arith.constant 1.000000e+00 : f32
      %logistic3A_1879 = vector.broadcast %logistic3A_1878 : f32 to vector<1000x128xf32>
      %logistic3A_1880 = arith.addf %logistic3A_1879, %logistic3A_1877 : vector<1000x128xf32>
      %logistic3A_1881 = arith.divf %logistic3A_1879, %logistic3A_1880 : vector<1000x128xf32>
      %get3A_1882 = arith.constant 1 : index
      %get3A_1883 = arith.constant 0 : index
      %get3A_1884 = arith.constant 0 : index
      %get3A_1885 = vector.load %arg8[%get3A_1882, %get3A_1883, %get3A_1884] : memref<3x128x128xf32, #tpu.memory_space<vmem>>, vector<1x128x128xf32>
      %get3A_1886 = vector.shape_cast %get3A_1885 : vector<1x128x128xf32> to vector<128x128xf32>
      %dot_general3A_1887 = arith.constant dense<0.000000e+00> : vector<1000x128xf32>
      %dot_general3A_1888 = tpu.matmul %get3A_1819, %get3A_1886, %dot_general3A_1887 {dimension_numbers = #tpu.dot_dimension_numbers<[1], [0], [0], [1], [0, 0, 1, 1], [], []>, transpose_lhs_hint = false} : vector<1000x128xf32>, vector<128x128xf32>, vector<1000x128xf32> -> vector<1000x128xf32>
      %get3A_1889 = arith.constant 1 : index
      %get3A_1890 = arith.constant 0 : index
      %get3A_1891 = arith.constant 0 : index
      %get3A_1892 = vector.load %arg9[%get3A_1889, %get3A_1890, %get3A_1891] : memref<3x1x128xf32, #tpu.memory_space<vmem>>, vector<1x1x128xf32>
      %get3A_1893 = vector.shape_cast %get3A_1892 : vector<1x1x128xf32> to vector<1x128xf32>
      %add3A_1894 = vector.broadcast %get3A_1893 : vector<1x128xf32> to vector<1000x128xf32>
      %add3A_1895 = arith.addf %dot_general3A_1888, %add3A_1894 : vector<1000x128xf32>
      %get3A_1896 = arith.constant 1 : index
      %get3A_1897 = arith.constant 0 : index
      %get3A_1898 = arith.constant 0 : index
      %get3A_1899 = arith.constant 0 : index
      %get3A_1900 = vector.load %arg10[%get3A_1896, %get3A_1897, %get3A_1898, %get3A_1899] : memref<3x3x128x128xf32, #tpu.memory_space<vmem>>, vector<1x1x128x128xf32>
      %get3A_1901 = vector.shape_cast %get3A_1900 : vector<1x1x128x128xf32> to vector<128x128xf32>
      %dot_general3A_1902 = arith.constant dense<0.000000e+00> : vector<1000x128xf32>
      %dot_general3A_1903 = tpu.matmul %get3A_1824, %get3A_1901, %dot_general3A_1902 {dimension_numbers = #tpu.dot_dimension_numbers<[1], [0], [0], [1], [0, 0, 1, 1], [], []>, transpose_lhs_hint = false} : vector<1000x128xf32>, vector<128x128xf32>, vector<1000x128xf32> -> vector<1000x128xf32>
      %add3A_1904 = arith.addf %add3A_1895, %dot_general3A_1903 : vector<1000x128xf32>
      %get3A_1905 = arith.constant 1 : index
      %get3A_1906 = arith.constant 1 : index
      %get3A_1907 = arith.constant 0 : index
      %get3A_1908 = arith.constant 0 : index
      %get3A_1909 = vector.load %arg10[%get3A_1905, %get3A_1906, %get3A_1907, %get3A_1908] : memref<3x3x128x128xf32, #tpu.memory_space<vmem>>, vector<1x1x128x128xf32>
      %get3A_1910 = vector.shape_cast %get3A_1909 : vector<1x1x128x128xf32> to vector<128x128xf32>
      %dot_general3A_1911 = arith.constant dense<0.000000e+00> : vector<1000x128xf32>
      %dot_general3A_1912 = tpu.matmul %get3A_1829, %get3A_1910, %dot_general3A_1911 {dimension_numbers = #tpu.dot_dimension_numbers<[1], [0], [0], [1], [0, 0, 1, 1], [], []>, transpose_lhs_hint = false} : vector<1000x128xf32>, vector<128x128xf32>, vector<1000x128xf32> -> vector<1000x128xf32>
      %add3A_1913 = arith.addf %add3A_1904, %dot_general3A_1912 : vector<1000x128xf32>
      %get3A_1914 = arith.constant 1 : index
      %get3A_1915 = arith.constant 2 : index
      %get3A_1916 = arith.constant 0 : index
      %get3A_1917 = arith.constant 0 : index
      %get3A_1918 = vector.load %arg10[%get3A_1914, %get3A_1915, %get3A_1916, %get3A_1917] : memref<3x3x128x128xf32, #tpu.memory_space<vmem>>, vector<1x1x128x128xf32>
      %get3A_1919 = vector.shape_cast %get3A_1918 : vector<1x1x128x128xf32> to vector<128x128xf32>
      %dot_general3A_1920 = arith.constant dense<0.000000e+00> : vector<1000x128xf32>
      %dot_general3A_1921 = tpu.matmul %get3A_1834, %get3A_1919, %dot_general3A_1920 {dimension_numbers = #tpu.dot_dimension_numbers<[1], [0], [0], [1], [0, 0, 1, 1], [], []>, transpose_lhs_hint = false} : vector<1000x128xf32>, vector<128x128xf32>, vector<1000x128xf32> -> vector<1000x128xf32>
      %add3A_1922 = arith.addf %add3A_1913, %dot_general3A_1921 : vector<1000x128xf32>
      %logistic3A_1923 = arith.negf %add3A_1922 : vector<1000x128xf32>
      %logistic3A_1924 = math.exp %logistic3A_1923 : vector<1000x128xf32>
      %logistic3A_1925 = arith.constant 1.000000e+00 : f32
      %logistic3A_1926 = vector.broadcast %logistic3A_1925 : f32 to vector<1000x128xf32>
      %logistic3A_1927 = arith.addf %logistic3A_1926, %logistic3A_1924 : vector<1000x128xf32>
      %logistic3A_1928 = arith.divf %logistic3A_1926, %logistic3A_1927 : vector<1000x128xf32>
      %get3A_1929 = arith.constant 2 : index
      %get3A_1930 = arith.constant 0 : index
      %get3A_1931 = arith.constant 0 : index
      %get3A_1932 = vector.load %arg8[%get3A_1929, %get3A_1930, %get3A_1931] : memref<3x128x128xf32, #tpu.memory_space<vmem>>, vector<1x128x128xf32>
      %get3A_1933 = vector.shape_cast %get3A_1932 : vector<1x128x128xf32> to vector<128x128xf32>
      %dot_general3A_1934 = arith.constant dense<0.000000e+00> : vector<1000x128xf32>
      %dot_general3A_1935 = tpu.matmul %get3A_1819, %get3A_1933, %dot_general3A_1934 {dimension_numbers = #tpu.dot_dimension_numbers<[1], [0], [0], [1], [0, 0, 1, 1], [], []>, transpose_lhs_hint = false} : vector<1000x128xf32>, vector<128x128xf32>, vector<1000x128xf32> -> vector<1000x128xf32>
      %get3A_1936 = arith.constant 2 : index
      %get3A_1937 = arith.constant 0 : index
      %get3A_1938 = arith.constant 0 : index
      %get3A_1939 = vector.load %arg9[%get3A_1936, %get3A_1937, %get3A_1938] : memref<3x1x128xf32, #tpu.memory_space<vmem>>, vector<1x1x128xf32>
      %get3A_1940 = vector.shape_cast %get3A_1939 : vector<1x1x128xf32> to vector<1x128xf32>
      %add3A_1941 = vector.broadcast %get3A_1940 : vector<1x128xf32> to vector<1000x128xf32>
      %add3A_1942 = arith.addf %dot_general3A_1935, %add3A_1941 : vector<1000x128xf32>
      %get3A_1943 = arith.constant 2 : index
      %get3A_1944 = arith.constant 0 : index
      %get3A_1945 = arith.constant 0 : index
      %get3A_1946 = arith.constant 0 : index
      %get3A_1947 = vector.load %arg10[%get3A_1943, %get3A_1944, %get3A_1945, %get3A_1946] : memref<3x3x128x128xf32, #tpu.memory_space<vmem>>, vector<1x1x128x128xf32>
      %get3A_1948 = vector.shape_cast %get3A_1947 : vector<1x1x128x128xf32> to vector<128x128xf32>
      %dot_general3A_1949 = arith.constant dense<0.000000e+00> : vector<1000x128xf32>
      %dot_general3A_1950 = tpu.matmul %get3A_1824, %get3A_1948, %dot_general3A_1949 {dimension_numbers = #tpu.dot_dimension_numbers<[1], [0], [0], [1], [0, 0, 1, 1], [], []>, transpose_lhs_hint = false} : vector<1000x128xf32>, vector<128x128xf32>, vector<1000x128xf32> -> vector<1000x128xf32>
      %add3A_1951 = arith.addf %add3A_1942, %dot_general3A_1950 : vector<1000x128xf32>
      %get3A_1952 = arith.constant 2 : index
      %get3A_1953 = arith.constant 1 : index
      %get3A_1954 = arith.constant 0 : index
      %get3A_1955 = arith.constant 0 : index
      %get3A_1956 = vector.load %arg10[%get3A_1952, %get3A_1953, %get3A_1954, %get3A_1955] : memref<3x3x128x128xf32, #tpu.memory_space<vmem>>, vector<1x1x128x128xf32>
      %get3A_1957 = vector.shape_cast %get3A_1956 : vector<1x1x128x128xf32> to vector<128x128xf32>
      %dot_general3A_1958 = arith.constant dense<0.000000e+00> : vector<1000x128xf32>
      %dot_general3A_1959 = tpu.matmul %get3A_1829, %get3A_1957, %dot_general3A_1958 {dimension_numbers = #tpu.dot_dimension_numbers<[1], [0], [0], [1], [0, 0, 1, 1], [], []>, transpose_lhs_hint = false} : vector<1000x128xf32>, vector<128x128xf32>, vector<1000x128xf32> -> vector<1000x128xf32>
      %add3A_1960 = arith.addf %add3A_1951, %dot_general3A_1959 : vector<1000x128xf32>
      %get3A_1961 = arith.constant 2 : index
      %get3A_1962 = arith.constant 2 : index
      %get3A_1963 = arith.constant 0 : index
      %get3A_1964 = arith.constant 0 : index
      %get3A_1965 = vector.load %arg10[%get3A_1961, %get3A_1962, %get3A_1963, %get3A_1964] : memref<3x3x128x128xf32, #tpu.memory_space<vmem>>, vector<1x1x128x128xf32>
      %get3A_1966 = vector.shape_cast %get3A_1965 : vector<1x1x128x128xf32> to vector<128x128xf32>
      %dot_general3A_1967 = arith.constant dense<0.000000e+00> : vector<1000x128xf32>
      %dot_general3A_1968 = tpu.matmul %get3A_1834, %get3A_1966, %dot_general3A_1967 {dimension_numbers = #tpu.dot_dimension_numbers<[1], [0], [0], [1], [0, 0, 1, 1], [], []>, transpose_lhs_hint = false} : vector<1000x128xf32>, vector<128x128xf32>, vector<1000x128xf32> -> vector<1000x128xf32>
      %add3A_1969 = arith.addf %add3A_1960, %dot_general3A_1968 : vector<1000x128xf32>
      %tanh3A_1970 = math.tanh %add3A_1969 : vector<1000x128xf32>
      %get3A_1971 = arith.constant 0 : index
      %get3A_1972 = arith.constant 0 : index
      %get3A_1973 = vector.load %arg13[%get3A_1971, %get3A_1972] : memref<1x128xf32, #tpu.memory_space<vmem>>, vector<1x128xf32>
      %get3A_1974 = arith.constant 0 : index
      %get3A_1975 = arith.constant 8000 : index
      %get3A_1976 = arith.constant 0 : index
      %get3A_1977 = vector.load %arg19[%get3A_1974, %get3A_1975, %get3A_1976] : memref<3x10000x128xf32, #tpu.memory_space<vmem>>, vector<1x1000x128xf32>
      %get3A_1978 = vector.shape_cast %get3A_1977 : vector<1x1000x128xf32> to vector<1000x128xf32>
      %get3A_1979 = arith.constant 0 : index
      %get3A_1980 = arith.constant 0 : index
      %get3A_1981 = arith.constant 0 : index
      %get3A_1982 = vector.load %arg12[%get3A_1979, %get3A_1980, %get3A_1981] : memref<3x128x128xf32, #tpu.memory_space<vmem>>, vector<1x128x128xf32>
      %get3A_1983 = vector.shape_cast %get3A_1982 : vector<1x128x128xf32> to vector<128x128xf32>
      %dot_general3A_1984 = arith.constant dense<0.000000e+00> : vector<1000x128xf32>
      %dot_general3A_1985 = tpu.matmul %get3A_1978, %get3A_1983, %dot_general3A_1984 {dimension_numbers = #tpu.dot_dimension_numbers<[1], [0], [0], [1], [0, 0, 1, 1], [], []>, transpose_lhs_hint = false} : vector<1000x128xf32>, vector<128x128xf32>, vector<1000x128xf32> -> vector<1000x128xf32>
      %add3A_1986 = vector.broadcast %get3A_1973 : vector<1x128xf32> to vector<1000x128xf32>
      %add3A_1987 = arith.addf %add3A_1986, %dot_general3A_1985 : vector<1000x128xf32>
      %get3A_1988 = arith.constant 1 : index
      %get3A_1989 = arith.constant 8000 : index
      %get3A_1990 = arith.constant 0 : index
      %get3A_1991 = vector.load %arg19[%get3A_1988, %get3A_1989, %get3A_1990] : memref<3x10000x128xf32, #tpu.memory_space<vmem>>, vector<1x1000x128xf32>
      %get3A_1992 = vector.shape_cast %get3A_1991 : vector<1x1000x128xf32> to vector<1000x128xf32>
      %get3A_1993 = arith.constant 1 : index
      %get3A_1994 = arith.constant 0 : index
      %get3A_1995 = arith.constant 0 : index
      %get3A_1996 = vector.load %arg12[%get3A_1993, %get3A_1994, %get3A_1995] : memref<3x128x128xf32, #tpu.memory_space<vmem>>, vector<1x128x128xf32>
      %get3A_1997 = vector.shape_cast %get3A_1996 : vector<1x128x128xf32> to vector<128x128xf32>
      %dot_general3A_1998 = arith.constant dense<0.000000e+00> : vector<1000x128xf32>
      %dot_general3A_1999 = tpu.matmul %get3A_1992, %get3A_1997, %dot_general3A_1998 {dimension_numbers = #tpu.dot_dimension_numbers<[1], [0], [0], [1], [0, 0, 1, 1], [], []>, transpose_lhs_hint = false} : vector<1000x128xf32>, vector<128x128xf32>, vector<1000x128xf32> -> vector<1000x128xf32>
      %add3A_2000 = arith.addf %add3A_1987, %dot_general3A_1999 : vector<1000x128xf32>
      %get3A_2001 = arith.constant 2 : index
      %get3A_2002 = arith.constant 8000 : index
      %get3A_2003 = arith.constant 0 : index
      %get3A_2004 = vector.load %arg19[%get3A_2001, %get3A_2002, %get3A_2003] : memref<3x10000x128xf32, #tpu.memory_space<vmem>>, vector<1x1000x128xf32>
      %get3A_2005 = vector.shape_cast %get3A_2004 : vector<1x1000x128xf32> to vector<1000x128xf32>
      %get3A_2006 = arith.constant 2 : index
      %get3A_2007 = arith.constant 0 : index
      %get3A_2008 = arith.constant 0 : index
      %get3A_2009 = vector.load %arg12[%get3A_2006, %get3A_2007, %get3A_2008] : memref<3x128x128xf32, #tpu.memory_space<vmem>>, vector<1x128x128xf32>
      %get3A_2010 = vector.shape_cast %get3A_2009 : vector<1x128x128xf32> to vector<128x128xf32>
      %dot_general3A_2011 = arith.constant dense<0.000000e+00> : vector<1000x128xf32>
      %dot_general3A_2012 = tpu.matmul %get3A_2005, %get3A_2010, %dot_general3A_2011 {dimension_numbers = #tpu.dot_dimension_numbers<[1], [0], [0], [1], [0, 0, 1, 1], [], []>, transpose_lhs_hint = false} : vector<1000x128xf32>, vector<128x128xf32>, vector<1000x128xf32> -> vector<1000x128xf32>
      %add3A_2013 = arith.addf %add3A_2000, %dot_general3A_2012 : vector<1000x128xf32>
      %mul3A_2014 = arith.mulf %logistic3A_1881, %tanh3A_1970 : vector<1000x128xf32>
      %add3A_2015 = arith.addf %mul3A_2014, %add3A_2013 : vector<1000x128xf32>
      %tanh3A_2016 = math.tanh %add3A_2015 : vector<1000x128xf32>
      %mul3A_2017 = arith.mulf %logistic3A_1928, %tanh3A_2016 : vector<1000x128xf32>
      %get3A_2018 = arith.constant 8000 : index
      %get3A_2019 = arith.constant 0 : index
      %get3A_2020 = vector.load %arg5[%get3A_2018, %get3A_2019] : memref<10000x1xi32, #tpu.memory_space<vmem>>, vector<1000x1xi32>
      %eq3A_2021 = vector.broadcast %arg0 : i32 to vector<1000x1xi32>
      %eq3A_2022 = arith.cmpi eq, %get3A_2020, %eq3A_2021 : vector<1000x1xi32>
      %get3A_2023 = arith.constant 8000 : index
      %get3A_2024 = arith.constant 0 : index
      %get3A_2025 = vector.load %arg15[%get3A_2023, %get3A_2024] : memref<10000x128xf32, #tpu.memory_space<vmem>>, vector<1000x128xf32>
      %broadcast_in_dim3A_2026 = vector.shape_cast %eq3A_2022 : vector<1000x1xi1> to vector<1000x1xi1>
      %broadcast_in_dim3A_2027 = vector.broadcast %broadcast_in_dim3A_2026 : vector<1000x1xi1> to vector<1000x128xi1>
      %select_n3A_2028 = arith.select %broadcast_in_dim3A_2027, %add3A_2015, %get3A_2025 : vector<1000x128xi1>, vector<1000x128xf32>
      %swap3A_2029 = arith.constant 8000 : index
      %swap3A_2030 = arith.constant 0 : index
      %swap3A_2031 = vector.load %arg15[%swap3A_2029, %swap3A_2030] : memref<10000x128xf32, #tpu.memory_space<vmem>>, vector<1000x128xf32>
      tpu.vector_store %arg15[%swap3A_2029, %swap3A_2030], %select_n3A_2028 {strides = array<i32>} : memref<10000x128xf32, #tpu.memory_space<vmem>>, vector<1000x128xf32>,
      %get3A_2032 = arith.constant 8000 : index
      %get3A_2033 = arith.constant 0 : index
      %get3A_2034 = vector.load %arg14[%get3A_2032, %get3A_2033] : memref<10000x128xf32, #tpu.memory_space<vmem>>, vector<1000x128xf32>
      %broadcast_in_dim3A_2035 = vector.shape_cast %eq3A_2022 : vector<1000x1xi1> to vector<1000x1xi1>
      %broadcast_in_dim3A_2036 = vector.broadcast %broadcast_in_dim3A_2035 : vector<1000x1xi1> to vector<1000x128xi1>
      %select_n3A_2037 = arith.select %broadcast_in_dim3A_2036, %mul3A_2017, %get3A_2034 : vector<1000x128xi1>, vector<1000x128xf32>
      %swap3A_2038 = arith.constant 8000 : index
      %swap3A_2039 = arith.constant 0 : index
      %swap3A_2040 = vector.load %arg14[%swap3A_2038, %swap3A_2039] : memref<10000x128xf32, #tpu.memory_space<vmem>>, vector<1000x128xf32>
      tpu.vector_store %arg14[%swap3A_2038, %swap3A_2039], %select_n3A_2037 {strides = array<i32>} : memref<10000x128xf32, #tpu.memory_space<vmem>>, vector<1000x128xf32>,
      %get3A_2041 = arith.constant 9000 : index
      %get3A_2042 = arith.constant 0 : index
      %get3A_2043 = vector.load %arg4[%get3A_2041, %get3A_2042] : memref<10000x128xf32, #tpu.memory_space<vmem>>, vector<1000x128xf32>
      %get3A_2044 = arith.constant 0 : index
      %get3A_2045 = arith.constant 9000 : index
      %get3A_2046 = arith.constant 0 : index
      %get3A_2047 = vector.load %arg18[%get3A_2044, %get3A_2045, %get3A_2046] : memref<3x10000x128xf32, #tpu.memory_space<vmem>>, vector<1x1000x128xf32>
      %get3A_2048 = vector.shape_cast %get3A_2047 : vector<1x1000x128xf32> to vector<1000x128xf32>
      %get3A_2049 = arith.constant 1 : index
      %get3A_2050 = arith.constant 9000 : index
      %get3A_2051 = arith.constant 0 : index
      %get3A_2052 = vector.load %arg18[%get3A_2049, %get3A_2050, %get3A_2051] : memref<3x10000x128xf32, #tpu.memory_space<vmem>>, vector<1x1000x128xf32>
      %get3A_2053 = vector.shape_cast %get3A_2052 : vector<1x1000x128xf32> to vector<1000x128xf32>
      %get3A_2054 = arith.constant 2 : index
      %get3A_2055 = arith.constant 9000 : index
      %get3A_2056 = arith.constant 0 : index
      %get3A_2057 = vector.load %arg18[%get3A_2054, %get3A_2055, %get3A_2056] : memref<3x10000x128xf32, #tpu.memory_space<vmem>>, vector<1x1000x128xf32>
      %get3A_2058 = vector.shape_cast %get3A_2057 : vector<1x1000x128xf32> to vector<1000x128xf32>
      %get3A_2059 = arith.constant 0 : index
      %get3A_2060 = arith.constant 0 : index
      %get3A_2061 = arith.constant 0 : index
      %get3A_2062 = vector.load %arg8[%get3A_2059, %get3A_2060, %get3A_2061] : memref<3x128x128xf32, #tpu.memory_space<vmem>>, vector<1x128x128xf32>
      %get3A_2063 = vector.shape_cast %get3A_2062 : vector<1x128x128xf32> to vector<128x128xf32>
      %dot_general3A_2064 = arith.constant dense<0.000000e+00> : vector<1000x128xf32>
      %dot_general3A_2065 = tpu.matmul %get3A_2043, %get3A_2063, %dot_general3A_2064 {dimension_numbers = #tpu.dot_dimension_numbers<[1], [0], [0], [1], [0, 0, 1, 1], [], []>, transpose_lhs_hint = false} : vector<1000x128xf32>, vector<128x128xf32>, vector<1000x128xf32> -> vector<1000x128xf32>
      %get3A_2066 = arith.constant 0 : index
      %get3A_2067 = arith.constant 0 : index
      %get3A_2068 = arith.constant 0 : index
      %get3A_2069 = vector.load %arg9[%get3A_2066, %get3A_2067, %get3A_2068] : memref<3x1x128xf32, #tpu.memory_space<vmem>>, vector<1x1x128xf32>
      %get3A_2070 = vector.shape_cast %get3A_2069 : vector<1x1x128xf32> to vector<1x128xf32>
      %add3A_2071 = vector.broadcast %get3A_2070 : vector<1x128xf32> to vector<1000x128xf32>
      %add3A_2072 = arith.addf %dot_general3A_2065, %add3A_2071 : vector<1000x128xf32>
      %get3A_2073 = arith.constant 0 : index
      %get3A_2074 = arith.constant 0 : index
      %get3A_2075 = arith.constant 0 : index
      %get3A_2076 = arith.constant 0 : index
      %get3A_2077 = vector.load %arg10[%get3A_2073, %get3A_2074, %get3A_2075, %get3A_2076] : memref<3x3x128x128xf32, #tpu.memory_space<vmem>>, vector<1x1x128x128xf32>
      %get3A_2078 = vector.shape_cast %get3A_2077 : vector<1x1x128x128xf32> to vector<128x128xf32>
      %dot_general3A_2079 = arith.constant dense<0.000000e+00> : vector<1000x128xf32>
      %dot_general3A_2080 = tpu.matmul %get3A_2048, %get3A_2078, %dot_general3A_2079 {dimension_numbers = #tpu.dot_dimension_numbers<[1], [0], [0], [1], [0, 0, 1, 1], [], []>, transpose_lhs_hint = false} : vector<1000x128xf32>, vector<128x128xf32>, vector<1000x128xf32> -> vector<1000x128xf32>
      %add3A_2081 = arith.addf %add3A_2072, %dot_general3A_2080 : vector<1000x128xf32>
      %get3A_2082 = arith.constant 0 : index
      %get3A_2083 = arith.constant 1 : index
      %get3A_2084 = arith.constant 0 : index
      %get3A_2085 = arith.constant 0 : index
      %get3A_2086 = vector.load %arg10[%get3A_2082, %get3A_2083, %get3A_2084, %get3A_2085] : memref<3x3x128x128xf32, #tpu.memory_space<vmem>>, vector<1x1x128x128xf32>
      %get3A_2087 = vector.shape_cast %get3A_2086 : vector<1x1x128x128xf32> to vector<128x128xf32>
      %dot_general3A_2088 = arith.constant dense<0.000000e+00> : vector<1000x128xf32>
      %dot_general3A_2089 = tpu.matmul %get3A_2053, %get3A_2087, %dot_general3A_2088 {dimension_numbers = #tpu.dot_dimension_numbers<[1], [0], [0], [1], [0, 0, 1, 1], [], []>, transpose_lhs_hint = false} : vector<1000x128xf32>, vector<128x128xf32>, vector<1000x128xf32> -> vector<1000x128xf32>
      %add3A_2090 = arith.addf %add3A_2081, %dot_general3A_2089 : vector<1000x128xf32>
      %get3A_2091 = arith.constant 0 : index
      %get3A_2092 = arith.constant 2 : index
      %get3A_2093 = arith.constant 0 : index
      %get3A_2094 = arith.constant 0 : index
      %get3A_2095 = vector.load %arg10[%get3A_2091, %get3A_2092, %get3A_2093, %get3A_2094] : memref<3x3x128x128xf32, #tpu.memory_space<vmem>>, vector<1x1x128x128xf32>
      %get3A_2096 = vector.shape_cast %get3A_2095 : vector<1x1x128x128xf32> to vector<128x128xf32>
      %dot_general3A_2097 = arith.constant dense<0.000000e+00> : vector<1000x128xf32>
      %dot_general3A_2098 = tpu.matmul %get3A_2058, %get3A_2096, %dot_general3A_2097 {dimension_numbers = #tpu.dot_dimension_numbers<[1], [0], [0], [1], [0, 0, 1, 1], [], []>, transpose_lhs_hint = false} : vector<1000x128xf32>, vector<128x128xf32>, vector<1000x128xf32> -> vector<1000x128xf32>
      %add3A_2099 = arith.addf %add3A_2090, %dot_general3A_2098 : vector<1000x128xf32>
      %logistic3A_2100 = arith.negf %add3A_2099 : vector<1000x128xf32>
      %logistic3A_2101 = math.exp %logistic3A_2100 : vector<1000x128xf32>
      %logistic3A_2102 = arith.constant 1.000000e+00 : f32
      %logistic3A_2103 = vector.broadcast %logistic3A_2102 : f32 to vector<1000x128xf32>
      %logistic3A_2104 = arith.addf %logistic3A_2103, %logistic3A_2101 : vector<1000x128xf32>
      %logistic3A_2105 = arith.divf %logistic3A_2103, %logistic3A_2104 : vector<1000x128xf32>
      %get3A_2106 = arith.constant 1 : index
      %get3A_2107 = arith.constant 0 : index
      %get3A_2108 = arith.constant 0 : index
      %get3A_2109 = vector.load %arg8[%get3A_2106, %get3A_2107, %get3A_2108] : memref<3x128x128xf32, #tpu.memory_space<vmem>>, vector<1x128x128xf32>
      %get3A_2110 = vector.shape_cast %get3A_2109 : vector<1x128x128xf32> to vector<128x128xf32>
      %dot_general3A_2111 = arith.constant dense<0.000000e+00> : vector<1000x128xf32>
      %dot_general3A_2112 = tpu.matmul %get3A_2043, %get3A_2110, %dot_general3A_2111 {dimension_numbers = #tpu.dot_dimension_numbers<[1], [0], [0], [1], [0, 0, 1, 1], [], []>, transpose_lhs_hint = false} : vector<1000x128xf32>, vector<128x128xf32>, vector<1000x128xf32> -> vector<1000x128xf32>
      %get3A_2113 = arith.constant 1 : index
      %get3A_2114 = arith.constant 0 : index
      %get3A_2115 = arith.constant 0 : index
      %get3A_2116 = vector.load %arg9[%get3A_2113, %get3A_2114, %get3A_2115] : memref<3x1x128xf32, #tpu.memory_space<vmem>>, vector<1x1x128xf32>
      %get3A_2117 = vector.shape_cast %get3A_2116 : vector<1x1x128xf32> to vector<1x128xf32>
      %add3A_2118 = vector.broadcast %get3A_2117 : vector<1x128xf32> to vector<1000x128xf32>
      %add3A_2119 = arith.addf %dot_general3A_2112, %add3A_2118 : vector<1000x128xf32>
      %get3A_2120 = arith.constant 1 : index
      %get3A_2121 = arith.constant 0 : index
      %get3A_2122 = arith.constant 0 : index
      %get3A_2123 = arith.constant 0 : index
      %get3A_2124 = vector.load %arg10[%get3A_2120, %get3A_2121, %get3A_2122, %get3A_2123] : memref<3x3x128x128xf32, #tpu.memory_space<vmem>>, vector<1x1x128x128xf32>
      %get3A_2125 = vector.shape_cast %get3A_2124 : vector<1x1x128x128xf32> to vector<128x128xf32>
      %dot_general3A_2126 = arith.constant dense<0.000000e+00> : vector<1000x128xf32>
      %dot_general3A_2127 = tpu.matmul %get3A_2048, %get3A_2125, %dot_general3A_2126 {dimension_numbers = #tpu.dot_dimension_numbers<[1], [0], [0], [1], [0, 0, 1, 1], [], []>, transpose_lhs_hint = false} : vector<1000x128xf32>, vector<128x128xf32>, vector<1000x128xf32> -> vector<1000x128xf32>
      %add3A_2128 = arith.addf %add3A_2119, %dot_general3A_2127 : vector<1000x128xf32>
      %get3A_2129 = arith.constant 1 : index
      %get3A_2130 = arith.constant 1 : index
      %get3A_2131 = arith.constant 0 : index
      %get3A_2132 = arith.constant 0 : index
      %get3A_2133 = vector.load %arg10[%get3A_2129, %get3A_2130, %get3A_2131, %get3A_2132] : memref<3x3x128x128xf32, #tpu.memory_space<vmem>>, vector<1x1x128x128xf32>
      %get3A_2134 = vector.shape_cast %get3A_2133 : vector<1x1x128x128xf32> to vector<128x128xf32>
      %dot_general3A_2135 = arith.constant dense<0.000000e+00> : vector<1000x128xf32>
      %dot_general3A_2136 = tpu.matmul %get3A_2053, %get3A_2134, %dot_general3A_2135 {dimension_numbers = #tpu.dot_dimension_numbers<[1], [0], [0], [1], [0, 0, 1, 1], [], []>, transpose_lhs_hint = false} : vector<1000x128xf32>, vector<128x128xf32>, vector<1000x128xf32> -> vector<1000x128xf32>
      %add3A_2137 = arith.addf %add3A_2128, %dot_general3A_2136 : vector<1000x128xf32>
      %get3A_2138 = arith.constant 1 : index
      %get3A_2139 = arith.constant 2 : index
      %get3A_2140 = arith.constant 0 : index
      %get3A_2141 = arith.constant 0 : index
      %get3A_2142 = vector.load %arg10[%get3A_2138, %get3A_2139, %get3A_2140, %get3A_2141] : memref<3x3x128x128xf32, #tpu.memory_space<vmem>>, vector<1x1x128x128xf32>
      %get3A_2143 = vector.shape_cast %get3A_2142 : vector<1x1x128x128xf32> to vector<128x128xf32>
      %dot_general3A_2144 = arith.constant dense<0.000000e+00> : vector<1000x128xf32>
      %dot_general3A_2145 = tpu.matmul %get3A_2058, %get3A_2143, %dot_general3A_2144 {dimension_numbers = #tpu.dot_dimension_numbers<[1], [0], [0], [1], [0, 0, 1, 1], [], []>, transpose_lhs_hint = false} : vector<1000x128xf32>, vector<128x128xf32>, vector<1000x128xf32> -> vector<1000x128xf32>
      %add3A_2146 = arith.addf %add3A_2137, %dot_general3A_2145 : vector<1000x128xf32>
      %logistic3A_2147 = arith.negf %add3A_2146 : vector<1000x128xf32>
      %logistic3A_2148 = math.exp %logistic3A_2147 : vector<1000x128xf32>
      %logistic3A_2149 = arith.constant 1.000000e+00 : f32
      %logistic3A_2150 = vector.broadcast %logistic3A_2149 : f32 to vector<1000x128xf32>
      %logistic3A_2151 = arith.addf %logistic3A_2150, %logistic3A_2148 : vector<1000x128xf32>
      %logistic3A_2152 = arith.divf %logistic3A_2150, %logistic3A_2151 : vector<1000x128xf32>
      %get3A_2153 = arith.constant 2 : index
      %get3A_2154 = arith.constant 0 : index
      %get3A_2155 = arith.constant 0 : index
      %get3A_2156 = vector.load %arg8[%get3A_2153, %get3A_2154, %get3A_2155] : memref<3x128x128xf32, #tpu.memory_space<vmem>>, vector<1x128x128xf32>
      %get3A_2157 = vector.shape_cast %get3A_2156 : vector<1x128x128xf32> to vector<128x128xf32>
      %dot_general3A_2158 = arith.constant dense<0.000000e+00> : vector<1000x128xf32>
      %dot_general3A_2159 = tpu.matmul %get3A_2043, %get3A_2157, %dot_general3A_2158 {dimension_numbers = #tpu.dot_dimension_numbers<[1], [0], [0], [1], [0, 0, 1, 1], [], []>, transpose_lhs_hint = false} : vector<1000x128xf32>, vector<128x128xf32>, vector<1000x128xf32> -> vector<1000x128xf32>
      %get3A_2160 = arith.constant 2 : index
      %get3A_2161 = arith.constant 0 : index
      %get3A_2162 = arith.constant 0 : index
      %get3A_2163 = vector.load %arg9[%get3A_2160, %get3A_2161, %get3A_2162] : memref<3x1x128xf32, #tpu.memory_space<vmem>>, vector<1x1x128xf32>
      %get3A_2164 = vector.shape_cast %get3A_2163 : vector<1x1x128xf32> to vector<1x128xf32>
      %add3A_2165 = vector.broadcast %get3A_2164 : vector<1x128xf32> to vector<1000x128xf32>
      %add3A_2166 = arith.addf %dot_general3A_2159, %add3A_2165 : vector<1000x128xf32>
      %get3A_2167 = arith.constant 2 : index
      %get3A_2168 = arith.constant 0 : index
      %get3A_2169 = arith.constant 0 : index
      %get3A_2170 = arith.constant 0 : index
      %get3A_2171 = vector.load %arg10[%get3A_2167, %get3A_2168, %get3A_2169, %get3A_2170] : memref<3x3x128x128xf32, #tpu.memory_space<vmem>>, vector<1x1x128x128xf32>
      %get3A_2172 = vector.shape_cast %get3A_2171 : vector<1x1x128x128xf32> to vector<128x128xf32>
      %dot_general3A_2173 = arith.constant dense<0.000000e+00> : vector<1000x128xf32>
      %dot_general3A_2174 = tpu.matmul %get3A_2048, %get3A_2172, %dot_general3A_2173 {dimension_numbers = #tpu.dot_dimension_numbers<[1], [0], [0], [1], [0, 0, 1, 1], [], []>, transpose_lhs_hint = false} : vector<1000x128xf32>, vector<128x128xf32>, vector<1000x128xf32> -> vector<1000x128xf32>
      %add3A_2175 = arith.addf %add3A_2166, %dot_general3A_2174 : vector<1000x128xf32>
      %get3A_2176 = arith.constant 2 : index
      %get3A_2177 = arith.constant 1 : index
      %get3A_2178 = arith.constant 0 : index
      %get3A_2179 = arith.constant 0 : index
      %get3A_2180 = vector.load %arg10[%get3A_2176, %get3A_2177, %get3A_2178, %get3A_2179] : memref<3x3x128x128xf32, #tpu.memory_space<vmem>>, vector<1x1x128x128xf32>
      %get3A_2181 = vector.shape_cast %get3A_2180 : vector<1x1x128x128xf32> to vector<128x128xf32>
      %dot_general3A_2182 = arith.constant dense<0.000000e+00> : vector<1000x128xf32>
      %dot_general3A_2183 = tpu.matmul %get3A_2053, %get3A_2181, %dot_general3A_2182 {dimension_numbers = #tpu.dot_dimension_numbers<[1], [0], [0], [1], [0, 0, 1, 1], [], []>, transpose_lhs_hint = false} : vector<1000x128xf32>, vector<128x128xf32>, vector<1000x128xf32> -> vector<1000x128xf32>
      %add3A_2184 = arith.addf %add3A_2175, %dot_general3A_2183 : vector<1000x128xf32>
      %get3A_2185 = arith.constant 2 : index
      %get3A_2186 = arith.constant 2 : index
      %get3A_2187 = arith.constant 0 : index
      %get3A_2188 = arith.constant 0 : index
      %get3A_2189 = vector.load %arg10[%get3A_2185, %get3A_2186, %get3A_2187, %get3A_2188] : memref<3x3x128x128xf32, #tpu.memory_space<vmem>>, vector<1x1x128x128xf32>
      %get3A_2190 = vector.shape_cast %get3A_2189 : vector<1x1x128x128xf32> to vector<128x128xf32>
      %dot_general3A_2191 = arith.constant dense<0.000000e+00> : vector<1000x128xf32>
      %dot_general3A_2192 = tpu.matmul %get3A_2058, %get3A_2190, %dot_general3A_2191 {dimension_numbers = #tpu.dot_dimension_numbers<[1], [0], [0], [1], [0, 0, 1, 1], [], []>, transpose_lhs_hint = false} : vector<1000x128xf32>, vector<128x128xf32>, vector<1000x128xf32> -> vector<1000x128xf32>
      %add3A_2193 = arith.addf %add3A_2184, %dot_general3A_2192 : vector<1000x128xf32>
      %tanh3A_2194 = math.tanh %add3A_2193 : vector<1000x128xf32>
      %get3A_2195 = arith.constant 0 : index
      %get3A_2196 = arith.constant 0 : index
      %get3A_2197 = vector.load %arg13[%get3A_2195, %get3A_2196] : memref<1x128xf32, #tpu.memory_space<vmem>>, vector<1x128xf32>
      %get3A_2198 = arith.constant 0 : index
      %get3A_2199 = arith.constant 9000 : index
      %get3A_2200 = arith.constant 0 : index
      %get3A_2201 = vector.load %arg19[%get3A_2198, %get3A_2199, %get3A_2200] : memref<3x10000x128xf32, #tpu.memory_space<vmem>>, vector<1x1000x128xf32>
      %get3A_2202 = vector.shape_cast %get3A_2201 : vector<1x1000x128xf32> to vector<1000x128xf32>
      %get3A_2203 = arith.constant 0 : index
      %get3A_2204 = arith.constant 0 : index
      %get3A_2205 = arith.constant 0 : index
      %get3A_2206 = vector.load %arg12[%get3A_2203, %get3A_2204, %get3A_2205] : memref<3x128x128xf32, #tpu.memory_space<vmem>>, vector<1x128x128xf32>
      %get3A_2207 = vector.shape_cast %get3A_2206 : vector<1x128x128xf32> to vector<128x128xf32>
      %dot_general3A_2208 = arith.constant dense<0.000000e+00> : vector<1000x128xf32>
      %dot_general3A_2209 = tpu.matmul %get3A_2202, %get3A_2207, %dot_general3A_2208 {dimension_numbers = #tpu.dot_dimension_numbers<[1], [0], [0], [1], [0, 0, 1, 1], [], []>, transpose_lhs_hint = false} : vector<1000x128xf32>, vector<128x128xf32>, vector<1000x128xf32> -> vector<1000x128xf32>
      %add3A_2210 = vector.broadcast %get3A_2197 : vector<1x128xf32> to vector<1000x128xf32>
      %add3A_2211 = arith.addf %add3A_2210, %dot_general3A_2209 : vector<1000x128xf32>
      %get3A_2212 = arith.constant 1 : index
      %get3A_2213 = arith.constant 9000 : index
      %get3A_2214 = arith.constant 0 : index
      %get3A_2215 = vector.load %arg19[%get3A_2212, %get3A_2213, %get3A_2214] : memref<3x10000x128xf32, #tpu.memory_space<vmem>>, vector<1x1000x128xf32>
      %get3A_2216 = vector.shape_cast %get3A_2215 : vector<1x1000x128xf32> to vector<1000x128xf32>
      %get3A_2217 = arith.constant 1 : index
      %get3A_2218 = arith.constant 0 : index
      %get3A_2219 = arith.constant 0 : index
      %get3A_2220 = vector.load %arg12[%get3A_2217, %get3A_2218, %get3A_2219] : memref<3x128x128xf32, #tpu.memory_space<vmem>>, vector<1x128x128xf32>
      %get3A_2221 = vector.shape_cast %get3A_2220 : vector<1x128x128xf32> to vector<128x128xf32>
      %dot_general3A_2222 = arith.constant dense<0.000000e+00> : vector<1000x128xf32>
      %dot_general3A_2223 = tpu.matmul %get3A_2216, %get3A_2221, %dot_general3A_2222 {dimension_numbers = #tpu.dot_dimension_numbers<[1], [0], [0], [1], [0, 0, 1, 1], [], []>, transpose_lhs_hint = false} : vector<1000x128xf32>, vector<128x128xf32>, vector<1000x128xf32> -> vector<1000x128xf32>
      %add3A_2224 = arith.addf %add3A_2211, %dot_general3A_2223 : vector<1000x128xf32>
      %get3A_2225 = arith.constant 2 : index
      %get3A_2226 = arith.constant 9000 : index
      %get3A_2227 = arith.constant 0 : index
      %get3A_2228 = vector.load %arg19[%get3A_2225, %get3A_2226, %get3A_2227] : memref<3x10000x128xf32, #tpu.memory_space<vmem>>, vector<1x1000x128xf32>
      %get3A_2229 = vector.shape_cast %get3A_2228 : vector<1x1000x128xf32> to vector<1000x128xf32>
      %get3A_2230 = arith.constant 2 : index
      %get3A_2231 = arith.constant 0 : index
      %get3A_2232 = arith.constant 0 : index
      %get3A_2233 = vector.load %arg12[%get3A_2230, %get3A_2231, %get3A_2232] : memref<3x128x128xf32, #tpu.memory_space<vmem>>, vector<1x128x128xf32>
      %get3A_2234 = vector.shape_cast %get3A_2233 : vector<1x128x128xf32> to vector<128x128xf32>
      %dot_general3A_2235 = arith.constant dense<0.000000e+00> : vector<1000x128xf32>
      %dot_general3A_2236 = tpu.matmul %get3A_2229, %get3A_2234, %dot_general3A_2235 {dimension_numbers = #tpu.dot_dimension_numbers<[1], [0], [0], [1], [0, 0, 1, 1], [], []>, transpose_lhs_hint = false} : vector<1000x128xf32>, vector<128x128xf32>, vector<1000x128xf32> -> vector<1000x128xf32>
      %add3A_2237 = arith.addf %add3A_2224, %dot_general3A_2236 : vector<1000x128xf32>
      %mul3A_2238 = arith.mulf %logistic3A_2105, %tanh3A_2194 : vector<1000x128xf32>
      %add3A_2239 = arith.addf %mul3A_2238, %add3A_2237 : vector<1000x128xf32>
      %tanh3A_2240 = math.tanh %add3A_2239 : vector<1000x128xf32>
      %mul3A_2241 = arith.mulf %logistic3A_2152, %tanh3A_2240 : vector<1000x128xf32>
      %get3A_2242 = arith.constant 9000 : index
      %get3A_2243 = arith.constant 0 : index
      %get3A_2244 = vector.load %arg5[%get3A_2242, %get3A_2243] : memref<10000x1xi32, #tpu.memory_space<vmem>>, vector<1000x1xi32>
      %eq3A_2245 = vector.broadcast %arg0 : i32 to vector<1000x1xi32>
      %eq3A_2246 = arith.cmpi eq, %get3A_2244, %eq3A_2245 : vector<1000x1xi32>
      %get3A_2247 = arith.constant 9000 : index
      %get3A_2248 = arith.constant 0 : index
      %get3A_2249 = vector.load %arg15[%get3A_2247, %get3A_2248] : memref<10000x128xf32, #tpu.memory_space<vmem>>, vector<1000x128xf32>
      %broadcast_in_dim3A_2250 = vector.shape_cast %eq3A_2246 : vector<1000x1xi1> to vector<1000x1xi1>
      %broadcast_in_dim3A_2251 = vector.broadcast %broadcast_in_dim3A_2250 : vector<1000x1xi1> to vector<1000x128xi1>
      %select_n3A_2252 = arith.select %broadcast_in_dim3A_2251, %add3A_2239, %get3A_2249 : vector<1000x128xi1>, vector<1000x128xf32>
      %swap3A_2253 = arith.constant 9000 : index
      %swap3A_2254 = arith.constant 0 : index
      %swap3A_2255 = vector.load %arg15[%swap3A_2253, %swap3A_2254] : memref<10000x128xf32, #tpu.memory_space<vmem>>, vector<1000x128xf32>
      tpu.vector_store %arg15[%swap3A_2253, %swap3A_2254], %select_n3A_2252 {strides = array<i32>} : memref<10000x128xf32, #tpu.memory_space<vmem>>, vector<1000x128xf32>,
      %get3A_2256 = arith.constant 9000 : index
      %get3A_2257 = arith.constant 0 : index
      %get3A_2258 = vector.load %arg14[%get3A_2256, %get3A_2257] : memref<10000x128xf32, #tpu.memory_space<vmem>>, vector<1000x128xf32>
      %broadcast_in_dim3A_2259 = vector.shape_cast %eq3A_2246 : vector<1000x1xi1> to vector<1000x1xi1>
      %broadcast_in_dim3A_2260 = vector.broadcast %broadcast_in_dim3A_2259 : vector<1000x1xi1> to vector<1000x128xi1>
      %select_n3A_2261 = arith.select %broadcast_in_dim3A_2260, %mul3A_2241, %get3A_2258 : vector<1000x128xi1>, vector<1000x128xf32>
      %swap3A_2262 = arith.constant 9000 : index
      %swap3A_2263 = arith.constant 0 : index
      %swap3A_2264 = vector.load %arg14[%swap3A_2262, %swap3A_2263] : memref<10000x128xf32, #tpu.memory_space<vmem>>, vector<1000x128xf32>
      tpu.vector_store %arg14[%swap3A_2262, %swap3A_2263], %select_n3A_2261 {strides = array<i32>} : memref<10000x128xf32, #tpu.memory_space<vmem>>, vector<1000x128xf32>,
    } else {
    }
    return
  }
  func.func @transform_0(%arg0: i32, %arg1: i32) -> i32 {
    %c0_i32 = arith.constant 0 : i32
    %c0_i32_0 = arith.constant 0 : i32
    return %c0_i32 : i32
  }
  func.func @transform_1(%arg0: i32, %arg1: i32) -> i32 {
    %c0_i32 = arith.constant 0 : i32
    return %arg1 : i32
  }
  func.func @transform_2(%arg0: i32, %arg1: i32) -> (i32, i32) {
    %c0_i32 = arith.constant 0 : i32
    %c0_i32_0 = arith.constant 0 : i32
    %c0_i32_1 = arith.constant 0 : i32
    return %c0_i32, %c0_i32_0 : i32, i32
  }
  func.func @transform_3(%arg0: i32, %arg1: i32) -> (i32, i32) {
    %c0_i32 = arith.constant 0 : i32
    %c0_i32_0 = arith.constant 0 : i32
    %c0_i32_1 = arith.constant 0 : i32
    return %c0_i32, %c0_i32_0 : i32, i32
  }
  func.func @transform_4(%arg0: i32, %arg1: i32) -> (i32, i32) {
    %c0_i32 = arith.constant 0 : i32
    %c0_i32_0 = arith.constant 0 : i32
    %c0_i32_1 = arith.constant 0 : i32
    return %c0_i32, %c0_i32_0 : i32, i32
  }
  func.func @transform_5(%arg0: i32, %arg1: i32) -> (i32, i32) {
    %c0_i32 = arith.constant 0 : i32
    %c0_i32_0 = arith.constant 0 : i32
    %c0_i32_1 = arith.constant 0 : i32
    return %c0_i32, %c0_i32_0 : i32, i32
  }
  func.func @transform_6(%arg0: i32, %arg1: i32) -> (i32, i32, i32) {
    %c0_i32 = arith.constant 0 : i32
    %c0_i32_0 = arith.constant 0 : i32
    %c0_i32_1 = arith.constant 0 : i32
    %c0_i32_2 = arith.constant 0 : i32
    return %c0_i32, %c0_i32_0, %c0_i32_1 : i32, i32, i32
  }
  func.func @transform_7(%arg0: i32, %arg1: i32) -> (i32, i32, i32) {
    %c0_i32 = arith.constant 0 : i32
    %c0_i32_0 = arith.constant 0 : i32
    %c0_i32_1 = arith.constant 0 : i32
    %c0_i32_2 = arith.constant 0 : i32
    return %c0_i32, %c0_i32_0, %c0_i32_1 : i32, i32, i32
  }
  func.func @transform_8(%arg0: i32, %arg1: i32) -> (i32, i32, i32, i32) {
    %c0_i32 = arith.constant 0 : i32
    %c0_i32_0 = arith.constant 0 : i32
    %c0_i32_1 = arith.constant 0 : i32
    %c0_i32_2 = arith.constant 0 : i32
    %c0_i32_3 = arith.constant 0 : i32
    return %c0_i32, %c0_i32_0, %c0_i32_1, %c0_i32_2 : i32, i32, i32, i32
  }
  func.func @transform_9(%arg0: i32, %arg1: i32) -> (i32, i32) {
    %c0_i32 = arith.constant 0 : i32
    %c0_i32_0 = arith.constant 0 : i32
    %c0_i32_1 = arith.constant 0 : i32
    return %c0_i32, %c0_i32_0 : i32, i32
  }
  func.func @transform_10(%arg0: i32, %arg1: i32) -> (i32, i32, i32) {
    %c0_i32 = arith.constant 0 : i32
    %c0_i32_0 = arith.constant 0 : i32
    %c0_i32_1 = arith.constant 0 : i32
    %c0_i32_2 = arith.constant 0 : i32
    return %c0_i32, %c0_i32_0, %c0_i32_1 : i32, i32, i32
  }
  func.func @transform_11(%arg0: i32, %arg1: i32) -> (i32, i32) {
    %c0_i32 = arith.constant 0 : i32
    %c0_i32_0 = arith.constant 0 : i32
    %c0_i32_1 = arith.constant 0 : i32
    return %c0_i32, %c0_i32_0 : i32, i32
  }
  func.func @transform_12(%arg0: i32, %arg1: i32) -> (i32, i32) {
    %c0_i32 = arith.constant 0 : i32
    %c0_i32_0 = arith.constant 0 : i32
    %c0_i32_1 = arith.constant 0 : i32
    return %c0_i32, %c0_i32_0 : i32, i32
  }
}

</mosaic_0001>

<sc_bundles>
// kernel: gather_offload_async_start.1
scs
__scs_entry_jumppad:
0x0: {  	(pc) =	sbr.rel $0x88, $3  }
0x1: {  	(tag) =	ssettag $0x0;
	lr =	simm.s32 $0x1  }
0x2: {  	[smem:$0x3F95] =	sst lr;
	_ =	strace $0xD0000000  }
0x3: {  	_ = 	snop  }
0x4: {  	_ = 	snop  }
0x5: {  	_ = 	snop  }
0x6: {  	_ = 	snop  }
0x7: {  	_ = 	snop  }
__scs_overlays_trampoline_lowered:
0x8: {  	[smem:$0x3FA4] =	sst s0  }
0x9: {  	[smem:$0x3FA5] =	sst s1  }
0xa: {  	[smem:$0x3FA6] =	sst s2  }
0xb: {  	[smem:$0x3FA7] =	sst s3  }
0xc: {  	[smem:$0x3FA8] =	sst s4  }
0xd: {  	[smem:$0x3FA9] =	sst s5  }
0xe: {  	[smem:$0x3FAA] =	sst s6  }
0xf: {  	[smem:$0x3FAB] =	sst s7  }
0x10: {  	[smem:$0x3FAC] =	sst s8  }
0x11: {  	[smem:$0x3FAD] =	sst s9;
	s0 =	simm.s32 @!p0 $0x0  }
0x12: {  	s1 =	sld [smem:$0x3F93];
	s0 =	simm.s32 @p0 $0x1  }
0x13: {  	[smem:$0x3FAE] =	sst s0;
	s0 =	simm.s32 @!p1 $0x0  }
0x14: {  	s2 =	sld [smem:$0x3F92];
	s0 =	simm.s32 @p1 $0x1  }
0x15: {  	[smem:$0x3FAF] =	sst s0;
	s0 =	simm.s32 @!p2 $0x0  }
0x16: {  	s3 =	sld [smem:$0x3FDB];
	s0 =	simm.s32 @p2 $0x1  }
0x17: {  	s4 =	simm.s32 $0x1BF5;
	[smem:$0x3FB1] =	sst s0  }
0x18: {  	s0 =	sld [smem:$0x3F94];
	_ =	swait.ge [sflag:s4], $0x0  }
0x19: {  	s7 =	sld [smem:$0x3F95]  }
0x1a: {  	s8 =	sadd.s32 $0xFFFFE003, lr  }
0x1b: {  	s9 =	sadd.s32 $0xFFFFFEF7, lr;
	s5 =	simm.s32 $0xFFFFFFFF;
	p2 =	slt.u32 s8, $0xFFFFF086  }
0x1c: {  	p1 =	slt.u32 s9, $0xF7A;
	s5 =	simm.s32 @!p2 $0x0  }
0x1d: {  	s5 =	simm.s32 @p1 $0x1;
	p0 =	seq.s32 s7, s2  }
0x1e: {  	s7 =	smul.u32 @!p0 $0xF7A, s2;
	p2 =	seq.s32 @!p0 s5, $0x0  }
0x1f: {  	s9 =	smul.u32 $0xF7A, s1;
	s8 =	simm.s32 @!p0 $0x1BF5;
	p2 =	por !p2, p0  }
0x20: {  	[sflag:s8] =	ssyncset.s32 @!p0 $0xFFFFF086;
	s6 =	sadd.s32 @!p0 s3, s7;
	s7 =	simm.s32 @!p0 $0x108  }
0x21: {  	s3 =	sadd.s32 s3, s9;
	s6 =	sadd.s32 @!p0 $0x88, s6;
	s7 =	simm.s32 @p2 $0x1082  }
0x22: {  	[simem:s7], [sflag:s8] =	dma.local @!p0 [hbm:s6], $0xF7A  }
0x23: {  	s9 =	sor.u32 $0xD0000000, s2;
	s6 =	simm.s32 $0x108;
	_ =	swait.ge @!p0 [sflag:s8], $0x0  }
0x24: {  	s3 =	sadd.s32 $0x88, s3;
	s6 =	simm.s32 @!p1 $0x1082;
	[sflag:s4] =	ssyncset.s32 $0xFFFFF086  }
0x25: {  	[simem:s6], [sflag:s4] =	dma.local [hbm:s3], $0xF7A  }
0x26: {  	[smem:$0x3F95] =	sst s1;
	(tag) =	ssettag s2;
	_ =	strace s9  }
0x27: {  	s1 =	sld [smem:$0x3FA5]  }
0x28: {  	s2 =	sld [smem:$0x3FA6]  }
0x29: {  	s4 =	sld [smem:$0x3FA8]  }
0x2a: {  	p0 =	seq.s32 s5, $0x0;
	s5 =	sld [smem:$0x3FA9]  }
0x2b: {  	s6 =	sld [smem:$0x3FAA]  }
0x2c: {  	s7 =	sld [smem:$0x3FAB]  }
0x2d: {  	s3 =	simm.s32 $0x108;
	s8 =	sld [smem:$0x3FAC]  }
0x2e: {  	s3 =	simm.s32 @!p0 $0x1082;
	s9 =	sld [smem:$0x3FAD]  }
0x2f: {  	lr =	sadd.s32 s0, s3;
	s0 =	sld [smem:$0x3FA4]  }
0x30: {  	s3 =	sld [smem:$0x3FA7]  }
0x31: {  	[smem:$0x3FB0] =	sst s10  }
0x32: {  	s10 =	sld [smem:$0x3FAE];
	_ =	sdelay $0x3  }
0x33: {  	p0 =	seq.s32 s10, $0x1;
	s10 =	sld [smem:$0x3FB0];
	_ =	sdelay $0x3  }
0x34: {  	[smem:$0x3FB0] =	sst s10  }
0x35: {  	s10 =	sld [smem:$0x3FAF];
	_ =	sdelay $0x3  }
0x36: {  	p1 =	seq.s32 s10, $0x1;
	s10 =	sld [smem:$0x3FB0];
	_ =	sdelay $0x3  }
0x37: {  	[smem:$0x3FB0] =	sst s10  }
0x38: {  	s10 =	sld [smem:$0x3FB1]  }
0x39: {  	_ = 	snop;
	(pc) =	sbr.ind lr, $3  }
0x3a: {  	_ = 	snop  }
0x3b: {  	_ = 	snop  }
0x3c: {  	p2 =	seq.s32 s10, $0x1;
	s10 =	sld [smem:$0x3FB0]  }
0x3d: {  	_ =	shalt  }
0x3e: {  	_ =	shalt  }
0x3f: {  	_ =	shalt  }
0x40: {  	_ =	shalt  }
0x41: {  	_ =	shalt  }
0x42: {  	_ =	shalt  }
0x43: {  	_ =	shalt  }
0x44: {  	_ =	shalt  }
0x45: {  	_ =	shalt  }
0x46: {  	_ =	shalt  }
0x47: {  	_ =	shalt  }
0x48: {  	_ =	shalt  }
0x49: {  	_ =	shalt  }
0x4a: {  	_ =	shalt  }
0x4b: {  	_ =	shalt  }
0x4c: {  	_ =	shalt  }
0x4d: {  	_ =	shalt  }
0x4e: {  	_ =	shalt  }
0x4f: {  	_ =	shalt  }
0x50: {  	_ =	shalt  }
0x51: {  	_ =	shalt  }
0x52: {  	_ =	shalt  }
0x53: {  	_ =	shalt  }
0x54: {  	_ =	shalt  }
0x55: {  	_ =	shalt  }
0x56: {  	_ =	shalt  }
0x57: {  	_ =	shalt  }
0x58: {  	_ =	shalt  }
0x59: {  	_ =	shalt  }
0x5a: {  	_ =	shalt  }
0x5b: {  	_ =	shalt  }
0x5c: {  	_ =	shalt  }
0x5d: {  	_ =	shalt  }
0x5e: {  	_ =	shalt  }
0x5f: {  	_ =	shalt  }
0x60: {  	_ =	shalt  }
0x61: {  	_ =	shalt  }
0x62: {  	_ =	shalt  }
0x63: {  	_ =	shalt  }
0x64: {  	_ =	shalt  }
0x65: {  	_ =	shalt  }
0x66: {  	_ =	shalt  }
0x67: {  	_ =	shalt  }
0x68: {  	_ =	shalt  }
0x69: {  	_ =	shalt  }
0x6a: {  	_ =	shalt  }
0x6b: {  	_ =	shalt  }
0x6c: {  	_ =	shalt  }
0x6d: {  	_ =	shalt  }
0x6e: {  	_ =	shalt  }
0x6f: {  	_ =	shalt  }
0x70: {  	_ =	shalt  }
0x71: {  	_ =	shalt  }
0x72: {  	_ =	shalt  }
0x73: {  	_ =	shalt  }
0x74: {  	_ =	shalt  }
0x75: {  	_ =	shalt  }
0x76: {  	_ =	shalt  }
0x77: {  	_ =	shalt  }
0x78: {  	_ =	shalt  }
0x79: {  	_ =	shalt  }
0x7a: {  	_ =	shalt  }
0x7b: {  	_ =	shalt  }
0x7c: {  	_ =	shalt  }
0x7d: {  	_ =	shalt  }
0x7e: {  	_ =	shalt  }
0x7f: {  	_ =	shalt  }
0x80: {  	_ =	shalt  }
0x81: {  	_ =	shalt  }
0x82: {  	_ =	shalt  }
0x83: {  	_ =	shalt  }
0x84: {  	_ =	shalt  }
0x85: {  	_ =	shalt  }
0x86: {  	_ =	shalt  }
0x87: {  	_ =	shalt  }
.Lfunc_end0:
.L_simem_size_0:
called_computation.1_lowered:
.L_overlay_start_0:
0x88: {  	s2 =	sld [smem:$0x3FD9]  }
0x89: {  	s3 =	sld [smem:$0x3FFE];
	_ =	sdelay $0x1  }
0x8a: {  	s1 =	srdreg.scid  }
0x8b: {  	s0 =	sand.u32 $0x1, s1  }
0x8c: {  	s17 =	sshll.u32 s0, $0xA;
	s2 =	sadd.s32 s3, s2  }
0x8d: {  	s2 =	sadd.s32 s2, s17  }
0x8e: {  	[smem:$0x3FBC] =	sst s2  }
0x8f: {  	_ = 	snop  }
0x90: {  	s2 =	sld [smem:$0x3FD0];
	(tm) =	ssettm $0x1  }
0x91: {  	s18 =	sld [smem:$0x3FFB];
	_ =	sdelay $0x3  }
0x92: {  	_ =	strace s18  }
0x93: {  	s3 =	sld [smem:$0x3FFC];
	_ =	sdelay $0x3  }
0x94: {  	_ =	strace s3  }
0x95: {  	s3 =	sld [smem:$0x3FFD];
	_ =	sdelay $0x3  }
0x96: {  	_ =	strace s3  }
0x97: {  	_ =	strace $0x8FFFFFFF  }
0x98: {  	s19 =	sld [smem:$0x3FDB];
	_ =	sdelay $0x1  }
0x99: {  	s4 =	simm.s32 $_scs_section_size  }
0x9a: {  	s5 =	simm.s32 $_size__tile_overlayer_lowered;
	s6 =	simm.s32 $_tile_overlayer_lowered  }
0x9b: {  	s22 =	simm.s32 $0x1BFF;
	s21 =	sshll.u32 s6, $0x1;
	s3 =	sadd.s32 s4, s19  }
0x9c: {  	s7 =	simm.s32 $0x0;
	s20 =	sshll.u32 s5, $0x1;
	s5 =	sadd.s32 s21, s3  }
0x9d: {  	[timem:s7], [sflag:s22] =	dma.local [hbm:s5], s20  }
0x9e: {  	_ =	swait.ge [sflag:s22], s20  }
0x9f: {  	s4 =	ssub.s32 $0x0, s20;
	[sflag:s22] =	ssyncset.done $0x0  }
0xa0: {  	[sflag:s22] =	ssyncadd.s32 s4;
	_ =	sdelay $0x1  }
0xa1: {  	s23 =	simm.s32 $0x1B8B  }
0xa2: {  	_ =	swait.ge [sflag:s23], $0x1  }
0xa3: {  	[sflag:s23] =	ssyncset.done $0x0  }
0xa4: {  	s25 =	simm.s32 $0x1B8E;
	s24 =	sld [smem:$0x3FFE];
	[sflag:s23] =	ssyncadd.s32 $0xFFFFFFFF  }
0xa5: {  	s26 =	simm.s32 $execute0_lowered;
	[smem:$0x3FD2] =	sst s25  }
0xa6: {  	s5 =	sshll.u32 s26, $0x1;
	_ =	strace $0x80000049;
	[dreg:$0x1] =	wrdreg $0xFFFFFFFF  }
0xa7: {  	s28 =	simm.s32 $_size_execute0_lowered;
	s3 =	sadd.s32 s3, s5;
	[dreg:$0x0] =	wrdreg $0x0  }
0xa8: {  	s5 =	sshll.u32 s28, $0x1;
	[dreg:$0x2] =	wrdreg s3  }
0xa9: {  	[dreg:$0x3] =	wrdreg s5  }
0xaa: {  	[dreg:$0x4] =	wrdreg $0xC0  }
0xab: {  	_ =	task [dreg:s7], $0x5FFFF  }
0xac: {  	[dreg:$0x1] =	wrdreg $0xFFFFFFFF  }
0xad: {  	[dreg:$0x0] =	wrdreg $0x60  }
0xae: {  	[dreg:$0x2] =	wrdreg s24  }
0xaf: {  	[dreg:$0x3] =	wrdreg s2  }
0xb0: {  	[dreg:$0x4] =	wrdreg $0x9  }
0xb1: {  	_ =	task.clear_ibuf [dreg:s7], $0x5FFFF;
	_ =	strace $0x90000049  }
0xb2: {  	s29 =	simm.s32 $0x9;
	_ =	strace $0x8000004B  }
0xb3: {  	_ =	swait.ge [sflag:s29], $0x1  }
0xb4: {  	[sflag:s29] =	ssyncadd.s32 $0xFFFFFFFF  }
0xb5: {  	_ =	strace $0x9000004B  }
0xb6: {  	_ =	sfence  }
0xb7: {  	s30 =	sld [smem:$0x0];
	_ =	sdelay $0x2  }
0xb8: {  	s31 =	sshll.u32 s1, $0xD;
	s1 =	sshrl.u32 s1, $0x2  }
0xb9: {  	s3 =	sand.u32 $0x4000, s31;
	s1 =	sadd.s32 s1, s30  }
0xba: {  	s0 =	sor.u32 s3, s0;
	s1 =	sshll.u32 s1, $0x11  }
0xbb: {  	s0 =	sor.u32 s1, s0  }
0xbc: {  	s0 =	sadd.s32 $0x8F2B, s0  }
0xbd: {  	[sflag:s0] =	ssyncadd.remote.s32 $0x1  }
0xbe: {  	_ =	sfence.sel $0xFFFF  }
0xbf: {  	[dreg:$0x0] =	wrdreg $0xFFFFFFFF;
	(pc) =	sbr.abs _section_cstart, $3  }
0xc0: {  	[dreg:$0x1] =	wrdreg $0xFFFFFFFF  }
0xc1: {  	_ =	task.clear_ibuf [dreg:s7], $0x2FFFF;
	_ =	strace $0x9FFFFFFF  }
0xc2: {  	(tm) =	ssettm $0x7FFFFFFF  }
0xc3: {  	_ =	shalt  }
tec
execute0_lowered:
.L_overlay_start_1:
0x0: {  	(tag) =	ssettag $0x1  }
0x1: {  	s8 =	rddreg [dreg:$0x0]  }
0x2: {  	s2 =	rddreg [dreg:$0x1]  }
0x3: {  	s0 =	rddreg [dreg:$0x2];
	s1 =	stileid.u32  }
0x4: {  	s3 =	srdreg.scid;
	_ =	strace $0x8000004A;
	s4 =	simm.s32 $0x1  }
0x5: {  	s7 =	simm.s32 $0x1;
	s9 =	simm.s32 $0x1;
	s10 =	simm.s32 $0x3  }
0x6: {  	s13 =	simm.s32 $0x0;
	s5 =	sand.u32 $0x1, s3;
	s6 =	sshll.u32 s1, $0x1  }
0x7: {  	s12 =	simm.s32 $0x0;
	s3 =	sadd.s32 $0x2400, s8;
	s5 =	sor.u32 s6, s5  }
.Ltmp0:
0x8: {  	[sflag:s4] =	ssyncpa.u1 $0x0;
	p0 =	slt.u32 s5, $0x9;
	(pc) =	sbr.rel .LBB2_1-.Ltmp0, $4  }
0x9: {  	s6 =	simm.s32 $0x2;
	s7 =	simm.s32 @!p0 $0x0;
	p0 =	sne.s32 s5, $0x8  }
0xa: {  	[sflag:s6] =	ssyncpa.u1 $0x0;
	s5 =	smul.u32 $0x1F40, s5;
	s9 =	simm.s32 @!p0 $0x0  }
0xb: {  	s8 =	sadd.s32 $0x10600, s8;
	[sflag:s10] =	ssyncpa.u1 $0x0;
	s7 =	sadd.s32 s9, s7  }
0xc: {  	vm0 =	vmmov $0xffff;
	s10 =	simm.s32 $0x0;
	s11 =	smov.u32 s5;
	s9 =	sadd.s32 $0x1, s7  }
.LBB2_4:
0xd: {  	v2 =	vnsel vm1, $0x0, v2  }
0xe: {  	vm1 =	vgt.s32 v0, $0x0;
	v2 =	vmin.u32 v2, $0x4E1FF  }
0xf: {  	v0 =	vnsel vm1, $0x0, v0  }
0x10: {  	v0 =	vmin.u32 v0, $0x4E1FF  }
0x11: {  	[tilespmem:s18], [sflag:$0x1] =	stream.indirect_vreg.gather [hbm4b:s3+s10], $0x1, v1, vm0, $0x4038;
	[tilespmem:$0x7D00] =	vst v63  }
0x12: {  	(ifvalue) =	ssetifvalue $0x7FFFFFFF  }
0x13: {  	[tilespmem:s15], [sflag:$0x1] =	stream.indirect_vreg.gather [hbm4b:s3+s10], $0x1, v2, vm0, $0x4038;
	[tilespmem:$0x7D00] =	vst v63  }
0x14: {  	s29 =	sadd.s32 $0x10, s15;
	(ifvalue) =	ssetifvalue $0x7FFFFFFF  }
0x15: {  	[tilespmem:s29], [sflag:$0x1] =	stream.indirect_vreg.gather [hbm4b:s3+s10], $0x1, v0, vm0, $0x4038;
	[tilespmem:$0x7D00] =	vst v63  }
0x16: {  	_ =	swait.ge [sflag:s4], $0x1F40  }
0x17: {  	s30 =	sshrl.u32 s13, $0x3;
	[sflag:s4] =	ssyncset.done $0x0  }
0x18: {  	s31 =	sand.u32 $0x7, s13;
	s15 =	sadd.s32 s2, s30;
	[sflag:s4] =	ssyncadd.s32 $0xFFFFE0C0  }
0x19: {  	[hbm4b:s15+s31] =	stream.linear.scatter [tilespmem:s14], [sflag:$0x3], $0x1F40, $0x38;
	[tilespmem:$0x7D00] =	vst v63  }
.LBB2_5:
0x1a: {  	s15 =	sadd.s32 $0x3E800, s11  }
0x1b: {  	p1 =	sgt.s32 s15, $0x4E1FF  }
0x1c: {  	s15 =	smov.u32 @p1 s5;
	p1 =	sne.s32 s12, s9  }
.Ltmp1:
0x1d: {  	p0 =	slt.u32 s12, $0x2;
	(pc) =	sbr.rel @!p1 .LBB2_6-.Ltmp1, $4  }
0x1e: {  	s14 =	simm.s32 @!p0 $0x3  }
0x1f: {  	_ =	swait.ge @!p0 [sflag:s14], $0x1F40  }
0x20: {  	s16 =	sadd.s32 $0x1, s12;
	s13 =	smov.u32 s11;
	[sflag:s14] =	ssyncset.done @!p0 $0x0  }
0x21: {  	s12 =	smov.u32 s16;
	s11 =	smov.u32 s15;
	[sflag:s14] =	ssyncadd.s32 @!p0 $0xFFFFE0C0  }
.LBB2_1:
0x22: {  	p0 =	sge.u32 s12, s7  }
0x23: {  	s14 =	sxor.u32 @!p0 $0x1, s12  }
0x24: {  	s14 =	smul.u32 @!p0 $0x7D00, s14  }
0x25: {  	s31 =	sadd.s32 $0xFFFFFFFF, s12;
	s15 =	sshrl.u32 @!p0 s11, $0x3  }
0x26: {  	s16 =	sand.u32 @!p0 $0x7, s11;
	s15 =	sadd.s32 @!p0 s8, s15;
	s14 =	sshra.s32 @!p0 s14, $0x2  }
0x27: {  	[tilespmem:s14], [sflag:$0x2] =	stream.linear.gather @!p0 [hbm4b:s15+s16], $0x1F40, $0x38;
	[tilespmem:$0x7D00] =	vst v63  }
0x28: {  	p0 =	sge.u32 s31, s7  }
.Ltmp2:
0x29: {  	_ = 	snop;
	(pc) =	sbr.rel @p0 .LBB2_5-.Ltmp2, $1  }
0x2a: {  	_ =	sdelay $0x3  }
0x2b: {  	s14 =	sand.u32 $0x1, s12  }
0x2c: {  	_ =	swait.ge [sflag:s6], $0x1F40;
	p0 =	seq.s32 s14, $0x1;
	s14 =	simm.s32 $0x1F40  }
0x2d: {  	[sflag:s6] =	ssyncset.done $0x0;
	s14 =	simm.s32 @!p0 $0x0  }
0x2e: {  	[sflag:s6] =	ssyncadd.s32 $0xFFFFE0C0;
	(ifvalue) =	ssetifvalue $0x7FFFFFFF;
	v0 =	vld.msk [tilespmem:s14+$0x0 ss:$0x1], $0xffff;
	_ =	sdelay $0x4  }
0x2f: {  	s15 =	sadd.s32 $0x10, s14;
	vm1 =	vgt.s32 v0, $0x0  }
0x30: {  	v2 =	vld.msk [tilespmem:s15+$0x0 ss:$0x1], $0xffff;
	v1 =	vnsel vm1, $0x0, v0  }
0x31: {  	v1 =	vmin.u32 v1, $0x4E1FF;
	_ =	sdelay $0x2  }
0x32: {  	s17 =	simm.s32 $0x20;
	s14 =	sadd.s32 $0x3E80, s14;
	s16 =	sadd.s32 $0x10, s15  }
0x33: {  	s15 =	sadd.s32 $0x10, s14;
	s18 =	smov.u32 s14;
	v0 =	vld.msk [tilespmem:s16+$0x0 ss:$0x1], $0xffff;
	vm1 =	vgt.s32 v2, $0x0;
	(ifvalue) =	ssetifvalue $0x7FFFFFFF  }
.LBB2_3:
0x34: {  	[tilespmem:s18], [sflag:$0x1] =	stream.indirect_vreg.gather [hbm4b:s3+s10], $0x1, v1, vm0, $0x4038;
	[tilespmem:$0x7D00] =	vst v63  }
0x35: {  	s17 =	sadd.s32 $0x10, s17  }
0x36: {  	v2 =	vnsel vm1, $0x0, v2;
	p0 =	slt.u32 s17, $0x1F30  }
.Ltmp3:
0x37: {  	s18 =	smov.u32 s15;
	v1 =	vmin.u32 v2, $0x4E1FF;
	(pc) =	sbr.rel @p0 .LBB2_3-.Ltmp3, $3  }
0x38: {  	_ =	sdelay $0x1  }
0x39: {  	s16 =	sadd.s32 $0x10, s16  }
0x3a: {  	vm1 =	vgt.s32 v0, $0x0;
	s15 =	sadd.s32 $0x10, s15;
	v2 =	vmov v0;
	(ifvalue) =	ssetifvalue $0x7FFFFFFF;
	v0 =	vld.msk [tilespmem:s16+$0x0 ss:$0x1], $0xffff  }
.Ltmp4:
0x3b: {  	_ = 	snop;
	(pc) =	sbr.rel .LBB2_4-.Ltmp4, $1  }
0x3c: {  	_ =	sdelay $0x3  }
.LBB2_6:
0x3d: {  	_ =	sfence.sel $0x180000  }
0x3e: {  	s2 =	simm.s32 $0x2;
	[bflag:$0x0] =	sbarrier.arrive $0xFFFF  }
0x3f: {  	s30 =	simm.s32 $0x3;
	[sflag:s2] =	ssyncpa.u1 $0x1  }
0x40: {  	s31 =	simm.s32 $0x1;
	[sflag:s30] =	ssyncpa.u1 $0x1  }
0x41: {  	[sflag:s31] =	ssyncpa.u1 $0x1  }
0x42: {  	p0 =	sne.s32 s1, $0x0;
	_ =	strace $0x9000004A  }
0x43: {  	s0 =	sadd.s32 @!p0 $0x100000, s0;
	[bflag:$0x2] =	sbarrier.arrive $0xFFFF  }
0x44: {  	[sflag:s0] =	ssyncadd.tile.s32 @!p0 $0x1;
	_ =	shalt  }
.Lfunc_end2:
_tile_overlayer_lowered:
.L_overlay_start_2:
0x45: {  	(tag) =	ssettag $0x2  }
0x46: {  	s0 =	rddreg [dreg:$0x0];
	s2 =	stileid.u32  }
0x47: {  	s1 =	rddreg [dreg:$0x1];
	p0 =	sne.s32 s2, $0x0  }
0x48: {  	s3 =	rddreg [dreg:$0x2];
	[bflag:$0x3] =	sbarrier.arrive $0xFFFF;
	s2 =	simm.s32 @!p0 $0x1C01  }
0x49: {  	[timem:s3], [sflag:s2] =	dma.local @!p0 [hbm:s0], s1  }
0x4a: {  	s0 =	simm.s32 @!p0 $0x1  }
0x4b: {  	_ =	swait.ge @!p0 [sflag:s0], s1  }
0x4c: {  	s1 =	ssub.s32 @!p0 $0x0, s1;
	[sflag:s0] =	ssyncset.done @!p0 $0x0  }
0x4d: {  	[sflag:s0] =	ssyncadd.s32 @!p0 s1  }
0x4e: {  	[bflag:$0x3] =	sbarrier.arrive $0xFFFF  }
0x4f: {  	_ =	shalt  }

// kernel: gather_offload_async_start
scs
__scs_entry_jumppad:
0x0: {  	(pc) =	sbr.rel $0x88, $3  }
0x1: {  	(tag) =	ssettag $0x0;
	lr =	simm.s32 $0x1  }
0x2: {  	[smem:$0x3F95] =	sst lr;
	_ =	strace $0xD0000000  }
0x3: {  	_ = 	snop  }
0x4: {  	_ = 	snop  }
0x5: {  	_ = 	snop  }
0x6: {  	_ = 	snop  }
0x7: {  	_ = 	snop  }
__scs_overlays_trampoline_lowered:
0x8: {  	[smem:$0x3FA4] =	sst s0  }
0x9: {  	[smem:$0x3FA5] =	sst s1  }
0xa: {  	[smem:$0x3FA6] =	sst s2  }
0xb: {  	[smem:$0x3FA7] =	sst s3  }
0xc: {  	[smem:$0x3FA8] =	sst s4  }
0xd: {  	[smem:$0x3FA9] =	sst s5  }
0xe: {  	[smem:$0x3FAA] =	sst s6  }
0xf: {  	[smem:$0x3FAB] =	sst s7  }
0x10: {  	[smem:$0x3FAC] =	sst s8  }
0x11: {  	[smem:$0x3FAD] =	sst s9;
	s0 =	simm.s32 @!p0 $0x0  }
0x12: {  	s1 =	sld [smem:$0x3F93];
	s0 =	simm.s32 @p0 $0x1  }
0x13: {  	[smem:$0x3FAE] =	sst s0;
	s0 =	simm.s32 @!p1 $0x0  }
0x14: {  	s2 =	sld [smem:$0x3F92];
	s0 =	simm.s32 @p1 $0x1  }
0x15: {  	[smem:$0x3FAF] =	sst s0;
	s0 =	simm.s32 @!p2 $0x0  }
0x16: {  	s3 =	sld [smem:$0x3FDB];
	s0 =	simm.s32 @p2 $0x1  }
0x17: {  	s4 =	simm.s32 $0x1BF5;
	[smem:$0x3FB1] =	sst s0  }
0x18: {  	s0 =	sld [smem:$0x3F94];
	_ =	swait.ge [sflag:s4], $0x0  }
0x19: {  	s7 =	sld [smem:$0x3F95]  }
0x1a: {  	s8 =	sadd.s32 $0xFFFFE003, lr  }
0x1b: {  	s9 =	sadd.s32 $0xFFFFFEF7, lr;
	s5 =	simm.s32 $0xFFFFFFFF;
	p2 =	slt.u32 s8, $0xFFFFF086  }
0x1c: {  	p1 =	slt.u32 s9, $0xF7A;
	s5 =	simm.s32 @!p2 $0x0  }
0x1d: {  	s5 =	simm.s32 @p1 $0x1;
	p0 =	seq.s32 s7, s2  }
0x1e: {  	s7 =	smul.u32 @!p0 $0xF7A, s2;
	p2 =	seq.s32 @!p0 s5, $0x0  }
0x1f: {  	s9 =	smul.u32 $0xF7A, s1;
	s8 =	simm.s32 @!p0 $0x1BF5;
	p2 =	por !p2, p0  }
0x20: {  	[sflag:s8] =	ssyncset.s32 @!p0 $0xFFFFF086;
	s6 =	sadd.s32 @!p0 s3, s7;
	s7 =	simm.s32 @!p0 $0x108  }
0x21: {  	s3 =	sadd.s32 s3, s9;
	s6 =	sadd.s32 @!p0 $0x88, s6;
	s7 =	simm.s32 @p2 $0x1082  }
0x22: {  	[simem:s7], [sflag:s8] =	dma.local @!p0 [hbm:s6], $0xF7A  }
0x23: {  	s9 =	sor.u32 $0xD0000000, s2;
	s6 =	simm.s32 $0x108;
	_ =	swait.ge @!p0 [sflag:s8], $0x0  }
0x24: {  	s3 =	sadd.s32 $0x88, s3;
	s6 =	simm.s32 @!p1 $0x1082;
	[sflag:s4] =	ssyncset.s32 $0xFFFFF086  }
0x25: {  	[simem:s6], [sflag:s4] =	dma.local [hbm:s3], $0xF7A  }
0x26: {  	[smem:$0x3F95] =	sst s1;
	(tag) =	ssettag s2;
	_ =	strace s9  }
0x27: {  	s1 =	sld [smem:$0x3FA5]  }
0x28: {  	s2 =	sld [smem:$0x3FA6]  }
0x29: {  	s4 =	sld [smem:$0x3FA8]  }
0x2a: {  	p0 =	seq.s32 s5, $0x0;
	s5 =	sld [smem:$0x3FA9]  }
0x2b: {  	s6 =	sld [smem:$0x3FAA]  }
0x2c: {  	s7 =	sld [smem:$0x3FAB]  }
0x2d: {  	s3 =	simm.s32 $0x108;
	s8 =	sld [smem:$0x3FAC]  }
0x2e: {  	s3 =	simm.s32 @!p0 $0x1082;
	s9 =	sld [smem:$0x3FAD]  }
0x2f: {  	lr =	sadd.s32 s0, s3;
	s0 =	sld [smem:$0x3FA4]  }
0x30: {  	s3 =	sld [smem:$0x3FA7]  }
0x31: {  	[smem:$0x3FB0] =	sst s10  }
0x32: {  	s10 =	sld [smem:$0x3FAE];
	_ =	sdelay $0x3  }
0x33: {  	p0 =	seq.s32 s10, $0x1;
	s10 =	sld [smem:$0x3FB0];
	_ =	sdelay $0x3  }
0x34: {  	[smem:$0x3FB0] =	sst s10  }
0x35: {  	s10 =	sld [smem:$0x3FAF];
	_ =	sdelay $0x3  }
0x36: {  	p1 =	seq.s32 s10, $0x1;
	s10 =	sld [smem:$0x3FB0];
	_ =	sdelay $0x3  }
0x37: {  	[smem:$0x3FB0] =	sst s10  }
0x38: {  	s10 =	sld [smem:$0x3FB1]  }
0x39: {  	_ = 	snop;
	(pc) =	sbr.ind lr, $3  }
0x3a: {  	_ = 	snop  }
0x3b: {  	_ = 	snop  }
0x3c: {  	p2 =	seq.s32 s10, $0x1;
	s10 =	sld [smem:$0x3FB0]  }
0x3d: {  	_ =	shalt  }
0x3e: {  	_ =	shalt  }
0x3f: {  	_ =	shalt  }
0x40: {  	_ =	shalt  }
0x41: {  	_ =	shalt  }
0x42: {  	_ =	shalt  }
0x43: {  	_ =	shalt  }
0x44: {  	_ =	shalt  }
0x45: {  	_ =	shalt  }
0x46: {  	_ =	shalt  }
0x47: {  	_ =	shalt  }
0x48: {  	_ =	shalt  }
0x49: {  	_ =	shalt  }
0x4a: {  	_ =	shalt  }
0x4b: {  	_ =	shalt  }
0x4c: {  	_ =	shalt  }
0x4d: {  	_ =	shalt  }
0x4e: {  	_ =	shalt  }
0x4f: {  	_ =	shalt  }
0x50: {  	_ =	shalt  }
0x51: {  	_ =	shalt  }
0x52: {  	_ =	shalt  }
0x53: {  	_ =	shalt  }
0x54: {  	_ =	shalt  }
0x55: {  	_ =	shalt  }
0x56: {  	_ =	shalt  }
0x57: {  	_ =	shalt  }
0x58: {  	_ =	shalt  }
0x59: {  	_ =	shalt  }
0x5a: {  	_ =	shalt  }
0x5b: {  	_ =	shalt  }
0x5c: {  	_ =	shalt  }
0x5d: {  	_ =	shalt  }
0x5e: {  	_ =	shalt  }
0x5f: {  	_ =	shalt  }
0x60: {  	_ =	shalt  }
0x61: {  	_ =	shalt  }
0x62: {  	_ =	shalt  }
0x63: {  	_ =	shalt  }
0x64: {  	_ =	shalt  }
0x65: {  	_ =	shalt  }
0x66: {  	_ =	shalt  }
0x67: {  	_ =	shalt  }
0x68: {  	_ =	shalt  }
0x69: {  	_ =	shalt  }
0x6a: {  	_ =	shalt  }
0x6b: {  	_ =	shalt  }
0x6c: {  	_ =	shalt  }
0x6d: {  	_ =	shalt  }
0x6e: {  	_ =	shalt  }
0x6f: {  	_ =	shalt  }
0x70: {  	_ =	shalt  }
0x71: {  	_ =	shalt  }
0x72: {  	_ =	shalt  }
0x73: {  	_ =	shalt  }
0x74: {  	_ =	shalt  }
0x75: {  	_ =	shalt  }
0x76: {  	_ =	shalt  }
0x77: {  	_ =	shalt  }
0x78: {  	_ =	shalt  }
0x79: {  	_ =	shalt  }
0x7a: {  	_ =	shalt  }
0x7b: {  	_ =	shalt  }
0x7c: {  	_ =	shalt  }
0x7d: {  	_ =	shalt  }
0x7e: {  	_ =	shalt  }
0x7f: {  	_ =	shalt  }
0x80: {  	_ =	shalt  }
0x81: {  	_ =	shalt  }
0x82: {  	_ =	shalt  }
0x83: {  	_ =	shalt  }
0x84: {  	_ =	shalt  }
0x85: {  	_ =	shalt  }
0x86: {  	_ =	shalt  }
0x87: {  	_ =	shalt  }
.Lfunc_end0:
.L_simem_size_0:
called_computation_lowered:
.L_overlay_start_0:
0x88: {  	s2 =	sld [smem:$0x3FD9]  }
0x89: {  	s3 =	sld [smem:$0x3FFE];
	_ =	sdelay $0x1  }
0x8a: {  	s1 =	srdreg.scid  }
0x8b: {  	s0 =	sand.u32 $0x1, s1  }
0x8c: {  	s17 =	sshll.u32 s0, $0xA;
	s2 =	sadd.s32 s3, s2  }
0x8d: {  	s2 =	sadd.s32 s2, s17  }
0x8e: {  	[smem:$0x3FBC] =	sst s2  }
0x8f: {  	_ = 	snop  }
0x90: {  	s2 =	sld [smem:$0x3FD0];
	(tm) =	ssettm $0x1  }
0x91: {  	s18 =	sld [smem:$0x3FFB];
	_ =	sdelay $0x3  }
0x92: {  	_ =	strace s18  }
0x93: {  	s3 =	sld [smem:$0x3FFC];
	_ =	sdelay $0x3  }
0x94: {  	_ =	strace s3  }
0x95: {  	s3 =	sld [smem:$0x3FFD];
	_ =	sdelay $0x3  }
0x96: {  	_ =	strace s3  }
0x97: {  	_ =	strace $0x8FFFFFFF  }
0x98: {  	s19 =	sld [smem:$0x3FDB];
	_ =	sdelay $0x1  }
0x99: {  	s4 =	simm.s32 $_scs_section_size  }
0x9a: {  	s5 =	simm.s32 $_size__tile_overlayer_lowered;
	s6 =	simm.s32 $_tile_overlayer_lowered  }
0x9b: {  	s22 =	simm.s32 $0x1BFF;
	s21 =	sshll.u32 s6, $0x1;
	s3 =	sadd.s32 s4, s19  }
0x9c: {  	s7 =	simm.s32 $0x0;
	s20 =	sshll.u32 s5, $0x1;
	s5 =	sadd.s32 s21, s3  }
0x9d: {  	[timem:s7], [sflag:s22] =	dma.local [hbm:s5], s20  }
0x9e: {  	_ =	swait.ge [sflag:s22], s20  }
0x9f: {  	s4 =	ssub.s32 $0x0, s20;
	[sflag:s22] =	ssyncset.done $0x0  }
0xa0: {  	[sflag:s22] =	ssyncadd.s32 s4;
	_ =	sdelay $0x1  }
0xa1: {  	s23 =	simm.s32 $0x1B8B  }
0xa2: {  	_ =	swait.ge [sflag:s23], $0x1  }
0xa3: {  	[sflag:s23] =	ssyncset.done $0x0  }
0xa4: {  	s25 =	simm.s32 $0x1B8E;
	s24 =	sld [smem:$0x3FFE];
	[sflag:s23] =	ssyncadd.s32 $0xFFFFFFFF  }
0xa5: {  	s26 =	simm.s32 $execute0_lowered;
	[smem:$0x3FD2] =	sst s25  }
0xa6: {  	s5 =	sshll.u32 s26, $0x1;
	_ =	strace $0x80000046;
	[dreg:$0x1] =	wrdreg $0xFFFFFFFF  }
0xa7: {  	s28 =	simm.s32 $_size_execute0_lowered;
	s3 =	sadd.s32 s3, s5;
	[dreg:$0x0] =	wrdreg $0x0  }
0xa8: {  	s5 =	sshll.u32 s28, $0x1;
	[dreg:$0x2] =	wrdreg s3  }
0xa9: {  	[dreg:$0x3] =	wrdreg s5  }
0xaa: {  	[dreg:$0x4] =	wrdreg $0xC0  }
0xab: {  	_ =	task [dreg:s7], $0x5FFFF  }
0xac: {  	[dreg:$0x1] =	wrdreg $0xFFFFFFFF  }
0xad: {  	[dreg:$0x0] =	wrdreg $0x60  }
0xae: {  	[dreg:$0x2] =	wrdreg s2  }
0xaf: {  	[dreg:$0x3] =	wrdreg s24  }
0xb0: {  	[dreg:$0x4] =	wrdreg $0x9  }
0xb1: {  	_ =	task.clear_ibuf [dreg:s7], $0x5FFFF;
	_ =	strace $0x90000046  }
0xb2: {  	s29 =	simm.s32 $0x9;
	_ =	strace $0x80000048  }
0xb3: {  	_ =	swait.ge [sflag:s29], $0x1  }
0xb4: {  	[sflag:s29] =	ssyncadd.s32 $0xFFFFFFFF  }
0xb5: {  	_ =	strace $0x90000048  }
0xb6: {  	_ =	sfence  }
0xb7: {  	s30 =	sld [smem:$0x0];
	_ =	sdelay $0x2  }
0xb8: {  	s31 =	sshll.u32 s1, $0xD;
	s1 =	sshrl.u32 s1, $0x2  }
0xb9: {  	s3 =	sand.u32 $0x4000, s31;
	s1 =	sadd.s32 s1, s30  }
0xba: {  	s0 =	sor.u32 s3, s0;
	s1 =	sshll.u32 s1, $0x11  }
0xbb: {  	s0 =	sor.u32 s1, s0  }
0xbc: {  	s0 =	sadd.s32 $0x8F2B, s0  }
0xbd: {  	[sflag:s0] =	ssyncadd.remote.s32 $0x1  }
0xbe: {  	_ =	sfence.sel $0xFFFF  }
0xbf: {  	[dreg:$0x0] =	wrdreg $0xFFFFFFFF;
	(pc) =	sbr.abs _section_cstart, $3  }
0xc0: {  	[dreg:$0x1] =	wrdreg $0xFFFFFFFF  }
0xc1: {  	_ =	task.clear_ibuf [dreg:s7], $0x2FFFF;
	_ =	strace $0x9FFFFFFF  }
0xc2: {  	(tm) =	ssettm $0x7FFFFFFF  }
0xc3: {  	_ =	shalt  }
tec
execute0_lowered:
.L_overlay_start_1:
0x0: {  	(tag) =	ssettag $0x1  }
0x1: {  	s2 =	rddreg [dreg:$0x0]  }
0x2: {  	s8 =	rddreg [dreg:$0x1]  }
0x3: {  	s0 =	rddreg [dreg:$0x2];
	s1 =	stileid.u32  }
0x4: {  	s3 =	srdreg.scid;
	_ =	strace $0x80000047;
	s4 =	simm.s32 $0x1  }
0x5: {  	s7 =	simm.s32 $0x1;
	s9 =	simm.s32 $0x1;
	s10 =	simm.s32 $0x3  }
0x6: {  	s13 =	simm.s32 $0x0;
	s5 =	sand.u32 $0x1, s3;
	s6 =	sshll.u32 s1, $0x1  }
0x7: {  	s12 =	simm.s32 $0x0;
	s3 =	sadd.s32 $0x10600, s8;
	s5 =	sor.u32 s6, s5  }
.Ltmp0:
0x8: {  	[sflag:s4] =	ssyncpa.u1 $0x0;
	p0 =	slt.u32 s5, $0x9;
	(pc) =	sbr.rel .LBB2_1-.Ltmp0, $4  }
0x9: {  	s6 =	simm.s32 $0x2;
	s7 =	simm.s32 @!p0 $0x0;
	p0 =	sne.s32 s5, $0x8  }
0xa: {  	[sflag:s6] =	ssyncpa.u1 $0x0;
	s5 =	smul.u32 $0x1F40, s5;
	s9 =	simm.s32 @!p0 $0x0  }
0xb: {  	s8 =	sadd.s32 $0x45E00, s8;
	[sflag:s10] =	ssyncpa.u1 $0x0;
	s7 =	sadd.s32 s9, s7  }
0xc: {  	vm0 =	vmmov $0xffff;
	s10 =	simm.s32 $0x0;
	s11 =	smov.u32 s5;
	s9 =	sadd.s32 $0x1, s7  }
.LBB2_4:
0xd: {  	v2 =	vnsel vm1, $0x0, v2  }
0xe: {  	vm1 =	vgt.s32 v0, $0x0;
	v2 =	vmin.u32 v2, $0x4E1FF  }
0xf: {  	v0 =	vnsel vm1, $0x0, v0  }
0x10: {  	v0 =	vmin.u32 v0, $0x4E1FF  }
0x11: {  	[tilespmem:s18], [sflag:$0x1] =	stream.indirect_vreg.gather [hbm4b:s2+s10], $0x1, v1, vm0, $0x4038;
	[tilespmem:$0x7D00] =	vst v63  }
0x12: {  	(ifvalue) =	ssetifvalue $0x7FFFFFFF  }
0x13: {  	[tilespmem:s15], [sflag:$0x1] =	stream.indirect_vreg.gather [hbm4b:s2+s10], $0x1, v2, vm0, $0x4038;
	[tilespmem:$0x7D00] =	vst v63  }
0x14: {  	s29 =	sadd.s32 $0x10, s15;
	(ifvalue) =	ssetifvalue $0x7FFFFFFF  }
0x15: {  	[tilespmem:s29], [sflag:$0x1] =	stream.indirect_vreg.gather [hbm4b:s2+s10], $0x1, v0, vm0, $0x4038;
	[tilespmem:$0x7D00] =	vst v63  }
0x16: {  	_ =	swait.ge [sflag:s4], $0x1F40  }
0x17: {  	s30 =	sshrl.u32 s13, $0x3;
	[sflag:s4] =	ssyncset.done $0x0  }
0x18: {  	s31 =	sand.u32 $0x7, s13;
	s15 =	sadd.s32 s8, s30;
	[sflag:s4] =	ssyncadd.s32 $0xFFFFE0C0  }
0x19: {  	[hbm4b:s15+s31] =	stream.linear.scatter [tilespmem:s14], [sflag:$0x3], $0x1F40, $0x38;
	[tilespmem:$0x7D00] =	vst v63  }
.LBB2_5:
0x1a: {  	s15 =	sadd.s32 $0x3E800, s11  }
0x1b: {  	p1 =	sgt.s32 s15, $0x4E1FF  }
0x1c: {  	s15 =	smov.u32 @p1 s5;
	p1 =	sne.s32 s12, s9  }
.Ltmp1:
0x1d: {  	p0 =	slt.u32 s12, $0x2;
	(pc) =	sbr.rel @!p1 .LBB2_6-.Ltmp1, $4  }
0x1e: {  	s14 =	simm.s32 @!p0 $0x3  }
0x1f: {  	_ =	swait.ge @!p0 [sflag:s14], $0x1F40  }
0x20: {  	s16 =	sadd.s32 $0x1, s12;
	s13 =	smov.u32 s11;
	[sflag:s14] =	ssyncset.done @!p0 $0x0  }
0x21: {  	s12 =	smov.u32 s16;
	s11 =	smov.u32 s15;
	[sflag:s14] =	ssyncadd.s32 @!p0 $0xFFFFE0C0  }
.LBB2_1:
0x22: {  	p0 =	sge.u32 s12, s7  }
0x23: {  	s14 =	sxor.u32 @!p0 $0x1, s12  }
0x24: {  	s14 =	smul.u32 @!p0 $0x7D00, s14  }
0x25: {  	s31 =	sadd.s32 $0xFFFFFFFF, s12;
	s15 =	sshrl.u32 @!p0 s11, $0x3  }
0x26: {  	s16 =	sand.u32 @!p0 $0x7, s11;
	s15 =	sadd.s32 @!p0 s3, s15;
	s14 =	sshra.s32 @!p0 s14, $0x2  }
0x27: {  	[tilespmem:s14], [sflag:$0x2] =	stream.linear.gather @!p0 [hbm4b:s15+s16], $0x1F40, $0x38;
	[tilespmem:$0x7D00] =	vst v63  }
0x28: {  	p0 =	sge.u32 s31, s7  }
.Ltmp2:
0x29: {  	_ = 	snop;
	(pc) =	sbr.rel @p0 .LBB2_5-.Ltmp2, $1  }
0x2a: {  	_ =	sdelay $0x3  }
0x2b: {  	s14 =	sand.u32 $0x1, s12  }
0x2c: {  	_ =	swait.ge [sflag:s6], $0x1F40;
	p0 =	seq.s32 s14, $0x1;
	s14 =	simm.s32 $0x1F40  }
0x2d: {  	[sflag:s6] =	ssyncset.done $0x0;
	s14 =	simm.s32 @!p0 $0x0  }
0x2e: {  	[sflag:s6] =	ssyncadd.s32 $0xFFFFE0C0;
	(ifvalue) =	ssetifvalue $0x7FFFFFFF;
	v0 =	vld.msk [tilespmem:s14+$0x0 ss:$0x1], $0xffff;
	_ =	sdelay $0x4  }
0x2f: {  	s15 =	sadd.s32 $0x10, s14;
	vm1 =	vgt.s32 v0, $0x0  }
0x30: {  	v2 =	vld.msk [tilespmem:s15+$0x0 ss:$0x1], $0xffff;
	v1 =	vnsel vm1, $0x0, v0  }
0x31: {  	v1 =	vmin.u32 v1, $0x4E1FF;
	_ =	sdelay $0x2  }
0x32: {  	s17 =	simm.s32 $0x20;
	s14 =	sadd.s32 $0x3E80, s14;
	s16 =	sadd.s32 $0x10, s15  }
0x33: {  	s15 =	sadd.s32 $0x10, s14;
	s18 =	smov.u32 s14;
	v0 =	vld.msk [tilespmem:s16+$0x0 ss:$0x1], $0xffff;
	vm1 =	vgt.s32 v2, $0x0;
	(ifvalue) =	ssetifvalue $0x7FFFFFFF  }
.LBB2_3:
0x34: {  	[tilespmem:s18], [sflag:$0x1] =	stream.indirect_vreg.gather [hbm4b:s2+s10], $0x1, v1, vm0, $0x4038;
	[tilespmem:$0x7D00] =	vst v63  }
0x35: {  	s17 =	sadd.s32 $0x10, s17  }
0x36: {  	v2 =	vnsel vm1, $0x0, v2;
	p0 =	slt.u32 s17, $0x1F30  }
.Ltmp3:
0x37: {  	s18 =	smov.u32 s15;
	v1 =	vmin.u32 v2, $0x4E1FF;
	(pc) =	sbr.rel @p0 .LBB2_3-.Ltmp3, $3  }
0x38: {  	_ =	sdelay $0x1  }
0x39: {  	s16 =	sadd.s32 $0x10, s16  }
0x3a: {  	vm1 =	vgt.s32 v0, $0x0;
	s15 =	sadd.s32 $0x10, s15;
	v2 =	vmov v0;
	(ifvalue) =	ssetifvalue $0x7FFFFFFF;
	v0 =	vld.msk [tilespmem:s16+$0x0 ss:$0x1], $0xffff  }
.Ltmp4:
0x3b: {  	_ = 	snop;
	(pc) =	sbr.rel .LBB2_4-.Ltmp4, $1  }
0x3c: {  	_ =	sdelay $0x3  }
.LBB2_6:
0x3d: {  	_ =	sfence.sel $0x180000  }
0x3e: {  	s2 =	simm.s32 $0x2;
	[bflag:$0x0] =	sbarrier.arrive $0xFFFF  }
0x3f: {  	s30 =	simm.s32 $0x3;
	[sflag:s2] =	ssyncpa.u1 $0x1  }
0x40: {  	s31 =	simm.s32 $0x1;
	[sflag:s30] =	ssyncpa.u1 $0x1  }
0x41: {  	[sflag:s31] =	ssyncpa.u1 $0x1  }
0x42: {  	p0 =	sne.s32 s1, $0x0;
	_ =	strace $0x90000047  }
0x43: {  	s0 =	sadd.s32 @!p0 $0x100000, s0;
	[bflag:$0x2] =	sbarrier.arrive $0xFFFF  }
0x44: {  	[sflag:s0] =	ssyncadd.tile.s32 @!p0 $0x1;
	_ =	shalt  }
.Lfunc_end2:
_tile_overlayer_lowered:
.L_overlay_start_2:
0x45: {  	(tag) =	ssettag $0x2  }
0x46: {  	s0 =	rddreg [dreg:$0x0];
	s2 =	stileid.u32  }
0x47: {  	s1 =	rddreg [dreg:$0x1];
	p0 =	sne.s32 s2, $0x0  }
0x48: {  	s3 =	rddreg [dreg:$0x2];
	[bflag:$0x3] =	sbarrier.arrive $0xFFFF;
	s2 =	simm.s32 @!p0 $0x1C01  }
0x49: {  	[timem:s3], [sflag:s2] =	dma.local @!p0 [hbm:s0], s1  }
0x4a: {  	s0 =	simm.s32 @!p0 $0x1  }
0x4b: {  	_ =	swait.ge @!p0 [sflag:s0], s1  }
0x4c: {  	s1 =	ssub.s32 @!p0 $0x0, s1;
	[sflag:s0] =	ssyncset.done @!p0 $0x0  }
0x4d: {  	[sflag:s0] =	ssyncadd.s32 @!p0 s1  }
0x4e: {  	[bflag:$0x3] =	sbarrier.arrive $0xFFFF  }
0x4f: {  	_ =	shalt  }

</sc_bundles>
